<compile_context>
chip_gen: v7x
topology: tpu7x:2x2x1
jax: 0.10.2.dev20260603
libtpu: 0.0.44.dev20260713+nightly
codegen_flags: <defaults>
</compile_context>

<pallas_src>
import functools

import jax
import jax.numpy as jnp
from jax import lax
from jax.experimental import pallas as pl
from jax.experimental.pallas import tpu as pltpu
from jax.experimental.pallas import tpu_sc as plsc

B = 4096
L = 50
D = 64
NC, NS = 2, 16
NW = NC * NS
PB = B // NW
CB = 16
NCHUNK = PB // CB
RPC = CB * L
GSZ = 80
NG = RPC // GSZ


def _sc_body(sex_i, lvl_i, shop_i, cate_i, floor_i, cshop_i, ccate_i,
             t_sex, t_lvl, t_shop, t_cate, t_floor,
             o_sex, o_lvl, o_shop, o_cate, o_floor, o_cshop, o_ccate,
             idx_s, rows_s, idx_p, rows_p, pool_s, sem):
    wid = lax.axis_index("s") * NC + lax.axis_index("c")
    base = wid * PB

    for idx_hbm, table, out in ((sex_i, t_sex, o_sex),
                                (lvl_i, t_lvl, o_lvl),
                                (cshop_i, t_shop, o_cshop),
                                (ccate_i, t_cate, o_ccate)):
        pltpu.sync_copy(idx_hbm.at[pl.ds(base, PB)], idx_s)
        pltpu.async_copy(table.at[idx_s], rows_s, sem).wait()
        pltpu.sync_copy(rows_s, out.at[pl.ds(base, PB)])

    def make_chunk_body(idx_hbm, table, out):
        def chunk_body(c, carry):
            start = (base + c * CB) * L
            pltpu.sync_copy(idx_hbm.at[pl.ds(start, RPC)], idx_p)
            cps = [pltpu.async_copy(table.at[idx_p.at[pl.ds(g * GSZ, GSZ)]],
                                    rows_p.at[pl.ds(g * GSZ, GSZ)], sem)
                   for g in range(NG)]
            for cp in cps:
                cp.wait()
            for b in range(CB):
                rb = b * L

                def jbody(j, accs):
                    return tuple(a + rows_p[rb + j, pl.ds(16 * k, 16)]
                                 for k, a in enumerate(accs))

                z = jnp.zeros((16,), jnp.float32)
                accs = lax.fori_loop(0, L, jbody, (z, z, z, z))
                for k in range(4):
                    pool_s[b, pl.ds(16 * k, 16)] = accs[k]
            pltpu.sync_copy(pool_s, out.at[pl.ds(base + c * CB, CB)])
            return carry
        return chunk_body

    for idx_hbm, table, out in ((shop_i, t_shop, o_shop),
                                (cate_i, t_cate, o_cate),
                                (floor_i, t_floor, o_floor)):
        lax.fori_loop(0, NCHUNK, make_chunk_body(idx_hbm, table, out), 0)


@functools.partial(
    pl.kernel,
    out_type=[jax.ShapeDtypeStruct((B, D), jnp.float32)] * 7,
    mesh=plsc.VectorSubcoreMesh(core_axis_name="c", subcore_axis_name="s",
                                num_cores=NC, num_subcores=NS),
    scratch_types=[
        pltpu.VMEM((PB,), jnp.int32),
        pltpu.VMEM((PB, D), jnp.float32),
        pltpu.VMEM((RPC,), jnp.int32),
        pltpu.VMEM((RPC, D), jnp.float32),
        pltpu.VMEM((CB, D), jnp.float32),
        pltpu.SemaphoreType.DMA,
    ],
    compiler_params=pltpu.CompilerParams(use_tc_tiling_on_sc=False),
)
def _sc_gather(*refs):
    _sc_body(*refs)


def _tc_mlp(es, el, eshop, ecate, efloor, ish, ica,
            w1u, b1u, w1i, b1i, w2, b2, w3, b3, g, be, out):
    dot = lambda x, w: lax.dot_general(
        x, w, (((1,), (1,)), ((), ())), preferred_element_type=jnp.float32)

    def bn(x):
        m = jnp.mean(x, axis=0, keepdims=True)
        v = jnp.mean((x - m) ** 2, axis=0, keepdims=True)
        return g[...] * (x - m) / jnp.sqrt(v + 1e-5) + be[...]

    w1u_ = w1u[...]
    u = (dot(es[...], w1u_[:, 0:D]) + dot(el[...], w1u_[:, D:2 * D])
         + dot(eshop[...], w1u_[:, 2 * D:3 * D])
         + dot(ecate[...], w1u_[:, 3 * D:4 * D])
         + dot(efloor[...], w1u_[:, 4 * D:5 * D]))
    u = jnp.tanh(u + b1u[...])
    u = bn(u)
    u = jnp.tanh(dot(u, w2[...]) + b2[...])
    u = bn(u)
    u = jnp.tanh(dot(u, w3[...]) + b3[...])

    w1i_ = w1i[...]
    it = dot(ish[...], w1i_[:, 0:D]) + dot(ica[...], w1i_[:, D:2 * D])
    it = jnp.tanh(it + b1i[...])
    it = jnp.tanh(dot(it, w2[...]) + b2[...])
    it = jnp.tanh(dot(it, w3[...]) + b3[...])

    eps = 1e-8
    nu = jnp.maximum(jnp.sqrt(jnp.sum(u * u, axis=1, keepdims=True)), eps)
    ni = jnp.maximum(jnp.sqrt(jnp.sum(it * it, axis=1, keepdims=True)), eps)
    out[...] = jnp.sum(u * it, axis=1, keepdims=True) / (nu * ni)


def kernel(cat_fea_sex, cat_fea_level_id, iter_fea_shop_id, iter_fea_cate,
           iter_fea_floor, candidate_shop_id, candidate_cate,
           embed_sex, embed_level, embed_shop, embed_cate, embed_floor,
           W1u, b1u, W1i, b1i, W2, b2, W3, b3, gamma, beta):
    es, el, eshop, ecate, efloor, ish, ica = _sc_gather(
        cat_fea_sex, cat_fea_level_id,
        iter_fea_shop_id.reshape(-1), iter_fea_cate.reshape(-1),
        iter_fea_floor.reshape(-1),
        candidate_shop_id, candidate_cate,
        embed_sex, embed_level, embed_shop, embed_cate, embed_floor)

    out = pl.pallas_call(
        _tc_mlp,
        out_shape=jax.ShapeDtypeStruct((B, 1), jnp.float32),
    )(es, el, eshop, ecate, efloor, ish, ica,
      W1u, b1u.reshape(1, -1), W1i, b1i.reshape(1, -1),
      W2, b2.reshape(1, -1), W3, b3.reshape(1, -1),
      gamma.reshape(1, -1), beta.reshape(1, -1))
    return out.reshape(B)

# --- scband reference (transcript-rebuilt; emitter-appended) ---
"""Pipeline reference for scband-dssm-2396591751874 (READ-ONLY COPY).

The authoritative reference and input builder live on the scoring server;
editing this copy changes nothing except your own understanding.
"""

import jax, jax.numpy as jnp
import numpy as np

B = 4096
L = 50
D = 64
V_SEX = 3
V_LEVEL = 10
V_SHOP = 1000000 + 1
V_CATE = 100000 + 2
V_FLOOR = 1000 + 1
H = [4, 4, 64]


def setup_inputs(seed: int = 0) -> dict:
    key = jax.random.key(seed)
    ks = jax.random.split(key, 24)
    inp = {}
    inp["cat_fea_sex"] = jax.random.randint(ks[0], (B,), 0, V_SEX, dtype=jnp.int32)
    inp["cat_fea_level_id"] = jax.random.randint(ks[1], (B,), 0, V_LEVEL, dtype=jnp.int32)
    inp["iter_fea_shop_id"] = jax.random.randint(ks[2], (B, L), 0, V_SHOP, dtype=jnp.int32)
    inp["iter_fea_cate"] = jax.random.randint(ks[3], (B, L), 0, V_CATE, dtype=jnp.int32)
    inp["iter_fea_floor"] = jax.random.randint(ks[4], (B, L), 0, V_FLOOR, dtype=jnp.int32)
    inp["candidate_shop_id"] = jax.random.randint(ks[5], (B,), 0, V_SHOP, dtype=jnp.int32)
    inp["candidate_cate"] = jax.random.randint(ks[6], (B,), 0, V_CATE, dtype=jnp.int32)
    # embedding tables (padding_idx=0 rows zeroed where torch uses padding_idx)
    inp["embed_sex"] = jax.random.normal(ks[7], (V_SEX, D), dtype=jnp.float32) * 0.05
    inp["embed_level"] = jax.random.normal(ks[8], (V_LEVEL, D), dtype=jnp.float32) * 0.05
    inp["embed_shop"] = (jax.random.normal(ks[9], (V_SHOP, D), dtype=jnp.float32) * 0.05).at[0].set(0.0)
    inp["embed_cate"] = (jax.random.normal(ks[10], (V_CATE, D), dtype=jnp.float32) * 0.05).at[0].set(0.0)
    inp["embed_floor"] = (jax.random.normal(ks[11], (V_FLOOR, D), dtype=jnp.float32) * 0.05).at[0].set(0.0)
    # MLP params (torch Linear: W[out,in], b[out])
    inp["W1u"] = jax.random.normal(ks[12], (H[0], D * 5), dtype=jnp.float32) * 0.05
    inp["b1u"] = jnp.zeros((H[0],), dtype=jnp.float32)
    inp["W1i"] = jax.random.normal(ks[13], (H[0], D * 2), dtype=jnp.float32) * 0.05
    inp["b1i"] = jnp.zeros((H[0],), dtype=jnp.float32)
    inp["W2"] = jax.random.normal(ks[14], (H[1], H[0]), dtype=jnp.float32) * 0.3
    inp["b2"] = jnp.zeros((H[1],), dtype=jnp.float32)
    inp["W3"] = jax.random.normal(ks[15], (H[2], H[1]), dtype=jnp.float32) * 0.3
    inp["b3"] = jnp.zeros((H[2],), dtype=jnp.float32)
    # BatchNorm1d(4) affine params
    inp["gamma"] = jnp.ones((4,), dtype=jnp.float32)
    inp["beta"] = jnp.zeros((4,), dtype=jnp.float32)
    return inp


def reference(cat_fea_sex, cat_fea_level_id, iter_fea_shop_id, iter_fea_cate, iter_fea_floor,
              candidate_shop_id, candidate_cate,
              embed_sex, embed_level, embed_shop, embed_cate, embed_floor,
              W1u, b1u, W1i, b1i, W2, b2, W3, b3, gamma, beta):
    def bn(x):
        m = jnp.mean(x, axis=0)
        v = jnp.var(x, axis=0)  # biased, matches torch training-mode normalization
        return gamma * (x - m) / jnp.sqrt(v + 1e-5) + beta

    # user tower
    e_sex = jnp.take(embed_sex, cat_fea_sex, axis=0)
    e_lvl = jnp.take(embed_level, cat_fea_level_id, axis=0)
    e_shop = jnp.take(embed_shop, iter_fea_shop_id, axis=0).sum(axis=1)
    e_cate = jnp.take(embed_cate, iter_fea_cate, axis=0).sum(axis=1)
    e_floor = jnp.take(embed_floor, iter_fea_floor, axis=0).sum(axis=1)
    u = jnp.concatenate([e_sex, e_lvl, e_shop, e_cate, e_floor], axis=1)
    u = jnp.tanh(u @ W1u.T + b1u)
    u = bn(u)
    u = jnp.tanh(u @ W2.T + b2)
    u = bn(u)
    u = jnp.tanh(u @ W3.T + b3)

    # item tower
    it = jnp.concatenate([jnp.take(embed_shop, candidate_shop_id, axis=0),
                          jnp.take(embed_cate, candidate_cate, axis=0)], axis=1)
    it = jnp.tanh(it @ W1i.T + b1i)
    it = jnp.tanh(it @ W2.T + b2)
    it = jnp.tanh(it @ W3.T + b3)

    eps = 1e-8
    nu = jnp.maximum(jnp.linalg.norm(u, axis=1), eps)
    ni = jnp.maximum(jnp.linalg.norm(it, axis=1), eps)
    cosine = jnp.sum(u * it, axis=1) / (nu * ni)
    return cosine

if __name__ == "__main__":
    import jax
    _d = setup_inputs()
    print(jax.jit(kernel)(*tuple(_d.values())))

</pallas_src>

<mosaic_0001>
#map = affine_map<(d0, d1) -> (0)>
#map1 = affine_map<(d0, d1) -> (0, 0)>
module attributes {stable_mosaic.version = 14 : i64} {
  func.func @_sc_gather(%arg0: i32, %arg1: i32, %arg2: memref<4096xi32, #tpu.memory_space<hbm>>, %arg3: memref<4096xi32, #tpu.memory_space<hbm>>, %arg4: memref<204800xi32, #tpu.memory_space<hbm>>, %arg5: memref<204800xi32, #tpu.memory_space<hbm>>, %arg6: memref<204800xi32, #tpu.memory_space<hbm>>, %arg7: memref<4096xi32, #tpu.memory_space<hbm>>, %arg8: memref<4096xi32, #tpu.memory_space<hbm>>, %arg9: memref<3x64xf32, #tpu.memory_space<hbm>>, %arg10: memref<10x64xf32, #tpu.memory_space<hbm>>, %arg11: memref<1000001x64xf32, #tpu.memory_space<hbm>>, %arg12: memref<100002x64xf32, #tpu.memory_space<hbm>>, %arg13: memref<1001x64xf32, #tpu.memory_space<hbm>>, %arg14: memref<4096x64xf32, #tpu.memory_space<hbm>>, %arg15: memref<4096x64xf32, #tpu.memory_space<hbm>>, %arg16: memref<4096x64xf32, #tpu.memory_space<hbm>>, %arg17: memref<4096x64xf32, #tpu.memory_space<hbm>>, %arg18: memref<4096x64xf32, #tpu.memory_space<hbm>>, %arg19: memref<4096x64xf32, #tpu.memory_space<hbm>>, %arg20: memref<4096x64xf32, #tpu.memory_space<hbm>>, %arg21: memref<128xi32, #tpu.memory_space<vmem>>, %arg22: memref<128x64xf32, #tpu.memory_space<vmem>>, %arg23: memref<800xi32, #tpu.memory_space<vmem>>, %arg24: memref<800x64xf32, #tpu.memory_space<vmem>>, %arg25: memref<16x64xf32, #tpu.memory_space<vmem>>, %arg26: memref<!tpu.dma_semaphore, #tpu.memory_space<semaphore_mem>>) attributes {dimension_semantics = [#tpu.dimension_semantics<core_parallel>, #tpu.dimension_semantics<subcore_parallel>], iteration_bounds = array<i64: 2, 16>, scalar_prefetch = 0 : i64, scratch_operands = 6 : i64, tpu.core_type = #tpu.core_type<sc_vector_subcore>, window_params = [{transform_indices = #map}, {transform_indices = #map}, {transform_indices = #map}, {transform_indices = #map}, {transform_indices = #map}, {transform_indices = #map}, {transform_indices = #map}, {transform_indices = #map1}, {transform_indices = #map1}, {transform_indices = #map1}, {transform_indices = #map1}, {transform_indices = #map1}, {transform_indices = #map1}, {transform_indices = #map1}, {transform_indices = #map1}, {transform_indices = #map1}, {transform_indices = #map1}, {transform_indices = #map1}, {transform_indices = #map1}]} {
    %mul3A = arith.constant 2 : i32
    %mul3A_0 = arith.muli %arg1, %mul3A : i32
    %add3A = arith.addi %mul3A_0, %arg0 : i32
    %mul3A_1 = arith.constant 128 : i32
    %mul3A_2 = arith.muli %add3A, %mul3A_1 : i32
    "tpu.region"() ({
      %run_scoped3A = tpu.sem_alloc : memref<!tpu.dma_semaphore, #tpu.memory_space<semaphore_mem>>
      %dma_start3A_42 = tpu.memref_slice %arg2[%mul3A_2] : memref<4096xi32, #tpu.memory_space<hbm>> -> memref<128xi32, #tpu.memory_space<hbm>>
      %dma_start3A_43 = tpu.memref_slice %arg2[%mul3A_2] : memref<4096xi32, #tpu.memory_space<hbm>> -> memref<128xi32, #tpu.memory_space<hbm>>
      tpu.enqueue_dma source(%dma_start3A_43 : memref<128xi32, #tpu.memory_space<hbm>>) target(%arg21 : memref<128xi32, #tpu.memory_space<vmem>>) target_semaphore(%run_scoped3A : memref<!tpu.dma_semaphore, #tpu.memory_space<semaphore_mem>>)
      %dma_wait3A_44 = tpu.memref_slice %arg2[%mul3A_2] : memref<4096xi32, #tpu.memory_space<hbm>> -> memref<128xi32, #tpu.memory_space<hbm>>
      %dma_wait3A_45 = tpu.memref_slice %arg2[%mul3A_2] : memref<4096xi32, #tpu.memory_space<hbm>> -> memref<128xi32, #tpu.memory_space<hbm>>
      tpu.wait_dma2 semaphore(%run_scoped3A : memref<!tpu.dma_semaphore, #tpu.memory_space<semaphore_mem>>) src(%dma_wait3A_45 : memref<128xi32, #tpu.memory_space<hbm>>) dst(%arg21 : memref<128xi32, #tpu.memory_space<vmem>>)
      tpu.yield
    }) : () -> ()
    %dma_start3A = arith.constant 0 : i32
    %dma_start3A_3 = arith.constant 0 : i32
    %dma_start3A_4 = tpu.memref_slice %arg9[%dma_start3A, %dma_start3A_3] : memref<3x64xf32, #tpu.memory_space<hbm>> -> memref<3x64xf32, #tpu.memory_space<hbm>>
    tpu.enqueue_indirect_dma source(%dma_start3A_4 : memref<3x64xf32, #tpu.memory_space<hbm>>) target(%arg22 : memref<128x64xf32, #tpu.memory_space<vmem>>) offsets(%arg21 : memref<128xi32, #tpu.memory_space<vmem>>) semaphore(%arg26 : memref<!tpu.dma_semaphore, #tpu.memory_space<semaphore_mem>>)
    %dma_wait3A = arith.constant 0 : i32
    %dma_wait3A_5 = arith.constant 0 : i32
    %dma_wait3A_6 = tpu.memref_slice %arg9[%dma_wait3A, %dma_wait3A_5] : memref<3x64xf32, #tpu.memory_space<hbm>> -> memref<3x64xf32, #tpu.memory_space<hbm>>
    tpu.wait_indirect_dma semaphore(%arg26 : memref<!tpu.dma_semaphore, #tpu.memory_space<semaphore_mem>>) src(%dma_wait3A_6 : memref<3x64xf32, #tpu.memory_space<hbm>>) dst(%arg22 : memref<128x64xf32, #tpu.memory_space<vmem>>)
    "tpu.region"() ({
      %run_scoped3A = tpu.sem_alloc : memref<!tpu.dma_semaphore, #tpu.memory_space<semaphore_mem>>
      %dma_start3A_42 = arith.constant 0 : i32
      %dma_start3A_43 = tpu.memref_slice %arg14[%mul3A_2, %dma_start3A_42] : memref<4096x64xf32, #tpu.memory_space<hbm>> -> memref<128x64xf32, #tpu.memory_space<hbm>>
      %dma_start3A_44 = arith.constant 0 : i32
      %dma_start3A_45 = tpu.memref_slice %arg14[%mul3A_2, %dma_start3A_44] : memref<4096x64xf32, #tpu.memory_space<hbm>> -> memref<128x64xf32, #tpu.memory_space<hbm>>
      tpu.enqueue_dma source(%arg22 : memref<128x64xf32, #tpu.memory_space<vmem>>) target(%dma_start3A_45 : memref<128x64xf32, #tpu.memory_space<hbm>>) target_semaphore(%run_scoped3A : memref<!tpu.dma_semaphore, #tpu.memory_space<semaphore_mem>>)
      %dma_wait3A_46 = arith.constant 0 : i32
      %dma_wait3A_47 = tpu.memref_slice %arg14[%mul3A_2, %dma_wait3A_46] : memref<4096x64xf32, #tpu.memory_space<hbm>> -> memref<128x64xf32, #tpu.memory_space<hbm>>
      %dma_wait3A_48 = arith.constant 0 : i32
      %dma_wait3A_49 = tpu.memref_slice %arg14[%mul3A_2, %dma_wait3A_48] : memref<4096x64xf32, #tpu.memory_space<hbm>> -> memref<128x64xf32, #tpu.memory_space<hbm>>
      tpu.wait_dma2 semaphore(%run_scoped3A : memref<!tpu.dma_semaphore, #tpu.memory_space<semaphore_mem>>) src(%arg22 : memref<128x64xf32, #tpu.memory_space<vmem>>) dst(%dma_wait3A_49 : memref<128x64xf32, #tpu.memory_space<hbm>>)
      tpu.yield
    }) : () -> ()
    "tpu.region"() ({
      %run_scoped3A = tpu.sem_alloc : memref<!tpu.dma_semaphore, #tpu.memory_space<semaphore_mem>>
      %dma_start3A_42 = tpu.memref_slice %arg3[%mul3A_2] : memref<4096xi32, #tpu.memory_space<hbm>> -> memref<128xi32, #tpu.memory_space<hbm>>
      %dma_start3A_43 = tpu.memref_slice %arg3[%mul3A_2] : memref<4096xi32, #tpu.memory_space<hbm>> -> memref<128xi32, #tpu.memory_space<hbm>>
      tpu.enqueue_dma source(%dma_start3A_43 : memref<128xi32, #tpu.memory_space<hbm>>) target(%arg21 : memref<128xi32, #tpu.memory_space<vmem>>) target_semaphore(%run_scoped3A : memref<!tpu.dma_semaphore, #tpu.memory_space<semaphore_mem>>)
      %dma_wait3A_44 = tpu.memref_slice %arg3[%mul3A_2] : memref<4096xi32, #tpu.memory_space<hbm>> -> memref<128xi32, #tpu.memory_space<hbm>>
      %dma_wait3A_45 = tpu.memref_slice %arg3[%mul3A_2] : memref<4096xi32, #tpu.memory_space<hbm>> -> memref<128xi32, #tpu.memory_space<hbm>>
      tpu.wait_dma2 semaphore(%run_scoped3A : memref<!tpu.dma_semaphore, #tpu.memory_space<semaphore_mem>>) src(%dma_wait3A_45 : memref<128xi32, #tpu.memory_space<hbm>>) dst(%arg21 : memref<128xi32, #tpu.memory_space<vmem>>)
      tpu.yield
    }) : () -> ()
    %dma_start3A_7 = arith.constant 0 : i32
    %dma_start3A_8 = arith.constant 0 : i32
    %dma_start3A_9 = tpu.memref_slice %arg10[%dma_start3A_7, %dma_start3A_8] : memref<10x64xf32, #tpu.memory_space<hbm>> -> memref<10x64xf32, #tpu.memory_space<hbm>>
    tpu.enqueue_indirect_dma source(%dma_start3A_9 : memref<10x64xf32, #tpu.memory_space<hbm>>) target(%arg22 : memref<128x64xf32, #tpu.memory_space<vmem>>) offsets(%arg21 : memref<128xi32, #tpu.memory_space<vmem>>) semaphore(%arg26 : memref<!tpu.dma_semaphore, #tpu.memory_space<semaphore_mem>>)
    %dma_wait3A_10 = arith.constant 0 : i32
    %dma_wait3A_11 = arith.constant 0 : i32
    %dma_wait3A_12 = tpu.memref_slice %arg10[%dma_wait3A_10, %dma_wait3A_11] : memref<10x64xf32, #tpu.memory_space<hbm>> -> memref<10x64xf32, #tpu.memory_space<hbm>>
    tpu.wait_indirect_dma semaphore(%arg26 : memref<!tpu.dma_semaphore, #tpu.memory_space<semaphore_mem>>) src(%dma_wait3A_12 : memref<10x64xf32, #tpu.memory_space<hbm>>) dst(%arg22 : memref<128x64xf32, #tpu.memory_space<vmem>>)
    "tpu.region"() ({
      %run_scoped3A = tpu.sem_alloc : memref<!tpu.dma_semaphore, #tpu.memory_space<semaphore_mem>>
      %dma_start3A_42 = arith.constant 0 : i32
      %dma_start3A_43 = tpu.memref_slice %arg15[%mul3A_2, %dma_start3A_42] : memref<4096x64xf32, #tpu.memory_space<hbm>> -> memref<128x64xf32, #tpu.memory_space<hbm>>
      %dma_start3A_44 = arith.constant 0 : i32
      %dma_start3A_45 = tpu.memref_slice %arg15[%mul3A_2, %dma_start3A_44] : memref<4096x64xf32, #tpu.memory_space<hbm>> -> memref<128x64xf32, #tpu.memory_space<hbm>>
      tpu.enqueue_dma source(%arg22 : memref<128x64xf32, #tpu.memory_space<vmem>>) target(%dma_start3A_45 : memref<128x64xf32, #tpu.memory_space<hbm>>) target_semaphore(%run_scoped3A : memref<!tpu.dma_semaphore, #tpu.memory_space<semaphore_mem>>)
      %dma_wait3A_46 = arith.constant 0 : i32
      %dma_wait3A_47 = tpu.memref_slice %arg15[%mul3A_2, %dma_wait3A_46] : memref<4096x64xf32, #tpu.memory_space<hbm>> -> memref<128x64xf32, #tpu.memory_space<hbm>>
      %dma_wait3A_48 = arith.constant 0 : i32
      %dma_wait3A_49 = tpu.memref_slice %arg15[%mul3A_2, %dma_wait3A_48] : memref<4096x64xf32, #tpu.memory_space<hbm>> -> memref<128x64xf32, #tpu.memory_space<hbm>>
      tpu.wait_dma2 semaphore(%run_scoped3A : memref<!tpu.dma_semaphore, #tpu.memory_space<semaphore_mem>>) src(%arg22 : memref<128x64xf32, #tpu.memory_space<vmem>>) dst(%dma_wait3A_49 : memref<128x64xf32, #tpu.memory_space<hbm>>)
      tpu.yield
    }) : () -> ()
    "tpu.region"() ({
      %run_scoped3A = tpu.sem_alloc : memref<!tpu.dma_semaphore, #tpu.memory_space<semaphore_mem>>
      %dma_start3A_42 = tpu.memref_slice %arg7[%mul3A_2] : memref<4096xi32, #tpu.memory_space<hbm>> -> memref<128xi32, #tpu.memory_space<hbm>>
      %dma_start3A_43 = tpu.memref_slice %arg7[%mul3A_2] : memref<4096xi32, #tpu.memory_space<hbm>> -> memref<128xi32, #tpu.memory_space<hbm>>
      tpu.enqueue_dma source(%dma_start3A_43 : memref<128xi32, #tpu.memory_space<hbm>>) target(%arg21 : memref<128xi32, #tpu.memory_space<vmem>>) target_semaphore(%run_scoped3A : memref<!tpu.dma_semaphore, #tpu.memory_space<semaphore_mem>>)
      %dma_wait3A_44 = tpu.memref_slice %arg7[%mul3A_2] : memref<4096xi32, #tpu.memory_space<hbm>> -> memref<128xi32, #tpu.memory_space<hbm>>
      %dma_wait3A_45 = tpu.memref_slice %arg7[%mul3A_2] : memref<4096xi32, #tpu.memory_space<hbm>> -> memref<128xi32, #tpu.memory_space<hbm>>
      tpu.wait_dma2 semaphore(%run_scoped3A : memref<!tpu.dma_semaphore, #tpu.memory_space<semaphore_mem>>) src(%dma_wait3A_45 : memref<128xi32, #tpu.memory_space<hbm>>) dst(%arg21 : memref<128xi32, #tpu.memory_space<vmem>>)
      tpu.yield
    }) : () -> ()
    %dma_start3A_13 = arith.constant 0 : i32
    %dma_start3A_14 = arith.constant 0 : i32
    %dma_start3A_15 = tpu.memref_slice %arg11[%dma_start3A_13, %dma_start3A_14] : memref<1000001x64xf32, #tpu.memory_space<hbm>> -> memref<1000001x64xf32, #tpu.memory_space<hbm>>
    tpu.enqueue_indirect_dma source(%dma_start3A_15 : memref<1000001x64xf32, #tpu.memory_space<hbm>>) target(%arg22 : memref<128x64xf32, #tpu.memory_space<vmem>>) offsets(%arg21 : memref<128xi32, #tpu.memory_space<vmem>>) semaphore(%arg26 : memref<!tpu.dma_semaphore, #tpu.memory_space<semaphore_mem>>)
    %dma_wait3A_16 = arith.constant 0 : i32
    %dma_wait3A_17 = arith.constant 0 : i32
    %dma_wait3A_18 = tpu.memref_slice %arg11[%dma_wait3A_16, %dma_wait3A_17] : memref<1000001x64xf32, #tpu.memory_space<hbm>> -> memref<1000001x64xf32, #tpu.memory_space<hbm>>
    tpu.wait_indirect_dma semaphore(%arg26 : memref<!tpu.dma_semaphore, #tpu.memory_space<semaphore_mem>>) src(%dma_wait3A_18 : memref<1000001x64xf32, #tpu.memory_space<hbm>>) dst(%arg22 : memref<128x64xf32, #tpu.memory_space<vmem>>)
    "tpu.region"() ({
      %run_scoped3A = tpu.sem_alloc : memref<!tpu.dma_semaphore, #tpu.memory_space<semaphore_mem>>
      %dma_start3A_42 = arith.constant 0 : i32
      %dma_start3A_43 = tpu.memref_slice %arg19[%mul3A_2, %dma_start3A_42] : memref<4096x64xf32, #tpu.memory_space<hbm>> -> memref<128x64xf32, #tpu.memory_space<hbm>>
      %dma_start3A_44 = arith.constant 0 : i32
      %dma_start3A_45 = tpu.memref_slice %arg19[%mul3A_2, %dma_start3A_44] : memref<4096x64xf32, #tpu.memory_space<hbm>> -> memref<128x64xf32, #tpu.memory_space<hbm>>
      tpu.enqueue_dma source(%arg22 : memref<128x64xf32, #tpu.memory_space<vmem>>) target(%dma_start3A_45 : memref<128x64xf32, #tpu.memory_space<hbm>>) target_semaphore(%run_scoped3A : memref<!tpu.dma_semaphore, #tpu.memory_space<semaphore_mem>>)
      %dma_wait3A_46 = arith.constant 0 : i32
      %dma_wait3A_47 = tpu.memref_slice %arg19[%mul3A_2, %dma_wait3A_46] : memref<4096x64xf32, #tpu.memory_space<hbm>> -> memref<128x64xf32, #tpu.memory_space<hbm>>
      %dma_wait3A_48 = arith.constant 0 : i32
      %dma_wait3A_49 = tpu.memref_slice %arg19[%mul3A_2, %dma_wait3A_48] : memref<4096x64xf32, #tpu.memory_space<hbm>> -> memref<128x64xf32, #tpu.memory_space<hbm>>
      tpu.wait_dma2 semaphore(%run_scoped3A : memref<!tpu.dma_semaphore, #tpu.memory_space<semaphore_mem>>) src(%arg22 : memref<128x64xf32, #tpu.memory_space<vmem>>) dst(%dma_wait3A_49 : memref<128x64xf32, #tpu.memory_space<hbm>>)
      tpu.yield
    }) : () -> ()
    "tpu.region"() ({
      %run_scoped3A = tpu.sem_alloc : memref<!tpu.dma_semaphore, #tpu.memory_space<semaphore_mem>>
      %dma_start3A_42 = tpu.memref_slice %arg8[%mul3A_2] : memref<4096xi32, #tpu.memory_space<hbm>> -> memref<128xi32, #tpu.memory_space<hbm>>
      %dma_start3A_43 = tpu.memref_slice %arg8[%mul3A_2] : memref<4096xi32, #tpu.memory_space<hbm>> -> memref<128xi32, #tpu.memory_space<hbm>>
      tpu.enqueue_dma source(%dma_start3A_43 : memref<128xi32, #tpu.memory_space<hbm>>) target(%arg21 : memref<128xi32, #tpu.memory_space<vmem>>) target_semaphore(%run_scoped3A : memref<!tpu.dma_semaphore, #tpu.memory_space<semaphore_mem>>)
      %dma_wait3A_44 = tpu.memref_slice %arg8[%mul3A_2] : memref<4096xi32, #tpu.memory_space<hbm>> -> memref<128xi32, #tpu.memory_space<hbm>>
      %dma_wait3A_45 = tpu.memref_slice %arg8[%mul3A_2] : memref<4096xi32, #tpu.memory_space<hbm>> -> memref<128xi32, #tpu.memory_space<hbm>>
      tpu.wait_dma2 semaphore(%run_scoped3A : memref<!tpu.dma_semaphore, #tpu.memory_space<semaphore_mem>>) src(%dma_wait3A_45 : memref<128xi32, #tpu.memory_space<hbm>>) dst(%arg21 : memref<128xi32, #tpu.memory_space<vmem>>)
      tpu.yield
    }) : () -> ()
    %dma_start3A_19 = arith.constant 0 : i32
    %dma_start3A_20 = arith.constant 0 : i32
    %dma_start3A_21 = tpu.memref_slice %arg12[%dma_start3A_19, %dma_start3A_20] : memref<100002x64xf32, #tpu.memory_space<hbm>> -> memref<100002x64xf32, #tpu.memory_space<hbm>>
    tpu.enqueue_indirect_dma source(%dma_start3A_21 : memref<100002x64xf32, #tpu.memory_space<hbm>>) target(%arg22 : memref<128x64xf32, #tpu.memory_space<vmem>>) offsets(%arg21 : memref<128xi32, #tpu.memory_space<vmem>>) semaphore(%arg26 : memref<!tpu.dma_semaphore, #tpu.memory_space<semaphore_mem>>)
    %dma_wait3A_22 = arith.constant 0 : i32
    %dma_wait3A_23 = arith.constant 0 : i32
    %dma_wait3A_24 = tpu.memref_slice %arg12[%dma_wait3A_22, %dma_wait3A_23] : memref<100002x64xf32, #tpu.memory_space<hbm>> -> memref<100002x64xf32, #tpu.memory_space<hbm>>
    tpu.wait_indirect_dma semaphore(%arg26 : memref<!tpu.dma_semaphore, #tpu.memory_space<semaphore_mem>>) src(%dma_wait3A_24 : memref<100002x64xf32, #tpu.memory_space<hbm>>) dst(%arg22 : memref<128x64xf32, #tpu.memory_space<vmem>>)
    "tpu.region"() ({
      %run_scoped3A = tpu.sem_alloc : memref<!tpu.dma_semaphore, #tpu.memory_space<semaphore_mem>>
      %dma_start3A_42 = arith.constant 0 : i32
      %dma_start3A_43 = tpu.memref_slice %arg20[%mul3A_2, %dma_start3A_42] : memref<4096x64xf32, #tpu.memory_space<hbm>> -> memref<128x64xf32, #tpu.memory_space<hbm>>
      %dma_start3A_44 = arith.constant 0 : i32
      %dma_start3A_45 = tpu.memref_slice %arg20[%mul3A_2, %dma_start3A_44] : memref<4096x64xf32, #tpu.memory_space<hbm>> -> memref<128x64xf32, #tpu.memory_space<hbm>>
      tpu.enqueue_dma source(%arg22 : memref<128x64xf32, #tpu.memory_space<vmem>>) target(%dma_start3A_45 : memref<128x64xf32, #tpu.memory_space<hbm>>) target_semaphore(%run_scoped3A : memref<!tpu.dma_semaphore, #tpu.memory_space<semaphore_mem>>)
      %dma_wait3A_46 = arith.constant 0 : i32
      %dma_wait3A_47 = tpu.memref_slice %arg20[%mul3A_2, %dma_wait3A_46] : memref<4096x64xf32, #tpu.memory_space<hbm>> -> memref<128x64xf32, #tpu.memory_space<hbm>>
      %dma_wait3A_48 = arith.constant 0 : i32
      %dma_wait3A_49 = tpu.memref_slice %arg20[%mul3A_2, %dma_wait3A_48] : memref<4096x64xf32, #tpu.memory_space<hbm>> -> memref<128x64xf32, #tpu.memory_space<hbm>>
      tpu.wait_dma2 semaphore(%run_scoped3A : memref<!tpu.dma_semaphore, #tpu.memory_space<semaphore_mem>>) src(%arg22 : memref<128x64xf32, #tpu.memory_space<vmem>>) dst(%dma_wait3A_49 : memref<128x64xf32, #tpu.memory_space<hbm>>)
      tpu.yield
    }) : () -> ()
    %scan3A = arith.constant 0 : i32
    %scan3A_25 = arith.constant 0 : i32
    %scan3A_26 = arith.constant 8 : i32
    %scan3A_27 = arith.addi %scan3A_25, %scan3A_26 : i32
    %scan3A_28 = arith.constant 1 : i32
    scf.for %scan3A_42 = %scan3A_25 to %scan3A_27 step %scan3A_28  : i32 {
      %mul3A_43 = arith.constant 16 : i32
      %mul3A_44 = arith.muli %scan3A_42, %mul3A_43 : i32
      %add3A_45 = arith.addi %mul3A_2, %mul3A_44 : i32
      %mul3A_46 = arith.constant 50 : i32
      %mul3A_47 = arith.muli %add3A_45, %mul3A_46 : i32
      "tpu.region"() ({
        %run_scoped3A = tpu.sem_alloc : memref<!tpu.dma_semaphore, #tpu.memory_space<semaphore_mem>>
        %dma_start3A_721 = tpu.memref_slice %arg4[%mul3A_47] : memref<204800xi32, #tpu.memory_space<hbm>> -> memref<800xi32, #tpu.memory_space<hbm>>
        %dma_start3A_722 = tpu.memref_slice %arg4[%mul3A_47] : memref<204800xi32, #tpu.memory_space<hbm>> -> memref<800xi32, #tpu.memory_space<hbm>>
        tpu.enqueue_dma source(%dma_start3A_722 : memref<800xi32, #tpu.memory_space<hbm>>) target(%arg23 : memref<800xi32, #tpu.memory_space<vmem>>) target_semaphore(%run_scoped3A : memref<!tpu.dma_semaphore, #tpu.memory_space<semaphore_mem>>)
        %dma_wait3A_723 = tpu.memref_slice %arg4[%mul3A_47] : memref<204800xi32, #tpu.memory_space<hbm>> -> memref<800xi32, #tpu.memory_space<hbm>>
        %dma_wait3A_724 = tpu.memref_slice %arg4[%mul3A_47] : memref<204800xi32, #tpu.memory_space<hbm>> -> memref<800xi32, #tpu.memory_space<hbm>>
        tpu.wait_dma2 semaphore(%run_scoped3A : memref<!tpu.dma_semaphore, #tpu.memory_space<semaphore_mem>>) src(%dma_wait3A_724 : memref<800xi32, #tpu.memory_space<hbm>>) dst(%arg23 : memref<800xi32, #tpu.memory_space<vmem>>)
        tpu.yield
      }) : () -> ()
      %dma_start3A_48 = arith.constant 0 : i32
      %dma_start3A_49 = arith.constant 0 : i32
      %dma_start3A_50 = tpu.memref_slice %arg24[%dma_start3A_48, %dma_start3A_49] : memref<800x64xf32, #tpu.memory_space<vmem>> -> memref<80x64xf32, #tpu.memory_space<vmem>>
      %dma_start3A_51 = arith.constant 0 : i32
      %dma_start3A_52 = tpu.memref_slice %arg23[%dma_start3A_51] : memref<800xi32, #tpu.memory_space<vmem>> -> memref<80xi32, #tpu.memory_space<vmem>>
      %dma_start3A_53 = arith.constant 0 : i32
      %dma_start3A_54 = arith.constant 0 : i32
      %dma_start3A_55 = tpu.memref_slice %arg11[%dma_start3A_53, %dma_start3A_54] : memref<1000001x64xf32, #tpu.memory_space<hbm>> -> memref<1000001x64xf32, #tpu.memory_space<hbm>>
      tpu.enqueue_indirect_dma source(%dma_start3A_55 : memref<1000001x64xf32, #tpu.memory_space<hbm>>) target(%dma_start3A_50 : memref<80x64xf32, #tpu.memory_space<vmem>>) offsets(%dma_start3A_52 : memref<80xi32, #tpu.memory_space<vmem>>) semaphore(%arg26 : memref<!tpu.dma_semaphore, #tpu.memory_space<semaphore_mem>>)
      %dma_start3A_56 = arith.constant 80 : i32
      %dma_start3A_57 = arith.constant 0 : i32
      %dma_start3A_58 = tpu.memref_slice %arg24[%dma_start3A_56, %dma_start3A_57] : memref<800x64xf32, #tpu.memory_space<vmem>> -> memref<80x64xf32, #tpu.memory_space<vmem>>
      %dma_start3A_59 = arith.constant 80 : i32
      %dma_start3A_60 = tpu.memref_slice %arg23[%dma_start3A_59] : memref<800xi32, #tpu.memory_space<vmem>> -> memref<80xi32, #tpu.memory_space<vmem>>
      %dma_start3A_61 = arith.constant 0 : i32
      %dma_start3A_62 = arith.constant 0 : i32
      %dma_start3A_63 = tpu.memref_slice %arg11[%dma_start3A_61, %dma_start3A_62] : memref<1000001x64xf32, #tpu.memory_space<hbm>> -> memref<1000001x64xf32, #tpu.memory_space<hbm>>
      tpu.enqueue_indirect_dma source(%dma_start3A_63 : memref<1000001x64xf32, #tpu.memory_space<hbm>>) target(%dma_start3A_58 : memref<80x64xf32, #tpu.memory_space<vmem>>) offsets(%dma_start3A_60 : memref<80xi32, #tpu.memory_space<vmem>>) semaphore(%arg26 : memref<!tpu.dma_semaphore, #tpu.memory_space<semaphore_mem>>)
      %dma_start3A_64 = arith.constant 160 : i32
      %dma_start3A_65 = arith.constant 0 : i32
      %dma_start3A_66 = tpu.memref_slice %arg24[%dma_start3A_64, %dma_start3A_65] : memref<800x64xf32, #tpu.memory_space<vmem>> -> memref<80x64xf32, #tpu.memory_space<vmem>>
      %dma_start3A_67 = arith.constant 160 : i32
      %dma_start3A_68 = tpu.memref_slice %arg23[%dma_start3A_67] : memref<800xi32, #tpu.memory_space<vmem>> -> memref<80xi32, #tpu.memory_space<vmem>>
      %dma_start3A_69 = arith.constant 0 : i32
      %dma_start3A_70 = arith.constant 0 : i32
      %dma_start3A_71 = tpu.memref_slice %arg11[%dma_start3A_69, %dma_start3A_70] : memref<1000001x64xf32, #tpu.memory_space<hbm>> -> memref<1000001x64xf32, #tpu.memory_space<hbm>>
      tpu.enqueue_indirect_dma source(%dma_start3A_71 : memref<1000001x64xf32, #tpu.memory_space<hbm>>) target(%dma_start3A_66 : memref<80x64xf32, #tpu.memory_space<vmem>>) offsets(%dma_start3A_68 : memref<80xi32, #tpu.memory_space<vmem>>) semaphore(%arg26 : memref<!tpu.dma_semaphore, #tpu.memory_space<semaphore_mem>>)
      %dma_start3A_72 = arith.constant 240 : i32
      %dma_start3A_73 = arith.constant 0 : i32
      %dma_start3A_74 = tpu.memref_slice %arg24[%dma_start3A_72, %dma_start3A_73] : memref<800x64xf32, #tpu.memory_space<vmem>> -> memref<80x64xf32, #tpu.memory_space<vmem>>
      %dma_start3A_75 = arith.constant 240 : i32
      %dma_start3A_76 = tpu.memref_slice %arg23[%dma_start3A_75] : memref<800xi32, #tpu.memory_space<vmem>> -> memref<80xi32, #tpu.memory_space<vmem>>
      %dma_start3A_77 = arith.constant 0 : i32
      %dma_start3A_78 = arith.constant 0 : i32
      %dma_start3A_79 = tpu.memref_slice %arg11[%dma_start3A_77, %dma_start3A_78] : memref<1000001x64xf32, #tpu.memory_space<hbm>> -> memref<1000001x64xf32, #tpu.memory_space<hbm>>
      tpu.enqueue_indirect_dma source(%dma_start3A_79 : memref<1000001x64xf32, #tpu.memory_space<hbm>>) target(%dma_start3A_74 : memref<80x64xf32, #tpu.memory_space<vmem>>) offsets(%dma_start3A_76 : memref<80xi32, #tpu.memory_space<vmem>>) semaphore(%arg26 : memref<!tpu.dma_semaphore, #tpu.memory_space<semaphore_mem>>)
      %dma_start3A_80 = arith.constant 320 : i32
      %dma_start3A_81 = arith.constant 0 : i32
      %dma_start3A_82 = tpu.memref_slice %arg24[%dma_start3A_80, %dma_start3A_81] : memref<800x64xf32, #tpu.memory_space<vmem>> -> memref<80x64xf32, #tpu.memory_space<vmem>>
      %dma_start3A_83 = arith.constant 320 : i32
      %dma_start3A_84 = tpu.memref_slice %arg23[%dma_start3A_83] : memref<800xi32, #tpu.memory_space<vmem>> -> memref<80xi32, #tpu.memory_space<vmem>>
      %dma_start3A_85 = arith.constant 0 : i32
      %dma_start3A_86 = arith.constant 0 : i32
      %dma_start3A_87 = tpu.memref_slice %arg11[%dma_start3A_85, %dma_start3A_86] : memref<1000001x64xf32, #tpu.memory_space<hbm>> -> memref<1000001x64xf32, #tpu.memory_space<hbm>>
      tpu.enqueue_indirect_dma source(%dma_start3A_87 : memref<1000001x64xf32, #tpu.memory_space<hbm>>) target(%dma_start3A_82 : memref<80x64xf32, #tpu.memory_space<vmem>>) offsets(%dma_start3A_84 : memref<80xi32, #tpu.memory_space<vmem>>) semaphore(%arg26 : memref<!tpu.dma_semaphore, #tpu.memory_space<semaphore_mem>>)
      %dma_start3A_88 = arith.constant 400 : i32
      %dma_start3A_89 = arith.constant 0 : i32
      %dma_start3A_90 = tpu.memref_slice %arg24[%dma_start3A_88, %dma_start3A_89] : memref<800x64xf32, #tpu.memory_space<vmem>> -> memref<80x64xf32, #tpu.memory_space<vmem>>
      %dma_start3A_91 = arith.constant 400 : i32
      %dma_start3A_92 = tpu.memref_slice %arg23[%dma_start3A_91] : memref<800xi32, #tpu.memory_space<vmem>> -> memref<80xi32, #tpu.memory_space<vmem>>
      %dma_start3A_93 = arith.constant 0 : i32
      %dma_start3A_94 = arith.constant 0 : i32
      %dma_start3A_95 = tpu.memref_slice %arg11[%dma_start3A_93, %dma_start3A_94] : memref<1000001x64xf32, #tpu.memory_space<hbm>> -> memref<1000001x64xf32, #tpu.memory_space<hbm>>
      tpu.enqueue_indirect_dma source(%dma_start3A_95 : memref<1000001x64xf32, #tpu.memory_space<hbm>>) target(%dma_start3A_90 : memref<80x64xf32, #tpu.memory_space<vmem>>) offsets(%dma_start3A_92 : memref<80xi32, #tpu.memory_space<vmem>>) semaphore(%arg26 : memref<!tpu.dma_semaphore, #tpu.memory_space<semaphore_mem>>)
      %dma_start3A_96 = arith.constant 480 : i32
      %dma_start3A_97 = arith.constant 0 : i32
      %dma_start3A_98 = tpu.memref_slice %arg24[%dma_start3A_96, %dma_start3A_97] : memref<800x64xf32, #tpu.memory_space<vmem>> -> memref<80x64xf32, #tpu.memory_space<vmem>>
      %dma_start3A_99 = arith.constant 480 : i32
      %dma_start3A_100 = tpu.memref_slice %arg23[%dma_start3A_99] : memref<800xi32, #tpu.memory_space<vmem>> -> memref<80xi32, #tpu.memory_space<vmem>>
      %dma_start3A_101 = arith.constant 0 : i32
      %dma_start3A_102 = arith.constant 0 : i32
      %dma_start3A_103 = tpu.memref_slice %arg11[%dma_start3A_101, %dma_start3A_102] : memref<1000001x64xf32, #tpu.memory_space<hbm>> -> memref<1000001x64xf32, #tpu.memory_space<hbm>>
      tpu.enqueue_indirect_dma source(%dma_start3A_103 : memref<1000001x64xf32, #tpu.memory_space<hbm>>) target(%dma_start3A_98 : memref<80x64xf32, #tpu.memory_space<vmem>>) offsets(%dma_start3A_100 : memref<80xi32, #tpu.memory_space<vmem>>) semaphore(%arg26 : memref<!tpu.dma_semaphore, #tpu.memory_space<semaphore_mem>>)
      %dma_start3A_104 = arith.constant 560 : i32
      %dma_start3A_105 = arith.constant 0 : i32
      %dma_start3A_106 = tpu.memref_slice %arg24[%dma_start3A_104, %dma_start3A_105] : memref<800x64xf32, #tpu.memory_space<vmem>> -> memref<80x64xf32, #tpu.memory_space<vmem>>
      %dma_start3A_107 = arith.constant 560 : i32
      %dma_start3A_108 = tpu.memref_slice %arg23[%dma_start3A_107] : memref<800xi32, #tpu.memory_space<vmem>> -> memref<80xi32, #tpu.memory_space<vmem>>
      %dma_start3A_109 = arith.constant 0 : i32
      %dma_start3A_110 = arith.constant 0 : i32
      %dma_start3A_111 = tpu.memref_slice %arg11[%dma_start3A_109, %dma_start3A_110] : memref<1000001x64xf32, #tpu.memory_space<hbm>> -> memref<1000001x64xf32, #tpu.memory_space<hbm>>
      tpu.enqueue_indirect_dma source(%dma_start3A_111 : memref<1000001x64xf32, #tpu.memory_space<hbm>>) target(%dma_start3A_106 : memref<80x64xf32, #tpu.memory_space<vmem>>) offsets(%dma_start3A_108 : memref<80xi32, #tpu.memory_space<vmem>>) semaphore(%arg26 : memref<!tpu.dma_semaphore, #tpu.memory_space<semaphore_mem>>)
      %dma_start3A_112 = arith.constant 640 : i32
      %dma_start3A_113 = arith.constant 0 : i32
      %dma_start3A_114 = tpu.memref_slice %arg24[%dma_start3A_112, %dma_start3A_113] : memref<800x64xf32, #tpu.memory_space<vmem>> -> memref<80x64xf32, #tpu.memory_space<vmem>>
      %dma_start3A_115 = arith.constant 640 : i32
      %dma_start3A_116 = tpu.memref_slice %arg23[%dma_start3A_115] : memref<800xi32, #tpu.memory_space<vmem>> -> memref<80xi32, #tpu.memory_space<vmem>>
      %dma_start3A_117 = arith.constant 0 : i32
      %dma_start3A_118 = arith.constant 0 : i32
      %dma_start3A_119 = tpu.memref_slice %arg11[%dma_start3A_117, %dma_start3A_118] : memref<1000001x64xf32, #tpu.memory_space<hbm>> -> memref<1000001x64xf32, #tpu.memory_space<hbm>>
      tpu.enqueue_indirect_dma source(%dma_start3A_119 : memref<1000001x64xf32, #tpu.memory_space<hbm>>) target(%dma_start3A_114 : memref<80x64xf32, #tpu.memory_space<vmem>>) offsets(%dma_start3A_116 : memref<80xi32, #tpu.memory_space<vmem>>) semaphore(%arg26 : memref<!tpu.dma_semaphore, #tpu.memory_space<semaphore_mem>>)
      %dma_start3A_120 = arith.constant 720 : i32
      %dma_start3A_121 = arith.constant 0 : i32
      %dma_start3A_122 = tpu.memref_slice %arg24[%dma_start3A_120, %dma_start3A_121] : memref<800x64xf32, #tpu.memory_space<vmem>> -> memref<80x64xf32, #tpu.memory_space<vmem>>
      %dma_start3A_123 = arith.constant 720 : i32
      %dma_start3A_124 = tpu.memref_slice %arg23[%dma_start3A_123] : memref<800xi32, #tpu.memory_space<vmem>> -> memref<80xi32, #tpu.memory_space<vmem>>
      %dma_start3A_125 = arith.constant 0 : i32
      %dma_start3A_126 = arith.constant 0 : i32
      %dma_start3A_127 = tpu.memref_slice %arg11[%dma_start3A_125, %dma_start3A_126] : memref<1000001x64xf32, #tpu.memory_space<hbm>> -> memref<1000001x64xf32, #tpu.memory_space<hbm>>
      tpu.enqueue_indirect_dma source(%dma_start3A_127 : memref<1000001x64xf32, #tpu.memory_space<hbm>>) target(%dma_start3A_122 : memref<80x64xf32, #tpu.memory_space<vmem>>) offsets(%dma_start3A_124 : memref<80xi32, #tpu.memory_space<vmem>>) semaphore(%arg26 : memref<!tpu.dma_semaphore, #tpu.memory_space<semaphore_mem>>)
      %dma_wait3A_128 = arith.constant 0 : i32
      %dma_wait3A_129 = arith.constant 0 : i32
      %dma_wait3A_130 = tpu.memref_slice %arg24[%dma_wait3A_128, %dma_wait3A_129] : memref<800x64xf32, #tpu.memory_space<vmem>> -> memref<80x64xf32, #tpu.memory_space<vmem>>
      %dma_wait3A_131 = arith.constant 0 : i32
      %dma_wait3A_132 = tpu.memref_slice %arg23[%dma_wait3A_131] : memref<800xi32, #tpu.memory_space<vmem>> -> memref<80xi32, #tpu.memory_space<vmem>>
      %dma_wait3A_133 = arith.constant 0 : i32
      %dma_wait3A_134 = arith.constant 0 : i32
      %dma_wait3A_135 = tpu.memref_slice %arg11[%dma_wait3A_133, %dma_wait3A_134] : memref<1000001x64xf32, #tpu.memory_space<hbm>> -> memref<1000001x64xf32, #tpu.memory_space<hbm>>
      tpu.wait_indirect_dma semaphore(%arg26 : memref<!tpu.dma_semaphore, #tpu.memory_space<semaphore_mem>>) src(%dma_wait3A_135 : memref<1000001x64xf32, #tpu.memory_space<hbm>>) dst(%dma_wait3A_130 : memref<80x64xf32, #tpu.memory_space<vmem>>)
      %dma_wait3A_136 = arith.constant 80 : i32
      %dma_wait3A_137 = arith.constant 0 : i32
      %dma_wait3A_138 = tpu.memref_slice %arg24[%dma_wait3A_136, %dma_wait3A_137] : memref<800x64xf32, #tpu.memory_space<vmem>> -> memref<80x64xf32, #tpu.memory_space<vmem>>
      %dma_wait3A_139 = arith.constant 80 : i32
      %dma_wait3A_140 = tpu.memref_slice %arg23[%dma_wait3A_139] : memref<800xi32, #tpu.memory_space<vmem>> -> memref<80xi32, #tpu.memory_space<vmem>>
      %dma_wait3A_141 = arith.constant 0 : i32
      %dma_wait3A_142 = arith.constant 0 : i32
      %dma_wait3A_143 = tpu.memref_slice %arg11[%dma_wait3A_141, %dma_wait3A_142] : memref<1000001x64xf32, #tpu.memory_space<hbm>> -> memref<1000001x64xf32, #tpu.memory_space<hbm>>
      tpu.wait_indirect_dma semaphore(%arg26 : memref<!tpu.dma_semaphore, #tpu.memory_space<semaphore_mem>>) src(%dma_wait3A_143 : memref<1000001x64xf32, #tpu.memory_space<hbm>>) dst(%dma_wait3A_138 : memref<80x64xf32, #tpu.memory_space<vmem>>)
      %dma_wait3A_144 = arith.constant 160 : i32
      %dma_wait3A_145 = arith.constant 0 : i32
      %dma_wait3A_146 = tpu.memref_slice %arg24[%dma_wait3A_144, %dma_wait3A_145] : memref<800x64xf32, #tpu.memory_space<vmem>> -> memref<80x64xf32, #tpu.memory_space<vmem>>
      %dma_wait3A_147 = arith.constant 160 : i32
      %dma_wait3A_148 = tpu.memref_slice %arg23[%dma_wait3A_147] : memref<800xi32, #tpu.memory_space<vmem>> -> memref<80xi32, #tpu.memory_space<vmem>>
      %dma_wait3A_149 = arith.constant 0 : i32
      %dma_wait3A_150 = arith.constant 0 : i32
      %dma_wait3A_151 = tpu.memref_slice %arg11[%dma_wait3A_149, %dma_wait3A_150] : memref<1000001x64xf32, #tpu.memory_space<hbm>> -> memref<1000001x64xf32, #tpu.memory_space<hbm>>
      tpu.wait_indirect_dma semaphore(%arg26 : memref<!tpu.dma_semaphore, #tpu.memory_space<semaphore_mem>>) src(%dma_wait3A_151 : memref<1000001x64xf32, #tpu.memory_space<hbm>>) dst(%dma_wait3A_146 : memref<80x64xf32, #tpu.memory_space<vmem>>)
      %dma_wait3A_152 = arith.constant 240 : i32
      %dma_wait3A_153 = arith.constant 0 : i32
      %dma_wait3A_154 = tpu.memref_slice %arg24[%dma_wait3A_152, %dma_wait3A_153] : memref<800x64xf32, #tpu.memory_space<vmem>> -> memref<80x64xf32, #tpu.memory_space<vmem>>
      %dma_wait3A_155 = arith.constant 240 : i32
      %dma_wait3A_156 = tpu.memref_slice %arg23[%dma_wait3A_155] : memref<800xi32, #tpu.memory_space<vmem>> -> memref<80xi32, #tpu.memory_space<vmem>>
      %dma_wait3A_157 = arith.constant 0 : i32
      %dma_wait3A_158 = arith.constant 0 : i32
      %dma_wait3A_159 = tpu.memref_slice %arg11[%dma_wait3A_157, %dma_wait3A_158] : memref<1000001x64xf32, #tpu.memory_space<hbm>> -> memref<1000001x64xf32, #tpu.memory_space<hbm>>
      tpu.wait_indirect_dma semaphore(%arg26 : memref<!tpu.dma_semaphore, #tpu.memory_space<semaphore_mem>>) src(%dma_wait3A_159 : memref<1000001x64xf32, #tpu.memory_space<hbm>>) dst(%dma_wait3A_154 : memref<80x64xf32, #tpu.memory_space<vmem>>)
      %dma_wait3A_160 = arith.constant 320 : i32
      %dma_wait3A_161 = arith.constant 0 : i32
      %dma_wait3A_162 = tpu.memref_slice %arg24[%dma_wait3A_160, %dma_wait3A_161] : memref<800x64xf32, #tpu.memory_space<vmem>> -> memref<80x64xf32, #tpu.memory_space<vmem>>
      %dma_wait3A_163 = arith.constant 320 : i32
      %dma_wait3A_164 = tpu.memref_slice %arg23[%dma_wait3A_163] : memref<800xi32, #tpu.memory_space<vmem>> -> memref<80xi32, #tpu.memory_space<vmem>>
      %dma_wait3A_165 = arith.constant 0 : i32
      %dma_wait3A_166 = arith.constant 0 : i32
      %dma_wait3A_167 = tpu.memref_slice %arg11[%dma_wait3A_165, %dma_wait3A_166] : memref<1000001x64xf32, #tpu.memory_space<hbm>> -> memref<1000001x64xf32, #tpu.memory_space<hbm>>
      tpu.wait_indirect_dma semaphore(%arg26 : memref<!tpu.dma_semaphore, #tpu.memory_space<semaphore_mem>>) src(%dma_wait3A_167 : memref<1000001x64xf32, #tpu.memory_space<hbm>>) dst(%dma_wait3A_162 : memref<80x64xf32, #tpu.memory_space<vmem>>)
      %dma_wait3A_168 = arith.constant 400 : i32
      %dma_wait3A_169 = arith.constant 0 : i32
      %dma_wait3A_170 = tpu.memref_slice %arg24[%dma_wait3A_168, %dma_wait3A_169] : memref<800x64xf32, #tpu.memory_space<vmem>> -> memref<80x64xf32, #tpu.memory_space<vmem>>
      %dma_wait3A_171 = arith.constant 400 : i32
      %dma_wait3A_172 = tpu.memref_slice %arg23[%dma_wait3A_171] : memref<800xi32, #tpu.memory_space<vmem>> -> memref<80xi32, #tpu.memory_space<vmem>>
      %dma_wait3A_173 = arith.constant 0 : i32
      %dma_wait3A_174 = arith.constant 0 : i32
      %dma_wait3A_175 = tpu.memref_slice %arg11[%dma_wait3A_173, %dma_wait3A_174] : memref<1000001x64xf32, #tpu.memory_space<hbm>> -> memref<1000001x64xf32, #tpu.memory_space<hbm>>
      tpu.wait_indirect_dma semaphore(%arg26 : memref<!tpu.dma_semaphore, #tpu.memory_space<semaphore_mem>>) src(%dma_wait3A_175 : memref<1000001x64xf32, #tpu.memory_space<hbm>>) dst(%dma_wait3A_170 : memref<80x64xf32, #tpu.memory_space<vmem>>)
      %dma_wait3A_176 = arith.constant 480 : i32
      %dma_wait3A_177 = arith.constant 0 : i32
      %dma_wait3A_178 = tpu.memref_slice %arg24[%dma_wait3A_176, %dma_wait3A_177] : memref<800x64xf32, #tpu.memory_space<vmem>> -> memref<80x64xf32, #tpu.memory_space<vmem>>
      %dma_wait3A_179 = arith.constant 480 : i32
      %dma_wait3A_180 = tpu.memref_slice %arg23[%dma_wait3A_179] : memref<800xi32, #tpu.memory_space<vmem>> -> memref<80xi32, #tpu.memory_space<vmem>>
      %dma_wait3A_181 = arith.constant 0 : i32
      %dma_wait3A_182 = arith.constant 0 : i32
      %dma_wait3A_183 = tpu.memref_slice %arg11[%dma_wait3A_181, %dma_wait3A_182] : memref<1000001x64xf32, #tpu.memory_space<hbm>> -> memref<1000001x64xf32, #tpu.memory_space<hbm>>
      tpu.wait_indirect_dma semaphore(%arg26 : memref<!tpu.dma_semaphore, #tpu.memory_space<semaphore_mem>>) src(%dma_wait3A_183 : memref<1000001x64xf32, #tpu.memory_space<hbm>>) dst(%dma_wait3A_178 : memref<80x64xf32, #tpu.memory_space<vmem>>)
      %dma_wait3A_184 = arith.constant 560 : i32
      %dma_wait3A_185 = arith.constant 0 : i32
      %dma_wait3A_186 = tpu.memref_slice %arg24[%dma_wait3A_184, %dma_wait3A_185] : memref<800x64xf32, #tpu.memory_space<vmem>> -> memref<80x64xf32, #tpu.memory_space<vmem>>
      %dma_wait3A_187 = arith.constant 560 : i32
      %dma_wait3A_188 = tpu.memref_slice %arg23[%dma_wait3A_187] : memref<800xi32, #tpu.memory_space<vmem>> -> memref<80xi32, #tpu.memory_space<vmem>>
      %dma_wait3A_189 = arith.constant 0 : i32
      %dma_wait3A_190 = arith.constant 0 : i32
      %dma_wait3A_191 = tpu.memref_slice %arg11[%dma_wait3A_189, %dma_wait3A_190] : memref<1000001x64xf32, #tpu.memory_space<hbm>> -> memref<1000001x64xf32, #tpu.memory_space<hbm>>
      tpu.wait_indirect_dma semaphore(%arg26 : memref<!tpu.dma_semaphore, #tpu.memory_space<semaphore_mem>>) src(%dma_wait3A_191 : memref<1000001x64xf32, #tpu.memory_space<hbm>>) dst(%dma_wait3A_186 : memref<80x64xf32, #tpu.memory_space<vmem>>)
      %dma_wait3A_192 = arith.constant 640 : i32
      %dma_wait3A_193 = arith.constant 0 : i32
      %dma_wait3A_194 = tpu.memref_slice %arg24[%dma_wait3A_192, %dma_wait3A_193] : memref<800x64xf32, #tpu.memory_space<vmem>> -> memref<80x64xf32, #tpu.memory_space<vmem>>
      %dma_wait3A_195 = arith.constant 640 : i32
      %dma_wait3A_196 = tpu.memref_slice %arg23[%dma_wait3A_195] : memref<800xi32, #tpu.memory_space<vmem>> -> memref<80xi32, #tpu.memory_space<vmem>>
      %dma_wait3A_197 = arith.constant 0 : i32
      %dma_wait3A_198 = arith.constant 0 : i32
      %dma_wait3A_199 = tpu.memref_slice %arg11[%dma_wait3A_197, %dma_wait3A_198] : memref<1000001x64xf32, #tpu.memory_space<hbm>> -> memref<1000001x64xf32, #tpu.memory_space<hbm>>
      tpu.wait_indirect_dma semaphore(%arg26 : memref<!tpu.dma_semaphore, #tpu.memory_space<semaphore_mem>>) src(%dma_wait3A_199 : memref<1000001x64xf32, #tpu.memory_space<hbm>>) dst(%dma_wait3A_194 : memref<80x64xf32, #tpu.memory_space<vmem>>)
      %dma_wait3A_200 = arith.constant 720 : i32
      %dma_wait3A_201 = arith.constant 0 : i32
      %dma_wait3A_202 = tpu.memref_slice %arg24[%dma_wait3A_200, %dma_wait3A_201] : memref<800x64xf32, #tpu.memory_space<vmem>> -> memref<80x64xf32, #tpu.memory_space<vmem>>
      %dma_wait3A_203 = arith.constant 720 : i32
      %dma_wait3A_204 = tpu.memref_slice %arg23[%dma_wait3A_203] : memref<800xi32, #tpu.memory_space<vmem>> -> memref<80xi32, #tpu.memory_space<vmem>>
      %dma_wait3A_205 = arith.constant 0 : i32
      %dma_wait3A_206 = arith.constant 0 : i32
      %dma_wait3A_207 = tpu.memref_slice %arg11[%dma_wait3A_205, %dma_wait3A_206] : memref<1000001x64xf32, #tpu.memory_space<hbm>> -> memref<1000001x64xf32, #tpu.memory_space<hbm>>
      tpu.wait_indirect_dma semaphore(%arg26 : memref<!tpu.dma_semaphore, #tpu.memory_space<semaphore_mem>>) src(%dma_wait3A_207 : memref<1000001x64xf32, #tpu.memory_space<hbm>>) dst(%dma_wait3A_202 : memref<80x64xf32, #tpu.memory_space<vmem>>)
      %broadcast_in_dim3A = arith.constant 0.000000e+00 : f32
      %broadcast_in_dim3A_208 = vector.broadcast %broadcast_in_dim3A : f32 to vector<16xf32>
      %scan3A_209 = arith.constant 0 : i32
      %scan3A_210 = arith.constant 50 : i32
      %scan3A_211 = arith.addi %scan3A_209, %scan3A_210 : i32
      %scan3A_212 = arith.constant 1 : i32
      %scan3A_213:4 = scf.for %scan3A_721 = %scan3A_209 to %scan3A_211 step %scan3A_212 iter_args(%scan3A_722 = %broadcast_in_dim3A_208, %scan3A_723 = %broadcast_in_dim3A_208, %scan3A_724 = %broadcast_in_dim3A_208, %scan3A_725 = %broadcast_in_dim3A_208) -> (vector<16xf32>, vector<16xf32>, vector<16xf32>, vector<16xf32>)  : i32 {
        %add3A_726 = arith.constant 0 : i32
        %add3A_727 = arith.addi %add3A_726, %scan3A_721 : i32
        %get3A = arith.index_cast %add3A_727 : i32 to index
        %get3A_728 = arith.constant 0 : index
        %get3A_729 = tpu.vector_load %arg24[%get3A, %get3A_728] {strides = array<i32>} : memref<800x64xf32, #tpu.memory_space<vmem>>, vector<1x16xf32>,
        %get3A_730 = vector.shape_cast %get3A_729 : vector<1x16xf32> to vector<16xf32>
        %add3A_731 = arith.addf %scan3A_722, %get3A_730 : vector<16xf32>
        %add3A_732 = arith.constant 0 : i32
        %add3A_733 = arith.addi %add3A_732, %scan3A_721 : i32
        %get3A_734 = arith.index_cast %add3A_733 : i32 to index
        %get3A_735 = arith.constant 16 : index
        %get3A_736 = tpu.vector_load %arg24[%get3A_734, %get3A_735] {strides = array<i32>} : memref<800x64xf32, #tpu.memory_space<vmem>>, vector<1x16xf32>,
        %get3A_737 = vector.shape_cast %get3A_736 : vector<1x16xf32> to vector<16xf32>
        %add3A_738 = arith.addf %scan3A_723, %get3A_737 : vector<16xf32>
        %add3A_739 = arith.constant 0 : i32
        %add3A_740 = arith.addi %add3A_739, %scan3A_721 : i32
        %get3A_741 = arith.index_cast %add3A_740 : i32 to index
        %get3A_742 = arith.constant 32 : index
        %get3A_743 = tpu.vector_load %arg24[%get3A_741, %get3A_742] {strides = array<i32>} : memref<800x64xf32, #tpu.memory_space<vmem>>, vector<1x16xf32>,
        %get3A_744 = vector.shape_cast %get3A_743 : vector<1x16xf32> to vector<16xf32>
        %add3A_745 = arith.addf %scan3A_724, %get3A_744 : vector<16xf32>
        %add3A_746 = arith.constant 0 : i32
        %add3A_747 = arith.addi %add3A_746, %scan3A_721 : i32
        %get3A_748 = arith.index_cast %add3A_747 : i32 to index
        %get3A_749 = arith.constant 48 : index
        %get3A_750 = tpu.vector_load %arg24[%get3A_748, %get3A_749] {strides = array<i32>} : memref<800x64xf32, #tpu.memory_space<vmem>>, vector<1x16xf32>,
        %get3A_751 = vector.shape_cast %get3A_750 : vector<1x16xf32> to vector<16xf32>
        %add3A_752 = arith.addf %scan3A_725, %get3A_751 : vector<16xf32>
        scf.yield %add3A_731, %add3A_738, %add3A_745, %add3A_752 : vector<16xf32>, vector<16xf32>, vector<16xf32>, vector<16xf32>
      }
      %scan3A_214 = arith.constant 50 : i32
      %swap3A = arith.constant 0 : i32
      %swap3A_215 = arith.index_cast %swap3A : i32 to index
      %swap3A_216 = arith.constant 0 : index
      %swap3A_217 = tpu.vector_load %arg25[%swap3A_215, %swap3A_216] {strides = array<i32>} : memref<16x64xf32, #tpu.memory_space<vmem>>, vector<1x16xf32>,
      %swap3A_218 = vector.shape_cast %swap3A_217 : vector<1x16xf32> to vector<16xf32>
      %swap3A_219 = vector.shape_cast %scan3A_213#0 : vector<16xf32> to vector<1x16xf32>
      tpu.vector_store %arg25[%swap3A_215, %swap3A_216], %swap3A_219 {strides = array<i32>} : memref<16x64xf32, #tpu.memory_space<vmem>>, vector<1x16xf32>,
      %swap3A_220 = arith.constant 0 : i32
      %swap3A_221 = arith.index_cast %swap3A_220 : i32 to index
      %swap3A_222 = arith.constant 16 : index
      %swap3A_223 = tpu.vector_load %arg25[%swap3A_221, %swap3A_222] {strides = array<i32>} : memref<16x64xf32, #tpu.memory_space<vmem>>, vector<1x16xf32>,
      %swap3A_224 = vector.shape_cast %swap3A_223 : vector<1x16xf32> to vector<16xf32>
      %swap3A_225 = vector.shape_cast %scan3A_213#1 : vector<16xf32> to vector<1x16xf32>
      tpu.vector_store %arg25[%swap3A_221, %swap3A_222], %swap3A_225 {strides = array<i32>} : memref<16x64xf32, #tpu.memory_space<vmem>>, vector<1x16xf32>,
      %swap3A_226 = arith.constant 0 : i32
      %swap3A_227 = arith.index_cast %swap3A_226 : i32 to index
      %swap3A_228 = arith.constant 32 : index
      %swap3A_229 = tpu.vector_load %arg25[%swap3A_227, %swap3A_228] {strides = array<i32>} : memref<16x64xf32, #tpu.memory_space<vmem>>, vector<1x16xf32>,
      %swap3A_230 = vector.shape_cast %swap3A_229 : vector<1x16xf32> to vector<16xf32>
      %swap3A_231 = vector.shape_cast %scan3A_213#2 : vector<16xf32> to vector<1x16xf32>
      tpu.vector_store %arg25[%swap3A_227, %swap3A_228], %swap3A_231 {strides = array<i32>} : memref<16x64xf32, #tpu.memory_space<vmem>>, vector<1x16xf32>,
      %swap3A_232 = arith.constant 0 : i32
      %swap3A_233 = arith.index_cast %swap3A_232 : i32 to index
      %swap3A_234 = arith.constant 48 : index
      %swap3A_235 = tpu.vector_load %arg25[%swap3A_233, %swap3A_234] {strides = array<i32>} : memref<16x64xf32, #tpu.memory_space<vmem>>, vector<1x16xf32>,
      %swap3A_236 = vector.shape_cast %swap3A_235 : vector<1x16xf32> to vector<16xf32>
      %swap3A_237 = vector.shape_cast %scan3A_213#3 : vector<16xf32> to vector<1x16xf32>
      tpu.vector_store %arg25[%swap3A_233, %swap3A_234], %swap3A_237 {strides = array<i32>} : memref<16x64xf32, #tpu.memory_space<vmem>>, vector<1x16xf32>,
      %broadcast_in_dim3A_238 = arith.constant 0.000000e+00 : f32
      %broadcast_in_dim3A_239 = vector.broadcast %broadcast_in_dim3A_238 : f32 to vector<16xf32>
      %scan3A_240 = arith.constant 0 : i32
      %scan3A_241 = arith.constant 50 : i32
      %scan3A_242 = arith.addi %scan3A_240, %scan3A_241 : i32
      %scan3A_243 = arith.constant 1 : i32
      %scan3A_244:4 = scf.for %scan3A_721 = %scan3A_240 to %scan3A_242 step %scan3A_243 iter_args(%scan3A_722 = %broadcast_in_dim3A_239, %scan3A_723 = %broadcast_in_dim3A_239, %scan3A_724 = %broadcast_in_dim3A_239, %scan3A_725 = %broadcast_in_dim3A_239) -> (vector<16xf32>, vector<16xf32>, vector<16xf32>, vector<16xf32>)  : i32 {
        %add3A_726 = arith.constant 50 : i32
        %add3A_727 = arith.addi %add3A_726, %scan3A_721 : i32
        %get3A = arith.index_cast %add3A_727 : i32 to index
        %get3A_728 = arith.constant 0 : index
        %get3A_729 = tpu.vector_load %arg24[%get3A, %get3A_728] {strides = array<i32>} : memref<800x64xf32, #tpu.memory_space<vmem>>, vector<1x16xf32>,
        %get3A_730 = vector.shape_cast %get3A_729 : vector<1x16xf32> to vector<16xf32>
        %add3A_731 = arith.addf %scan3A_722, %get3A_730 : vector<16xf32>
        %add3A_732 = arith.constant 50 : i32
        %add3A_733 = arith.addi %add3A_732, %scan3A_721 : i32
        %get3A_734 = arith.index_cast %add3A_733 : i32 to index
        %get3A_735 = arith.constant 16 : index
        %get3A_736 = tpu.vector_load %arg24[%get3A_734, %get3A_735] {strides = array<i32>} : memref<800x64xf32, #tpu.memory_space<vmem>>, vector<1x16xf32>,
        %get3A_737 = vector.shape_cast %get3A_736 : vector<1x16xf32> to vector<16xf32>
        %add3A_738 = arith.addf %scan3A_723, %get3A_737 : vector<16xf32>
        %add3A_739 = arith.constant 50 : i32
        %add3A_740 = arith.addi %add3A_739, %scan3A_721 : i32
        %get3A_741 = arith.index_cast %add3A_740 : i32 to index
        %get3A_742 = arith.constant 32 : index
        %get3A_743 = tpu.vector_load %arg24[%get3A_741, %get3A_742] {strides = array<i32>} : memref<800x64xf32, #tpu.memory_space<vmem>>, vector<1x16xf32>,
        %get3A_744 = vector.shape_cast %get3A_743 : vector<1x16xf32> to vector<16xf32>
        %add3A_745 = arith.addf %scan3A_724, %get3A_744 : vector<16xf32>
        %add3A_746 = arith.constant 50 : i32
        %add3A_747 = arith.addi %add3A_746, %scan3A_721 : i32
        %get3A_748 = arith.index_cast %add3A_747 : i32 to index
        %get3A_749 = arith.constant 48 : index
        %get3A_750 = tpu.vector_load %arg24[%get3A_748, %get3A_749] {strides = array<i32>} : memref<800x64xf32, #tpu.memory_space<vmem>>, vector<1x16xf32>,
        %get3A_751 = vector.shape_cast %get3A_750 : vector<1x16xf32> to vector<16xf32>
        %add3A_752 = arith.addf %scan3A_725, %get3A_751 : vector<16xf32>
        scf.yield %add3A_731, %add3A_738, %add3A_745, %add3A_752 : vector<16xf32>, vector<16xf32>, vector<16xf32>, vector<16xf32>
      }
      %scan3A_245 = arith.constant 50 : i32
      %swap3A_246 = arith.constant 1 : i32
      %swap3A_247 = arith.index_cast %swap3A_246 : i32 to index
      %swap3A_248 = arith.constant 0 : index
      %swap3A_249 = tpu.vector_load %arg25[%swap3A_247, %swap3A_248] {strides = array<i32>} : memref<16x64xf32, #tpu.memory_space<vmem>>, vector<1x16xf32>,
      %swap3A_250 = vector.shape_cast %swap3A_249 : vector<1x16xf32> to vector<16xf32>
      %swap3A_251 = vector.shape_cast %scan3A_244#0 : vector<16xf32> to vector<1x16xf32>
      tpu.vector_store %arg25[%swap3A_247, %swap3A_248], %swap3A_251 {strides = array<i32>} : memref<16x64xf32, #tpu.memory_space<vmem>>, vector<1x16xf32>,
      %swap3A_252 = arith.constant 1 : i32
      %swap3A_253 = arith.index_cast %swap3A_252 : i32 to index
      %swap3A_254 = arith.constant 16 : index
      %swap3A_255 = tpu.vector_load %arg25[%swap3A_253, %swap3A_254] {strides = array<i32>} : memref<16x64xf32, #tpu.memory_space<vmem>>, vector<1x16xf32>,
      %swap3A_256 = vector.shape_cast %swap3A_255 : vector<1x16xf32> to vector<16xf32>
      %swap3A_257 = vector.shape_cast %scan3A_244#1 : vector<16xf32> to vector<1x16xf32>
      tpu.vector_store %arg25[%swap3A_253, %swap3A_254], %swap3A_257 {strides = array<i32>} : memref<16x64xf32, #tpu.memory_space<vmem>>, vector<1x16xf32>,
      %swap3A_258 = arith.constant 1 : i32
      %swap3A_259 = arith.index_cast %swap3A_258 : i32 to index
      %swap3A_260 = arith.constant 32 : index
      %swap3A_261 = tpu.vector_load %arg25[%swap3A_259, %swap3A_260] {strides = array<i32>} : memref<16x64xf32, #tpu.memory_space<vmem>>, vector<1x16xf32>,
      %swap3A_262 = vector.shape_cast %swap3A_261 : vector<1x16xf32> to vector<16xf32>
      %swap3A_263 = vector.shape_cast %scan3A_244#2 : vector<16xf32> to vector<1x16xf32>
      tpu.vector_store %arg25[%swap3A_259, %swap3A_260], %swap3A_263 {strides = array<i32>} : memref<16x64xf32, #tpu.memory_space<vmem>>, vector<1x16xf32>,
      %swap3A_264 = arith.constant 1 : i32
      %swap3A_265 = arith.index_cast %swap3A_264 : i32 to index
      %swap3A_266 = arith.constant 48 : index
      %swap3A_267 = tpu.vector_load %arg25[%swap3A_265, %swap3A_266] {strides = array<i32>} : memref<16x64xf32, #tpu.memory_space<vmem>>, vector<1x16xf32>,
      %swap3A_268 = vector.shape_cast %swap3A_267 : vector<1x16xf32> to vector<16xf32>
      %swap3A_269 = vector.shape_cast %scan3A_244#3 : vector<16xf32> to vector<1x16xf32>
      tpu.vector_store %arg25[%swap3A_265, %swap3A_266], %swap3A_269 {strides = array<i32>} : memref<16x64xf32, #tpu.memory_space<vmem>>, vector<1x16xf32>,
      %broadcast_in_dim3A_270 = arith.constant 0.000000e+00 : f32
      %broadcast_in_dim3A_271 = vector.broadcast %broadcast_in_dim3A_270 : f32 to vector<16xf32>
      %scan3A_272 = arith.constant 0 : i32
      %scan3A_273 = arith.constant 50 : i32
      %scan3A_274 = arith.addi %scan3A_272, %scan3A_273 : i32
      %scan3A_275 = arith.constant 1 : i32
      %scan3A_276:4 = scf.for %scan3A_721 = %scan3A_272 to %scan3A_274 step %scan3A_275 iter_args(%scan3A_722 = %broadcast_in_dim3A_271, %scan3A_723 = %broadcast_in_dim3A_271, %scan3A_724 = %broadcast_in_dim3A_271, %scan3A_725 = %broadcast_in_dim3A_271) -> (vector<16xf32>, vector<16xf32>, vector<16xf32>, vector<16xf32>)  : i32 {
        %add3A_726 = arith.constant 100 : i32
        %add3A_727 = arith.addi %add3A_726, %scan3A_721 : i32
        %get3A = arith.index_cast %add3A_727 : i32 to index
        %get3A_728 = arith.constant 0 : index
        %get3A_729 = tpu.vector_load %arg24[%get3A, %get3A_728] {strides = array<i32>} : memref<800x64xf32, #tpu.memory_space<vmem>>, vector<1x16xf32>,
        %get3A_730 = vector.shape_cast %get3A_729 : vector<1x16xf32> to vector<16xf32>
        %add3A_731 = arith.addf %scan3A_722, %get3A_730 : vector<16xf32>
        %add3A_732 = arith.constant 100 : i32
        %add3A_733 = arith.addi %add3A_732, %scan3A_721 : i32
        %get3A_734 = arith.index_cast %add3A_733 : i32 to index
        %get3A_735 = arith.constant 16 : index
        %get3A_736 = tpu.vector_load %arg24[%get3A_734, %get3A_735] {strides = array<i32>} : memref<800x64xf32, #tpu.memory_space<vmem>>, vector<1x16xf32>,
        %get3A_737 = vector.shape_cast %get3A_736 : vector<1x16xf32> to vector<16xf32>
        %add3A_738 = arith.addf %scan3A_723, %get3A_737 : vector<16xf32>
        %add3A_739 = arith.constant 100 : i32
        %add3A_740 = arith.addi %add3A_739, %scan3A_721 : i32
        %get3A_741 = arith.index_cast %add3A_740 : i32 to index
        %get3A_742 = arith.constant 32 : index
        %get3A_743 = tpu.vector_load %arg24[%get3A_741, %get3A_742] {strides = array<i32>} : memref<800x64xf32, #tpu.memory_space<vmem>>, vector<1x16xf32>,
        %get3A_744 = vector.shape_cast %get3A_743 : vector<1x16xf32> to vector<16xf32>
        %add3A_745 = arith.addf %scan3A_724, %get3A_744 : vector<16xf32>
        %add3A_746 = arith.constant 100 : i32
        %add3A_747 = arith.addi %add3A_746, %scan3A_721 : i32
        %get3A_748 = arith.index_cast %add3A_747 : i32 to index
        %get3A_749 = arith.constant 48 : index
        %get3A_750 = tpu.vector_load %arg24[%get3A_748, %get3A_749] {strides = array<i32>} : memref<800x64xf32, #tpu.memory_space<vmem>>, vector<1x16xf32>,
        %get3A_751 = vector.shape_cast %get3A_750 : vector<1x16xf32> to vector<16xf32>
        %add3A_752 = arith.addf %scan3A_725, %get3A_751 : vector<16xf32>
        scf.yield %add3A_731, %add3A_738, %add3A_745, %add3A_752 : vector<16xf32>, vector<16xf32>, vector<16xf32>, vector<16xf32>
      }
      %scan3A_277 = arith.constant 50 : i32
      %swap3A_278 = arith.constant 2 : i32
      %swap3A_279 = arith.index_cast %swap3A_278 : i32 to index
      %swap3A_280 = arith.constant 0 : index
      %swap3A_281 = tpu.vector_load %arg25[%swap3A_279, %swap3A_280] {strides = array<i32>} : memref<16x64xf32, #tpu.memory_space<vmem>>, vector<1x16xf32>,
      %swap3A_282 = vector.shape_cast %swap3A_281 : vector<1x16xf32> to vector<16xf32>
      %swap3A_283 = vector.shape_cast %scan3A_276#0 : vector<16xf32> to vector<1x16xf32>
      tpu.vector_store %arg25[%swap3A_279, %swap3A_280], %swap3A_283 {strides = array<i32>} : memref<16x64xf32, #tpu.memory_space<vmem>>, vector<1x16xf32>,
      %swap3A_284 = arith.constant 2 : i32
      %swap3A_285 = arith.index_cast %swap3A_284 : i32 to index
      %swap3A_286 = arith.constant 16 : index
      %swap3A_287 = tpu.vector_load %arg25[%swap3A_285, %swap3A_286] {strides = array<i32>} : memref<16x64xf32, #tpu.memory_space<vmem>>, vector<1x16xf32>,
      %swap3A_288 = vector.shape_cast %swap3A_287 : vector<1x16xf32> to vector<16xf32>
      %swap3A_289 = vector.shape_cast %scan3A_276#1 : vector<16xf32> to vector<1x16xf32>
      tpu.vector_store %arg25[%swap3A_285, %swap3A_286], %swap3A_289 {strides = array<i32>} : memref<16x64xf32, #tpu.memory_space<vmem>>, vector<1x16xf32>,
      %swap3A_290 = arith.constant 2 : i32
      %swap3A_291 = arith.index_cast %swap3A_290 : i32 to index
      %swap3A_292 = arith.constant 32 : index
      %swap3A_293 = tpu.vector_load %arg25[%swap3A_291, %swap3A_292] {strides = array<i32>} : memref<16x64xf32, #tpu.memory_space<vmem>>, vector<1x16xf32>,
      %swap3A_294 = vector.shape_cast %swap3A_293 : vector<1x16xf32> to vector<16xf32>
      %swap3A_295 = vector.shape_cast %scan3A_276#2 : vector<16xf32> to vector<1x16xf32>
      tpu.vector_store %arg25[%swap3A_291, %swap3A_292], %swap3A_295 {strides = array<i32>} : memref<16x64xf32, #tpu.memory_space<vmem>>, vector<1x16xf32>,
      %swap3A_296 = arith.constant 2 : i32
      %swap3A_297 = arith.index_cast %swap3A_296 : i32 to index
      %swap3A_298 = arith.constant 48 : index
      %swap3A_299 = tpu.vector_load %arg25[%swap3A_297, %swap3A_298] {strides = array<i32>} : memref<16x64xf32, #tpu.memory_space<vmem>>, vector<1x16xf32>,
      %swap3A_300 = vector.shape_cast %swap3A_299 : vector<1x16xf32> to vector<16xf32>
      %swap3A_301 = vector.shape_cast %scan3A_276#3 : vector<16xf32> to vector<1x16xf32>
      tpu.vector_store %arg25[%swap3A_297, %swap3A_298], %swap3A_301 {strides = array<i32>} : memref<16x64xf32, #tpu.memory_space<vmem>>, vector<1x16xf32>,
      %broadcast_in_dim3A_302 = arith.constant 0.000000e+00 : f32
      %broadcast_in_dim3A_303 = vector.broadcast %broadcast_in_dim3A_302 : f32 to vector<16xf32>
      %scan3A_304 = arith.constant 0 : i32
      %scan3A_305 = arith.constant 50 : i32
      %scan3A_306 = arith.addi %scan3A_304, %scan3A_305 : i32
      %scan3A_307 = arith.constant 1 : i32
      %scan3A_308:4 = scf.for %scan3A_721 = %scan3A_304 to %scan3A_306 step %scan3A_307 iter_args(%scan3A_722 = %broadcast_in_dim3A_303, %scan3A_723 = %broadcast_in_dim3A_303, %scan3A_724 = %broadcast_in_dim3A_303, %scan3A_725 = %broadcast_in_dim3A_303) -> (vector<16xf32>, vector<16xf32>, vector<16xf32>, vector<16xf32>)  : i32 {
        %add3A_726 = arith.constant 150 : i32
        %add3A_727 = arith.addi %add3A_726, %scan3A_721 : i32
        %get3A = arith.index_cast %add3A_727 : i32 to index
        %get3A_728 = arith.constant 0 : index
        %get3A_729 = tpu.vector_load %arg24[%get3A, %get3A_728] {strides = array<i32>} : memref<800x64xf32, #tpu.memory_space<vmem>>, vector<1x16xf32>,
        %get3A_730 = vector.shape_cast %get3A_729 : vector<1x16xf32> to vector<16xf32>
        %add3A_731 = arith.addf %scan3A_722, %get3A_730 : vector<16xf32>
        %add3A_732 = arith.constant 150 : i32
        %add3A_733 = arith.addi %add3A_732, %scan3A_721 : i32
        %get3A_734 = arith.index_cast %add3A_733 : i32 to index
        %get3A_735 = arith.constant 16 : index
        %get3A_736 = tpu.vector_load %arg24[%get3A_734, %get3A_735] {strides = array<i32>} : memref<800x64xf32, #tpu.memory_space<vmem>>, vector<1x16xf32>,
        %get3A_737 = vector.shape_cast %get3A_736 : vector<1x16xf32> to vector<16xf32>
        %add3A_738 = arith.addf %scan3A_723, %get3A_737 : vector<16xf32>
        %add3A_739 = arith.constant 150 : i32
        %add3A_740 = arith.addi %add3A_739, %scan3A_721 : i32
        %get3A_741 = arith.index_cast %add3A_740 : i32 to index
        %get3A_742 = arith.constant 32 : index
        %get3A_743 = tpu.vector_load %arg24[%get3A_741, %get3A_742] {strides = array<i32>} : memref<800x64xf32, #tpu.memory_space<vmem>>, vector<1x16xf32>,
        %get3A_744 = vector.shape_cast %get3A_743 : vector<1x16xf32> to vector<16xf32>
        %add3A_745 = arith.addf %scan3A_724, %get3A_744 : vector<16xf32>
        %add3A_746 = arith.constant 150 : i32
        %add3A_747 = arith.addi %add3A_746, %scan3A_721 : i32
        %get3A_748 = arith.index_cast %add3A_747 : i32 to index
        %get3A_749 = arith.constant 48 : index
        %get3A_750 = tpu.vector_load %arg24[%get3A_748, %get3A_749] {strides = array<i32>} : memref<800x64xf32, #tpu.memory_space<vmem>>, vector<1x16xf32>,
        %get3A_751 = vector.shape_cast %get3A_750 : vector<1x16xf32> to vector<16xf32>
        %add3A_752 = arith.addf %scan3A_725, %get3A_751 : vector<16xf32>
        scf.yield %add3A_731, %add3A_738, %add3A_745, %add3A_752 : vector<16xf32>, vector<16xf32>, vector<16xf32>, vector<16xf32>
      }
      %scan3A_309 = arith.constant 50 : i32
      %swap3A_310 = arith.constant 3 : i32
      %swap3A_311 = arith.index_cast %swap3A_310 : i32 to index
      %swap3A_312 = arith.constant 0 : index
      %swap3A_313 = tpu.vector_load %arg25[%swap3A_311, %swap3A_312] {strides = array<i32>} : memref<16x64xf32, #tpu.memory_space<vmem>>, vector<1x16xf32>,
      %swap3A_314 = vector.shape_cast %swap3A_313 : vector<1x16xf32> to vector<16xf32>
      %swap3A_315 = vector.shape_cast %scan3A_308#0 : vector<16xf32> to vector<1x16xf32>
      tpu.vector_store %arg25[%swap3A_311, %swap3A_312], %swap3A_315 {strides = array<i32>} : memref<16x64xf32, #tpu.memory_space<vmem>>, vector<1x16xf32>,
      %swap3A_316 = arith.constant 3 : i32
      %swap3A_317 = arith.index_cast %swap3A_316 : i32 to index
      %swap3A_318 = arith.constant 16 : index
      %swap3A_319 = tpu.vector_load %arg25[%swap3A_317, %swap3A_318] {strides = array<i32>} : memref<16x64xf32, #tpu.memory_space<vmem>>, vector<1x16xf32>,
      %swap3A_320 = vector.shape_cast %swap3A_319 : vector<1x16xf32> to vector<16xf32>
      %swap3A_321 = vector.shape_cast %scan3A_308#1 : vector<16xf32> to vector<1x16xf32>
      tpu.vector_store %arg25[%swap3A_317, %swap3A_318], %swap3A_321 {strides = array<i32>} : memref<16x64xf32, #tpu.memory_space<vmem>>, vector<1x16xf32>,
      %swap3A_322 = arith.constant 3 : i32
      %swap3A_323 = arith.index_cast %swap3A_322 : i32 to index
      %swap3A_324 = arith.constant 32 : index
      %swap3A_325 = tpu.vector_load %arg25[%swap3A_323, %swap3A_324] {strides = array<i32>} : memref<16x64xf32, #tpu.memory_space<vmem>>, vector<1x16xf32>,
      %swap3A_326 = vector.shape_cast %swap3A_325 : vector<1x16xf32> to vector<16xf32>
      %swap3A_327 = vector.shape_cast %scan3A_308#2 : vector<16xf32> to vector<1x16xf32>
      tpu.vector_store %arg25[%swap3A_323, %swap3A_324], %swap3A_327 {strides = array<i32>} : memref<16x64xf32, #tpu.memory_space<vmem>>, vector<1x16xf32>,
      %swap3A_328 = arith.constant 3 : i32
      %swap3A_329 = arith.index_cast %swap3A_328 : i32 to index
      %swap3A_330 = arith.constant 48 : index
      %swap3A_331 = tpu.vector_load %arg25[%swap3A_329, %swap3A_330] {strides = array<i32>} : memref<16x64xf32, #tpu.memory_space<vmem>>, vector<1x16xf32>,
      %swap3A_332 = vector.shape_cast %swap3A_331 : vector<1x16xf32> to vector<16xf32>
      %swap3A_333 = vector.shape_cast %scan3A_308#3 : vector<16xf32> to vector<1x16xf32>
      tpu.vector_store %arg25[%swap3A_329, %swap3A_330], %swap3A_333 {strides = array<i32>} : memref<16x64xf32, #tpu.memory_space<vmem>>, vector<1x16xf32>,
      %broadcast_in_dim3A_334 = arith.constant 0.000000e+00 : f32
      %broadcast_in_dim3A_335 = vector.broadcast %broadcast_in_dim3A_334 : f32 to vector<16xf32>
      %scan3A_336 = arith.constant 0 : i32
      %scan3A_337 = arith.constant 50 : i32
      %scan3A_338 = arith.addi %scan3A_336, %scan3A_337 : i32
      %scan3A_339 = arith.constant 1 : i32
      %scan3A_340:4 = scf.for %scan3A_721 = %scan3A_336 to %scan3A_338 step %scan3A_339 iter_args(%scan3A_722 = %broadcast_in_dim3A_335, %scan3A_723 = %broadcast_in_dim3A_335, %scan3A_724 = %broadcast_in_dim3A_335, %scan3A_725 = %broadcast_in_dim3A_335) -> (vector<16xf32>, vector<16xf32>, vector<16xf32>, vector<16xf32>)  : i32 {
        %add3A_726 = arith.constant 200 : i32
        %add3A_727 = arith.addi %add3A_726, %scan3A_721 : i32
        %get3A = arith.index_cast %add3A_727 : i32 to index
        %get3A_728 = arith.constant 0 : index
        %get3A_729 = tpu.vector_load %arg24[%get3A, %get3A_728] {strides = array<i32>} : memref<800x64xf32, #tpu.memory_space<vmem>>, vector<1x16xf32>,
        %get3A_730 = vector.shape_cast %get3A_729 : vector<1x16xf32> to vector<16xf32>
        %add3A_731 = arith.addf %scan3A_722, %get3A_730 : vector<16xf32>
        %add3A_732 = arith.constant 200 : i32
        %add3A_733 = arith.addi %add3A_732, %scan3A_721 : i32
        %get3A_734 = arith.index_cast %add3A_733 : i32 to index
        %get3A_735 = arith.constant 16 : index
        %get3A_736 = tpu.vector_load %arg24[%get3A_734, %get3A_735] {strides = array<i32>} : memref<800x64xf32, #tpu.memory_space<vmem>>, vector<1x16xf32>,
        %get3A_737 = vector.shape_cast %get3A_736 : vector<1x16xf32> to vector<16xf32>
        %add3A_738 = arith.addf %scan3A_723, %get3A_737 : vector<16xf32>
        %add3A_739 = arith.constant 200 : i32
        %add3A_740 = arith.addi %add3A_739, %scan3A_721 : i32
        %get3A_741 = arith.index_cast %add3A_740 : i32 to index
        %get3A_742 = arith.constant 32 : index
        %get3A_743 = tpu.vector_load %arg24[%get3A_741, %get3A_742] {strides = array<i32>} : memref<800x64xf32, #tpu.memory_space<vmem>>, vector<1x16xf32>,
        %get3A_744 = vector.shape_cast %get3A_743 : vector<1x16xf32> to vector<16xf32>
        %add3A_745 = arith.addf %scan3A_724, %get3A_744 : vector<16xf32>
        %add3A_746 = arith.constant 200 : i32
        %add3A_747 = arith.addi %add3A_746, %scan3A_721 : i32
        %get3A_748 = arith.index_cast %add3A_747 : i32 to index
        %get3A_749 = arith.constant 48 : index
        %get3A_750 = tpu.vector_load %arg24[%get3A_748, %get3A_749] {strides = array<i32>} : memref<800x64xf32, #tpu.memory_space<vmem>>, vector<1x16xf32>,
        %get3A_751 = vector.shape_cast %get3A_750 : vector<1x16xf32> to vector<16xf32>
        %add3A_752 = arith.addf %scan3A_725, %get3A_751 : vector<16xf32>
        scf.yield %add3A_731, %add3A_738, %add3A_745, %add3A_752 : vector<16xf32>, vector<16xf32>, vector<16xf32>, vector<16xf32>
      }
      %scan3A_341 = arith.constant 50 : i32
      %swap3A_342 = arith.constant 4 : i32
      %swap3A_343 = arith.index_cast %swap3A_342 : i32 to index
      %swap3A_344 = arith.constant 0 : index
      %swap3A_345 = tpu.vector_load %arg25[%swap3A_343, %swap3A_344] {strides = array<i32>} : memref<16x64xf32, #tpu.memory_space<vmem>>, vector<1x16xf32>,
      %swap3A_346 = vector.shape_cast %swap3A_345 : vector<1x16xf32> to vector<16xf32>
      %swap3A_347 = vector.shape_cast %scan3A_340#0 : vector<16xf32> to vector<1x16xf32>
      tpu.vector_store %arg25[%swap3A_343, %swap3A_344], %swap3A_347 {strides = array<i32>} : memref<16x64xf32, #tpu.memory_space<vmem>>, vector<1x16xf32>,
      %swap3A_348 = arith.constant 4 : i32
      %swap3A_349 = arith.index_cast %swap3A_348 : i32 to index
      %swap3A_350 = arith.constant 16 : index
      %swap3A_351 = tpu.vector_load %arg25[%swap3A_349, %swap3A_350] {strides = array<i32>} : memref<16x64xf32, #tpu.memory_space<vmem>>, vector<1x16xf32>,
      %swap3A_352 = vector.shape_cast %swap3A_351 : vector<1x16xf32> to vector<16xf32>
      %swap3A_353 = vector.shape_cast %scan3A_340#1 : vector<16xf32> to vector<1x16xf32>
      tpu.vector_store %arg25[%swap3A_349, %swap3A_350], %swap3A_353 {strides = array<i32>} : memref<16x64xf32, #tpu.memory_space<vmem>>, vector<1x16xf32>,
      %swap3A_354 = arith.constant 4 : i32
      %swap3A_355 = arith.index_cast %swap3A_354 : i32 to index
      %swap3A_356 = arith.constant 32 : index
      %swap3A_357 = tpu.vector_load %arg25[%swap3A_355, %swap3A_356] {strides = array<i32>} : memref<16x64xf32, #tpu.memory_space<vmem>>, vector<1x16xf32>,
      %swap3A_358 = vector.shape_cast %swap3A_357 : vector<1x16xf32> to vector<16xf32>
      %swap3A_359 = vector.shape_cast %scan3A_340#2 : vector<16xf32> to vector<1x16xf32>
      tpu.vector_store %arg25[%swap3A_355, %swap3A_356], %swap3A_359 {strides = array<i32>} : memref<16x64xf32, #tpu.memory_space<vmem>>, vector<1x16xf32>,
      %swap3A_360 = arith.constant 4 : i32
      %swap3A_361 = arith.index_cast %swap3A_360 : i32 to index
      %swap3A_362 = arith.constant 48 : index
      %swap3A_363 = tpu.vector_load %arg25[%swap3A_361, %swap3A_362] {strides = array<i32>} : memref<16x64xf32, #tpu.memory_space<vmem>>, vector<1x16xf32>,
      %swap3A_364 = vector.shape_cast %swap3A_363 : vector<1x16xf32> to vector<16xf32>
      %swap3A_365 = vector.shape_cast %scan3A_340#3 : vector<16xf32> to vector<1x16xf32>
      tpu.vector_store %arg25[%swap3A_361, %swap3A_362], %swap3A_365 {strides = array<i32>} : memref<16x64xf32, #tpu.memory_space<vmem>>, vector<1x16xf32>,
      %broadcast_in_dim3A_366 = arith.constant 0.000000e+00 : f32
      %broadcast_in_dim3A_367 = vector.broadcast %broadcast_in_dim3A_366 : f32 to vector<16xf32>
      %scan3A_368 = arith.constant 0 : i32
      %scan3A_369 = arith.constant 50 : i32
      %scan3A_370 = arith.addi %scan3A_368, %scan3A_369 : i32
      %scan3A_371 = arith.constant 1 : i32
      %scan3A_372:4 = scf.for %scan3A_721 = %scan3A_368 to %scan3A_370 step %scan3A_371 iter_args(%scan3A_722 = %broadcast_in_dim3A_367, %scan3A_723 = %broadcast_in_dim3A_367, %scan3A_724 = %broadcast_in_dim3A_367, %scan3A_725 = %broadcast_in_dim3A_367) -> (vector<16xf32>, vector<16xf32>, vector<16xf32>, vector<16xf32>)  : i32 {
        %add3A_726 = arith.constant 250 : i32
        %add3A_727 = arith.addi %add3A_726, %scan3A_721 : i32
        %get3A = arith.index_cast %add3A_727 : i32 to index
        %get3A_728 = arith.constant 0 : index
        %get3A_729 = tpu.vector_load %arg24[%get3A, %get3A_728] {strides = array<i32>} : memref<800x64xf32, #tpu.memory_space<vmem>>, vector<1x16xf32>,
        %get3A_730 = vector.shape_cast %get3A_729 : vector<1x16xf32> to vector<16xf32>
        %add3A_731 = arith.addf %scan3A_722, %get3A_730 : vector<16xf32>
        %add3A_732 = arith.constant 250 : i32
        %add3A_733 = arith.addi %add3A_732, %scan3A_721 : i32
        %get3A_734 = arith.index_cast %add3A_733 : i32 to index
        %get3A_735 = arith.constant 16 : index
        %get3A_736 = tpu.vector_load %arg24[%get3A_734, %get3A_735] {strides = array<i32>} : memref<800x64xf32, #tpu.memory_space<vmem>>, vector<1x16xf32>,
        %get3A_737 = vector.shape_cast %get3A_736 : vector<1x16xf32> to vector<16xf32>
        %add3A_738 = arith.addf %scan3A_723, %get3A_737 : vector<16xf32>
        %add3A_739 = arith.constant 250 : i32
        %add3A_740 = arith.addi %add3A_739, %scan3A_721 : i32
        %get3A_741 = arith.index_cast %add3A_740 : i32 to index
        %get3A_742 = arith.constant 32 : index
        %get3A_743 = tpu.vector_load %arg24[%get3A_741, %get3A_742] {strides = array<i32>} : memref<800x64xf32, #tpu.memory_space<vmem>>, vector<1x16xf32>,
        %get3A_744 = vector.shape_cast %get3A_743 : vector<1x16xf32> to vector<16xf32>
        %add3A_745 = arith.addf %scan3A_724, %get3A_744 : vector<16xf32>
        %add3A_746 = arith.constant 250 : i32
        %add3A_747 = arith.addi %add3A_746, %scan3A_721 : i32
        %get3A_748 = arith.index_cast %add3A_747 : i32 to index
        %get3A_749 = arith.constant 48 : index
        %get3A_750 = tpu.vector_load %arg24[%get3A_748, %get3A_749] {strides = array<i32>} : memref<800x64xf32, #tpu.memory_space<vmem>>, vector<1x16xf32>,
        %get3A_751 = vector.shape_cast %get3A_750 : vector<1x16xf32> to vector<16xf32>
        %add3A_752 = arith.addf %scan3A_725, %get3A_751 : vector<16xf32>
        scf.yield %add3A_731, %add3A_738, %add3A_745, %add3A_752 : vector<16xf32>, vector<16xf32>, vector<16xf32>, vector<16xf32>
      }
      %scan3A_373 = arith.constant 50 : i32
      %swap3A_374 = arith.constant 5 : i32
      %swap3A_375 = arith.index_cast %swap3A_374 : i32 to index
      %swap3A_376 = arith.constant 0 : index
      %swap3A_377 = tpu.vector_load %arg25[%swap3A_375, %swap3A_376] {strides = array<i32>} : memref<16x64xf32, #tpu.memory_space<vmem>>, vector<1x16xf32>,
      %swap3A_378 = vector.shape_cast %swap3A_377 : vector<1x16xf32> to vector<16xf32>
      %swap3A_379 = vector.shape_cast %scan3A_372#0 : vector<16xf32> to vector<1x16xf32>
      tpu.vector_store %arg25[%swap3A_375, %swap3A_376], %swap3A_379 {strides = array<i32>} : memref<16x64xf32, #tpu.memory_space<vmem>>, vector<1x16xf32>,
      %swap3A_380 = arith.constant 5 : i32
      %swap3A_381 = arith.index_cast %swap3A_380 : i32 to index
      %swap3A_382 = arith.constant 16 : index
      %swap3A_383 = tpu.vector_load %arg25[%swap3A_381, %swap3A_382] {strides = array<i32>} : memref<16x64xf32, #tpu.memory_space<vmem>>, vector<1x16xf32>,
      %swap3A_384 = vector.shape_cast %swap3A_383 : vector<1x16xf32> to vector<16xf32>
      %swap3A_385 = vector.shape_cast %scan3A_372#1 : vector<16xf32> to vector<1x16xf32>
      tpu.vector_store %arg25[%swap3A_381, %swap3A_382], %swap3A_385 {strides = array<i32>} : memref<16x64xf32, #tpu.memory_space<vmem>>, vector<1x16xf32>,
      %swap3A_386 = arith.constant 5 : i32
      %swap3A_387 = arith.index_cast %swap3A_386 : i32 to index
      %swap3A_388 = arith.constant 32 : index
      %swap3A_389 = tpu.vector_load %arg25[%swap3A_387, %swap3A_388] {strides = array<i32>} : memref<16x64xf32, #tpu.memory_space<vmem>>, vector<1x16xf32>,
      %swap3A_390 = vector.shape_cast %swap3A_389 : vector<1x16xf32> to vector<16xf32>
      %swap3A_391 = vector.shape_cast %scan3A_372#2 : vector<16xf32> to vector<1x16xf32>
      tpu.vector_store %arg25[%swap3A_387, %swap3A_388], %swap3A_391 {strides = array<i32>} : memref<16x64xf32, #tpu.memory_space<vmem>>, vector<1x16xf32>,
      %swap3A_392 = arith.constant 5 : i32
      %swap3A_393 = arith.index_cast %swap3A_392 : i32 to index
      %swap3A_394 = arith.constant 48 : index
      %swap3A_395 = tpu.vector_load %arg25[%swap3A_393, %swap3A_394] {strides = array<i32>} : memref<16x64xf32, #tpu.memory_space<vmem>>, vector<1x16xf32>,
      %swap3A_396 = vector.shape_cast %swap3A_395 : vector<1x16xf32> to vector<16xf32>
      %swap3A_397 = vector.shape_cast %scan3A_372#3 : vector<16xf32> to vector<1x16xf32>
      tpu.vector_store %arg25[%swap3A_393, %swap3A_394], %swap3A_397 {strides = array<i32>} : memref<16x64xf32, #tpu.memory_space<vmem>>, vector<1x16xf32>,
      %broadcast_in_dim3A_398 = arith.constant 0.000000e+00 : f32
      %broadcast_in_dim3A_399 = vector.broadcast %broadcast_in_dim3A_398 : f32 to vector<16xf32>
      %scan3A_400 = arith.constant 0 : i32
      %scan3A_401 = arith.constant 50 : i32
      %scan3A_402 = arith.addi %scan3A_400, %scan3A_401 : i32
      %scan3A_403 = arith.constant 1 : i32
      %scan3A_404:4 = scf.for %scan3A_721 = %scan3A_400 to %scan3A_402 step %scan3A_403 iter_args(%scan3A_722 = %broadcast_in_dim3A_399, %scan3A_723 = %broadcast_in_dim3A_399, %scan3A_724 = %broadcast_in_dim3A_399, %scan3A_725 = %broadcast_in_dim3A_399) -> (vector<16xf32>, vector<16xf32>, vector<16xf32>, vector<16xf32>)  : i32 {
        %add3A_726 = arith.constant 300 : i32
        %add3A_727 = arith.addi %add3A_726, %scan3A_721 : i32
        %get3A = arith.index_cast %add3A_727 : i32 to index
        %get3A_728 = arith.constant 0 : index
        %get3A_729 = tpu.vector_load %arg24[%get3A, %get3A_728] {strides = array<i32>} : memref<800x64xf32, #tpu.memory_space<vmem>>, vector<1x16xf32>,
        %get3A_730 = vector.shape_cast %get3A_729 : vector<1x16xf32> to vector<16xf32>
        %add3A_731 = arith.addf %scan3A_722, %get3A_730 : vector<16xf32>
        %add3A_732 = arith.constant 300 : i32
        %add3A_733 = arith.addi %add3A_732, %scan3A_721 : i32
        %get3A_734 = arith.index_cast %add3A_733 : i32 to index
        %get3A_735 = arith.constant 16 : index
        %get3A_736 = tpu.vector_load %arg24[%get3A_734, %get3A_735] {strides = array<i32>} : memref<800x64xf32, #tpu.memory_space<vmem>>, vector<1x16xf32>,
        %get3A_737 = vector.shape_cast %get3A_736 : vector<1x16xf32> to vector<16xf32>
        %add3A_738 = arith.addf %scan3A_723, %get3A_737 : vector<16xf32>
        %add3A_739 = arith.constant 300 : i32
        %add3A_740 = arith.addi %add3A_739, %scan3A_721 : i32
        %get3A_741 = arith.index_cast %add3A_740 : i32 to index
        %get3A_742 = arith.constant 32 : index
        %get3A_743 = tpu.vector_load %arg24[%get3A_741, %get3A_742] {strides = array<i32>} : memref<800x64xf32, #tpu.memory_space<vmem>>, vector<1x16xf32>,
        %get3A_744 = vector.shape_cast %get3A_743 : vector<1x16xf32> to vector<16xf32>
        %add3A_745 = arith.addf %scan3A_724, %get3A_744 : vector<16xf32>
        %add3A_746 = arith.constant 300 : i32
        %add3A_747 = arith.addi %add3A_746, %scan3A_721 : i32
        %get3A_748 = arith.index_cast %add3A_747 : i32 to index
        %get3A_749 = arith.constant 48 : index
        %get3A_750 = tpu.vector_load %arg24[%get3A_748, %get3A_749] {strides = array<i32>} : memref<800x64xf32, #tpu.memory_space<vmem>>, vector<1x16xf32>,
        %get3A_751 = vector.shape_cast %get3A_750 : vector<1x16xf32> to vector<16xf32>
        %add3A_752 = arith.addf %scan3A_725, %get3A_751 : vector<16xf32>
        scf.yield %add3A_731, %add3A_738, %add3A_745, %add3A_752 : vector<16xf32>, vector<16xf32>, vector<16xf32>, vector<16xf32>
      }
      %scan3A_405 = arith.constant 50 : i32
      %swap3A_406 = arith.constant 6 : i32
      %swap3A_407 = arith.index_cast %swap3A_406 : i32 to index
      %swap3A_408 = arith.constant 0 : index
      %swap3A_409 = tpu.vector_load %arg25[%swap3A_407, %swap3A_408] {strides = array<i32>} : memref<16x64xf32, #tpu.memory_space<vmem>>, vector<1x16xf32>,
      %swap3A_410 = vector.shape_cast %swap3A_409 : vector<1x16xf32> to vector<16xf32>
      %swap3A_411 = vector.shape_cast %scan3A_404#0 : vector<16xf32> to vector<1x16xf32>
      tpu.vector_store %arg25[%swap3A_407, %swap3A_408], %swap3A_411 {strides = array<i32>} : memref<16x64xf32, #tpu.memory_space<vmem>>, vector<1x16xf32>,
      %swap3A_412 = arith.constant 6 : i32
      %swap3A_413 = arith.index_cast %swap3A_412 : i32 to index
      %swap3A_414 = arith.constant 16 : index
      %swap3A_415 = tpu.vector_load %arg25[%swap3A_413, %swap3A_414] {strides = array<i32>} : memref<16x64xf32, #tpu.memory_space<vmem>>, vector<1x16xf32>,
      %swap3A_416 = vector.shape_cast %swap3A_415 : vector<1x16xf32> to vector<16xf32>
      %swap3A_417 = vector.shape_cast %scan3A_404#1 : vector<16xf32> to vector<1x16xf32>
      tpu.vector_store %arg25[%swap3A_413, %swap3A_414], %swap3A_417 {strides = array<i32>} : memref<16x64xf32, #tpu.memory_space<vmem>>, vector<1x16xf32>,
      %swap3A_418 = arith.constant 6 : i32
      %swap3A_419 = arith.index_cast %swap3A_418 : i32 to index
      %swap3A_420 = arith.constant 32 : index
      %swap3A_421 = tpu.vector_load %arg25[%swap3A_419, %swap3A_420] {strides = array<i32>} : memref<16x64xf32, #tpu.memory_space<vmem>>, vector<1x16xf32>,
      %swap3A_422 = vector.shape_cast %swap3A_421 : vector<1x16xf32> to vector<16xf32>
      %swap3A_423 = vector.shape_cast %scan3A_404#2 : vector<16xf32> to vector<1x16xf32>
      tpu.vector_store %arg25[%swap3A_419, %swap3A_420], %swap3A_423 {strides = array<i32>} : memref<16x64xf32, #tpu.memory_space<vmem>>, vector<1x16xf32>,
      %swap3A_424 = arith.constant 6 : i32
      %swap3A_425 = arith.index_cast %swap3A_424 : i32 to index
      %swap3A_426 = arith.constant 48 : index
      %swap3A_427 = tpu.vector_load %arg25[%swap3A_425, %swap3A_426] {strides = array<i32>} : memref<16x64xf32, #tpu.memory_space<vmem>>, vector<1x16xf32>,
      %swap3A_428 = vector.shape_cast %swap3A_427 : vector<1x16xf32> to vector<16xf32>
      %swap3A_429 = vector.shape_cast %scan3A_404#3 : vector<16xf32> to vector<1x16xf32>
      tpu.vector_store %arg25[%swap3A_425, %swap3A_426], %swap3A_429 {strides = array<i32>} : memref<16x64xf32, #tpu.memory_space<vmem>>, vector<1x16xf32>,
      %broadcast_in_dim3A_430 = arith.constant 0.000000e+00 : f32
      %broadcast_in_dim3A_431 = vector.broadcast %broadcast_in_dim3A_430 : f32 to vector<16xf32>
      %scan3A_432 = arith.constant 0 : i32
      %scan3A_433 = arith.constant 50 : i32
      %scan3A_434 = arith.addi %scan3A_432, %scan3A_433 : i32
      %scan3A_435 = arith.constant 1 : i32
      %scan3A_436:4 = scf.for %scan3A_721 = %scan3A_432 to %scan3A_434 step %scan3A_435 iter_args(%scan3A_722 = %broadcast_in_dim3A_431, %scan3A_723 = %broadcast_in_dim3A_431, %scan3A_724 = %broadcast_in_dim3A_431, %scan3A_725 = %broadcast_in_dim3A_431) -> (vector<16xf32>, vector<16xf32>, vector<16xf32>, vector<16xf32>)  : i32 {
        %add3A_726 = arith.constant 350 : i32
        %add3A_727 = arith.addi %add3A_726, %scan3A_721 : i32
        %get3A = arith.index_cast %add3A_727 : i32 to index
        %get3A_728 = arith.constant 0 : index
        %get3A_729 = tpu.vector_load %arg24[%get3A, %get3A_728] {strides = array<i32>} : memref<800x64xf32, #tpu.memory_space<vmem>>, vector<1x16xf32>,
        %get3A_730 = vector.shape_cast %get3A_729 : vector<1x16xf32> to vector<16xf32>
        %add3A_731 = arith.addf %scan3A_722, %get3A_730 : vector<16xf32>
        %add3A_732 = arith.constant 350 : i32
        %add3A_733 = arith.addi %add3A_732, %scan3A_721 : i32
        %get3A_734 = arith.index_cast %add3A_733 : i32 to index
        %get3A_735 = arith.constant 16 : index
        %get3A_736 = tpu.vector_load %arg24[%get3A_734, %get3A_735] {strides = array<i32>} : memref<800x64xf32, #tpu.memory_space<vmem>>, vector<1x16xf32>,
        %get3A_737 = vector.shape_cast %get3A_736 : vector<1x16xf32> to vector<16xf32>
        %add3A_738 = arith.addf %scan3A_723, %get3A_737 : vector<16xf32>
        %add3A_739 = arith.constant 350 : i32
        %add3A_740 = arith.addi %add3A_739, %scan3A_721 : i32
        %get3A_741 = arith.index_cast %add3A_740 : i32 to index
        %get3A_742 = arith.constant 32 : index
        %get3A_743 = tpu.vector_load %arg24[%get3A_741, %get3A_742] {strides = array<i32>} : memref<800x64xf32, #tpu.memory_space<vmem>>, vector<1x16xf32>,
        %get3A_744 = vector.shape_cast %get3A_743 : vector<1x16xf32> to vector<16xf32>
        %add3A_745 = arith.addf %scan3A_724, %get3A_744 : vector<16xf32>
        %add3A_746 = arith.constant 350 : i32
        %add3A_747 = arith.addi %add3A_746, %scan3A_721 : i32
        %get3A_748 = arith.index_cast %add3A_747 : i32 to index
        %get3A_749 = arith.constant 48 : index
        %get3A_750 = tpu.vector_load %arg24[%get3A_748, %get3A_749] {strides = array<i32>} : memref<800x64xf32, #tpu.memory_space<vmem>>, vector<1x16xf32>,
        %get3A_751 = vector.shape_cast %get3A_750 : vector<1x16xf32> to vector<16xf32>
        %add3A_752 = arith.addf %scan3A_725, %get3A_751 : vector<16xf32>
        scf.yield %add3A_731, %add3A_738, %add3A_745, %add3A_752 : vector<16xf32>, vector<16xf32>, vector<16xf32>, vector<16xf32>
      }
      %scan3A_437 = arith.constant 50 : i32
      %swap3A_438 = arith.constant 7 : i32
      %swap3A_439 = arith.index_cast %swap3A_438 : i32 to index
      %swap3A_440 = arith.constant 0 : index
      %swap3A_441 = tpu.vector_load %arg25[%swap3A_439, %swap3A_440] {strides = array<i32>} : memref<16x64xf32, #tpu.memory_space<vmem>>, vector<1x16xf32>,
      %swap3A_442 = vector.shape_cast %swap3A_441 : vector<1x16xf32> to vector<16xf32>
      %swap3A_443 = vector.shape_cast %scan3A_436#0 : vector<16xf32> to vector<1x16xf32>
      tpu.vector_store %arg25[%swap3A_439, %swap3A_440], %swap3A_443 {strides = array<i32>} : memref<16x64xf32, #tpu.memory_space<vmem>>, vector<1x16xf32>,
      %swap3A_444 = arith.constant 7 : i32
      %swap3A_445 = arith.index_cast %swap3A_444 : i32 to index
      %swap3A_446 = arith.constant 16 : index
      %swap3A_447 = tpu.vector_load %arg25[%swap3A_445, %swap3A_446] {strides = array<i32>} : memref<16x64xf32, #tpu.memory_space<vmem>>, vector<1x16xf32>,
      %swap3A_448 = vector.shape_cast %swap3A_447 : vector<1x16xf32> to vector<16xf32>
      %swap3A_449 = vector.shape_cast %scan3A_436#1 : vector<16xf32> to vector<1x16xf32>
      tpu.vector_store %arg25[%swap3A_445, %swap3A_446], %swap3A_449 {strides = array<i32>} : memref<16x64xf32, #tpu.memory_space<vmem>>, vector<1x16xf32>,
      %swap3A_450 = arith.constant 7 : i32
      %swap3A_451 = arith.index_cast %swap3A_450 : i32 to index
      %swap3A_452 = arith.constant 32 : index
      %swap3A_453 = tpu.vector_load %arg25[%swap3A_451, %swap3A_452] {strides = array<i32>} : memref<16x64xf32, #tpu.memory_space<vmem>>, vector<1x16xf32>,
      %swap3A_454 = vector.shape_cast %swap3A_453 : vector<1x16xf32> to vector<16xf32>
      %swap3A_455 = vector.shape_cast %scan3A_436#2 : vector<16xf32> to vector<1x16xf32>
      tpu.vector_store %arg25[%swap3A_451, %swap3A_452], %swap3A_455 {strides = array<i32>} : memref<16x64xf32, #tpu.memory_space<vmem>>, vector<1x16xf32>,
      %swap3A_456 = arith.constant 7 : i32
      %swap3A_457 = arith.index_cast %swap3A_456 : i32 to index
      %swap3A_458 = arith.constant 48 : index
      %swap3A_459 = tpu.vector_load %arg25[%swap3A_457, %swap3A_458] {strides = array<i32>} : memref<16x64xf32, #tpu.memory_space<vmem>>, vector<1x16xf32>,
      %swap3A_460 = vector.shape_cast %swap3A_459 : vector<1x16xf32> to vector<16xf32>
      %swap3A_461 = vector.shape_cast %scan3A_436#3 : vector<16xf32> to vector<1x16xf32>
      tpu.vector_store %arg25[%swap3A_457, %swap3A_458], %swap3A_461 {strides = array<i32>} : memref<16x64xf32, #tpu.memory_space<vmem>>, vector<1x16xf32>,
      %broadcast_in_dim3A_462 = arith.constant 0.000000e+00 : f32
      %broadcast_in_dim3A_463 = vector.broadcast %broadcast_in_dim3A_462 : f32 to vector<16xf32>
      %scan3A_464 = arith.constant 0 : i32
      %scan3A_465 = arith.constant 50 : i32
      %scan3A_466 = arith.addi %scan3A_464, %scan3A_465 : i32
      %scan3A_467 = arith.constant 1 : i32
      %scan3A_468:4 = scf.for %scan3A_721 = %scan3A_464 to %scan3A_466 step %scan3A_467 iter_args(%scan3A_722 = %broadcast_in_dim3A_463, %scan3A_723 = %broadcast_in_dim3A_463, %scan3A_724 = %broadcast_in_dim3A_463, %scan3A_725 = %broadcast_in_dim3A_463) -> (vector<16xf32>, vector<16xf32>, vector<16xf32>, vector<16xf32>)  : i32 {
        %add3A_726 = arith.constant 400 : i32
        %add3A_727 = arith.addi %add3A_726, %scan3A_721 : i32
        %get3A = arith.index_cast %add3A_727 : i32 to index
        %get3A_728 = arith.constant 0 : index
        %get3A_729 = tpu.vector_load %arg24[%get3A, %get3A_728] {strides = array<i32>} : memref<800x64xf32, #tpu.memory_space<vmem>>, vector<1x16xf32>,
        %get3A_730 = vector.shape_cast %get3A_729 : vector<1x16xf32> to vector<16xf32>
        %add3A_731 = arith.addf %scan3A_722, %get3A_730 : vector<16xf32>
        %add3A_732 = arith.constant 400 : i32
        %add3A_733 = arith.addi %add3A_732, %scan3A_721 : i32
        %get3A_734 = arith.index_cast %add3A_733 : i32 to index
        %get3A_735 = arith.constant 16 : index
        %get3A_736 = tpu.vector_load %arg24[%get3A_734, %get3A_735] {strides = array<i32>} : memref<800x64xf32, #tpu.memory_space<vmem>>, vector<1x16xf32>,
        %get3A_737 = vector.shape_cast %get3A_736 : vector<1x16xf32> to vector<16xf32>
        %add3A_738 = arith.addf %scan3A_723, %get3A_737 : vector<16xf32>
        %add3A_739 = arith.constant 400 : i32
        %add3A_740 = arith.addi %add3A_739, %scan3A_721 : i32
        %get3A_741 = arith.index_cast %add3A_740 : i32 to index
        %get3A_742 = arith.constant 32 : index
        %get3A_743 = tpu.vector_load %arg24[%get3A_741, %get3A_742] {strides = array<i32>} : memref<800x64xf32, #tpu.memory_space<vmem>>, vector<1x16xf32>,
        %get3A_744 = vector.shape_cast %get3A_743 : vector<1x16xf32> to vector<16xf32>
        %add3A_745 = arith.addf %scan3A_724, %get3A_744 : vector<16xf32>
        %add3A_746 = arith.constant 400 : i32
        %add3A_747 = arith.addi %add3A_746, %scan3A_721 : i32
        %get3A_748 = arith.index_cast %add3A_747 : i32 to index
        %get3A_749 = arith.constant 48 : index
        %get3A_750 = tpu.vector_load %arg24[%get3A_748, %get3A_749] {strides = array<i32>} : memref<800x64xf32, #tpu.memory_space<vmem>>, vector<1x16xf32>,
        %get3A_751 = vector.shape_cast %get3A_750 : vector<1x16xf32> to vector<16xf32>
        %add3A_752 = arith.addf %scan3A_725, %get3A_751 : vector<16xf32>
        scf.yield %add3A_731, %add3A_738, %add3A_745, %add3A_752 : vector<16xf32>, vector<16xf32>, vector<16xf32>, vector<16xf32>
      }
      %scan3A_469 = arith.constant 50 : i32
      %swap3A_470 = arith.constant 8 : i32
      %swap3A_471 = arith.index_cast %swap3A_470 : i32 to index
      %swap3A_472 = arith.constant 0 : index
      %swap3A_473 = tpu.vector_load %arg25[%swap3A_471, %swap3A_472] {strides = array<i32>} : memref<16x64xf32, #tpu.memory_space<vmem>>, vector<1x16xf32>,
      %swap3A_474 = vector.shape_cast %swap3A_473 : vector<1x16xf32> to vector<16xf32>
      %swap3A_475 = vector.shape_cast %scan3A_468#0 : vector<16xf32> to vector<1x16xf32>
      tpu.vector_store %arg25[%swap3A_471, %swap3A_472], %swap3A_475 {strides = array<i32>} : memref<16x64xf32, #tpu.memory_space<vmem>>, vector<1x16xf32>,
      %swap3A_476 = arith.constant 8 : i32
      %swap3A_477 = arith.index_cast %swap3A_476 : i32 to index
      %swap3A_478 = arith.constant 16 : index
      %swap3A_479 = tpu.vector_load %arg25[%swap3A_477, %swap3A_478] {strides = array<i32>} : memref<16x64xf32, #tpu.memory_space<vmem>>, vector<1x16xf32>,
      %swap3A_480 = vector.shape_cast %swap3A_479 : vector<1x16xf32> to vector<16xf32>
      %swap3A_481 = vector.shape_cast %scan3A_468#1 : vector<16xf32> to vector<1x16xf32>
      tpu.vector_store %arg25[%swap3A_477, %swap3A_478], %swap3A_481 {strides = array<i32>} : memref<16x64xf32, #tpu.memory_space<vmem>>, vector<1x16xf32>,
      %swap3A_482 = arith.constant 8 : i32
      %swap3A_483 = arith.index_cast %swap3A_482 : i32 to index
      %swap3A_484 = arith.constant 32 : index
      %swap3A_485 = tpu.vector_load %arg25[%swap3A_483, %swap3A_484] {strides = array<i32>} : memref<16x64xf32, #tpu.memory_space<vmem>>, vector<1x16xf32>,
      %swap3A_486 = vector.shape_cast %swap3A_485 : vector<1x16xf32> to vector<16xf32>
      %swap3A_487 = vector.shape_cast %scan3A_468#2 : vector<16xf32> to vector<1x16xf32>
      tpu.vector_store %arg25[%swap3A_483, %swap3A_484], %swap3A_487 {strides = array<i32>} : memref<16x64xf32, #tpu.memory_space<vmem>>, vector<1x16xf32>,
      %swap3A_488 = arith.constant 8 : i32
      %swap3A_489 = arith.index_cast %swap3A_488 : i32 to index
      %swap3A_490 = arith.constant 48 : index
      %swap3A_491 = tpu.vector_load %arg25[%swap3A_489, %swap3A_490] {strides = array<i32>} : memref<16x64xf32, #tpu.memory_space<vmem>>, vector<1x16xf32>,
      %swap3A_492 = vector.shape_cast %swap3A_491 : vector<1x16xf32> to vector<16xf32>
      %swap3A_493 = vector.shape_cast %scan3A_468#3 : vector<16xf32> to vector<1x16xf32>
      tpu.vector_store %arg25[%swap3A_489, %swap3A_490], %swap3A_493 {strides = array<i32>} : memref<16x64xf32, #tpu.memory_space<vmem>>, vector<1x16xf32>,
      %broadcast_in_dim3A_494 = arith.constant 0.000000e+00 : f32
      %broadcast_in_dim3A_495 = vector.broadcast %broadcast_in_dim3A_494 : f32 to vector<16xf32>
      %scan3A_496 = arith.constant 0 : i32
      %scan3A_497 = arith.constant 50 : i32
      %scan3A_498 = arith.addi %scan3A_496, %scan3A_497 : i32
      %scan3A_499 = arith.constant 1 : i32
      %scan3A_500:4 = scf.for %scan3A_721 = %scan3A_496 to %scan3A_498 step %scan3A_499 iter_args(%scan3A_722 = %broadcast_in_dim3A_495, %scan3A_723 = %broadcast_in_dim3A_495, %scan3A_724 = %broadcast_in_dim3A_495, %scan3A_725 = %broadcast_in_dim3A_495) -> (vector<16xf32>, vector<16xf32>, vector<16xf32>, vector<16xf32>)  : i32 {
        %add3A_726 = arith.constant 450 : i32
        %add3A_727 = arith.addi %add3A_726, %scan3A_721 : i32
        %get3A = arith.index_cast %add3A_727 : i32 to index
        %get3A_728 = arith.constant 0 : index
        %get3A_729 = tpu.vector_load %arg24[%get3A, %get3A_728] {strides = array<i32>} : memref<800x64xf32, #tpu.memory_space<vmem>>, vector<1x16xf32>,
        %get3A_730 = vector.shape_cast %get3A_729 : vector<1x16xf32> to vector<16xf32>
        %add3A_731 = arith.addf %scan3A_722, %get3A_730 : vector<16xf32>
        %add3A_732 = arith.constant 450 : i32
        %add3A_733 = arith.addi %add3A_732, %scan3A_721 : i32
        %get3A_734 = arith.index_cast %add3A_733 : i32 to index
        %get3A_735 = arith.constant 16 : index
        %get3A_736 = tpu.vector_load %arg24[%get3A_734, %get3A_735] {strides = array<i32>} : memref<800x64xf32, #tpu.memory_space<vmem>>, vector<1x16xf32>,
        %get3A_737 = vector.shape_cast %get3A_736 : vector<1x16xf32> to vector<16xf32>
        %add3A_738 = arith.addf %scan3A_723, %get3A_737 : vector<16xf32>
        %add3A_739 = arith.constant 450 : i32
        %add3A_740 = arith.addi %add3A_739, %scan3A_721 : i32
        %get3A_741 = arith.index_cast %add3A_740 : i32 to index
        %get3A_742 = arith.constant 32 : index
        %get3A_743 = tpu.vector_load %arg24[%get3A_741, %get3A_742] {strides = array<i32>} : memref<800x64xf32, #tpu.memory_space<vmem>>, vector<1x16xf32>,
        %get3A_744 = vector.shape_cast %get3A_743 : vector<1x16xf32> to vector<16xf32>
        %add3A_745 = arith.addf %scan3A_724, %get3A_744 : vector<16xf32>
        %add3A_746 = arith.constant 450 : i32
        %add3A_747 = arith.addi %add3A_746, %scan3A_721 : i32
        %get3A_748 = arith.index_cast %add3A_747 : i32 to index
        %get3A_749 = arith.constant 48 : index
        %get3A_750 = tpu.vector_load %arg24[%get3A_748, %get3A_749] {strides = array<i32>} : memref<800x64xf32, #tpu.memory_space<vmem>>, vector<1x16xf32>,
        %get3A_751 = vector.shape_cast %get3A_750 : vector<1x16xf32> to vector<16xf32>
        %add3A_752 = arith.addf %scan3A_725, %get3A_751 : vector<16xf32>
        scf.yield %add3A_731, %add3A_738, %add3A_745, %add3A_752 : vector<16xf32>, vector<16xf32>, vector<16xf32>, vector<16xf32>
      }
      %scan3A_501 = arith.constant 50 : i32
      %swap3A_502 = arith.constant 9 : i32
      %swap3A_503 = arith.index_cast %swap3A_502 : i32 to index
      %swap3A_504 = arith.constant 0 : index
      %swap3A_505 = tpu.vector_load %arg25[%swap3A_503, %swap3A_504] {strides = array<i32>} : memref<16x64xf32, #tpu.memory_space<vmem>>, vector<1x16xf32>,
      %swap3A_506 = vector.shape_cast %swap3A_505 : vector<1x16xf32> to vector<16xf32>
      %swap3A_507 = vector.shape_cast %scan3A_500#0 : vector<16xf32> to vector<1x16xf32>
      tpu.vector_store %arg25[%swap3A_503, %swap3A_504], %swap3A_507 {strides = array<i32>} : memref<16x64xf32, #tpu.memory_space<vmem>>, vector<1x16xf32>,
      %swap3A_508 = arith.constant 9 : i32
      %swap3A_509 = arith.index_cast %swap3A_508 : i32 to index
      %swap3A_510 = arith.constant 16 : index
      %swap3A_511 = tpu.vector_load %arg25[%swap3A_509, %swap3A_510] {strides = array<i32>} : memref<16x64xf32, #tpu.memory_space<vmem>>, vector<1x16xf32>,
      %swap3A_512 = vector.shape_cast %swap3A_511 : vector<1x16xf32> to vector<16xf32>
      %swap3A_513 = vector.shape_cast %scan3A_500#1 : vector<16xf32> to vector<1x16xf32>
      tpu.vector_store %arg25[%swap3A_509, %swap3A_510], %swap3A_513 {strides = array<i32>} : memref<16x64xf32, #tpu.memory_space<vmem>>, vector<1x16xf32>,
      %swap3A_514 = arith.constant 9 : i32
      %swap3A_515 = arith.index_cast %swap3A_514 : i32 to index
      %swap3A_516 = arith.constant 32 : index
      %swap3A_517 = tpu.vector_load %arg25[%swap3A_515, %swap3A_516] {strides = array<i32>} : memref<16x64xf32, #tpu.memory_space<vmem>>, vector<1x16xf32>,
      %swap3A_518 = vector.shape_cast %swap3A_517 : vector<1x16xf32> to vector<16xf32>
      %swap3A_519 = vector.shape_cast %scan3A_500#2 : vector<16xf32> to vector<1x16xf32>
      tpu.vector_store %arg25[%swap3A_515, %swap3A_516], %swap3A_519 {strides = array<i32>} : memref<16x64xf32, #tpu.memory_space<vmem>>, vector<1x16xf32>,
      %swap3A_520 = arith.constant 9 : i32
      %swap3A_521 = arith.index_cast %swap3A_520 : i32 to index
      %swap3A_522 = arith.constant 48 : index
      %swap3A_523 = tpu.vector_load %arg25[%swap3A_521, %swap3A_522] {strides = array<i32>} : memref<16x64xf32, #tpu.memory_space<vmem>>, vector<1x16xf32>,
      %swap3A_524 = vector.shape_cast %swap3A_523 : vector<1x16xf32> to vector<16xf32>
      %swap3A_525 = vector.shape_cast %scan3A_500#3 : vector<16xf32> to vector<1x16xf32>
      tpu.vector_store %arg25[%swap3A_521, %swap3A_522], %swap3A_525 {strides = array<i32>} : memref<16x64xf32, #tpu.memory_space<vmem>>, vector<1x16xf32>,
      %broadcast_in_dim3A_526 = arith.constant 0.000000e+00 : f32
      %broadcast_in_dim3A_527 = vector.broadcast %broadcast_in_dim3A_526 : f32 to vector<16xf32>
      %scan3A_528 = arith.constant 0 : i32
      %scan3A_529 = arith.constant 50 : i32
      %scan3A_530 = arith.addi %scan3A_528, %scan3A_529 : i32
      %scan3A_531 = arith.constant 1 : i32
      %scan3A_532:4 = scf.for %scan3A_721 = %scan3A_528 to %scan3A_530 step %scan3A_531 iter_args(%scan3A_722 = %broadcast_in_dim3A_527, %scan3A_723 = %broadcast_in_dim3A_527, %scan3A_724 = %broadcast_in_dim3A_527, %scan3A_725 = %broadcast_in_dim3A_527) -> (vector<16xf32>, vector<16xf32>, vector<16xf32>, vector<16xf32>)  : i32 {
        %add3A_726 = arith.constant 500 : i32
        %add3A_727 = arith.addi %add3A_726, %scan3A_721 : i32
        %get3A = arith.index_cast %add3A_727 : i32 to index
        %get3A_728 = arith.constant 0 : index
        %get3A_729 = tpu.vector_load %arg24[%get3A, %get3A_728] {strides = array<i32>} : memref<800x64xf32, #tpu.memory_space<vmem>>, vector<1x16xf32>,
        %get3A_730 = vector.shape_cast %get3A_729 : vector<1x16xf32> to vector<16xf32>
        %add3A_731 = arith.addf %scan3A_722, %get3A_730 : vector<16xf32>
        %add3A_732 = arith.constant 500 : i32
        %add3A_733 = arith.addi %add3A_732, %scan3A_721 : i32
        %get3A_734 = arith.index_cast %add3A_733 : i32 to index
        %get3A_735 = arith.constant 16 : index
        %get3A_736 = tpu.vector_load %arg24[%get3A_734, %get3A_735] {strides = array<i32>} : memref<800x64xf32, #tpu.memory_space<vmem>>, vector<1x16xf32>,
        %get3A_737 = vector.shape_cast %get3A_736 : vector<1x16xf32> to vector<16xf32>
        %add3A_738 = arith.addf %scan3A_723, %get3A_737 : vector<16xf32>
        %add3A_739 = arith.constant 500 : i32
        %add3A_740 = arith.addi %add3A_739, %scan3A_721 : i32
        %get3A_741 = arith.index_cast %add3A_740 : i32 to index
        %get3A_742 = arith.constant 32 : index
        %get3A_743 = tpu.vector_load %arg24[%get3A_741, %get3A_742] {strides = array<i32>} : memref<800x64xf32, #tpu.memory_space<vmem>>, vector<1x16xf32>,
        %get3A_744 = vector.shape_cast %get3A_743 : vector<1x16xf32> to vector<16xf32>
        %add3A_745 = arith.addf %scan3A_724, %get3A_744 : vector<16xf32>
        %add3A_746 = arith.constant 500 : i32
        %add3A_747 = arith.addi %add3A_746, %scan3A_721 : i32
        %get3A_748 = arith.index_cast %add3A_747 : i32 to index
        %get3A_749 = arith.constant 48 : index
        %get3A_750 = tpu.vector_load %arg24[%get3A_748, %get3A_749] {strides = array<i32>} : memref<800x64xf32, #tpu.memory_space<vmem>>, vector<1x16xf32>,
        %get3A_751 = vector.shape_cast %get3A_750 : vector<1x16xf32> to vector<16xf32>
        %add3A_752 = arith.addf %scan3A_725, %get3A_751 : vector<16xf32>
        scf.yield %add3A_731, %add3A_738, %add3A_745, %add3A_752 : vector<16xf32>, vector<16xf32>, vector<16xf32>, vector<16xf32>
      }
      %scan3A_533 = arith.constant 50 : i32
      %swap3A_534 = arith.constant 10 : i32
      %swap3A_535 = arith.index_cast %swap3A_534 : i32 to index
      %swap3A_536 = arith.constant 0 : index
      %swap3A_537 = tpu.vector_load %arg25[%swap3A_535, %swap3A_536] {strides = array<i32>} : memref<16x64xf32, #tpu.memory_space<vmem>>, vector<1x16xf32>,
      %swap3A_538 = vector.shape_cast %swap3A_537 : vector<1x16xf32> to vector<16xf32>
      %swap3A_539 = vector.shape_cast %scan3A_532#0 : vector<16xf32> to vector<1x16xf32>
      tpu.vector_store %arg25[%swap3A_535, %swap3A_536], %swap3A_539 {strides = array<i32>} : memref<16x64xf32, #tpu.memory_space<vmem>>, vector<1x16xf32>,
      %swap3A_540 = arith.constant 10 : i32
      %swap3A_541 = arith.index_cast %swap3A_540 : i32 to index
      %swap3A_542 = arith.constant 16 : index
      %swap3A_543 = tpu.vector_load %arg25[%swap3A_541, %swap3A_542] {strides = array<i32>} : memref<16x64xf32, #tpu.memory_space<vmem>>, vector<1x16xf32>,
      %swap3A_544 = vector.shape_cast %swap3A_543 : vector<1x16xf32> to vector<16xf32>
      %swap3A_545 = vector.shape_cast %scan3A_532#1 : vector<16xf32> to vector<1x16xf32>
      tpu.vector_store %arg25[%swap3A_541, %swap3A_542], %swap3A_545 {strides = array<i32>} : memref<16x64xf32, #tpu.memory_space<vmem>>, vector<1x16xf32>,
      %swap3A_546 = arith.constant 10 : i32
      %swap3A_547 = arith.index_cast %swap3A_546 : i32 to index
      %swap3A_548 = arith.constant 32 : index
      %swap3A_549 = tpu.vector_load %arg25[%swap3A_547, %swap3A_548] {strides = array<i32>} : memref<16x64xf32, #tpu.memory_space<vmem>>, vector<1x16xf32>,
      %swap3A_550 = vector.shape_cast %swap3A_549 : vector<1x16xf32> to vector<16xf32>
      %swap3A_551 = vector.shape_cast %scan3A_532#2 : vector<16xf32> to vector<1x16xf32>
      tpu.vector_store %arg25[%swap3A_547, %swap3A_548], %swap3A_551 {strides = array<i32>} : memref<16x64xf32, #tpu.memory_space<vmem>>, vector<1x16xf32>,
      %swap3A_552 = arith.constant 10 : i32
      %swap3A_553 = arith.index_cast %swap3A_552 : i32 to index
      %swap3A_554 = arith.constant 48 : index
      %swap3A_555 = tpu.vector_load %arg25[%swap3A_553, %swap3A_554] {strides = array<i32>} : memref<16x64xf32, #tpu.memory_space<vmem>>, vector<1x16xf32>,
      %swap3A_556 = vector.shape_cast %swap3A_555 : vector<1x16xf32> to vector<16xf32>
      %swap3A_557 = vector.shape_cast %scan3A_532#3 : vector<16xf32> to vector<1x16xf32>
      tpu.vector_store %arg25[%swap3A_553, %swap3A_554], %swap3A_557 {strides = array<i32>} : memref<16x64xf32, #tpu.memory_space<vmem>>, vector<1x16xf32>,
      %broadcast_in_dim3A_558 = arith.constant 0.000000e+00 : f32
      %broadcast_in_dim3A_559 = vector.broadcast %broadcast_in_dim3A_558 : f32 to vector<16xf32>
      %scan3A_560 = arith.constant 0 : i32
      %scan3A_561 = arith.constant 50 : i32
      %scan3A_562 = arith.addi %scan3A_560, %scan3A_561 : i32
      %scan3A_563 = arith.constant 1 : i32
      %scan3A_564:4 = scf.for %scan3A_721 = %scan3A_560 to %scan3A_562 step %scan3A_563 iter_args(%scan3A_722 = %broadcast_in_dim3A_559, %scan3A_723 = %broadcast_in_dim3A_559, %scan3A_724 = %broadcast_in_dim3A_559, %scan3A_725 = %broadcast_in_dim3A_559) -> (vector<16xf32>, vector<16xf32>, vector<16xf32>, vector<16xf32>)  : i32 {
        %add3A_726 = arith.constant 550 : i32
        %add3A_727 = arith.addi %add3A_726, %scan3A_721 : i32
        %get3A = arith.index_cast %add3A_727 : i32 to index
        %get3A_728 = arith.constant 0 : index
        %get3A_729 = tpu.vector_load %arg24[%get3A, %get3A_728] {strides = array<i32>} : memref<800x64xf32, #tpu.memory_space<vmem>>, vector<1x16xf32>,
        %get3A_730 = vector.shape_cast %get3A_729 : vector<1x16xf32> to vector<16xf32>
        %add3A_731 = arith.addf %scan3A_722, %get3A_730 : vector<16xf32>
        %add3A_732 = arith.constant 550 : i32
        %add3A_733 = arith.addi %add3A_732, %scan3A_721 : i32
        %get3A_734 = arith.index_cast %add3A_733 : i32 to index
        %get3A_735 = arith.constant 16 : index
        %get3A_736 = tpu.vector_load %arg24[%get3A_734, %get3A_735] {strides = array<i32>} : memref<800x64xf32, #tpu.memory_space<vmem>>, vector<1x16xf32>,
        %get3A_737 = vector.shape_cast %get3A_736 : vector<1x16xf32> to vector<16xf32>
        %add3A_738 = arith.addf %scan3A_723, %get3A_737 : vector<16xf32>
        %add3A_739 = arith.constant 550 : i32
        %add3A_740 = arith.addi %add3A_739, %scan3A_721 : i32
        %get3A_741 = arith.index_cast %add3A_740 : i32 to index
        %get3A_742 = arith.constant 32 : index
        %get3A_743 = tpu.vector_load %arg24[%get3A_741, %get3A_742] {strides = array<i32>} : memref<800x64xf32, #tpu.memory_space<vmem>>, vector<1x16xf32>,
        %get3A_744 = vector.shape_cast %get3A_743 : vector<1x16xf32> to vector<16xf32>
        %add3A_745 = arith.addf %scan3A_724, %get3A_744 : vector<16xf32>
        %add3A_746 = arith.constant 550 : i32
        %add3A_747 = arith.addi %add3A_746, %scan3A_721 : i32
        %get3A_748 = arith.index_cast %add3A_747 : i32 to index
        %get3A_749 = arith.constant 48 : index
        %get3A_750 = tpu.vector_load %arg24[%get3A_748, %get3A_749] {strides = array<i32>} : memref<800x64xf32, #tpu.memory_space<vmem>>, vector<1x16xf32>,
        %get3A_751 = vector.shape_cast %get3A_750 : vector<1x16xf32> to vector<16xf32>
        %add3A_752 = arith.addf %scan3A_725, %get3A_751 : vector<16xf32>
        scf.yield %add3A_731, %add3A_738, %add3A_745, %add3A_752 : vector<16xf32>, vector<16xf32>, vector<16xf32>, vector<16xf32>
      }
      %scan3A_565 = arith.constant 50 : i32
      %swap3A_566 = arith.constant 11 : i32
      %swap3A_567 = arith.index_cast %swap3A_566 : i32 to index
      %swap3A_568 = arith.constant 0 : index
      %swap3A_569 = tpu.vector_load %arg25[%swap3A_567, %swap3A_568] {strides = array<i32>} : memref<16x64xf32, #tpu.memory_space<vmem>>, vector<1x16xf32>,
      %swap3A_570 = vector.shape_cast %swap3A_569 : vector<1x16xf32> to vector<16xf32>
      %swap3A_571 = vector.shape_cast %scan3A_564#0 : vector<16xf32> to vector<1x16xf32>
      tpu.vector_store %arg25[%swap3A_567, %swap3A_568], %swap3A_571 {strides = array<i32>} : memref<16x64xf32, #tpu.memory_space<vmem>>, vector<1x16xf32>,
      %swap3A_572 = arith.constant 11 : i32
      %swap3A_573 = arith.index_cast %swap3A_572 : i32 to index
      %swap3A_574 = arith.constant 16 : index
      %swap3A_575 = tpu.vector_load %arg25[%swap3A_573, %swap3A_574] {strides = array<i32>} : memref<16x64xf32, #tpu.memory_space<vmem>>, vector<1x16xf32>,
      %swap3A_576 = vector.shape_cast %swap3A_575 : vector<1x16xf32> to vector<16xf32>
      %swap3A_577 = vector.shape_cast %scan3A_564#1 : vector<16xf32> to vector<1x16xf32>
      tpu.vector_store %arg25[%swap3A_573, %swap3A_574], %swap3A_577 {strides = array<i32>} : memref<16x64xf32, #tpu.memory_space<vmem>>, vector<1x16xf32>,
      %swap3A_578 = arith.constant 11 : i32
      %swap3A_579 = arith.index_cast %swap3A_578 : i32 to index
      %swap3A_580 = arith.constant 32 : index
      %swap3A_581 = tpu.vector_load %arg25[%swap3A_579, %swap3A_580] {strides = array<i32>} : memref<16x64xf32, #tpu.memory_space<vmem>>, vector<1x16xf32>,
      %swap3A_582 = vector.shape_cast %swap3A_581 : vector<1x16xf32> to vector<16xf32>
      %swap3A_583 = vector.shape_cast %scan3A_564#2 : vector<16xf32> to vector<1x16xf32>
      tpu.vector_store %arg25[%swap3A_579, %swap3A_580], %swap3A_583 {strides = array<i32>} : memref<16x64xf32, #tpu.memory_space<vmem>>, vector<1x16xf32>,
      %swap3A_584 = arith.constant 11 : i32
      %swap3A_585 = arith.index_cast %swap3A_584 : i32 to index
      %swap3A_586 = arith.constant 48 : index
      %swap3A_587 = tpu.vector_load %arg25[%swap3A_585, %swap3A_586] {strides = array<i32>} : memref<16x64xf32, #tpu.memory_space<vmem>>, vector<1x16xf32>,
      %swap3A_588 = vector.shape_cast %swap3A_587 : vector<1x16xf32> to vector<16xf32>
      %swap3A_589 = vector.shape_cast %scan3A_564#3 : vector<16xf32> to vector<1x16xf32>
      tpu.vector_store %arg25[%swap3A_585, %swap3A_586], %swap3A_589 {strides = array<i32>} : memref<16x64xf32, #tpu.memory_space<vmem>>, vector<1x16xf32>,
      %broadcast_in_dim3A_590 = arith.constant 0.000000e+00 : f32
      %broadcast_in_dim3A_591 = vector.broadcast %broadcast_in_dim3A_590 : f32 to vector<16xf32>
      %scan3A_592 = arith.constant 0 : i32
      %scan3A_593 = arith.constant 50 : i32
      %scan3A_594 = arith.addi %scan3A_592, %scan3A_593 : i32
      %scan3A_595 = arith.constant 1 : i32
      %scan3A_596:4 = scf.for %scan3A_721 = %scan3A_592 to %scan3A_594 step %scan3A_595 iter_args(%scan3A_722 = %broadcast_in_dim3A_591, %scan3A_723 = %broadcast_in_dim3A_591, %scan3A_724 = %broadcast_in_dim3A_591, %scan3A_725 = %broadcast_in_dim3A_591) -> (vector<16xf32>, vector<16xf32>, vector<16xf32>, vector<16xf32>)  : i32 {
        %add3A_726 = arith.constant 600 : i32
        %add3A_727 = arith.addi %add3A_726, %scan3A_721 : i32
        %get3A = arith.index_cast %add3A_727 : i32 to index
        %get3A_728 = arith.constant 0 : index
        %get3A_729 = tpu.vector_load %arg24[%get3A, %get3A_728] {strides = array<i32>} : memref<800x64xf32, #tpu.memory_space<vmem>>, vector<1x16xf32>,
        %get3A_730 = vector.shape_cast %get3A_729 : vector<1x16xf32> to vector<16xf32>
        %add3A_731 = arith.addf %scan3A_722, %get3A_730 : vector<16xf32>
        %add3A_732 = arith.constant 600 : i32
        %add3A_733 = arith.addi %add3A_732, %scan3A_721 : i32
        %get3A_734 = arith.index_cast %add3A_733 : i32 to index
        %get3A_735 = arith.constant 16 : index
        %get3A_736 = tpu.vector_load %arg24[%get3A_734, %get3A_735] {strides = array<i32>} : memref<800x64xf32, #tpu.memory_space<vmem>>, vector<1x16xf32>,
        %get3A_737 = vector.shape_cast %get3A_736 : vector<1x16xf32> to vector<16xf32>
        %add3A_738 = arith.addf %scan3A_723, %get3A_737 : vector<16xf32>
        %add3A_739 = arith.constant 600 : i32
        %add3A_740 = arith.addi %add3A_739, %scan3A_721 : i32
        %get3A_741 = arith.index_cast %add3A_740 : i32 to index
        %get3A_742 = arith.constant 32 : index
        %get3A_743 = tpu.vector_load %arg24[%get3A_741, %get3A_742] {strides = array<i32>} : memref<800x64xf32, #tpu.memory_space<vmem>>, vector<1x16xf32>,
        %get3A_744 = vector.shape_cast %get3A_743 : vector<1x16xf32> to vector<16xf32>
        %add3A_745 = arith.addf %scan3A_724, %get3A_744 : vector<16xf32>
        %add3A_746 = arith.constant 600 : i32
        %add3A_747 = arith.addi %add3A_746, %scan3A_721 : i32
        %get3A_748 = arith.index_cast %add3A_747 : i32 to index
        %get3A_749 = arith.constant 48 : index
        %get3A_750 = tpu.vector_load %arg24[%get3A_748, %get3A_749] {strides = array<i32>} : memref<800x64xf32, #tpu.memory_space<vmem>>, vector<1x16xf32>,
        %get3A_751 = vector.shape_cast %get3A_750 : vector<1x16xf32> to vector<16xf32>
        %add3A_752 = arith.addf %scan3A_725, %get3A_751 : vector<16xf32>
        scf.yield %add3A_731, %add3A_738, %add3A_745, %add3A_752 : vector<16xf32>, vector<16xf32>, vector<16xf32>, vector<16xf32>
      }
      %scan3A_597 = arith.constant 50 : i32
      %swap3A_598 = arith.constant 12 : i32
      %swap3A_599 = arith.index_cast %swap3A_598 : i32 to index
      %swap3A_600 = arith.constant 0 : index
      %swap3A_601 = tpu.vector_load %arg25[%swap3A_599, %swap3A_600] {strides = array<i32>} : memref<16x64xf32, #tpu.memory_space<vmem>>, vector<1x16xf32>,
      %swap3A_602 = vector.shape_cast %swap3A_601 : vector<1x16xf32> to vector<16xf32>
      %swap3A_603 = vector.shape_cast %scan3A_596#0 : vector<16xf32> to vector<1x16xf32>
      tpu.vector_store %arg25[%swap3A_599, %swap3A_600], %swap3A_603 {strides = array<i32>} : memref<16x64xf32, #tpu.memory_space<vmem>>, vector<1x16xf32>,
      %swap3A_604 = arith.constant 12 : i32
      %swap3A_605 = arith.index_cast %swap3A_604 : i32 to index
      %swap3A_606 = arith.constant 16 : index
      %swap3A_607 = tpu.vector_load %arg25[%swap3A_605, %swap3A_606] {strides = array<i32>} : memref<16x64xf32, #tpu.memory_space<vmem>>, vector<1x16xf32>,
      %swap3A_608 = vector.shape_cast %swap3A_607 : vector<1x16xf32> to vector<16xf32>
      %swap3A_609 = vector.shape_cast %scan3A_596#1 : vector<16xf32> to vector<1x16xf32>
      tpu.vector_store %arg25[%swap3A_605, %swap3A_606], %swap3A_609 {strides = array<i32>} : memref<16x64xf32, #tpu.memory_space<vmem>>, vector<1x16xf32>,
      %swap3A_610 = arith.constant 12 : i32
      %swap3A_611 = arith.index_cast %swap3A_610 : i32 to index
      %swap3A_612 = arith.constant 32 : index
      %swap3A_613 = tpu.vector_load %arg25[%swap3A_611, %swap3A_612] {strides = array<i32>} : memref<16x64xf32, #tpu.memory_space<vmem>>, vector<1x16xf32>,
      %swap3A_614 = vector.shape_cast %swap3A_613 : vector<1x16xf32> to vector<16xf32>
      %swap3A_615 = vector.shape_cast %scan3A_596#2 : vector<16xf32> to vector<1x16xf32>
      tpu.vector_store %arg25[%swap3A_611, %swap3A_612], %swap3A_615 {strides = array<i32>} : memref<16x64xf32, #tpu.memory_space<vmem>>, vector<1x16xf32>,
      %swap3A_616 = arith.constant 12 : i32
      %swap3A_617 = arith.index_cast %swap3A_616 : i32 to index
      %swap3A_618 = arith.constant 48 : index
      %swap3A_619 = tpu.vector_load %arg25[%swap3A_617, %swap3A_618] {strides = array<i32>} : memref<16x64xf32, #tpu.memory_space<vmem>>, vector<1x16xf32>,
      %swap3A_620 = vector.shape_cast %swap3A_619 : vector<1x16xf32> to vector<16xf32>
      %swap3A_621 = vector.shape_cast %scan3A_596#3 : vector<16xf32> to vector<1x16xf32>
      tpu.vector_store %arg25[%swap3A_617, %swap3A_618], %swap3A_621 {strides = array<i32>} : memref<16x64xf32, #tpu.memory_space<vmem>>, vector<1x16xf32>,
      %broadcast_in_dim3A_622 = arith.constant 0.000000e+00 : f32
      %broadcast_in_dim3A_623 = vector.broadcast %broadcast_in_dim3A_622 : f32 to vector<16xf32>
      %scan3A_624 = arith.constant 0 : i32
      %scan3A_625 = arith.constant 50 : i32
      %scan3A_626 = arith.addi %scan3A_624, %scan3A_625 : i32
      %scan3A_627 = arith.constant 1 : i32
      %scan3A_628:4 = scf.for %scan3A_721 = %scan3A_624 to %scan3A_626 step %scan3A_627 iter_args(%scan3A_722 = %broadcast_in_dim3A_623, %scan3A_723 = %broadcast_in_dim3A_623, %scan3A_724 = %broadcast_in_dim3A_623, %scan3A_725 = %broadcast_in_dim3A_623) -> (vector<16xf32>, vector<16xf32>, vector<16xf32>, vector<16xf32>)  : i32 {
        %add3A_726 = arith.constant 650 : i32
        %add3A_727 = arith.addi %add3A_726, %scan3A_721 : i32
        %get3A = arith.index_cast %add3A_727 : i32 to index
        %get3A_728 = arith.constant 0 : index
        %get3A_729 = tpu.vector_load %arg24[%get3A, %get3A_728] {strides = array<i32>} : memref<800x64xf32, #tpu.memory_space<vmem>>, vector<1x16xf32>,
        %get3A_730 = vector.shape_cast %get3A_729 : vector<1x16xf32> to vector<16xf32>
        %add3A_731 = arith.addf %scan3A_722, %get3A_730 : vector<16xf32>
        %add3A_732 = arith.constant 650 : i32
        %add3A_733 = arith.addi %add3A_732, %scan3A_721 : i32
        %get3A_734 = arith.index_cast %add3A_733 : i32 to index
        %get3A_735 = arith.constant 16 : index
        %get3A_736 = tpu.vector_load %arg24[%get3A_734, %get3A_735] {strides = array<i32>} : memref<800x64xf32, #tpu.memory_space<vmem>>, vector<1x16xf32>,
        %get3A_737 = vector.shape_cast %get3A_736 : vector<1x16xf32> to vector<16xf32>
        %add3A_738 = arith.addf %scan3A_723, %get3A_737 : vector<16xf32>
        %add3A_739 = arith.constant 650 : i32
        %add3A_740 = arith.addi %add3A_739, %scan3A_721 : i32
        %get3A_741 = arith.index_cast %add3A_740 : i32 to index
        %get3A_742 = arith.constant 32 : index
        %get3A_743 = tpu.vector_load %arg24[%get3A_741, %get3A_742] {strides = array<i32>} : memref<800x64xf32, #tpu.memory_space<vmem>>, vector<1x16xf32>,
        %get3A_744 = vector.shape_cast %get3A_743 : vector<1x16xf32> to vector<16xf32>
        %add3A_745 = arith.addf %scan3A_724, %get3A_744 : vector<16xf32>
        %add3A_746 = arith.constant 650 : i32
        %add3A_747 = arith.addi %add3A_746, %scan3A_721 : i32
        %get3A_748 = arith.index_cast %add3A_747 : i32 to index
        %get3A_749 = arith.constant 48 : index
        %get3A_750 = tpu.vector_load %arg24[%get3A_748, %get3A_749] {strides = array<i32>} : memref<800x64xf32, #tpu.memory_space<vmem>>, vector<1x16xf32>,
        %get3A_751 = vector.shape_cast %get3A_750 : vector<1x16xf32> to vector<16xf32>
        %add3A_752 = arith.addf %scan3A_725, %get3A_751 : vector<16xf32>
        scf.yield %add3A_731, %add3A_738, %add3A_745, %add3A_752 : vector<16xf32>, vector<16xf32>, vector<16xf32>, vector<16xf32>
      }
      %scan3A_629 = arith.constant 50 : i32
      %swap3A_630 = arith.constant 13 : i32
      %swap3A_631 = arith.index_cast %swap3A_630 : i32 to index
      %swap3A_632 = arith.constant 0 : index
      %swap3A_633 = tpu.vector_load %arg25[%swap3A_631, %swap3A_632] {strides = array<i32>} : memref<16x64xf32, #tpu.memory_space<vmem>>, vector<1x16xf32>,
      %swap3A_634 = vector.shape_cast %swap3A_633 : vector<1x16xf32> to vector<16xf32>
      %swap3A_635 = vector.shape_cast %scan3A_628#0 : vector<16xf32> to vector<1x16xf32>
      tpu.vector_store %arg25[%swap3A_631, %swap3A_632], %swap3A_635 {strides = array<i32>} : memref<16x64xf32, #tpu.memory_space<vmem>>, vector<1x16xf32>,
      %swap3A_636 = arith.constant 13 : i32
      %swap3A_637 = arith.index_cast %swap3A_636 : i32 to index
      %swap3A_638 = arith.constant 16 : index
      %swap3A_639 = tpu.vector_load %arg25[%swap3A_637, %swap3A_638] {strides = array<i32>} : memref<16x64xf32, #tpu.memory_space<vmem>>, vector<1x16xf32>,
      %swap3A_640 = vector.shape_cast %swap3A_639 : vector<1x16xf32> to vector<16xf32>
      %swap3A_641 = vector.shape_cast %scan3A_628#1 : vector<16xf32> to vector<1x16xf32>
      tpu.vector_store %arg25[%swap3A_637, %swap3A_638], %swap3A_641 {strides = array<i32>} : memref<16x64xf32, #tpu.memory_space<vmem>>, vector<1x16xf32>,
      %swap3A_642 = arith.constant 13 : i32
      %swap3A_643 = arith.index_cast %swap3A_642 : i32 to index
      %swap3A_644 = arith.constant 32 : index
      %swap3A_645 = tpu.vector_load %arg25[%swap3A_643, %swap3A_644] {strides = array<i32>} : memref<16x64xf32, #tpu.memory_space<vmem>>, vector<1x16xf32>,
      %swap3A_646 = vector.shape_cast %swap3A_645 : vector<1x16xf32> to vector<16xf32>
      %swap3A_647 = vector.shape_cast %scan3A_628#2 : vector<16xf32> to vector<1x16xf32>
      tpu.vector_store %arg25[%swap3A_643, %swap3A_644], %swap3A_647 {strides = array<i32>} : memref<16x64xf32, #tpu.memory_space<vmem>>, vector<1x16xf32>,
      %swap3A_648 = arith.constant 13 : i32
      %swap3A_649 = arith.index_cast %swap3A_648 : i32 to index
      %swap3A_650 = arith.constant 48 : index
      %swap3A_651 = tpu.vector_load %arg25[%swap3A_649, %swap3A_650] {strides = array<i32>} : memref<16x64xf32, #tpu.memory_space<vmem>>, vector<1x16xf32>,
      %swap3A_652 = vector.shape_cast %swap3A_651 : vector<1x16xf32> to vector<16xf32>
      %swap3A_653 = vector.shape_cast %scan3A_628#3 : vector<16xf32> to vector<1x16xf32>
      tpu.vector_store %arg25[%swap3A_649, %swap3A_650], %swap3A_653 {strides = array<i32>} : memref<16x64xf32, #tpu.memory_space<vmem>>, vector<1x16xf32>,
      %broadcast_in_dim3A_654 = arith.constant 0.000000e+00 : f32
      %broadcast_in_dim3A_655 = vector.broadcast %broadcast_in_dim3A_654 : f32 to vector<16xf32>
      %scan3A_656 = arith.constant 0 : i32
      %scan3A_657 = arith.constant 50 : i32
      %scan3A_658 = arith.addi %scan3A_656, %scan3A_657 : i32
      %scan3A_659 = arith.constant 1 : i32
      %scan3A_660:4 = scf.for %scan3A_721 = %scan3A_656 to %scan3A_658 step %scan3A_659 iter_args(%scan3A_722 = %broadcast_in_dim3A_655, %scan3A_723 = %broadcast_in_dim3A_655, %scan3A_724 = %broadcast_in_dim3A_655, %scan3A_725 = %broadcast_in_dim3A_655) -> (vector<16xf32>, vector<16xf32>, vector<16xf32>, vector<16xf32>)  : i32 {
        %add3A_726 = arith.constant 700 : i32
        %add3A_727 = arith.addi %add3A_726, %scan3A_721 : i32
        %get3A = arith.index_cast %add3A_727 : i32 to index
        %get3A_728 = arith.constant 0 : index
        %get3A_729 = tpu.vector_load %arg24[%get3A, %get3A_728] {strides = array<i32>} : memref<800x64xf32, #tpu.memory_space<vmem>>, vector<1x16xf32>,
        %get3A_730 = vector.shape_cast %get3A_729 : vector<1x16xf32> to vector<16xf32>
        %add3A_731 = arith.addf %scan3A_722, %get3A_730 : vector<16xf32>
        %add3A_732 = arith.constant 700 : i32
        %add3A_733 = arith.addi %add3A_732, %scan3A_721 : i32
        %get3A_734 = arith.index_cast %add3A_733 : i32 to index
        %get3A_735 = arith.constant 16 : index
        %get3A_736 = tpu.vector_load %arg24[%get3A_734, %get3A_735] {strides = array<i32>} : memref<800x64xf32, #tpu.memory_space<vmem>>, vector<1x16xf32>,
        %get3A_737 = vector.shape_cast %get3A_736 : vector<1x16xf32> to vector<16xf32>
        %add3A_738 = arith.addf %scan3A_723, %get3A_737 : vector<16xf32>
        %add3A_739 = arith.constant 700 : i32
        %add3A_740 = arith.addi %add3A_739, %scan3A_721 : i32
        %get3A_741 = arith.index_cast %add3A_740 : i32 to index
        %get3A_742 = arith.constant 32 : index
        %get3A_743 = tpu.vector_load %arg24[%get3A_741, %get3A_742] {strides = array<i32>} : memref<800x64xf32, #tpu.memory_space<vmem>>, vector<1x16xf32>,
        %get3A_744 = vector.shape_cast %get3A_743 : vector<1x16xf32> to vector<16xf32>
        %add3A_745 = arith.addf %scan3A_724, %get3A_744 : vector<16xf32>
        %add3A_746 = arith.constant 700 : i32
        %add3A_747 = arith.addi %add3A_746, %scan3A_721 : i32
        %get3A_748 = arith.index_cast %add3A_747 : i32 to index
        %get3A_749 = arith.constant 48 : index
        %get3A_750 = tpu.vector_load %arg24[%get3A_748, %get3A_749] {strides = array<i32>} : memref<800x64xf32, #tpu.memory_space<vmem>>, vector<1x16xf32>,
        %get3A_751 = vector.shape_cast %get3A_750 : vector<1x16xf32> to vector<16xf32>
        %add3A_752 = arith.addf %scan3A_725, %get3A_751 : vector<16xf32>
        scf.yield %add3A_731, %add3A_738, %add3A_745, %add3A_752 : vector<16xf32>, vector<16xf32>, vector<16xf32>, vector<16xf32>
      }
      %scan3A_661 = arith.constant 50 : i32
      %swap3A_662 = arith.constant 14 : i32
      %swap3A_663 = arith.index_cast %swap3A_662 : i32 to index
      %swap3A_664 = arith.constant 0 : index
      %swap3A_665 = tpu.vector_load %arg25[%swap3A_663, %swap3A_664] {strides = array<i32>} : memref<16x64xf32, #tpu.memory_space<vmem>>, vector<1x16xf32>,
      %swap3A_666 = vector.shape_cast %swap3A_665 : vector<1x16xf32> to vector<16xf32>
      %swap3A_667 = vector.shape_cast %scan3A_660#0 : vector<16xf32> to vector<1x16xf32>
      tpu.vector_store %arg25[%swap3A_663, %swap3A_664], %swap3A_667 {strides = array<i32>} : memref<16x64xf32, #tpu.memory_space<vmem>>, vector<1x16xf32>,
      %swap3A_668 = arith.constant 14 : i32
      %swap3A_669 = arith.index_cast %swap3A_668 : i32 to index
      %swap3A_670 = arith.constant 16 : index
      %swap3A_671 = tpu.vector_load %arg25[%swap3A_669, %swap3A_670] {strides = array<i32>} : memref<16x64xf32, #tpu.memory_space<vmem>>, vector<1x16xf32>,
      %swap3A_672 = vector.shape_cast %swap3A_671 : vector<1x16xf32> to vector<16xf32>
      %swap3A_673 = vector.shape_cast %scan3A_660#1 : vector<16xf32> to vector<1x16xf32>
      tpu.vector_store %arg25[%swap3A_669, %swap3A_670], %swap3A_673 {strides = array<i32>} : memref<16x64xf32, #tpu.memory_space<vmem>>, vector<1x16xf32>,
      %swap3A_674 = arith.constant 14 : i32
      %swap3A_675 = arith.index_cast %swap3A_674 : i32 to index
      %swap3A_676 = arith.constant 32 : index
      %swap3A_677 = tpu.vector_load %arg25[%swap3A_675, %swap3A_676] {strides = array<i32>} : memref<16x64xf32, #tpu.memory_space<vmem>>, vector<1x16xf32>,
      %swap3A_678 = vector.shape_cast %swap3A_677 : vector<1x16xf32> to vector<16xf32>
      %swap3A_679 = vector.shape_cast %scan3A_660#2 : vector<16xf32> to vector<1x16xf32>
      tpu.vector_store %arg25[%swap3A_675, %swap3A_676], %swap3A_679 {strides = array<i32>} : memref<16x64xf32, #tpu.memory_space<vmem>>, vector<1x16xf32>,
      %swap3A_680 = arith.constant 14 : i32
      %swap3A_681 = arith.index_cast %swap3A_680 : i32 to index
      %swap3A_682 = arith.constant 48 : index
      %swap3A_683 = tpu.vector_load %arg25[%swap3A_681, %swap3A_682] {strides = array<i32>} : memref<16x64xf32, #tpu.memory_space<vmem>>, vector<1x16xf32>,
      %swap3A_684 = vector.shape_cast %swap3A_683 : vector<1x16xf32> to vector<16xf32>
      %swap3A_685 = vector.shape_cast %scan3A_660#3 : vector<16xf32> to vector<1x16xf32>
      tpu.vector_store %arg25[%swap3A_681, %swap3A_682], %swap3A_685 {strides = array<i32>} : memref<16x64xf32, #tpu.memory_space<vmem>>, vector<1x16xf32>,
      %broadcast_in_dim3A_686 = arith.constant 0.000000e+00 : f32
      %broadcast_in_dim3A_687 = vector.broadcast %broadcast_in_dim3A_686 : f32 to vector<16xf32>
      %scan3A_688 = arith.constant 0 : i32
      %scan3A_689 = arith.constant 50 : i32
      %scan3A_690 = arith.addi %scan3A_688, %scan3A_689 : i32
      %scan3A_691 = arith.constant 1 : i32
      %scan3A_692:4 = scf.for %scan3A_721 = %scan3A_688 to %scan3A_690 step %scan3A_691 iter_args(%scan3A_722 = %broadcast_in_dim3A_687, %scan3A_723 = %broadcast_in_dim3A_687, %scan3A_724 = %broadcast_in_dim3A_687, %scan3A_725 = %broadcast_in_dim3A_687) -> (vector<16xf32>, vector<16xf32>, vector<16xf32>, vector<16xf32>)  : i32 {
        %add3A_726 = arith.constant 750 : i32
        %add3A_727 = arith.addi %add3A_726, %scan3A_721 : i32
        %get3A = arith.index_cast %add3A_727 : i32 to index
        %get3A_728 = arith.constant 0 : index
        %get3A_729 = tpu.vector_load %arg24[%get3A, %get3A_728] {strides = array<i32>} : memref<800x64xf32, #tpu.memory_space<vmem>>, vector<1x16xf32>,
        %get3A_730 = vector.shape_cast %get3A_729 : vector<1x16xf32> to vector<16xf32>
        %add3A_731 = arith.addf %scan3A_722, %get3A_730 : vector<16xf32>
        %add3A_732 = arith.constant 750 : i32
        %add3A_733 = arith.addi %add3A_732, %scan3A_721 : i32
        %get3A_734 = arith.index_cast %add3A_733 : i32 to index
        %get3A_735 = arith.constant 16 : index
        %get3A_736 = tpu.vector_load %arg24[%get3A_734, %get3A_735] {strides = array<i32>} : memref<800x64xf32, #tpu.memory_space<vmem>>, vector<1x16xf32>,
        %get3A_737 = vector.shape_cast %get3A_736 : vector<1x16xf32> to vector<16xf32>
        %add3A_738 = arith.addf %scan3A_723, %get3A_737 : vector<16xf32>
        %add3A_739 = arith.constant 750 : i32
        %add3A_740 = arith.addi %add3A_739, %scan3A_721 : i32
        %get3A_741 = arith.index_cast %add3A_740 : i32 to index
        %get3A_742 = arith.constant 32 : index
        %get3A_743 = tpu.vector_load %arg24[%get3A_741, %get3A_742] {strides = array<i32>} : memref<800x64xf32, #tpu.memory_space<vmem>>, vector<1x16xf32>,
        %get3A_744 = vector.shape_cast %get3A_743 : vector<1x16xf32> to vector<16xf32>
        %add3A_745 = arith.addf %scan3A_724, %get3A_744 : vector<16xf32>
        %add3A_746 = arith.constant 750 : i32
        %add3A_747 = arith.addi %add3A_746, %scan3A_721 : i32
        %get3A_748 = arith.index_cast %add3A_747 : i32 to index
        %get3A_749 = arith.constant 48 : index
        %get3A_750 = tpu.vector_load %arg24[%get3A_748, %get3A_749] {strides = array<i32>} : memref<800x64xf32, #tpu.memory_space<vmem>>, vector<1x16xf32>,
        %get3A_751 = vector.shape_cast %get3A_750 : vector<1x16xf32> to vector<16xf32>
        %add3A_752 = arith.addf %scan3A_725, %get3A_751 : vector<16xf32>
        scf.yield %add3A_731, %add3A_738, %add3A_745, %add3A_752 : vector<16xf32>, vector<16xf32>, vector<16xf32>, vector<16xf32>
      }
      %scan3A_693 = arith.constant 50 : i32
      %swap3A_694 = arith.constant 15 : i32
      %swap3A_695 = arith.index_cast %swap3A_694 : i32 to index
      %swap3A_696 = arith.constant 0 : index
      %swap3A_697 = tpu.vector_load %arg25[%swap3A_695, %swap3A_696] {strides = array<i32>} : memref<16x64xf32, #tpu.memory_space<vmem>>, vector<1x16xf32>,
      %swap3A_698 = vector.shape_cast %swap3A_697 : vector<1x16xf32> to vector<16xf32>
      %swap3A_699 = vector.shape_cast %scan3A_692#0 : vector<16xf32> to vector<1x16xf32>
      tpu.vector_store %arg25[%swap3A_695, %swap3A_696], %swap3A_699 {strides = array<i32>} : memref<16x64xf32, #tpu.memory_space<vmem>>, vector<1x16xf32>,
      %swap3A_700 = arith.constant 15 : i32
      %swap3A_701 = arith.index_cast %swap3A_700 : i32 to index
      %swap3A_702 = arith.constant 16 : index
      %swap3A_703 = tpu.vector_load %arg25[%swap3A_701, %swap3A_702] {strides = array<i32>} : memref<16x64xf32, #tpu.memory_space<vmem>>, vector<1x16xf32>,
      %swap3A_704 = vector.shape_cast %swap3A_703 : vector<1x16xf32> to vector<16xf32>
      %swap3A_705 = vector.shape_cast %scan3A_692#1 : vector<16xf32> to vector<1x16xf32>
      tpu.vector_store %arg25[%swap3A_701, %swap3A_702], %swap3A_705 {strides = array<i32>} : memref<16x64xf32, #tpu.memory_space<vmem>>, vector<1x16xf32>,
      %swap3A_706 = arith.constant 15 : i32
      %swap3A_707 = arith.index_cast %swap3A_706 : i32 to index
      %swap3A_708 = arith.constant 32 : index
      %swap3A_709 = tpu.vector_load %arg25[%swap3A_707, %swap3A_708] {strides = array<i32>} : memref<16x64xf32, #tpu.memory_space<vmem>>, vector<1x16xf32>,
      %swap3A_710 = vector.shape_cast %swap3A_709 : vector<1x16xf32> to vector<16xf32>
      %swap3A_711 = vector.shape_cast %scan3A_692#2 : vector<16xf32> to vector<1x16xf32>
      tpu.vector_store %arg25[%swap3A_707, %swap3A_708], %swap3A_711 {strides = array<i32>} : memref<16x64xf32, #tpu.memory_space<vmem>>, vector<1x16xf32>,
      %swap3A_712 = arith.constant 15 : i32
      %swap3A_713 = arith.index_cast %swap3A_712 : i32 to index
      %swap3A_714 = arith.constant 48 : index
      %swap3A_715 = tpu.vector_load %arg25[%swap3A_713, %swap3A_714] {strides = array<i32>} : memref<16x64xf32, #tpu.memory_space<vmem>>, vector<1x16xf32>,
      %swap3A_716 = vector.shape_cast %swap3A_715 : vector<1x16xf32> to vector<16xf32>
      %swap3A_717 = vector.shape_cast %scan3A_692#3 : vector<16xf32> to vector<1x16xf32>
      tpu.vector_store %arg25[%swap3A_713, %swap3A_714], %swap3A_717 {strides = array<i32>} : memref<16x64xf32, #tpu.memory_space<vmem>>, vector<1x16xf32>,
      %mul3A_718 = arith.constant 16 : i32
      %mul3A_719 = arith.muli %scan3A_42, %mul3A_718 : i32
      %add3A_720 = arith.addi %mul3A_2, %mul3A_719 : i32
      "tpu.region"() ({
        %run_scoped3A = tpu.sem_alloc : memref<!tpu.dma_semaphore, #tpu.memory_space<semaphore_mem>>
        %dma_start3A_721 = arith.constant 0 : i32
        %dma_start3A_722 = tpu.memref_slice %arg16[%add3A_720, %dma_start3A_721] : memref<4096x64xf32, #tpu.memory_space<hbm>> -> memref<16x64xf32, #tpu.memory_space<hbm>>
        %dma_start3A_723 = arith.constant 0 : i32
        %dma_start3A_724 = tpu.memref_slice %arg16[%add3A_720, %dma_start3A_723] : memref<4096x64xf32, #tpu.memory_space<hbm>> -> memref<16x64xf32, #tpu.memory_space<hbm>>
        tpu.enqueue_dma source(%arg25 : memref<16x64xf32, #tpu.memory_space<vmem>>) target(%dma_start3A_724 : memref<16x64xf32, #tpu.memory_space<hbm>>) target_semaphore(%run_scoped3A : memref<!tpu.dma_semaphore, #tpu.memory_space<semaphore_mem>>)
        %dma_wait3A_725 = arith.constant 0 : i32
        %dma_wait3A_726 = tpu.memref_slice %arg16[%add3A_720, %dma_wait3A_725] : memref<4096x64xf32, #tpu.memory_space<hbm>> -> memref<16x64xf32, #tpu.memory_space<hbm>>
        %dma_wait3A_727 = arith.constant 0 : i32
        %dma_wait3A_728 = tpu.memref_slice %arg16[%add3A_720, %dma_wait3A_727] : memref<4096x64xf32, #tpu.memory_space<hbm>> -> memref<16x64xf32, #tpu.memory_space<hbm>>
        tpu.wait_dma2 semaphore(%run_scoped3A : memref<!tpu.dma_semaphore, #tpu.memory_space<semaphore_mem>>) src(%arg25 : memref<16x64xf32, #tpu.memory_space<vmem>>) dst(%dma_wait3A_728 : memref<16x64xf32, #tpu.memory_space<hbm>>)
        tpu.yield
      }) : () -> ()
    }
    %scan3A_29 = arith.constant 8 : i32
    %scan3A_30 = arith.constant 0 : i32
    %scan3A_31 = arith.constant 0 : i32
    %scan3A_32 = arith.constant 8 : i32
    %scan3A_33 = arith.addi %scan3A_31, %scan3A_32 : i32
    %scan3A_34 = arith.constant 1 : i32
    scf.for %scan3A_42 = %scan3A_31 to %scan3A_33 step %scan3A_34  : i32 {
      %mul3A_43 = arith.constant 16 : i32
      %mul3A_44 = arith.muli %scan3A_42, %mul3A_43 : i32
      %add3A_45 = arith.addi %mul3A_2, %mul3A_44 : i32
      %mul3A_46 = arith.constant 50 : i32
      %mul3A_47 = arith.muli %add3A_45, %mul3A_46 : i32
      "tpu.region"() ({
        %run_scoped3A = tpu.sem_alloc : memref<!tpu.dma_semaphore, #tpu.memory_space<semaphore_mem>>
        %dma_start3A_721 = tpu.memref_slice %arg5[%mul3A_47] : memref<204800xi32, #tpu.memory_space<hbm>> -> memref<800xi32, #tpu.memory_space<hbm>>
        %dma_start3A_722 = tpu.memref_slice %arg5[%mul3A_47] : memref<204800xi32, #tpu.memory_space<hbm>> -> memref<800xi32, #tpu.memory_space<hbm>>
        tpu.enqueue_dma source(%dma_start3A_722 : memref<800xi32, #tpu.memory_space<hbm>>) target(%arg23 : memref<800xi32, #tpu.memory_space<vmem>>) target_semaphore(%run_scoped3A : memref<!tpu.dma_semaphore, #tpu.memory_space<semaphore_mem>>)
        %dma_wait3A_723 = tpu.memref_slice %arg5[%mul3A_47] : memref<204800xi32, #tpu.memory_space<hbm>> -> memref<800xi32, #tpu.memory_space<hbm>>
        %dma_wait3A_724 = tpu.memref_slice %arg5[%mul3A_47] : memref<204800xi32, #tpu.memory_space<hbm>> -> memref<800xi32, #tpu.memory_space<hbm>>
        tpu.wait_dma2 semaphore(%run_scoped3A : memref<!tpu.dma_semaphore, #tpu.memory_space<semaphore_mem>>) src(%dma_wait3A_724 : memref<800xi32, #tpu.memory_space<hbm>>) dst(%arg23 : memref<800xi32, #tpu.memory_space<vmem>>)
        tpu.yield
      }) : () -> ()
      %dma_start3A_48 = arith.constant 0 : i32
      %dma_start3A_49 = arith.constant 0 : i32
      %dma_start3A_50 = tpu.memref_slice %arg24[%dma_start3A_48, %dma_start3A_49] : memref<800x64xf32, #tpu.memory_space<vmem>> -> memref<80x64xf32, #tpu.memory_space<vmem>>
      %dma_start3A_51 = arith.constant 0 : i32
      %dma_start3A_52 = tpu.memref_slice %arg23[%dma_start3A_51] : memref<800xi32, #tpu.memory_space<vmem>> -> memref<80xi32, #tpu.memory_space<vmem>>
      %dma_start3A_53 = arith.constant 0 : i32
      %dma_start3A_54 = arith.constant 0 : i32
      %dma_start3A_55 = tpu.memref_slice %arg12[%dma_start3A_53, %dma_start3A_54] : memref<100002x64xf32, #tpu.memory_space<hbm>> -> memref<100002x64xf32, #tpu.memory_space<hbm>>
      tpu.enqueue_indirect_dma source(%dma_start3A_55 : memref<100002x64xf32, #tpu.memory_space<hbm>>) target(%dma_start3A_50 : memref<80x64xf32, #tpu.memory_space<vmem>>) offsets(%dma_start3A_52 : memref<80xi32, #tpu.memory_space<vmem>>) semaphore(%arg26 : memref<!tpu.dma_semaphore, #tpu.memory_space<semaphore_mem>>)
      %dma_start3A_56 = arith.constant 80 : i32
      %dma_start3A_57 = arith.constant 0 : i32
      %dma_start3A_58 = tpu.memref_slice %arg24[%dma_start3A_56, %dma_start3A_57] : memref<800x64xf32, #tpu.memory_space<vmem>> -> memref<80x64xf32, #tpu.memory_space<vmem>>
      %dma_start3A_59 = arith.constant 80 : i32
      %dma_start3A_60 = tpu.memref_slice %arg23[%dma_start3A_59] : memref<800xi32, #tpu.memory_space<vmem>> -> memref<80xi32, #tpu.memory_space<vmem>>
      %dma_start3A_61 = arith.constant 0 : i32
      %dma_start3A_62 = arith.constant 0 : i32
      %dma_start3A_63 = tpu.memref_slice %arg12[%dma_start3A_61, %dma_start3A_62] : memref<100002x64xf32, #tpu.memory_space<hbm>> -> memref<100002x64xf32, #tpu.memory_space<hbm>>
      tpu.enqueue_indirect_dma source(%dma_start3A_63 : memref<100002x64xf32, #tpu.memory_space<hbm>>) target(%dma_start3A_58 : memref<80x64xf32, #tpu.memory_space<vmem>>) offsets(%dma_start3A_60 : memref<80xi32, #tpu.memory_space<vmem>>) semaphore(%arg26 : memref<!tpu.dma_semaphore, #tpu.memory_space<semaphore_mem>>)
      %dma_start3A_64 = arith.constant 160 : i32
      %dma_start3A_65 = arith.constant 0 : i32
      %dma_start3A_66 = tpu.memref_slice %arg24[%dma_start3A_64, %dma_start3A_65] : memref<800x64xf32, #tpu.memory_space<vmem>> -> memref<80x64xf32, #tpu.memory_space<vmem>>
      %dma_start3A_67 = arith.constant 160 : i32
      %dma_start3A_68 = tpu.memref_slice %arg23[%dma_start3A_67] : memref<800xi32, #tpu.memory_space<vmem>> -> memref<80xi32, #tpu.memory_space<vmem>>
      %dma_start3A_69 = arith.constant 0 : i32
      %dma_start3A_70 = arith.constant 0 : i32
      %dma_start3A_71 = tpu.memref_slice %arg12[%dma_start3A_69, %dma_start3A_70] : memref<100002x64xf32, #tpu.memory_space<hbm>> -> memref<100002x64xf32, #tpu.memory_space<hbm>>
      tpu.enqueue_indirect_dma source(%dma_start3A_71 : memref<100002x64xf32, #tpu.memory_space<hbm>>) target(%dma_start3A_66 : memref<80x64xf32, #tpu.memory_space<vmem>>) offsets(%dma_start3A_68 : memref<80xi32, #tpu.memory_space<vmem>>) semaphore(%arg26 : memref<!tpu.dma_semaphore, #tpu.memory_space<semaphore_mem>>)
      %dma_start3A_72 = arith.constant 240 : i32
      %dma_start3A_73 = arith.constant 0 : i32
      %dma_start3A_74 = tpu.memref_slice %arg24[%dma_start3A_72, %dma_start3A_73] : memref<800x64xf32, #tpu.memory_space<vmem>> -> memref<80x64xf32, #tpu.memory_space<vmem>>
      %dma_start3A_75 = arith.constant 240 : i32
      %dma_start3A_76 = tpu.memref_slice %arg23[%dma_start3A_75] : memref<800xi32, #tpu.memory_space<vmem>> -> memref<80xi32, #tpu.memory_space<vmem>>
      %dma_start3A_77 = arith.constant 0 : i32
      %dma_start3A_78 = arith.constant 0 : i32
      %dma_start3A_79 = tpu.memref_slice %arg12[%dma_start3A_77, %dma_start3A_78] : memref<100002x64xf32, #tpu.memory_space<hbm>> -> memref<100002x64xf32, #tpu.memory_space<hbm>>
      tpu.enqueue_indirect_dma source(%dma_start3A_79 : memref<100002x64xf32, #tpu.memory_space<hbm>>) target(%dma_start3A_74 : memref<80x64xf32, #tpu.memory_space<vmem>>) offsets(%dma_start3A_76 : memref<80xi32, #tpu.memory_space<vmem>>) semaphore(%arg26 : memref<!tpu.dma_semaphore, #tpu.memory_space<semaphore_mem>>)
      %dma_start3A_80 = arith.constant 320 : i32
      %dma_start3A_81 = arith.constant 0 : i32
      %dma_start3A_82 = tpu.memref_slice %arg24[%dma_start3A_80, %dma_start3A_81] : memref<800x64xf32, #tpu.memory_space<vmem>> -> memref<80x64xf32, #tpu.memory_space<vmem>>
      %dma_start3A_83 = arith.constant 320 : i32
      %dma_start3A_84 = tpu.memref_slice %arg23[%dma_start3A_83] : memref<800xi32, #tpu.memory_space<vmem>> -> memref<80xi32, #tpu.memory_space<vmem>>
      %dma_start3A_85 = arith.constant 0 : i32
      %dma_start3A_86 = arith.constant 0 : i32
      %dma_start3A_87 = tpu.memref_slice %arg12[%dma_start3A_85, %dma_start3A_86] : memref<100002x64xf32, #tpu.memory_space<hbm>> -> memref<100002x64xf32, #tpu.memory_space<hbm>>
      tpu.enqueue_indirect_dma source(%dma_start3A_87 : memref<100002x64xf32, #tpu.memory_space<hbm>>) target(%dma_start3A_82 : memref<80x64xf32, #tpu.memory_space<vmem>>) offsets(%dma_start3A_84 : memref<80xi32, #tpu.memory_space<vmem>>) semaphore(%arg26 : memref<!tpu.dma_semaphore, #tpu.memory_space<semaphore_mem>>)
      %dma_start3A_88 = arith.constant 400 : i32
      %dma_start3A_89 = arith.constant 0 : i32
      %dma_start3A_90 = tpu.memref_slice %arg24[%dma_start3A_88, %dma_start3A_89] : memref<800x64xf32, #tpu.memory_space<vmem>> -> memref<80x64xf32, #tpu.memory_space<vmem>>
      %dma_start3A_91 = arith.constant 400 : i32
      %dma_start3A_92 = tpu.memref_slice %arg23[%dma_start3A_91] : memref<800xi32, #tpu.memory_space<vmem>> -> memref<80xi32, #tpu.memory_space<vmem>>
      %dma_start3A_93 = arith.constant 0 : i32
      %dma_start3A_94 = arith.constant 0 : i32
      %dma_start3A_95 = tpu.memref_slice %arg12[%dma_start3A_93, %dma_start3A_94] : memref<100002x64xf32, #tpu.memory_space<hbm>> -> memref<100002x64xf32, #tpu.memory_space<hbm>>
      tpu.enqueue_indirect_dma source(%dma_start3A_95 : memref<100002x64xf32, #tpu.memory_space<hbm>>) target(%dma_start3A_90 : memref<80x64xf32, #tpu.memory_space<vmem>>) offsets(%dma_start3A_92 : memref<80xi32, #tpu.memory_space<vmem>>) semaphore(%arg26 : memref<!tpu.dma_semaphore, #tpu.memory_space<semaphore_mem>>)
      %dma_start3A_96 = arith.constant 480 : i32
      %dma_start3A_97 = arith.constant 0 : i32
      %dma_start3A_98 = tpu.memref_slice %arg24[%dma_start3A_96, %dma_start3A_97] : memref<800x64xf32, #tpu.memory_space<vmem>> -> memref<80x64xf32, #tpu.memory_space<vmem>>
      %dma_start3A_99 = arith.constant 480 : i32
      %dma_start3A_100 = tpu.memref_slice %arg23[%dma_start3A_99] : memref<800xi32, #tpu.memory_space<vmem>> -> memref<80xi32, #tpu.memory_space<vmem>>
      %dma_start3A_101 = arith.constant 0 : i32
      %dma_start3A_102 = arith.constant 0 : i32
      %dma_start3A_103 = tpu.memref_slice %arg12[%dma_start3A_101, %dma_start3A_102] : memref<100002x64xf32, #tpu.memory_space<hbm>> -> memref<100002x64xf32, #tpu.memory_space<hbm>>
      tpu.enqueue_indirect_dma source(%dma_start3A_103 : memref<100002x64xf32, #tpu.memory_space<hbm>>) target(%dma_start3A_98 : memref<80x64xf32, #tpu.memory_space<vmem>>) offsets(%dma_start3A_100 : memref<80xi32, #tpu.memory_space<vmem>>) semaphore(%arg26 : memref<!tpu.dma_semaphore, #tpu.memory_space<semaphore_mem>>)
      %dma_start3A_104 = arith.constant 560 : i32
      %dma_start3A_105 = arith.constant 0 : i32
      %dma_start3A_106 = tpu.memref_slice %arg24[%dma_start3A_104, %dma_start3A_105] : memref<800x64xf32, #tpu.memory_space<vmem>> -> memref<80x64xf32, #tpu.memory_space<vmem>>
      %dma_start3A_107 = arith.constant 560 : i32
      %dma_start3A_108 = tpu.memref_slice %arg23[%dma_start3A_107] : memref<800xi32, #tpu.memory_space<vmem>> -> memref<80xi32, #tpu.memory_space<vmem>>
      %dma_start3A_109 = arith.constant 0 : i32
      %dma_start3A_110 = arith.constant 0 : i32
      %dma_start3A_111 = tpu.memref_slice %arg12[%dma_start3A_109, %dma_start3A_110] : memref<100002x64xf32, #tpu.memory_space<hbm>> -> memref<100002x64xf32, #tpu.memory_space<hbm>>
      tpu.enqueue_indirect_dma source(%dma_start3A_111 : memref<100002x64xf32, #tpu.memory_space<hbm>>) target(%dma_start3A_106 : memref<80x64xf32, #tpu.memory_space<vmem>>) offsets(%dma_start3A_108 : memref<80xi32, #tpu.memory_space<vmem>>) semaphore(%arg26 : memref<!tpu.dma_semaphore, #tpu.memory_space<semaphore_mem>>)
      %dma_start3A_112 = arith.constant 640 : i32
      %dma_start3A_113 = arith.constant 0 : i32
      %dma_start3A_114 = tpu.memref_slice %arg24[%dma_start3A_112, %dma_start3A_113] : memref<800x64xf32, #tpu.memory_space<vmem>> -> memref<80x64xf32, #tpu.memory_space<vmem>>
      %dma_start3A_115 = arith.constant 640 : i32
      %dma_start3A_116 = tpu.memref_slice %arg23[%dma_start3A_115] : memref<800xi32, #tpu.memory_space<vmem>> -> memref<80xi32, #tpu.memory_space<vmem>>
      %dma_start3A_117 = arith.constant 0 : i32
      %dma_start3A_118 = arith.constant 0 : i32
      %dma_start3A_119 = tpu.memref_slice %arg12[%dma_start3A_117, %dma_start3A_118] : memref<100002x64xf32, #tpu.memory_space<hbm>> -> memref<100002x64xf32, #tpu.memory_space<hbm>>
      tpu.enqueue_indirect_dma source(%dma_start3A_119 : memref<100002x64xf32, #tpu.memory_space<hbm>>) target(%dma_start3A_114 : memref<80x64xf32, #tpu.memory_space<vmem>>) offsets(%dma_start3A_116 : memref<80xi32, #tpu.memory_space<vmem>>) semaphore(%arg26 : memref<!tpu.dma_semaphore, #tpu.memory_space<semaphore_mem>>)
      %dma_start3A_120 = arith.constant 720 : i32
      %dma_start3A_121 = arith.constant 0 : i32
      %dma_start3A_122 = tpu.memref_slice %arg24[%dma_start3A_120, %dma_start3A_121] : memref<800x64xf32, #tpu.memory_space<vmem>> -> memref<80x64xf32, #tpu.memory_space<vmem>>
      %dma_start3A_123 = arith.constant 720 : i32
      %dma_start3A_124 = tpu.memref_slice %arg23[%dma_start3A_123] : memref<800xi32, #tpu.memory_space<vmem>> -> memref<80xi32, #tpu.memory_space<vmem>>
      %dma_start3A_125 = arith.constant 0 : i32
      %dma_start3A_126 = arith.constant 0 : i32
      %dma_start3A_127 = tpu.memref_slice %arg12[%dma_start3A_125, %dma_start3A_126] : memref<100002x64xf32, #tpu.memory_space<hbm>> -> memref<100002x64xf32, #tpu.memory_space<hbm>>
      tpu.enqueue_indirect_dma source(%dma_start3A_127 : memref<100002x64xf32, #tpu.memory_space<hbm>>) target(%dma_start3A_122 : memref<80x64xf32, #tpu.memory_space<vmem>>) offsets(%dma_start3A_124 : memref<80xi32, #tpu.memory_space<vmem>>) semaphore(%arg26 : memref<!tpu.dma_semaphore, #tpu.memory_space<semaphore_mem>>)
      %dma_wait3A_128 = arith.constant 0 : i32
      %dma_wait3A_129 = arith.constant 0 : i32
      %dma_wait3A_130 = tpu.memref_slice %arg24[%dma_wait3A_128, %dma_wait3A_129] : memref<800x64xf32, #tpu.memory_space<vmem>> -> memref<80x64xf32, #tpu.memory_space<vmem>>
      %dma_wait3A_131 = arith.constant 0 : i32
      %dma_wait3A_132 = tpu.memref_slice %arg23[%dma_wait3A_131] : memref<800xi32, #tpu.memory_space<vmem>> -> memref<80xi32, #tpu.memory_space<vmem>>
      %dma_wait3A_133 = arith.constant 0 : i32
      %dma_wait3A_134 = arith.constant 0 : i32
      %dma_wait3A_135 = tpu.memref_slice %arg12[%dma_wait3A_133, %dma_wait3A_134] : memref<100002x64xf32, #tpu.memory_space<hbm>> -> memref<100002x64xf32, #tpu.memory_space<hbm>>
      tpu.wait_indirect_dma semaphore(%arg26 : memref<!tpu.dma_semaphore, #tpu.memory_space<semaphore_mem>>) src(%dma_wait3A_135 : memref<100002x64xf32, #tpu.memory_space<hbm>>) dst(%dma_wait3A_130 : memref<80x64xf32, #tpu.memory_space<vmem>>)
      %dma_wait3A_136 = arith.constant 80 : i32
      %dma_wait3A_137 = arith.constant 0 : i32
      %dma_wait3A_138 = tpu.memref_slice %arg24[%dma_wait3A_136, %dma_wait3A_137] : memref<800x64xf32, #tpu.memory_space<vmem>> -> memref<80x64xf32, #tpu.memory_space<vmem>>
      %dma_wait3A_139 = arith.constant 80 : i32
      %dma_wait3A_140 = tpu.memref_slice %arg23[%dma_wait3A_139] : memref<800xi32, #tpu.memory_space<vmem>> -> memref<80xi32, #tpu.memory_space<vmem>>
      %dma_wait3A_141 = arith.constant 0 : i32
      %dma_wait3A_142 = arith.constant 0 : i32
      %dma_wait3A_143 = tpu.memref_slice %arg12[%dma_wait3A_141, %dma_wait3A_142] : memref<100002x64xf32, #tpu.memory_space<hbm>> -> memref<100002x64xf32, #tpu.memory_space<hbm>>
      tpu.wait_indirect_dma semaphore(%arg26 : memref<!tpu.dma_semaphore, #tpu.memory_space<semaphore_mem>>) src(%dma_wait3A_143 : memref<100002x64xf32, #tpu.memory_space<hbm>>) dst(%dma_wait3A_138 : memref<80x64xf32, #tpu.memory_space<vmem>>)
      %dma_wait3A_144 = arith.constant 160 : i32
      %dma_wait3A_145 = arith.constant 0 : i32
      %dma_wait3A_146 = tpu.memref_slice %arg24[%dma_wait3A_144, %dma_wait3A_145] : memref<800x64xf32, #tpu.memory_space<vmem>> -> memref<80x64xf32, #tpu.memory_space<vmem>>
      %dma_wait3A_147 = arith.constant 160 : i32
      %dma_wait3A_148 = tpu.memref_slice %arg23[%dma_wait3A_147] : memref<800xi32, #tpu.memory_space<vmem>> -> memref<80xi32, #tpu.memory_space<vmem>>
      %dma_wait3A_149 = arith.constant 0 : i32
      %dma_wait3A_150 = arith.constant 0 : i32
      %dma_wait3A_151 = tpu.memref_slice %arg12[%dma_wait3A_149, %dma_wait3A_150] : memref<100002x64xf32, #tpu.memory_space<hbm>> -> memref<100002x64xf32, #tpu.memory_space<hbm>>
      tpu.wait_indirect_dma semaphore(%arg26 : memref<!tpu.dma_semaphore, #tpu.memory_space<semaphore_mem>>) src(%dma_wait3A_151 : memref<100002x64xf32, #tpu.memory_space<hbm>>) dst(%dma_wait3A_146 : memref<80x64xf32, #tpu.memory_space<vmem>>)
      %dma_wait3A_152 = arith.constant 240 : i32
      %dma_wait3A_153 = arith.constant 0 : i32
      %dma_wait3A_154 = tpu.memref_slice %arg24[%dma_wait3A_152, %dma_wait3A_153] : memref<800x64xf32, #tpu.memory_space<vmem>> -> memref<80x64xf32, #tpu.memory_space<vmem>>
      %dma_wait3A_155 = arith.constant 240 : i32
      %dma_wait3A_156 = tpu.memref_slice %arg23[%dma_wait3A_155] : memref<800xi32, #tpu.memory_space<vmem>> -> memref<80xi32, #tpu.memory_space<vmem>>
      %dma_wait3A_157 = arith.constant 0 : i32
      %dma_wait3A_158 = arith.constant 0 : i32
      %dma_wait3A_159 = tpu.memref_slice %arg12[%dma_wait3A_157, %dma_wait3A_158] : memref<100002x64xf32, #tpu.memory_space<hbm>> -> memref<100002x64xf32, #tpu.memory_space<hbm>>
      tpu.wait_indirect_dma semaphore(%arg26 : memref<!tpu.dma_semaphore, #tpu.memory_space<semaphore_mem>>) src(%dma_wait3A_159 : memref<100002x64xf32, #tpu.memory_space<hbm>>) dst(%dma_wait3A_154 : memref<80x64xf32, #tpu.memory_space<vmem>>)
      %dma_wait3A_160 = arith.constant 320 : i32
      %dma_wait3A_161 = arith.constant 0 : i32
      %dma_wait3A_162 = tpu.memref_slice %arg24[%dma_wait3A_160, %dma_wait3A_161] : memref<800x64xf32, #tpu.memory_space<vmem>> -> memref<80x64xf32, #tpu.memory_space<vmem>>
      %dma_wait3A_163 = arith.constant 320 : i32
      %dma_wait3A_164 = tpu.memref_slice %arg23[%dma_wait3A_163] : memref<800xi32, #tpu.memory_space<vmem>> -> memref<80xi32, #tpu.memory_space<vmem>>
      %dma_wait3A_165 = arith.constant 0 : i32
      %dma_wait3A_166 = arith.constant 0 : i32
      %dma_wait3A_167 = tpu.memref_slice %arg12[%dma_wait3A_165, %dma_wait3A_166] : memref<100002x64xf32, #tpu.memory_space<hbm>> -> memref<100002x64xf32, #tpu.memory_space<hbm>>
      tpu.wait_indirect_dma semaphore(%arg26 : memref<!tpu.dma_semaphore, #tpu.memory_space<semaphore_mem>>) src(%dma_wait3A_167 : memref<100002x64xf32, #tpu.memory_space<hbm>>) dst(%dma_wait3A_162 : memref<80x64xf32, #tpu.memory_space<vmem>>)
      %dma_wait3A_168 = arith.constant 400 : i32
      %dma_wait3A_169 = arith.constant 0 : i32
      %dma_wait3A_170 = tpu.memref_slice %arg24[%dma_wait3A_168, %dma_wait3A_169] : memref<800x64xf32, #tpu.memory_space<vmem>> -> memref<80x64xf32, #tpu.memory_space<vmem>>
      %dma_wait3A_171 = arith.constant 400 : i32
      %dma_wait3A_172 = tpu.memref_slice %arg23[%dma_wait3A_171] : memref<800xi32, #tpu.memory_space<vmem>> -> memref<80xi32, #tpu.memory_space<vmem>>
      %dma_wait3A_173 = arith.constant 0 : i32
      %dma_wait3A_174 = arith.constant 0 : i32
      %dma_wait3A_175 = tpu.memref_slice %arg12[%dma_wait3A_173, %dma_wait3A_174] : memref<100002x64xf32, #tpu.memory_space<hbm>> -> memref<100002x64xf32, #tpu.memory_space<hbm>>
      tpu.wait_indirect_dma semaphore(%arg26 : memref<!tpu.dma_semaphore, #tpu.memory_space<semaphore_mem>>) src(%dma_wait3A_175 : memref<100002x64xf32, #tpu.memory_space<hbm>>) dst(%dma_wait3A_170 : memref<80x64xf32, #tpu.memory_space<vmem>>)
      %dma_wait3A_176 = arith.constant 480 : i32
      %dma_wait3A_177 = arith.constant 0 : i32
      %dma_wait3A_178 = tpu.memref_slice %arg24[%dma_wait3A_176, %dma_wait3A_177] : memref<800x64xf32, #tpu.memory_space<vmem>> -> memref<80x64xf32, #tpu.memory_space<vmem>>
      %dma_wait3A_179 = arith.constant 480 : i32
      %dma_wait3A_180 = tpu.memref_slice %arg23[%dma_wait3A_179] : memref<800xi32, #tpu.memory_space<vmem>> -> memref<80xi32, #tpu.memory_space<vmem>>
      %dma_wait3A_181 = arith.constant 0 : i32
      %dma_wait3A_182 = arith.constant 0 : i32
      %dma_wait3A_183 = tpu.memref_slice %arg12[%dma_wait3A_181, %dma_wait3A_182] : memref<100002x64xf32, #tpu.memory_space<hbm>> -> memref<100002x64xf32, #tpu.memory_space<hbm>>
      tpu.wait_indirect_dma semaphore(%arg26 : memref<!tpu.dma_semaphore, #tpu.memory_space<semaphore_mem>>) src(%dma_wait3A_183 : memref<100002x64xf32, #tpu.memory_space<hbm>>) dst(%dma_wait3A_178 : memref<80x64xf32, #tpu.memory_space<vmem>>)
      %dma_wait3A_184 = arith.constant 560 : i32
      %dma_wait3A_185 = arith.constant 0 : i32
      %dma_wait3A_186 = tpu.memref_slice %arg24[%dma_wait3A_184, %dma_wait3A_185] : memref<800x64xf32, #tpu.memory_space<vmem>> -> memref<80x64xf32, #tpu.memory_space<vmem>>
      %dma_wait3A_187 = arith.constant 560 : i32
      %dma_wait3A_188 = tpu.memref_slice %arg23[%dma_wait3A_187] : memref<800xi32, #tpu.memory_space<vmem>> -> memref<80xi32, #tpu.memory_space<vmem>>
      %dma_wait3A_189 = arith.constant 0 : i32
      %dma_wait3A_190 = arith.constant 0 : i32
      %dma_wait3A_191 = tpu.memref_slice %arg12[%dma_wait3A_189, %dma_wait3A_190] : memref<100002x64xf32, #tpu.memory_space<hbm>> -> memref<100002x64xf32, #tpu.memory_space<hbm>>
      tpu.wait_indirect_dma semaphore(%arg26 : memref<!tpu.dma_semaphore, #tpu.memory_space<semaphore_mem>>) src(%dma_wait3A_191 : memref<100002x64xf32, #tpu.memory_space<hbm>>) dst(%dma_wait3A_186 : memref<80x64xf32, #tpu.memory_space<vmem>>)
      %dma_wait3A_192 = arith.constant 640 : i32
      %dma_wait3A_193 = arith.constant 0 : i32
      %dma_wait3A_194 = tpu.memref_slice %arg24[%dma_wait3A_192, %dma_wait3A_193] : memref<800x64xf32, #tpu.memory_space<vmem>> -> memref<80x64xf32, #tpu.memory_space<vmem>>
      %dma_wait3A_195 = arith.constant 640 : i32
      %dma_wait3A_196 = tpu.memref_slice %arg23[%dma_wait3A_195] : memref<800xi32, #tpu.memory_space<vmem>> -> memref<80xi32, #tpu.memory_space<vmem>>
      %dma_wait3A_197 = arith.constant 0 : i32
      %dma_wait3A_198 = arith.constant 0 : i32
      %dma_wait3A_199 = tpu.memref_slice %arg12[%dma_wait3A_197, %dma_wait3A_198] : memref<100002x64xf32, #tpu.memory_space<hbm>> -> memref<100002x64xf32, #tpu.memory_space<hbm>>
      tpu.wait_indirect_dma semaphore(%arg26 : memref<!tpu.dma_semaphore, #tpu.memory_space<semaphore_mem>>) src(%dma_wait3A_199 : memref<100002x64xf32, #tpu.memory_space<hbm>>) dst(%dma_wait3A_194 : memref<80x64xf32, #tpu.memory_space<vmem>>)
      %dma_wait3A_200 = arith.constant 720 : i32
      %dma_wait3A_201 = arith.constant 0 : i32
      %dma_wait3A_202 = tpu.memref_slice %arg24[%dma_wait3A_200, %dma_wait3A_201] : memref<800x64xf32, #tpu.memory_space<vmem>> -> memref<80x64xf32, #tpu.memory_space<vmem>>
      %dma_wait3A_203 = arith.constant 720 : i32
      %dma_wait3A_204 = tpu.memref_slice %arg23[%dma_wait3A_203] : memref<800xi32, #tpu.memory_space<vmem>> -> memref<80xi32, #tpu.memory_space<vmem>>
      %dma_wait3A_205 = arith.constant 0 : i32
      %dma_wait3A_206 = arith.constant 0 : i32
      %dma_wait3A_207 = tpu.memref_slice %arg12[%dma_wait3A_205, %dma_wait3A_206] : memref<100002x64xf32, #tpu.memory_space<hbm>> -> memref<100002x64xf32, #tpu.memory_space<hbm>>
      tpu.wait_indirect_dma semaphore(%arg26 : memref<!tpu.dma_semaphore, #tpu.memory_space<semaphore_mem>>) src(%dma_wait3A_207 : memref<100002x64xf32, #tpu.memory_space<hbm>>) dst(%dma_wait3A_202 : memref<80x64xf32, #tpu.memory_space<vmem>>)
      %broadcast_in_dim3A = arith.constant 0.000000e+00 : f32
      %broadcast_in_dim3A_208 = vector.broadcast %broadcast_in_dim3A : f32 to vector<16xf32>
      %scan3A_209 = arith.constant 0 : i32
      %scan3A_210 = arith.constant 50 : i32
      %scan3A_211 = arith.addi %scan3A_209, %scan3A_210 : i32
      %scan3A_212 = arith.constant 1 : i32
      %scan3A_213:4 = scf.for %scan3A_721 = %scan3A_209 to %scan3A_211 step %scan3A_212 iter_args(%scan3A_722 = %broadcast_in_dim3A_208, %scan3A_723 = %broadcast_in_dim3A_208, %scan3A_724 = %broadcast_in_dim3A_208, %scan3A_725 = %broadcast_in_dim3A_208) -> (vector<16xf32>, vector<16xf32>, vector<16xf32>, vector<16xf32>)  : i32 {
        %add3A_726 = arith.constant 0 : i32
        %add3A_727 = arith.addi %add3A_726, %scan3A_721 : i32
        %get3A = arith.index_cast %add3A_727 : i32 to index
        %get3A_728 = arith.constant 0 : index
        %get3A_729 = tpu.vector_load %arg24[%get3A, %get3A_728] {strides = array<i32>} : memref<800x64xf32, #tpu.memory_space<vmem>>, vector<1x16xf32>,
        %get3A_730 = vector.shape_cast %get3A_729 : vector<1x16xf32> to vector<16xf32>
        %add3A_731 = arith.addf %scan3A_722, %get3A_730 : vector<16xf32>
        %add3A_732 = arith.constant 0 : i32
        %add3A_733 = arith.addi %add3A_732, %scan3A_721 : i32
        %get3A_734 = arith.index_cast %add3A_733 : i32 to index
        %get3A_735 = arith.constant 16 : index
        %get3A_736 = tpu.vector_load %arg24[%get3A_734, %get3A_735] {strides = array<i32>} : memref<800x64xf32, #tpu.memory_space<vmem>>, vector<1x16xf32>,
        %get3A_737 = vector.shape_cast %get3A_736 : vector<1x16xf32> to vector<16xf32>
        %add3A_738 = arith.addf %scan3A_723, %get3A_737 : vector<16xf32>
        %add3A_739 = arith.constant 0 : i32
        %add3A_740 = arith.addi %add3A_739, %scan3A_721 : i32
        %get3A_741 = arith.index_cast %add3A_740 : i32 to index
        %get3A_742 = arith.constant 32 : index
        %get3A_743 = tpu.vector_load %arg24[%get3A_741, %get3A_742] {strides = array<i32>} : memref<800x64xf32, #tpu.memory_space<vmem>>, vector<1x16xf32>,
        %get3A_744 = vector.shape_cast %get3A_743 : vector<1x16xf32> to vector<16xf32>
        %add3A_745 = arith.addf %scan3A_724, %get3A_744 : vector<16xf32>
        %add3A_746 = arith.constant 0 : i32
        %add3A_747 = arith.addi %add3A_746, %scan3A_721 : i32
        %get3A_748 = arith.index_cast %add3A_747 : i32 to index
        %get3A_749 = arith.constant 48 : index
        %get3A_750 = tpu.vector_load %arg24[%get3A_748, %get3A_749] {strides = array<i32>} : memref<800x64xf32, #tpu.memory_space<vmem>>, vector<1x16xf32>,
        %get3A_751 = vector.shape_cast %get3A_750 : vector<1x16xf32> to vector<16xf32>
        %add3A_752 = arith.addf %scan3A_725, %get3A_751 : vector<16xf32>
        scf.yield %add3A_731, %add3A_738, %add3A_745, %add3A_752 : vector<16xf32>, vector<16xf32>, vector<16xf32>, vector<16xf32>
      }
      %scan3A_214 = arith.constant 50 : i32
      %swap3A = arith.constant 0 : i32
      %swap3A_215 = arith.index_cast %swap3A : i32 to index
      %swap3A_216 = arith.constant 0 : index
      %swap3A_217 = tpu.vector_load %arg25[%swap3A_215, %swap3A_216] {strides = array<i32>} : memref<16x64xf32, #tpu.memory_space<vmem>>, vector<1x16xf32>,
      %swap3A_218 = vector.shape_cast %swap3A_217 : vector<1x16xf32> to vector<16xf32>
      %swap3A_219 = vector.shape_cast %scan3A_213#0 : vector<16xf32> to vector<1x16xf32>
      tpu.vector_store %arg25[%swap3A_215, %swap3A_216], %swap3A_219 {strides = array<i32>} : memref<16x64xf32, #tpu.memory_space<vmem>>, vector<1x16xf32>,
      %swap3A_220 = arith.constant 0 : i32
      %swap3A_221 = arith.index_cast %swap3A_220 : i32 to index
      %swap3A_222 = arith.constant 16 : index
      %swap3A_223 = tpu.vector_load %arg25[%swap3A_221, %swap3A_222] {strides = array<i32>} : memref<16x64xf32, #tpu.memory_space<vmem>>, vector<1x16xf32>,
      %swap3A_224 = vector.shape_cast %swap3A_223 : vector<1x16xf32> to vector<16xf32>
      %swap3A_225 = vector.shape_cast %scan3A_213#1 : vector<16xf32> to vector<1x16xf32>
      tpu.vector_store %arg25[%swap3A_221, %swap3A_222], %swap3A_225 {strides = array<i32>} : memref<16x64xf32, #tpu.memory_space<vmem>>, vector<1x16xf32>,
      %swap3A_226 = arith.constant 0 : i32
      %swap3A_227 = arith.index_cast %swap3A_226 : i32 to index
      %swap3A_228 = arith.constant 32 : index
      %swap3A_229 = tpu.vector_load %arg25[%swap3A_227, %swap3A_228] {strides = array<i32>} : memref<16x64xf32, #tpu.memory_space<vmem>>, vector<1x16xf32>,
      %swap3A_230 = vector.shape_cast %swap3A_229 : vector<1x16xf32> to vector<16xf32>
      %swap3A_231 = vector.shape_cast %scan3A_213#2 : vector<16xf32> to vector<1x16xf32>
      tpu.vector_store %arg25[%swap3A_227, %swap3A_228], %swap3A_231 {strides = array<i32>} : memref<16x64xf32, #tpu.memory_space<vmem>>, vector<1x16xf32>,
      %swap3A_232 = arith.constant 0 : i32
      %swap3A_233 = arith.index_cast %swap3A_232 : i32 to index
      %swap3A_234 = arith.constant 48 : index
      %swap3A_235 = tpu.vector_load %arg25[%swap3A_233, %swap3A_234] {strides = array<i32>} : memref<16x64xf32, #tpu.memory_space<vmem>>, vector<1x16xf32>,
      %swap3A_236 = vector.shape_cast %swap3A_235 : vector<1x16xf32> to vector<16xf32>
      %swap3A_237 = vector.shape_cast %scan3A_213#3 : vector<16xf32> to vector<1x16xf32>
      tpu.vector_store %arg25[%swap3A_233, %swap3A_234], %swap3A_237 {strides = array<i32>} : memref<16x64xf32, #tpu.memory_space<vmem>>, vector<1x16xf32>,
      %broadcast_in_dim3A_238 = arith.constant 0.000000e+00 : f32
      %broadcast_in_dim3A_239 = vector.broadcast %broadcast_in_dim3A_238 : f32 to vector<16xf32>
      %scan3A_240 = arith.constant 0 : i32
      %scan3A_241 = arith.constant 50 : i32
      %scan3A_242 = arith.addi %scan3A_240, %scan3A_241 : i32
      %scan3A_243 = arith.constant 1 : i32
      %scan3A_244:4 = scf.for %scan3A_721 = %scan3A_240 to %scan3A_242 step %scan3A_243 iter_args(%scan3A_722 = %broadcast_in_dim3A_239, %scan3A_723 = %broadcast_in_dim3A_239, %scan3A_724 = %broadcast_in_dim3A_239, %scan3A_725 = %broadcast_in_dim3A_239) -> (vector<16xf32>, vector<16xf32>, vector<16xf32>, vector<16xf32>)  : i32 {
        %add3A_726 = arith.constant 50 : i32
        %add3A_727 = arith.addi %add3A_726, %scan3A_721 : i32
        %get3A = arith.index_cast %add3A_727 : i32 to index
        %get3A_728 = arith.constant 0 : index
        %get3A_729 = tpu.vector_load %arg24[%get3A, %get3A_728] {strides = array<i32>} : memref<800x64xf32, #tpu.memory_space<vmem>>, vector<1x16xf32>,
        %get3A_730 = vector.shape_cast %get3A_729 : vector<1x16xf32> to vector<16xf32>
        %add3A_731 = arith.addf %scan3A_722, %get3A_730 : vector<16xf32>
        %add3A_732 = arith.constant 50 : i32
        %add3A_733 = arith.addi %add3A_732, %scan3A_721 : i32
        %get3A_734 = arith.index_cast %add3A_733 : i32 to index
        %get3A_735 = arith.constant 16 : index
        %get3A_736 = tpu.vector_load %arg24[%get3A_734, %get3A_735] {strides = array<i32>} : memref<800x64xf32, #tpu.memory_space<vmem>>, vector<1x16xf32>,
        %get3A_737 = vector.shape_cast %get3A_736 : vector<1x16xf32> to vector<16xf32>
        %add3A_738 = arith.addf %scan3A_723, %get3A_737 : vector<16xf32>
        %add3A_739 = arith.constant 50 : i32
        %add3A_740 = arith.addi %add3A_739, %scan3A_721 : i32
        %get3A_741 = arith.index_cast %add3A_740 : i32 to index
        %get3A_742 = arith.constant 32 : index
        %get3A_743 = tpu.vector_load %arg24[%get3A_741, %get3A_742] {strides = array<i32>} : memref<800x64xf32, #tpu.memory_space<vmem>>, vector<1x16xf32>,
        %get3A_744 = vector.shape_cast %get3A_743 : vector<1x16xf32> to vector<16xf32>
        %add3A_745 = arith.addf %scan3A_724, %get3A_744 : vector<16xf32>
        %add3A_746 = arith.constant 50 : i32
        %add3A_747 = arith.addi %add3A_746, %scan3A_721 : i32
        %get3A_748 = arith.index_cast %add3A_747 : i32 to index
        %get3A_749 = arith.constant 48 : index
        %get3A_750 = tpu.vector_load %arg24[%get3A_748, %get3A_749] {strides = array<i32>} : memref<800x64xf32, #tpu.memory_space<vmem>>, vector<1x16xf32>,
        %get3A_751 = vector.shape_cast %get3A_750 : vector<1x16xf32> to vector<16xf32>
        %add3A_752 = arith.addf %scan3A_725, %get3A_751 : vector<16xf32>
        scf.yield %add3A_731, %add3A_738, %add3A_745, %add3A_752 : vector<16xf32>, vector<16xf32>, vector<16xf32>, vector<16xf32>
      }
      %scan3A_245 = arith.constant 50 : i32
      %swap3A_246 = arith.constant 1 : i32
      %swap3A_247 = arith.index_cast %swap3A_246 : i32 to index
      %swap3A_248 = arith.constant 0 : index
      %swap3A_249 = tpu.vector_load %arg25[%swap3A_247, %swap3A_248] {strides = array<i32>} : memref<16x64xf32, #tpu.memory_space<vmem>>, vector<1x16xf32>,
      %swap3A_250 = vector.shape_cast %swap3A_249 : vector<1x16xf32> to vector<16xf32>
      %swap3A_251 = vector.shape_cast %scan3A_244#0 : vector<16xf32> to vector<1x16xf32>
      tpu.vector_store %arg25[%swap3A_247, %swap3A_248], %swap3A_251 {strides = array<i32>} : memref<16x64xf32, #tpu.memory_space<vmem>>, vector<1x16xf32>,
      %swap3A_252 = arith.constant 1 : i32
      %swap3A_253 = arith.index_cast %swap3A_252 : i32 to index
      %swap3A_254 = arith.constant 16 : index
      %swap3A_255 = tpu.vector_load %arg25[%swap3A_253, %swap3A_254] {strides = array<i32>} : memref<16x64xf32, #tpu.memory_space<vmem>>, vector<1x16xf32>,
      %swap3A_256 = vector.shape_cast %swap3A_255 : vector<1x16xf32> to vector<16xf32>
      %swap3A_257 = vector.shape_cast %scan3A_244#1 : vector<16xf32> to vector<1x16xf32>
      tpu.vector_store %arg25[%swap3A_253, %swap3A_254], %swap3A_257 {strides = array<i32>} : memref<16x64xf32, #tpu.memory_space<vmem>>, vector<1x16xf32>,
      %swap3A_258 = arith.constant 1 : i32
      %swap3A_259 = arith.index_cast %swap3A_258 : i32 to index
      %swap3A_260 = arith.constant 32 : index
      %swap3A_261 = tpu.vector_load %arg25[%swap3A_259, %swap3A_260] {strides = array<i32>} : memref<16x64xf32, #tpu.memory_space<vmem>>, vector<1x16xf32>,
      %swap3A_262 = vector.shape_cast %swap3A_261 : vector<1x16xf32> to vector<16xf32>
      %swap3A_263 = vector.shape_cast %scan3A_244#2 : vector<16xf32> to vector<1x16xf32>
      tpu.vector_store %arg25[%swap3A_259, %swap3A_260], %swap3A_263 {strides = array<i32>} : memref<16x64xf32, #tpu.memory_space<vmem>>, vector<1x16xf32>,
      %swap3A_264 = arith.constant 1 : i32
      %swap3A_265 = arith.index_cast %swap3A_264 : i32 to index
      %swap3A_266 = arith.constant 48 : index
      %swap3A_267 = tpu.vector_load %arg25[%swap3A_265, %swap3A_266] {strides = array<i32>} : memref<16x64xf32, #tpu.memory_space<vmem>>, vector<1x16xf32>,
      %swap3A_268 = vector.shape_cast %swap3A_267 : vector<1x16xf32> to vector<16xf32>
      %swap3A_269 = vector.shape_cast %scan3A_244#3 : vector<16xf32> to vector<1x16xf32>
      tpu.vector_store %arg25[%swap3A_265, %swap3A_266], %swap3A_269 {strides = array<i32>} : memref<16x64xf32, #tpu.memory_space<vmem>>, vector<1x16xf32>,
      %broadcast_in_dim3A_270 = arith.constant 0.000000e+00 : f32
      %broadcast_in_dim3A_271 = vector.broadcast %broadcast_in_dim3A_270 : f32 to vector<16xf32>
      %scan3A_272 = arith.constant 0 : i32
      %scan3A_273 = arith.constant 50 : i32
      %scan3A_274 = arith.addi %scan3A_272, %scan3A_273 : i32
      %scan3A_275 = arith.constant 1 : i32
      %scan3A_276:4 = scf.for %scan3A_721 = %scan3A_272 to %scan3A_274 step %scan3A_275 iter_args(%scan3A_722 = %broadcast_in_dim3A_271, %scan3A_723 = %broadcast_in_dim3A_271, %scan3A_724 = %broadcast_in_dim3A_271, %scan3A_725 = %broadcast_in_dim3A_271) -> (vector<16xf32>, vector<16xf32>, vector<16xf32>, vector<16xf32>)  : i32 {
        %add3A_726 = arith.constant 100 : i32
        %add3A_727 = arith.addi %add3A_726, %scan3A_721 : i32
        %get3A = arith.index_cast %add3A_727 : i32 to index
        %get3A_728 = arith.constant 0 : index
        %get3A_729 = tpu.vector_load %arg24[%get3A, %get3A_728] {strides = array<i32>} : memref<800x64xf32, #tpu.memory_space<vmem>>, vector<1x16xf32>,
        %get3A_730 = vector.shape_cast %get3A_729 : vector<1x16xf32> to vector<16xf32>
        %add3A_731 = arith.addf %scan3A_722, %get3A_730 : vector<16xf32>
        %add3A_732 = arith.constant 100 : i32
        %add3A_733 = arith.addi %add3A_732, %scan3A_721 : i32
        %get3A_734 = arith.index_cast %add3A_733 : i32 to index
        %get3A_735 = arith.constant 16 : index
        %get3A_736 = tpu.vector_load %arg24[%get3A_734, %get3A_735] {strides = array<i32>} : memref<800x64xf32, #tpu.memory_space<vmem>>, vector<1x16xf32>,
        %get3A_737 = vector.shape_cast %get3A_736 : vector<1x16xf32> to vector<16xf32>
        %add3A_738 = arith.addf %scan3A_723, %get3A_737 : vector<16xf32>
        %add3A_739 = arith.constant 100 : i32
        %add3A_740 = arith.addi %add3A_739, %scan3A_721 : i32
        %get3A_741 = arith.index_cast %add3A_740 : i32 to index
        %get3A_742 = arith.constant 32 : index
        %get3A_743 = tpu.vector_load %arg24[%get3A_741, %get3A_742] {strides = array<i32>} : memref<800x64xf32, #tpu.memory_space<vmem>>, vector<1x16xf32>,
        %get3A_744 = vector.shape_cast %get3A_743 : vector<1x16xf32> to vector<16xf32>
        %add3A_745 = arith.addf %scan3A_724, %get3A_744 : vector<16xf32>
        %add3A_746 = arith.constant 100 : i32
        %add3A_747 = arith.addi %add3A_746, %scan3A_721 : i32
        %get3A_748 = arith.index_cast %add3A_747 : i32 to index
        %get3A_749 = arith.constant 48 : index
        %get3A_750 = tpu.vector_load %arg24[%get3A_748, %get3A_749] {strides = array<i32>} : memref<800x64xf32, #tpu.memory_space<vmem>>, vector<1x16xf32>,
        %get3A_751 = vector.shape_cast %get3A_750 : vector<1x16xf32> to vector<16xf32>
        %add3A_752 = arith.addf %scan3A_725, %get3A_751 : vector<16xf32>
        scf.yield %add3A_731, %add3A_738, %add3A_745, %add3A_752 : vector<16xf32>, vector<16xf32>, vector<16xf32>, vector<16xf32>
      }
      %scan3A_277 = arith.constant 50 : i32
      %swap3A_278 = arith.constant 2 : i32
      %swap3A_279 = arith.index_cast %swap3A_278 : i32 to index
      %swap3A_280 = arith.constant 0 : index
      %swap3A_281 = tpu.vector_load %arg25[%swap3A_279, %swap3A_280] {strides = array<i32>} : memref<16x64xf32, #tpu.memory_space<vmem>>, vector<1x16xf32>,
      %swap3A_282 = vector.shape_cast %swap3A_281 : vector<1x16xf32> to vector<16xf32>
      %swap3A_283 = vector.shape_cast %scan3A_276#0 : vector<16xf32> to vector<1x16xf32>
      tpu.vector_store %arg25[%swap3A_279, %swap3A_280], %swap3A_283 {strides = array<i32>} : memref<16x64xf32, #tpu.memory_space<vmem>>, vector<1x16xf32>,
      %swap3A_284 = arith.constant 2 : i32
      %swap3A_285 = arith.index_cast %swap3A_284 : i32 to index
      %swap3A_286 = arith.constant 16 : index
      %swap3A_287 = tpu.vector_load %arg25[%swap3A_285, %swap3A_286] {strides = array<i32>} : memref<16x64xf32, #tpu.memory_space<vmem>>, vector<1x16xf32>,
      %swap3A_288 = vector.shape_cast %swap3A_287 : vector<1x16xf32> to vector<16xf32>
      %swap3A_289 = vector.shape_cast %scan3A_276#1 : vector<16xf32> to vector<1x16xf32>
      tpu.vector_store %arg25[%swap3A_285, %swap3A_286], %swap3A_289 {strides = array<i32>} : memref<16x64xf32, #tpu.memory_space<vmem>>, vector<1x16xf32>,
      %swap3A_290 = arith.constant 2 : i32
      %swap3A_291 = arith.index_cast %swap3A_290 : i32 to index
      %swap3A_292 = arith.constant 32 : index
      %swap3A_293 = tpu.vector_load %arg25[%swap3A_291, %swap3A_292] {strides = array<i32>} : memref<16x64xf32, #tpu.memory_space<vmem>>, vector<1x16xf32>,
      %swap3A_294 = vector.shape_cast %swap3A_293 : vector<1x16xf32> to vector<16xf32>
      %swap3A_295 = vector.shape_cast %scan3A_276#2 : vector<16xf32> to vector<1x16xf32>
      tpu.vector_store %arg25[%swap3A_291, %swap3A_292], %swap3A_295 {strides = array<i32>} : memref<16x64xf32, #tpu.memory_space<vmem>>, vector<1x16xf32>,
      %swap3A_296 = arith.constant 2 : i32
      %swap3A_297 = arith.index_cast %swap3A_296 : i32 to index
      %swap3A_298 = arith.constant 48 : index
      %swap3A_299 = tpu.vector_load %arg25[%swap3A_297, %swap3A_298] {strides = array<i32>} : memref<16x64xf32, #tpu.memory_space<vmem>>, vector<1x16xf32>,
      %swap3A_300 = vector.shape_cast %swap3A_299 : vector<1x16xf32> to vector<16xf32>
      %swap3A_301 = vector.shape_cast %scan3A_276#3 : vector<16xf32> to vector<1x16xf32>
      tpu.vector_store %arg25[%swap3A_297, %swap3A_298], %swap3A_301 {strides = array<i32>} : memref<16x64xf32, #tpu.memory_space<vmem>>, vector<1x16xf32>,
      %broadcast_in_dim3A_302 = arith.constant 0.000000e+00 : f32
      %broadcast_in_dim3A_303 = vector.broadcast %broadcast_in_dim3A_302 : f32 to vector<16xf32>
      %scan3A_304 = arith.constant 0 : i32
      %scan3A_305 = arith.constant 50 : i32
      %scan3A_306 = arith.addi %scan3A_304, %scan3A_305 : i32
      %scan3A_307 = arith.constant 1 : i32
      %scan3A_308:4 = scf.for %scan3A_721 = %scan3A_304 to %scan3A_306 step %scan3A_307 iter_args(%scan3A_722 = %broadcast_in_dim3A_303, %scan3A_723 = %broadcast_in_dim3A_303, %scan3A_724 = %broadcast_in_dim3A_303, %scan3A_725 = %broadcast_in_dim3A_303) -> (vector<16xf32>, vector<16xf32>, vector<16xf32>, vector<16xf32>)  : i32 {
        %add3A_726 = arith.constant 150 : i32
        %add3A_727 = arith.addi %add3A_726, %scan3A_721 : i32
        %get3A = arith.index_cast %add3A_727 : i32 to index
        %get3A_728 = arith.constant 0 : index
        %get3A_729 = tpu.vector_load %arg24[%get3A, %get3A_728] {strides = array<i32>} : memref<800x64xf32, #tpu.memory_space<vmem>>, vector<1x16xf32>,
        %get3A_730 = vector.shape_cast %get3A_729 : vector<1x16xf32> to vector<16xf32>
        %add3A_731 = arith.addf %scan3A_722, %get3A_730 : vector<16xf32>
        %add3A_732 = arith.constant 150 : i32
        %add3A_733 = arith.addi %add3A_732, %scan3A_721 : i32
        %get3A_734 = arith.index_cast %add3A_733 : i32 to index
        %get3A_735 = arith.constant 16 : index
        %get3A_736 = tpu.vector_load %arg24[%get3A_734, %get3A_735] {strides = array<i32>} : memref<800x64xf32, #tpu.memory_space<vmem>>, vector<1x16xf32>,
        %get3A_737 = vector.shape_cast %get3A_736 : vector<1x16xf32> to vector<16xf32>
        %add3A_738 = arith.addf %scan3A_723, %get3A_737 : vector<16xf32>
        %add3A_739 = arith.constant 150 : i32
        %add3A_740 = arith.addi %add3A_739, %scan3A_721 : i32
        %get3A_741 = arith.index_cast %add3A_740 : i32 to index
        %get3A_742 = arith.constant 32 : index
        %get3A_743 = tpu.vector_load %arg24[%get3A_741, %get3A_742] {strides = array<i32>} : memref<800x64xf32, #tpu.memory_space<vmem>>, vector<1x16xf32>,
        %get3A_744 = vector.shape_cast %get3A_743 : vector<1x16xf32> to vector<16xf32>
        %add3A_745 = arith.addf %scan3A_724, %get3A_744 : vector<16xf32>
        %add3A_746 = arith.constant 150 : i32
        %add3A_747 = arith.addi %add3A_746, %scan3A_721 : i32
        %get3A_748 = arith.index_cast %add3A_747 : i32 to index
        %get3A_749 = arith.constant 48 : index
        %get3A_750 = tpu.vector_load %arg24[%get3A_748, %get3A_749] {strides = array<i32>} : memref<800x64xf32, #tpu.memory_space<vmem>>, vector<1x16xf32>,
        %get3A_751 = vector.shape_cast %get3A_750 : vector<1x16xf32> to vector<16xf32>
        %add3A_752 = arith.addf %scan3A_725, %get3A_751 : vector<16xf32>
        scf.yield %add3A_731, %add3A_738, %add3A_745, %add3A_752 : vector<16xf32>, vector<16xf32>, vector<16xf32>, vector<16xf32>
      }
      %scan3A_309 = arith.constant 50 : i32
      %swap3A_310 = arith.constant 3 : i32
      %swap3A_311 = arith.index_cast %swap3A_310 : i32 to index
      %swap3A_312 = arith.constant 0 : index
      %swap3A_313 = tpu.vector_load %arg25[%swap3A_311, %swap3A_312] {strides = array<i32>} : memref<16x64xf32, #tpu.memory_space<vmem>>, vector<1x16xf32>,
      %swap3A_314 = vector.shape_cast %swap3A_313 : vector<1x16xf32> to vector<16xf32>
      %swap3A_315 = vector.shape_cast %scan3A_308#0 : vector<16xf32> to vector<1x16xf32>
      tpu.vector_store %arg25[%swap3A_311, %swap3A_312], %swap3A_315 {strides = array<i32>} : memref<16x64xf32, #tpu.memory_space<vmem>>, vector<1x16xf32>,
      %swap3A_316 = arith.constant 3 : i32
      %swap3A_317 = arith.index_cast %swap3A_316 : i32 to index
      %swap3A_318 = arith.constant 16 : index
      %swap3A_319 = tpu.vector_load %arg25[%swap3A_317, %swap3A_318] {strides = array<i32>} : memref<16x64xf32, #tpu.memory_space<vmem>>, vector<1x16xf32>,
      %swap3A_320 = vector.shape_cast %swap3A_319 : vector<1x16xf32> to vector<16xf32>
      %swap3A_321 = vector.shape_cast %scan3A_308#1 : vector<16xf32> to vector<1x16xf32>
      tpu.vector_store %arg25[%swap3A_317, %swap3A_318], %swap3A_321 {strides = array<i32>} : memref<16x64xf32, #tpu.memory_space<vmem>>, vector<1x16xf32>,
      %swap3A_322 = arith.constant 3 : i32
      %swap3A_323 = arith.index_cast %swap3A_322 : i32 to index
      %swap3A_324 = arith.constant 32 : index
      %swap3A_325 = tpu.vector_load %arg25[%swap3A_323, %swap3A_324] {strides = array<i32>} : memref<16x64xf32, #tpu.memory_space<vmem>>, vector<1x16xf32>,
      %swap3A_326 = vector.shape_cast %swap3A_325 : vector<1x16xf32> to vector<16xf32>
      %swap3A_327 = vector.shape_cast %scan3A_308#2 : vector<16xf32> to vector<1x16xf32>
      tpu.vector_store %arg25[%swap3A_323, %swap3A_324], %swap3A_327 {strides = array<i32>} : memref<16x64xf32, #tpu.memory_space<vmem>>, vector<1x16xf32>,
      %swap3A_328 = arith.constant 3 : i32
      %swap3A_329 = arith.index_cast %swap3A_328 : i32 to index
      %swap3A_330 = arith.constant 48 : index
      %swap3A_331 = tpu.vector_load %arg25[%swap3A_329, %swap3A_330] {strides = array<i32>} : memref<16x64xf32, #tpu.memory_space<vmem>>, vector<1x16xf32>,
      %swap3A_332 = vector.shape_cast %swap3A_331 : vector<1x16xf32> to vector<16xf32>
      %swap3A_333 = vector.shape_cast %scan3A_308#3 : vector<16xf32> to vector<1x16xf32>
      tpu.vector_store %arg25[%swap3A_329, %swap3A_330], %swap3A_333 {strides = array<i32>} : memref<16x64xf32, #tpu.memory_space<vmem>>, vector<1x16xf32>,
      %broadcast_in_dim3A_334 = arith.constant 0.000000e+00 : f32
      %broadcast_in_dim3A_335 = vector.broadcast %broadcast_in_dim3A_334 : f32 to vector<16xf32>
      %scan3A_336 = arith.constant 0 : i32
      %scan3A_337 = arith.constant 50 : i32
      %scan3A_338 = arith.addi %scan3A_336, %scan3A_337 : i32
      %scan3A_339 = arith.constant 1 : i32
      %scan3A_340:4 = scf.for %scan3A_721 = %scan3A_336 to %scan3A_338 step %scan3A_339 iter_args(%scan3A_722 = %broadcast_in_dim3A_335, %scan3A_723 = %broadcast_in_dim3A_335, %scan3A_724 = %broadcast_in_dim3A_335, %scan3A_725 = %broadcast_in_dim3A_335) -> (vector<16xf32>, vector<16xf32>, vector<16xf32>, vector<16xf32>)  : i32 {
        %add3A_726 = arith.constant 200 : i32
        %add3A_727 = arith.addi %add3A_726, %scan3A_721 : i32
        %get3A = arith.index_cast %add3A_727 : i32 to index
        %get3A_728 = arith.constant 0 : index
        %get3A_729 = tpu.vector_load %arg24[%get3A, %get3A_728] {strides = array<i32>} : memref<800x64xf32, #tpu.memory_space<vmem>>, vector<1x16xf32>,
        %get3A_730 = vector.shape_cast %get3A_729 : vector<1x16xf32> to vector<16xf32>
        %add3A_731 = arith.addf %scan3A_722, %get3A_730 : vector<16xf32>
        %add3A_732 = arith.constant 200 : i32
        %add3A_733 = arith.addi %add3A_732, %scan3A_721 : i32
        %get3A_734 = arith.index_cast %add3A_733 : i32 to index
        %get3A_735 = arith.constant 16 : index
        %get3A_736 = tpu.vector_load %arg24[%get3A_734, %get3A_735] {strides = array<i32>} : memref<800x64xf32, #tpu.memory_space<vmem>>, vector<1x16xf32>,
        %get3A_737 = vector.shape_cast %get3A_736 : vector<1x16xf32> to vector<16xf32>
        %add3A_738 = arith.addf %scan3A_723, %get3A_737 : vector<16xf32>
        %add3A_739 = arith.constant 200 : i32
        %add3A_740 = arith.addi %add3A_739, %scan3A_721 : i32
        %get3A_741 = arith.index_cast %add3A_740 : i32 to index
        %get3A_742 = arith.constant 32 : index
        %get3A_743 = tpu.vector_load %arg24[%get3A_741, %get3A_742] {strides = array<i32>} : memref<800x64xf32, #tpu.memory_space<vmem>>, vector<1x16xf32>,
        %get3A_744 = vector.shape_cast %get3A_743 : vector<1x16xf32> to vector<16xf32>
        %add3A_745 = arith.addf %scan3A_724, %get3A_744 : vector<16xf32>
        %add3A_746 = arith.constant 200 : i32
        %add3A_747 = arith.addi %add3A_746, %scan3A_721 : i32
        %get3A_748 = arith.index_cast %add3A_747 : i32 to index
        %get3A_749 = arith.constant 48 : index
        %get3A_750 = tpu.vector_load %arg24[%get3A_748, %get3A_749] {strides = array<i32>} : memref<800x64xf32, #tpu.memory_space<vmem>>, vector<1x16xf32>,
        %get3A_751 = vector.shape_cast %get3A_750 : vector<1x16xf32> to vector<16xf32>
        %add3A_752 = arith.addf %scan3A_725, %get3A_751 : vector<16xf32>
        scf.yield %add3A_731, %add3A_738, %add3A_745, %add3A_752 : vector<16xf32>, vector<16xf32>, vector<16xf32>, vector<16xf32>
      }
      %scan3A_341 = arith.constant 50 : i32
      %swap3A_342 = arith.constant 4 : i32
      %swap3A_343 = arith.index_cast %swap3A_342 : i32 to index
      %swap3A_344 = arith.constant 0 : index
      %swap3A_345 = tpu.vector_load %arg25[%swap3A_343, %swap3A_344] {strides = array<i32>} : memref<16x64xf32, #tpu.memory_space<vmem>>, vector<1x16xf32>,
      %swap3A_346 = vector.shape_cast %swap3A_345 : vector<1x16xf32> to vector<16xf32>
      %swap3A_347 = vector.shape_cast %scan3A_340#0 : vector<16xf32> to vector<1x16xf32>
      tpu.vector_store %arg25[%swap3A_343, %swap3A_344], %swap3A_347 {strides = array<i32>} : memref<16x64xf32, #tpu.memory_space<vmem>>, vector<1x16xf32>,
      %swap3A_348 = arith.constant 4 : i32
      %swap3A_349 = arith.index_cast %swap3A_348 : i32 to index
      %swap3A_350 = arith.constant 16 : index
      %swap3A_351 = tpu.vector_load %arg25[%swap3A_349, %swap3A_350] {strides = array<i32>} : memref<16x64xf32, #tpu.memory_space<vmem>>, vector<1x16xf32>,
      %swap3A_352 = vector.shape_cast %swap3A_351 : vector<1x16xf32> to vector<16xf32>
      %swap3A_353 = vector.shape_cast %scan3A_340#1 : vector<16xf32> to vector<1x16xf32>
      tpu.vector_store %arg25[%swap3A_349, %swap3A_350], %swap3A_353 {strides = array<i32>} : memref<16x64xf32, #tpu.memory_space<vmem>>, vector<1x16xf32>,
      %swap3A_354 = arith.constant 4 : i32
      %swap3A_355 = arith.index_cast %swap3A_354 : i32 to index
      %swap3A_356 = arith.constant 32 : index
      %swap3A_357 = tpu.vector_load %arg25[%swap3A_355, %swap3A_356] {strides = array<i32>} : memref<16x64xf32, #tpu.memory_space<vmem>>, vector<1x16xf32>,
      %swap3A_358 = vector.shape_cast %swap3A_357 : vector<1x16xf32> to vector<16xf32>
      %swap3A_359 = vector.shape_cast %scan3A_340#2 : vector<16xf32> to vector<1x16xf32>
      tpu.vector_store %arg25[%swap3A_355, %swap3A_356], %swap3A_359 {strides = array<i32>} : memref<16x64xf32, #tpu.memory_space<vmem>>, vector<1x16xf32>,
      %swap3A_360 = arith.constant 4 : i32
      %swap3A_361 = arith.index_cast %swap3A_360 : i32 to index
      %swap3A_362 = arith.constant 48 : index
      %swap3A_363 = tpu.vector_load %arg25[%swap3A_361, %swap3A_362] {strides = array<i32>} : memref<16x64xf32, #tpu.memory_space<vmem>>, vector<1x16xf32>,
      %swap3A_364 = vector.shape_cast %swap3A_363 : vector<1x16xf32> to vector<16xf32>
      %swap3A_365 = vector.shape_cast %scan3A_340#3 : vector<16xf32> to vector<1x16xf32>
      tpu.vector_store %arg25[%swap3A_361, %swap3A_362], %swap3A_365 {strides = array<i32>} : memref<16x64xf32, #tpu.memory_space<vmem>>, vector<1x16xf32>,
      %broadcast_in_dim3A_366 = arith.constant 0.000000e+00 : f32
      %broadcast_in_dim3A_367 = vector.broadcast %broadcast_in_dim3A_366 : f32 to vector<16xf32>
      %scan3A_368 = arith.constant 0 : i32
      %scan3A_369 = arith.constant 50 : i32
      %scan3A_370 = arith.addi %scan3A_368, %scan3A_369 : i32
      %scan3A_371 = arith.constant 1 : i32
      %scan3A_372:4 = scf.for %scan3A_721 = %scan3A_368 to %scan3A_370 step %scan3A_371 iter_args(%scan3A_722 = %broadcast_in_dim3A_367, %scan3A_723 = %broadcast_in_dim3A_367, %scan3A_724 = %broadcast_in_dim3A_367, %scan3A_725 = %broadcast_in_dim3A_367) -> (vector<16xf32>, vector<16xf32>, vector<16xf32>, vector<16xf32>)  : i32 {
        %add3A_726 = arith.constant 250 : i32
        %add3A_727 = arith.addi %add3A_726, %scan3A_721 : i32
        %get3A = arith.index_cast %add3A_727 : i32 to index
        %get3A_728 = arith.constant 0 : index
        %get3A_729 = tpu.vector_load %arg24[%get3A, %get3A_728] {strides = array<i32>} : memref<800x64xf32, #tpu.memory_space<vmem>>, vector<1x16xf32>,
        %get3A_730 = vector.shape_cast %get3A_729 : vector<1x16xf32> to vector<16xf32>
        %add3A_731 = arith.addf %scan3A_722, %get3A_730 : vector<16xf32>
        %add3A_732 = arith.constant 250 : i32
        %add3A_733 = arith.addi %add3A_732, %scan3A_721 : i32
        %get3A_734 = arith.index_cast %add3A_733 : i32 to index
        %get3A_735 = arith.constant 16 : index
        %get3A_736 = tpu.vector_load %arg24[%get3A_734, %get3A_735] {strides = array<i32>} : memref<800x64xf32, #tpu.memory_space<vmem>>, vector<1x16xf32>,
        %get3A_737 = vector.shape_cast %get3A_736 : vector<1x16xf32> to vector<16xf32>
        %add3A_738 = arith.addf %scan3A_723, %get3A_737 : vector<16xf32>
        %add3A_739 = arith.constant 250 : i32
        %add3A_740 = arith.addi %add3A_739, %scan3A_721 : i32
        %get3A_741 = arith.index_cast %add3A_740 : i32 to index
        %get3A_742 = arith.constant 32 : index
        %get3A_743 = tpu.vector_load %arg24[%get3A_741, %get3A_742] {strides = array<i32>} : memref<800x64xf32, #tpu.memory_space<vmem>>, vector<1x16xf32>,
        %get3A_744 = vector.shape_cast %get3A_743 : vector<1x16xf32> to vector<16xf32>
        %add3A_745 = arith.addf %scan3A_724, %get3A_744 : vector<16xf32>
        %add3A_746 = arith.constant 250 : i32
        %add3A_747 = arith.addi %add3A_746, %scan3A_721 : i32
        %get3A_748 = arith.index_cast %add3A_747 : i32 to index
        %get3A_749 = arith.constant 48 : index
        %get3A_750 = tpu.vector_load %arg24[%get3A_748, %get3A_749] {strides = array<i32>} : memref<800x64xf32, #tpu.memory_space<vmem>>, vector<1x16xf32>,
        %get3A_751 = vector.shape_cast %get3A_750 : vector<1x16xf32> to vector<16xf32>
        %add3A_752 = arith.addf %scan3A_725, %get3A_751 : vector<16xf32>
        scf.yield %add3A_731, %add3A_738, %add3A_745, %add3A_752 : vector<16xf32>, vector<16xf32>, vector<16xf32>, vector<16xf32>
      }
      %scan3A_373 = arith.constant 50 : i32
      %swap3A_374 = arith.constant 5 : i32
      %swap3A_375 = arith.index_cast %swap3A_374 : i32 to index
      %swap3A_376 = arith.constant 0 : index
      %swap3A_377 = tpu.vector_load %arg25[%swap3A_375, %swap3A_376] {strides = array<i32>} : memref<16x64xf32, #tpu.memory_space<vmem>>, vector<1x16xf32>,
      %swap3A_378 = vector.shape_cast %swap3A_377 : vector<1x16xf32> to vector<16xf32>
      %swap3A_379 = vector.shape_cast %scan3A_372#0 : vector<16xf32> to vector<1x16xf32>
      tpu.vector_store %arg25[%swap3A_375, %swap3A_376], %swap3A_379 {strides = array<i32>} : memref<16x64xf32, #tpu.memory_space<vmem>>, vector<1x16xf32>,
      %swap3A_380 = arith.constant 5 : i32
      %swap3A_381 = arith.index_cast %swap3A_380 : i32 to index
      %swap3A_382 = arith.constant 16 : index
      %swap3A_383 = tpu.vector_load %arg25[%swap3A_381, %swap3A_382] {strides = array<i32>} : memref<16x64xf32, #tpu.memory_space<vmem>>, vector<1x16xf32>,
      %swap3A_384 = vector.shape_cast %swap3A_383 : vector<1x16xf32> to vector<16xf32>
      %swap3A_385 = vector.shape_cast %scan3A_372#1 : vector<16xf32> to vector<1x16xf32>
      tpu.vector_store %arg25[%swap3A_381, %swap3A_382], %swap3A_385 {strides = array<i32>} : memref<16x64xf32, #tpu.memory_space<vmem>>, vector<1x16xf32>,
      %swap3A_386 = arith.constant 5 : i32
      %swap3A_387 = arith.index_cast %swap3A_386 : i32 to index
      %swap3A_388 = arith.constant 32 : index
      %swap3A_389 = tpu.vector_load %arg25[%swap3A_387, %swap3A_388] {strides = array<i32>} : memref<16x64xf32, #tpu.memory_space<vmem>>, vector<1x16xf32>,
      %swap3A_390 = vector.shape_cast %swap3A_389 : vector<1x16xf32> to vector<16xf32>
      %swap3A_391 = vector.shape_cast %scan3A_372#2 : vector<16xf32> to vector<1x16xf32>
      tpu.vector_store %arg25[%swap3A_387, %swap3A_388], %swap3A_391 {strides = array<i32>} : memref<16x64xf32, #tpu.memory_space<vmem>>, vector<1x16xf32>,
      %swap3A_392 = arith.constant 5 : i32
      %swap3A_393 = arith.index_cast %swap3A_392 : i32 to index
      %swap3A_394 = arith.constant 48 : index
      %swap3A_395 = tpu.vector_load %arg25[%swap3A_393, %swap3A_394] {strides = array<i32>} : memref<16x64xf32, #tpu.memory_space<vmem>>, vector<1x16xf32>,
      %swap3A_396 = vector.shape_cast %swap3A_395 : vector<1x16xf32> to vector<16xf32>
      %swap3A_397 = vector.shape_cast %scan3A_372#3 : vector<16xf32> to vector<1x16xf32>
      tpu.vector_store %arg25[%swap3A_393, %swap3A_394], %swap3A_397 {strides = array<i32>} : memref<16x64xf32, #tpu.memory_space<vmem>>, vector<1x16xf32>,
      %broadcast_in_dim3A_398 = arith.constant 0.000000e+00 : f32
      %broadcast_in_dim3A_399 = vector.broadcast %broadcast_in_dim3A_398 : f32 to vector<16xf32>
      %scan3A_400 = arith.constant 0 : i32
      %scan3A_401 = arith.constant 50 : i32
      %scan3A_402 = arith.addi %scan3A_400, %scan3A_401 : i32
      %scan3A_403 = arith.constant 1 : i32
      %scan3A_404:4 = scf.for %scan3A_721 = %scan3A_400 to %scan3A_402 step %scan3A_403 iter_args(%scan3A_722 = %broadcast_in_dim3A_399, %scan3A_723 = %broadcast_in_dim3A_399, %scan3A_724 = %broadcast_in_dim3A_399, %scan3A_725 = %broadcast_in_dim3A_399) -> (vector<16xf32>, vector<16xf32>, vector<16xf32>, vector<16xf32>)  : i32 {
        %add3A_726 = arith.constant 300 : i32
        %add3A_727 = arith.addi %add3A_726, %scan3A_721 : i32
        %get3A = arith.index_cast %add3A_727 : i32 to index
        %get3A_728 = arith.constant 0 : index
        %get3A_729 = tpu.vector_load %arg24[%get3A, %get3A_728] {strides = array<i32>} : memref<800x64xf32, #tpu.memory_space<vmem>>, vector<1x16xf32>,
        %get3A_730 = vector.shape_cast %get3A_729 : vector<1x16xf32> to vector<16xf32>
        %add3A_731 = arith.addf %scan3A_722, %get3A_730 : vector<16xf32>
        %add3A_732 = arith.constant 300 : i32
        %add3A_733 = arith.addi %add3A_732, %scan3A_721 : i32
        %get3A_734 = arith.index_cast %add3A_733 : i32 to index
        %get3A_735 = arith.constant 16 : index
        %get3A_736 = tpu.vector_load %arg24[%get3A_734, %get3A_735] {strides = array<i32>} : memref<800x64xf32, #tpu.memory_space<vmem>>, vector<1x16xf32>,
        %get3A_737 = vector.shape_cast %get3A_736 : vector<1x16xf32> to vector<16xf32>
        %add3A_738 = arith.addf %scan3A_723, %get3A_737 : vector<16xf32>
        %add3A_739 = arith.constant 300 : i32
        %add3A_740 = arith.addi %add3A_739, %scan3A_721 : i32
        %get3A_741 = arith.index_cast %add3A_740 : i32 to index
        %get3A_742 = arith.constant 32 : index
        %get3A_743 = tpu.vector_load %arg24[%get3A_741, %get3A_742] {strides = array<i32>} : memref<800x64xf32, #tpu.memory_space<vmem>>, vector<1x16xf32>,
        %get3A_744 = vector.shape_cast %get3A_743 : vector<1x16xf32> to vector<16xf32>
        %add3A_745 = arith.addf %scan3A_724, %get3A_744 : vector<16xf32>
        %add3A_746 = arith.constant 300 : i32
        %add3A_747 = arith.addi %add3A_746, %scan3A_721 : i32
        %get3A_748 = arith.index_cast %add3A_747 : i32 to index
        %get3A_749 = arith.constant 48 : index
        %get3A_750 = tpu.vector_load %arg24[%get3A_748, %get3A_749] {strides = array<i32>} : memref<800x64xf32, #tpu.memory_space<vmem>>, vector<1x16xf32>,
        %get3A_751 = vector.shape_cast %get3A_750 : vector<1x16xf32> to vector<16xf32>
        %add3A_752 = arith.addf %scan3A_725, %get3A_751 : vector<16xf32>
        scf.yield %add3A_731, %add3A_738, %add3A_745, %add3A_752 : vector<16xf32>, vector<16xf32>, vector<16xf32>, vector<16xf32>
      }
      %scan3A_405 = arith.constant 50 : i32
      %swap3A_406 = arith.constant 6 : i32
      %swap3A_407 = arith.index_cast %swap3A_406 : i32 to index
      %swap3A_408 = arith.constant 0 : index
      %swap3A_409 = tpu.vector_load %arg25[%swap3A_407, %swap3A_408] {strides = array<i32>} : memref<16x64xf32, #tpu.memory_space<vmem>>, vector<1x16xf32>,
      %swap3A_410 = vector.shape_cast %swap3A_409 : vector<1x16xf32> to vector<16xf32>
      %swap3A_411 = vector.shape_cast %scan3A_404#0 : vector<16xf32> to vector<1x16xf32>
      tpu.vector_store %arg25[%swap3A_407, %swap3A_408], %swap3A_411 {strides = array<i32>} : memref<16x64xf32, #tpu.memory_space<vmem>>, vector<1x16xf32>,
      %swap3A_412 = arith.constant 6 : i32
      %swap3A_413 = arith.index_cast %swap3A_412 : i32 to index
      %swap3A_414 = arith.constant 16 : index
      %swap3A_415 = tpu.vector_load %arg25[%swap3A_413, %swap3A_414] {strides = array<i32>} : memref<16x64xf32, #tpu.memory_space<vmem>>, vector<1x16xf32>,
      %swap3A_416 = vector.shape_cast %swap3A_415 : vector<1x16xf32> to vector<16xf32>
      %swap3A_417 = vector.shape_cast %scan3A_404#1 : vector<16xf32> to vector<1x16xf32>
      tpu.vector_store %arg25[%swap3A_413, %swap3A_414], %swap3A_417 {strides = array<i32>} : memref<16x64xf32, #tpu.memory_space<vmem>>, vector<1x16xf32>,
      %swap3A_418 = arith.constant 6 : i32
      %swap3A_419 = arith.index_cast %swap3A_418 : i32 to index
      %swap3A_420 = arith.constant 32 : index
      %swap3A_421 = tpu.vector_load %arg25[%swap3A_419, %swap3A_420] {strides = array<i32>} : memref<16x64xf32, #tpu.memory_space<vmem>>, vector<1x16xf32>,
      %swap3A_422 = vector.shape_cast %swap3A_421 : vector<1x16xf32> to vector<16xf32>
      %swap3A_423 = vector.shape_cast %scan3A_404#2 : vector<16xf32> to vector<1x16xf32>
      tpu.vector_store %arg25[%swap3A_419, %swap3A_420], %swap3A_423 {strides = array<i32>} : memref<16x64xf32, #tpu.memory_space<vmem>>, vector<1x16xf32>,
      %swap3A_424 = arith.constant 6 : i32
      %swap3A_425 = arith.index_cast %swap3A_424 : i32 to index
      %swap3A_426 = arith.constant 48 : index
      %swap3A_427 = tpu.vector_load %arg25[%swap3A_425, %swap3A_426] {strides = array<i32>} : memref<16x64xf32, #tpu.memory_space<vmem>>, vector<1x16xf32>,
      %swap3A_428 = vector.shape_cast %swap3A_427 : vector<1x16xf32> to vector<16xf32>
      %swap3A_429 = vector.shape_cast %scan3A_404#3 : vector<16xf32> to vector<1x16xf32>
      tpu.vector_store %arg25[%swap3A_425, %swap3A_426], %swap3A_429 {strides = array<i32>} : memref<16x64xf32, #tpu.memory_space<vmem>>, vector<1x16xf32>,
      %broadcast_in_dim3A_430 = arith.constant 0.000000e+00 : f32
      %broadcast_in_dim3A_431 = vector.broadcast %broadcast_in_dim3A_430 : f32 to vector<16xf32>
      %scan3A_432 = arith.constant 0 : i32
      %scan3A_433 = arith.constant 50 : i32
      %scan3A_434 = arith.addi %scan3A_432, %scan3A_433 : i32
      %scan3A_435 = arith.constant 1 : i32
      %scan3A_436:4 = scf.for %scan3A_721 = %scan3A_432 to %scan3A_434 step %scan3A_435 iter_args(%scan3A_722 = %broadcast_in_dim3A_431, %scan3A_723 = %broadcast_in_dim3A_431, %scan3A_724 = %broadcast_in_dim3A_431, %scan3A_725 = %broadcast_in_dim3A_431) -> (vector<16xf32>, vector<16xf32>, vector<16xf32>, vector<16xf32>)  : i32 {
        %add3A_726 = arith.constant 350 : i32
        %add3A_727 = arith.addi %add3A_726, %scan3A_721 : i32
        %get3A = arith.index_cast %add3A_727 : i32 to index
        %get3A_728 = arith.constant 0 : index
        %get3A_729 = tpu.vector_load %arg24[%get3A, %get3A_728] {strides = array<i32>} : memref<800x64xf32, #tpu.memory_space<vmem>>, vector<1x16xf32>,
        %get3A_730 = vector.shape_cast %get3A_729 : vector<1x16xf32> to vector<16xf32>
        %add3A_731 = arith.addf %scan3A_722, %get3A_730 : vector<16xf32>
        %add3A_732 = arith.constant 350 : i32
        %add3A_733 = arith.addi %add3A_732, %scan3A_721 : i32
        %get3A_734 = arith.index_cast %add3A_733 : i32 to index
        %get3A_735 = arith.constant 16 : index
        %get3A_736 = tpu.vector_load %arg24[%get3A_734, %get3A_735] {strides = array<i32>} : memref<800x64xf32, #tpu.memory_space<vmem>>, vector<1x16xf32>,
        %get3A_737 = vector.shape_cast %get3A_736 : vector<1x16xf32> to vector<16xf32>
        %add3A_738 = arith.addf %scan3A_723, %get3A_737 : vector<16xf32>
        %add3A_739 = arith.constant 350 : i32
        %add3A_740 = arith.addi %add3A_739, %scan3A_721 : i32
        %get3A_741 = arith.index_cast %add3A_740 : i32 to index
        %get3A_742 = arith.constant 32 : index
        %get3A_743 = tpu.vector_load %arg24[%get3A_741, %get3A_742] {strides = array<i32>} : memref<800x64xf32, #tpu.memory_space<vmem>>, vector<1x16xf32>,
        %get3A_744 = vector.shape_cast %get3A_743 : vector<1x16xf32> to vector<16xf32>
        %add3A_745 = arith.addf %scan3A_724, %get3A_744 : vector<16xf32>
        %add3A_746 = arith.constant 350 : i32
        %add3A_747 = arith.addi %add3A_746, %scan3A_721 : i32
        %get3A_748 = arith.index_cast %add3A_747 : i32 to index
        %get3A_749 = arith.constant 48 : index
        %get3A_750 = tpu.vector_load %arg24[%get3A_748, %get3A_749] {strides = array<i32>} : memref<800x64xf32, #tpu.memory_space<vmem>>, vector<1x16xf32>,
        %get3A_751 = vector.shape_cast %get3A_750 : vector<1x16xf32> to vector<16xf32>
        %add3A_752 = arith.addf %scan3A_725, %get3A_751 : vector<16xf32>
        scf.yield %add3A_731, %add3A_738, %add3A_745, %add3A_752 : vector<16xf32>, vector<16xf32>, vector<16xf32>, vector<16xf32>
      }
      %scan3A_437 = arith.constant 50 : i32
      %swap3A_438 = arith.constant 7 : i32
      %swap3A_439 = arith.index_cast %swap3A_438 : i32 to index
      %swap3A_440 = arith.constant 0 : index
      %swap3A_441 = tpu.vector_load %arg25[%swap3A_439, %swap3A_440] {strides = array<i32>} : memref<16x64xf32, #tpu.memory_space<vmem>>, vector<1x16xf32>,
      %swap3A_442 = vector.shape_cast %swap3A_441 : vector<1x16xf32> to vector<16xf32>
      %swap3A_443 = vector.shape_cast %scan3A_436#0 : vector<16xf32> to vector<1x16xf32>
      tpu.vector_store %arg25[%swap3A_439, %swap3A_440], %swap3A_443 {strides = array<i32>} : memref<16x64xf32, #tpu.memory_space<vmem>>, vector<1x16xf32>,
      %swap3A_444 = arith.constant 7 : i32
      %swap3A_445 = arith.index_cast %swap3A_444 : i32 to index
      %swap3A_446 = arith.constant 16 : index
      %swap3A_447 = tpu.vector_load %arg25[%swap3A_445, %swap3A_446] {strides = array<i32>} : memref<16x64xf32, #tpu.memory_space<vmem>>, vector<1x16xf32>,
      %swap3A_448 = vector.shape_cast %swap3A_447 : vector<1x16xf32> to vector<16xf32>
      %swap3A_449 = vector.shape_cast %scan3A_436#1 : vector<16xf32> to vector<1x16xf32>
      tpu.vector_store %arg25[%swap3A_445, %swap3A_446], %swap3A_449 {strides = array<i32>} : memref<16x64xf32, #tpu.memory_space<vmem>>, vector<1x16xf32>,
      %swap3A_450 = arith.constant 7 : i32
      %swap3A_451 = arith.index_cast %swap3A_450 : i32 to index
      %swap3A_452 = arith.constant 32 : index
      %swap3A_453 = tpu.vector_load %arg25[%swap3A_451, %swap3A_452] {strides = array<i32>} : memref<16x64xf32, #tpu.memory_space<vmem>>, vector<1x16xf32>,
      %swap3A_454 = vector.shape_cast %swap3A_453 : vector<1x16xf32> to vector<16xf32>
      %swap3A_455 = vector.shape_cast %scan3A_436#2 : vector<16xf32> to vector<1x16xf32>
      tpu.vector_store %arg25[%swap3A_451, %swap3A_452], %swap3A_455 {strides = array<i32>} : memref<16x64xf32, #tpu.memory_space<vmem>>, vector<1x16xf32>,
      %swap3A_456 = arith.constant 7 : i32
      %swap3A_457 = arith.index_cast %swap3A_456 : i32 to index
      %swap3A_458 = arith.constant 48 : index
      %swap3A_459 = tpu.vector_load %arg25[%swap3A_457, %swap3A_458] {strides = array<i32>} : memref<16x64xf32, #tpu.memory_space<vmem>>, vector<1x16xf32>,
      %swap3A_460 = vector.shape_cast %swap3A_459 : vector<1x16xf32> to vector<16xf32>
      %swap3A_461 = vector.shape_cast %scan3A_436#3 : vector<16xf32> to vector<1x16xf32>
      tpu.vector_store %arg25[%swap3A_457, %swap3A_458], %swap3A_461 {strides = array<i32>} : memref<16x64xf32, #tpu.memory_space<vmem>>, vector<1x16xf32>,
      %broadcast_in_dim3A_462 = arith.constant 0.000000e+00 : f32
      %broadcast_in_dim3A_463 = vector.broadcast %broadcast_in_dim3A_462 : f32 to vector<16xf32>
      %scan3A_464 = arith.constant 0 : i32
      %scan3A_465 = arith.constant 50 : i32
      %scan3A_466 = arith.addi %scan3A_464, %scan3A_465 : i32
      %scan3A_467 = arith.constant 1 : i32
      %scan3A_468:4 = scf.for %scan3A_721 = %scan3A_464 to %scan3A_466 step %scan3A_467 iter_args(%scan3A_722 = %broadcast_in_dim3A_463, %scan3A_723 = %broadcast_in_dim3A_463, %scan3A_724 = %broadcast_in_dim3A_463, %scan3A_725 = %broadcast_in_dim3A_463) -> (vector<16xf32>, vector<16xf32>, vector<16xf32>, vector<16xf32>)  : i32 {
        %add3A_726 = arith.constant 400 : i32
        %add3A_727 = arith.addi %add3A_726, %scan3A_721 : i32
        %get3A = arith.index_cast %add3A_727 : i32 to index
        %get3A_728 = arith.constant 0 : index
        %get3A_729 = tpu.vector_load %arg24[%get3A, %get3A_728] {strides = array<i32>} : memref<800x64xf32, #tpu.memory_space<vmem>>, vector<1x16xf32>,
        %get3A_730 = vector.shape_cast %get3A_729 : vector<1x16xf32> to vector<16xf32>
        %add3A_731 = arith.addf %scan3A_722, %get3A_730 : vector<16xf32>
        %add3A_732 = arith.constant 400 : i32
        %add3A_733 = arith.addi %add3A_732, %scan3A_721 : i32
        %get3A_734 = arith.index_cast %add3A_733 : i32 to index
        %get3A_735 = arith.constant 16 : index
        %get3A_736 = tpu.vector_load %arg24[%get3A_734, %get3A_735] {strides = array<i32>} : memref<800x64xf32, #tpu.memory_space<vmem>>, vector<1x16xf32>,
        %get3A_737 = vector.shape_cast %get3A_736 : vector<1x16xf32> to vector<16xf32>
        %add3A_738 = arith.addf %scan3A_723, %get3A_737 : vector<16xf32>
        %add3A_739 = arith.constant 400 : i32
        %add3A_740 = arith.addi %add3A_739, %scan3A_721 : i32
        %get3A_741 = arith.index_cast %add3A_740 : i32 to index
        %get3A_742 = arith.constant 32 : index
        %get3A_743 = tpu.vector_load %arg24[%get3A_741, %get3A_742] {strides = array<i32>} : memref<800x64xf32, #tpu.memory_space<vmem>>, vector<1x16xf32>,
        %get3A_744 = vector.shape_cast %get3A_743 : vector<1x16xf32> to vector<16xf32>
        %add3A_745 = arith.addf %scan3A_724, %get3A_744 : vector<16xf32>
        %add3A_746 = arith.constant 400 : i32
        %add3A_747 = arith.addi %add3A_746, %scan3A_721 : i32
        %get3A_748 = arith.index_cast %add3A_747 : i32 to index
        %get3A_749 = arith.constant 48 : index
        %get3A_750 = tpu.vector_load %arg24[%get3A_748, %get3A_749] {strides = array<i32>} : memref<800x64xf32, #tpu.memory_space<vmem>>, vector<1x16xf32>,
        %get3A_751 = vector.shape_cast %get3A_750 : vector<1x16xf32> to vector<16xf32>
        %add3A_752 = arith.addf %scan3A_725, %get3A_751 : vector<16xf32>
        scf.yield %add3A_731, %add3A_738, %add3A_745, %add3A_752 : vector<16xf32>, vector<16xf32>, vector<16xf32>, vector<16xf32>
      }
      %scan3A_469 = arith.constant 50 : i32
      %swap3A_470 = arith.constant 8 : i32
      %swap3A_471 = arith.index_cast %swap3A_470 : i32 to index
      %swap3A_472 = arith.constant 0 : index
      %swap3A_473 = tpu.vector_load %arg25[%swap3A_471, %swap3A_472] {strides = array<i32>} : memref<16x64xf32, #tpu.memory_space<vmem>>, vector<1x16xf32>,
      %swap3A_474 = vector.shape_cast %swap3A_473 : vector<1x16xf32> to vector<16xf32>
      %swap3A_475 = vector.shape_cast %scan3A_468#0 : vector<16xf32> to vector<1x16xf32>
      tpu.vector_store %arg25[%swap3A_471, %swap3A_472], %swap3A_475 {strides = array<i32>} : memref<16x64xf32, #tpu.memory_space<vmem>>, vector<1x16xf32>,
      %swap3A_476 = arith.constant 8 : i32
      %swap3A_477 = arith.index_cast %swap3A_476 : i32 to index
      %swap3A_478 = arith.constant 16 : index
      %swap3A_479 = tpu.vector_load %arg25[%swap3A_477, %swap3A_478] {strides = array<i32>} : memref<16x64xf32, #tpu.memory_space<vmem>>, vector<1x16xf32>,
      %swap3A_480 = vector.shape_cast %swap3A_479 : vector<1x16xf32> to vector<16xf32>
      %swap3A_481 = vector.shape_cast %scan3A_468#1 : vector<16xf32> to vector<1x16xf32>
      tpu.vector_store %arg25[%swap3A_477, %swap3A_478], %swap3A_481 {strides = array<i32>} : memref<16x64xf32, #tpu.memory_space<vmem>>, vector<1x16xf32>,
      %swap3A_482 = arith.constant 8 : i32
      %swap3A_483 = arith.index_cast %swap3A_482 : i32 to index
      %swap3A_484 = arith.constant 32 : index
      %swap3A_485 = tpu.vector_load %arg25[%swap3A_483, %swap3A_484] {strides = array<i32>} : memref<16x64xf32, #tpu.memory_space<vmem>>, vector<1x16xf32>,
      %swap3A_486 = vector.shape_cast %swap3A_485 : vector<1x16xf32> to vector<16xf32>
      %swap3A_487 = vector.shape_cast %scan3A_468#2 : vector<16xf32> to vector<1x16xf32>
      tpu.vector_store %arg25[%swap3A_483, %swap3A_484], %swap3A_487 {strides = array<i32>} : memref<16x64xf32, #tpu.memory_space<vmem>>, vector<1x16xf32>,
      %swap3A_488 = arith.constant 8 : i32
      %swap3A_489 = arith.index_cast %swap3A_488 : i32 to index
      %swap3A_490 = arith.constant 48 : index
      %swap3A_491 = tpu.vector_load %arg25[%swap3A_489, %swap3A_490] {strides = array<i32>} : memref<16x64xf32, #tpu.memory_space<vmem>>, vector<1x16xf32>,
      %swap3A_492 = vector.shape_cast %swap3A_491 : vector<1x16xf32> to vector<16xf32>
      %swap3A_493 = vector.shape_cast %scan3A_468#3 : vector<16xf32> to vector<1x16xf32>
      tpu.vector_store %arg25[%swap3A_489, %swap3A_490], %swap3A_493 {strides = array<i32>} : memref<16x64xf32, #tpu.memory_space<vmem>>, vector<1x16xf32>,
      %broadcast_in_dim3A_494 = arith.constant 0.000000e+00 : f32
      %broadcast_in_dim3A_495 = vector.broadcast %broadcast_in_dim3A_494 : f32 to vector<16xf32>
      %scan3A_496 = arith.constant 0 : i32
      %scan3A_497 = arith.constant 50 : i32
      %scan3A_498 = arith.addi %scan3A_496, %scan3A_497 : i32
      %scan3A_499 = arith.constant 1 : i32
      %scan3A_500:4 = scf.for %scan3A_721 = %scan3A_496 to %scan3A_498 step %scan3A_499 iter_args(%scan3A_722 = %broadcast_in_dim3A_495, %scan3A_723 = %broadcast_in_dim3A_495, %scan3A_724 = %broadcast_in_dim3A_495, %scan3A_725 = %broadcast_in_dim3A_495) -> (vector<16xf32>, vector<16xf32>, vector<16xf32>, vector<16xf32>)  : i32 {
        %add3A_726 = arith.constant 450 : i32
        %add3A_727 = arith.addi %add3A_726, %scan3A_721 : i32
        %get3A = arith.index_cast %add3A_727 : i32 to index
        %get3A_728 = arith.constant 0 : index
        %get3A_729 = tpu.vector_load %arg24[%get3A, %get3A_728] {strides = array<i32>} : memref<800x64xf32, #tpu.memory_space<vmem>>, vector<1x16xf32>,
        %get3A_730 = vector.shape_cast %get3A_729 : vector<1x16xf32> to vector<16xf32>
        %add3A_731 = arith.addf %scan3A_722, %get3A_730 : vector<16xf32>
        %add3A_732 = arith.constant 450 : i32
        %add3A_733 = arith.addi %add3A_732, %scan3A_721 : i32
        %get3A_734 = arith.index_cast %add3A_733 : i32 to index
        %get3A_735 = arith.constant 16 : index
        %get3A_736 = tpu.vector_load %arg24[%get3A_734, %get3A_735] {strides = array<i32>} : memref<800x64xf32, #tpu.memory_space<vmem>>, vector<1x16xf32>,
        %get3A_737 = vector.shape_cast %get3A_736 : vector<1x16xf32> to vector<16xf32>
        %add3A_738 = arith.addf %scan3A_723, %get3A_737 : vector<16xf32>
        %add3A_739 = arith.constant 450 : i32
        %add3A_740 = arith.addi %add3A_739, %scan3A_721 : i32
        %get3A_741 = arith.index_cast %add3A_740 : i32 to index
        %get3A_742 = arith.constant 32 : index
        %get3A_743 = tpu.vector_load %arg24[%get3A_741, %get3A_742] {strides = array<i32>} : memref<800x64xf32, #tpu.memory_space<vmem>>, vector<1x16xf32>,
        %get3A_744 = vector.shape_cast %get3A_743 : vector<1x16xf32> to vector<16xf32>
        %add3A_745 = arith.addf %scan3A_724, %get3A_744 : vector<16xf32>
        %add3A_746 = arith.constant 450 : i32
        %add3A_747 = arith.addi %add3A_746, %scan3A_721 : i32
        %get3A_748 = arith.index_cast %add3A_747 : i32 to index
        %get3A_749 = arith.constant 48 : index
        %get3A_750 = tpu.vector_load %arg24[%get3A_748, %get3A_749] {strides = array<i32>} : memref<800x64xf32, #tpu.memory_space<vmem>>, vector<1x16xf32>,
        %get3A_751 = vector.shape_cast %get3A_750 : vector<1x16xf32> to vector<16xf32>
        %add3A_752 = arith.addf %scan3A_725, %get3A_751 : vector<16xf32>
        scf.yield %add3A_731, %add3A_738, %add3A_745, %add3A_752 : vector<16xf32>, vector<16xf32>, vector<16xf32>, vector<16xf32>
      }
      %scan3A_501 = arith.constant 50 : i32
      %swap3A_502 = arith.constant 9 : i32
      %swap3A_503 = arith.index_cast %swap3A_502 : i32 to index
      %swap3A_504 = arith.constant 0 : index
      %swap3A_505 = tpu.vector_load %arg25[%swap3A_503, %swap3A_504] {strides = array<i32>} : memref<16x64xf32, #tpu.memory_space<vmem>>, vector<1x16xf32>,
      %swap3A_506 = vector.shape_cast %swap3A_505 : vector<1x16xf32> to vector<16xf32>
      %swap3A_507 = vector.shape_cast %scan3A_500#0 : vector<16xf32> to vector<1x16xf32>
      tpu.vector_store %arg25[%swap3A_503, %swap3A_504], %swap3A_507 {strides = array<i32>} : memref<16x64xf32, #tpu.memory_space<vmem>>, vector<1x16xf32>,
      %swap3A_508 = arith.constant 9 : i32
      %swap3A_509 = arith.index_cast %swap3A_508 : i32 to index
      %swap3A_510 = arith.constant 16 : index
      %swap3A_511 = tpu.vector_load %arg25[%swap3A_509, %swap3A_510] {strides = array<i32>} : memref<16x64xf32, #tpu.memory_space<vmem>>, vector<1x16xf32>,
      %swap3A_512 = vector.shape_cast %swap3A_511 : vector<1x16xf32> to vector<16xf32>
      %swap3A_513 = vector.shape_cast %scan3A_500#1 : vector<16xf32> to vector<1x16xf32>
      tpu.vector_store %arg25[%swap3A_509, %swap3A_510], %swap3A_513 {strides = array<i32>} : memref<16x64xf32, #tpu.memory_space<vmem>>, vector<1x16xf32>,
      %swap3A_514 = arith.constant 9 : i32
      %swap3A_515 = arith.index_cast %swap3A_514 : i32 to index
      %swap3A_516 = arith.constant 32 : index
      %swap3A_517 = tpu.vector_load %arg25[%swap3A_515, %swap3A_516] {strides = array<i32>} : memref<16x64xf32, #tpu.memory_space<vmem>>, vector<1x16xf32>,
      %swap3A_518 = vector.shape_cast %swap3A_517 : vector<1x16xf32> to vector<16xf32>
      %swap3A_519 = vector.shape_cast %scan3A_500#2 : vector<16xf32> to vector<1x16xf32>
      tpu.vector_store %arg25[%swap3A_515, %swap3A_516], %swap3A_519 {strides = array<i32>} : memref<16x64xf32, #tpu.memory_space<vmem>>, vector<1x16xf32>,
      %swap3A_520 = arith.constant 9 : i32
      %swap3A_521 = arith.index_cast %swap3A_520 : i32 to index
      %swap3A_522 = arith.constant 48 : index
      %swap3A_523 = tpu.vector_load %arg25[%swap3A_521, %swap3A_522] {strides = array<i32>} : memref<16x64xf32, #tpu.memory_space<vmem>>, vector<1x16xf32>,
      %swap3A_524 = vector.shape_cast %swap3A_523 : vector<1x16xf32> to vector<16xf32>
      %swap3A_525 = vector.shape_cast %scan3A_500#3 : vector<16xf32> to vector<1x16xf32>
      tpu.vector_store %arg25[%swap3A_521, %swap3A_522], %swap3A_525 {strides = array<i32>} : memref<16x64xf32, #tpu.memory_space<vmem>>, vector<1x16xf32>,
      %broadcast_in_dim3A_526 = arith.constant 0.000000e+00 : f32
      %broadcast_in_dim3A_527 = vector.broadcast %broadcast_in_dim3A_526 : f32 to vector<16xf32>
      %scan3A_528 = arith.constant 0 : i32
      %scan3A_529 = arith.constant 50 : i32
      %scan3A_530 = arith.addi %scan3A_528, %scan3A_529 : i32
      %scan3A_531 = arith.constant 1 : i32
      %scan3A_532:4 = scf.for %scan3A_721 = %scan3A_528 to %scan3A_530 step %scan3A_531 iter_args(%scan3A_722 = %broadcast_in_dim3A_527, %scan3A_723 = %broadcast_in_dim3A_527, %scan3A_724 = %broadcast_in_dim3A_527, %scan3A_725 = %broadcast_in_dim3A_527) -> (vector<16xf32>, vector<16xf32>, vector<16xf32>, vector<16xf32>)  : i32 {
        %add3A_726 = arith.constant 500 : i32
        %add3A_727 = arith.addi %add3A_726, %scan3A_721 : i32
        %get3A = arith.index_cast %add3A_727 : i32 to index
        %get3A_728 = arith.constant 0 : index
        %get3A_729 = tpu.vector_load %arg24[%get3A, %get3A_728] {strides = array<i32>} : memref<800x64xf32, #tpu.memory_space<vmem>>, vector<1x16xf32>,
        %get3A_730 = vector.shape_cast %get3A_729 : vector<1x16xf32> to vector<16xf32>
        %add3A_731 = arith.addf %scan3A_722, %get3A_730 : vector<16xf32>
        %add3A_732 = arith.constant 500 : i32
        %add3A_733 = arith.addi %add3A_732, %scan3A_721 : i32
        %get3A_734 = arith.index_cast %add3A_733 : i32 to index
        %get3A_735 = arith.constant 16 : index
        %get3A_736 = tpu.vector_load %arg24[%get3A_734, %get3A_735] {strides = array<i32>} : memref<800x64xf32, #tpu.memory_space<vmem>>, vector<1x16xf32>,
        %get3A_737 = vector.shape_cast %get3A_736 : vector<1x16xf32> to vector<16xf32>
        %add3A_738 = arith.addf %scan3A_723, %get3A_737 : vector<16xf32>
        %add3A_739 = arith.constant 500 : i32
        %add3A_740 = arith.addi %add3A_739, %scan3A_721 : i32
        %get3A_741 = arith.index_cast %add3A_740 : i32 to index
        %get3A_742 = arith.constant 32 : index
        %get3A_743 = tpu.vector_load %arg24[%get3A_741, %get3A_742] {strides = array<i32>} : memref<800x64xf32, #tpu.memory_space<vmem>>, vector<1x16xf32>,
        %get3A_744 = vector.shape_cast %get3A_743 : vector<1x16xf32> to vector<16xf32>
        %add3A_745 = arith.addf %scan3A_724, %get3A_744 : vector<16xf32>
        %add3A_746 = arith.constant 500 : i32
        %add3A_747 = arith.addi %add3A_746, %scan3A_721 : i32
        %get3A_748 = arith.index_cast %add3A_747 : i32 to index
        %get3A_749 = arith.constant 48 : index
        %get3A_750 = tpu.vector_load %arg24[%get3A_748, %get3A_749] {strides = array<i32>} : memref<800x64xf32, #tpu.memory_space<vmem>>, vector<1x16xf32>,
        %get3A_751 = vector.shape_cast %get3A_750 : vector<1x16xf32> to vector<16xf32>
        %add3A_752 = arith.addf %scan3A_725, %get3A_751 : vector<16xf32>
        scf.yield %add3A_731, %add3A_738, %add3A_745, %add3A_752 : vector<16xf32>, vector<16xf32>, vector<16xf32>, vector<16xf32>
      }
      %scan3A_533 = arith.constant 50 : i32
      %swap3A_534 = arith.constant 10 : i32
      %swap3A_535 = arith.index_cast %swap3A_534 : i32 to index
      %swap3A_536 = arith.constant 0 : index
      %swap3A_537 = tpu.vector_load %arg25[%swap3A_535, %swap3A_536] {strides = array<i32>} : memref<16x64xf32, #tpu.memory_space<vmem>>, vector<1x16xf32>,
      %swap3A_538 = vector.shape_cast %swap3A_537 : vector<1x16xf32> to vector<16xf32>
      %swap3A_539 = vector.shape_cast %scan3A_532#0 : vector<16xf32> to vector<1x16xf32>
      tpu.vector_store %arg25[%swap3A_535, %swap3A_536], %swap3A_539 {strides = array<i32>} : memref<16x64xf32, #tpu.memory_space<vmem>>, vector<1x16xf32>,
      %swap3A_540 = arith.constant 10 : i32
      %swap3A_541 = arith.index_cast %swap3A_540 : i32 to index
      %swap3A_542 = arith.constant 16 : index
      %swap3A_543 = tpu.vector_load %arg25[%swap3A_541, %swap3A_542] {strides = array<i32>} : memref<16x64xf32, #tpu.memory_space<vmem>>, vector<1x16xf32>,
      %swap3A_544 = vector.shape_cast %swap3A_543 : vector<1x16xf32> to vector<16xf32>
      %swap3A_545 = vector.shape_cast %scan3A_532#1 : vector<16xf32> to vector<1x16xf32>
      tpu.vector_store %arg25[%swap3A_541, %swap3A_542], %swap3A_545 {strides = array<i32>} : memref<16x64xf32, #tpu.memory_space<vmem>>, vector<1x16xf32>,
      %swap3A_546 = arith.constant 10 : i32
      %swap3A_547 = arith.index_cast %swap3A_546 : i32 to index
      %swap3A_548 = arith.constant 32 : index
      %swap3A_549 = tpu.vector_load %arg25[%swap3A_547, %swap3A_548] {strides = array<i32>} : memref<16x64xf32, #tpu.memory_space<vmem>>, vector<1x16xf32>,
      %swap3A_550 = vector.shape_cast %swap3A_549 : vector<1x16xf32> to vector<16xf32>
      %swap3A_551 = vector.shape_cast %scan3A_532#2 : vector<16xf32> to vector<1x16xf32>
      tpu.vector_store %arg25[%swap3A_547, %swap3A_548], %swap3A_551 {strides = array<i32>} : memref<16x64xf32, #tpu.memory_space<vmem>>, vector<1x16xf32>,
      %swap3A_552 = arith.constant 10 : i32
      %swap3A_553 = arith.index_cast %swap3A_552 : i32 to index
      %swap3A_554 = arith.constant 48 : index
      %swap3A_555 = tpu.vector_load %arg25[%swap3A_553, %swap3A_554] {strides = array<i32>} : memref<16x64xf32, #tpu.memory_space<vmem>>, vector<1x16xf32>,
      %swap3A_556 = vector.shape_cast %swap3A_555 : vector<1x16xf32> to vector<16xf32>
      %swap3A_557 = vector.shape_cast %scan3A_532#3 : vector<16xf32> to vector<1x16xf32>
      tpu.vector_store %arg25[%swap3A_553, %swap3A_554], %swap3A_557 {strides = array<i32>} : memref<16x64xf32, #tpu.memory_space<vmem>>, vector<1x16xf32>,
      %broadcast_in_dim3A_558 = arith.constant 0.000000e+00 : f32
      %broadcast_in_dim3A_559 = vector.broadcast %broadcast_in_dim3A_558 : f32 to vector<16xf32>
      %scan3A_560 = arith.constant 0 : i32
      %scan3A_561 = arith.constant 50 : i32
      %scan3A_562 = arith.addi %scan3A_560, %scan3A_561 : i32
      %scan3A_563 = arith.constant 1 : i32
      %scan3A_564:4 = scf.for %scan3A_721 = %scan3A_560 to %scan3A_562 step %scan3A_563 iter_args(%scan3A_722 = %broadcast_in_dim3A_559, %scan3A_723 = %broadcast_in_dim3A_559, %scan3A_724 = %broadcast_in_dim3A_559, %scan3A_725 = %broadcast_in_dim3A_559) -> (vector<16xf32>, vector<16xf32>, vector<16xf32>, vector<16xf32>)  : i32 {
        %add3A_726 = arith.constant 550 : i32
        %add3A_727 = arith.addi %add3A_726, %scan3A_721 : i32
        %get3A = arith.index_cast %add3A_727 : i32 to index
        %get3A_728 = arith.constant 0 : index
        %get3A_729 = tpu.vector_load %arg24[%get3A, %get3A_728] {strides = array<i32>} : memref<800x64xf32, #tpu.memory_space<vmem>>, vector<1x16xf32>,
        %get3A_730 = vector.shape_cast %get3A_729 : vector<1x16xf32> to vector<16xf32>
        %add3A_731 = arith.addf %scan3A_722, %get3A_730 : vector<16xf32>
        %add3A_732 = arith.constant 550 : i32
        %add3A_733 = arith.addi %add3A_732, %scan3A_721 : i32
        %get3A_734 = arith.index_cast %add3A_733 : i32 to index
        %get3A_735 = arith.constant 16 : index
        %get3A_736 = tpu.vector_load %arg24[%get3A_734, %get3A_735] {strides = array<i32>} : memref<800x64xf32, #tpu.memory_space<vmem>>, vector<1x16xf32>,
        %get3A_737 = vector.shape_cast %get3A_736 : vector<1x16xf32> to vector<16xf32>
        %add3A_738 = arith.addf %scan3A_723, %get3A_737 : vector<16xf32>
        %add3A_739 = arith.constant 550 : i32
        %add3A_740 = arith.addi %add3A_739, %scan3A_721 : i32
        %get3A_741 = arith.index_cast %add3A_740 : i32 to index
        %get3A_742 = arith.constant 32 : index
        %get3A_743 = tpu.vector_load %arg24[%get3A_741, %get3A_742] {strides = array<i32>} : memref<800x64xf32, #tpu.memory_space<vmem>>, vector<1x16xf32>,
        %get3A_744 = vector.shape_cast %get3A_743 : vector<1x16xf32> to vector<16xf32>
        %add3A_745 = arith.addf %scan3A_724, %get3A_744 : vector<16xf32>
        %add3A_746 = arith.constant 550 : i32
        %add3A_747 = arith.addi %add3A_746, %scan3A_721 : i32
        %get3A_748 = arith.index_cast %add3A_747 : i32 to index
        %get3A_749 = arith.constant 48 : index
        %get3A_750 = tpu.vector_load %arg24[%get3A_748, %get3A_749] {strides = array<i32>} : memref<800x64xf32, #tpu.memory_space<vmem>>, vector<1x16xf32>,
        %get3A_751 = vector.shape_cast %get3A_750 : vector<1x16xf32> to vector<16xf32>
        %add3A_752 = arith.addf %scan3A_725, %get3A_751 : vector<16xf32>
        scf.yield %add3A_731, %add3A_738, %add3A_745, %add3A_752 : vector<16xf32>, vector<16xf32>, vector<16xf32>, vector<16xf32>
      }
      %scan3A_565 = arith.constant 50 : i32
      %swap3A_566 = arith.constant 11 : i32
      %swap3A_567 = arith.index_cast %swap3A_566 : i32 to index
      %swap3A_568 = arith.constant 0 : index
      %swap3A_569 = tpu.vector_load %arg25[%swap3A_567, %swap3A_568] {strides = array<i32>} : memref<16x64xf32, #tpu.memory_space<vmem>>, vector<1x16xf32>,
      %swap3A_570 = vector.shape_cast %swap3A_569 : vector<1x16xf32> to vector<16xf32>
      %swap3A_571 = vector.shape_cast %scan3A_564#0 : vector<16xf32> to vector<1x16xf32>
      tpu.vector_store %arg25[%swap3A_567, %swap3A_568], %swap3A_571 {strides = array<i32>} : memref<16x64xf32, #tpu.memory_space<vmem>>, vector<1x16xf32>,
      %swap3A_572 = arith.constant 11 : i32
      %swap3A_573 = arith.index_cast %swap3A_572 : i32 to index
      %swap3A_574 = arith.constant 16 : index
      %swap3A_575 = tpu.vector_load %arg25[%swap3A_573, %swap3A_574] {strides = array<i32>} : memref<16x64xf32, #tpu.memory_space<vmem>>, vector<1x16xf32>,
      %swap3A_576 = vector.shape_cast %swap3A_575 : vector<1x16xf32> to vector<16xf32>
      %swap3A_577 = vector.shape_cast %scan3A_564#1 : vector<16xf32> to vector<1x16xf32>
      tpu.vector_store %arg25[%swap3A_573, %swap3A_574], %swap3A_577 {strides = array<i32>} : memref<16x64xf32, #tpu.memory_space<vmem>>, vector<1x16xf32>,
      %swap3A_578 = arith.constant 11 : i32
      %swap3A_579 = arith.index_cast %swap3A_578 : i32 to index
      %swap3A_580 = arith.constant 32 : index
      %swap3A_581 = tpu.vector_load %arg25[%swap3A_579, %swap3A_580] {strides = array<i32>} : memref<16x64xf32, #tpu.memory_space<vmem>>, vector<1x16xf32>,
      %swap3A_582 = vector.shape_cast %swap3A_581 : vector<1x16xf32> to vector<16xf32>
      %swap3A_583 = vector.shape_cast %scan3A_564#2 : vector<16xf32> to vector<1x16xf32>
      tpu.vector_store %arg25[%swap3A_579, %swap3A_580], %swap3A_583 {strides = array<i32>} : memref<16x64xf32, #tpu.memory_space<vmem>>, vector<1x16xf32>,
      %swap3A_584 = arith.constant 11 : i32
      %swap3A_585 = arith.index_cast %swap3A_584 : i32 to index
      %swap3A_586 = arith.constant 48 : index
      %swap3A_587 = tpu.vector_load %arg25[%swap3A_585, %swap3A_586] {strides = array<i32>} : memref<16x64xf32, #tpu.memory_space<vmem>>, vector<1x16xf32>,
      %swap3A_588 = vector.shape_cast %swap3A_587 : vector<1x16xf32> to vector<16xf32>
      %swap3A_589 = vector.shape_cast %scan3A_564#3 : vector<16xf32> to vector<1x16xf32>
      tpu.vector_store %arg25[%swap3A_585, %swap3A_586], %swap3A_589 {strides = array<i32>} : memref<16x64xf32, #tpu.memory_space<vmem>>, vector<1x16xf32>,
      %broadcast_in_dim3A_590 = arith.constant 0.000000e+00 : f32
      %broadcast_in_dim3A_591 = vector.broadcast %broadcast_in_dim3A_590 : f32 to vector<16xf32>
      %scan3A_592 = arith.constant 0 : i32
      %scan3A_593 = arith.constant 50 : i32
      %scan3A_594 = arith.addi %scan3A_592, %scan3A_593 : i32
      %scan3A_595 = arith.constant 1 : i32
      %scan3A_596:4 = scf.for %scan3A_721 = %scan3A_592 to %scan3A_594 step %scan3A_595 iter_args(%scan3A_722 = %broadcast_in_dim3A_591, %scan3A_723 = %broadcast_in_dim3A_591, %scan3A_724 = %broadcast_in_dim3A_591, %scan3A_725 = %broadcast_in_dim3A_591) -> (vector<16xf32>, vector<16xf32>, vector<16xf32>, vector<16xf32>)  : i32 {
        %add3A_726 = arith.constant 600 : i32
        %add3A_727 = arith.addi %add3A_726, %scan3A_721 : i32
        %get3A = arith.index_cast %add3A_727 : i32 to index
        %get3A_728 = arith.constant 0 : index
        %get3A_729 = tpu.vector_load %arg24[%get3A, %get3A_728] {strides = array<i32>} : memref<800x64xf32, #tpu.memory_space<vmem>>, vector<1x16xf32>,
        %get3A_730 = vector.shape_cast %get3A_729 : vector<1x16xf32> to vector<16xf32>
        %add3A_731 = arith.addf %scan3A_722, %get3A_730 : vector<16xf32>
        %add3A_732 = arith.constant 600 : i32
        %add3A_733 = arith.addi %add3A_732, %scan3A_721 : i32
        %get3A_734 = arith.index_cast %add3A_733 : i32 to index
        %get3A_735 = arith.constant 16 : index
        %get3A_736 = tpu.vector_load %arg24[%get3A_734, %get3A_735] {strides = array<i32>} : memref<800x64xf32, #tpu.memory_space<vmem>>, vector<1x16xf32>,
        %get3A_737 = vector.shape_cast %get3A_736 : vector<1x16xf32> to vector<16xf32>
        %add3A_738 = arith.addf %scan3A_723, %get3A_737 : vector<16xf32>
        %add3A_739 = arith.constant 600 : i32
        %add3A_740 = arith.addi %add3A_739, %scan3A_721 : i32
        %get3A_741 = arith.index_cast %add3A_740 : i32 to index
        %get3A_742 = arith.constant 32 : index
        %get3A_743 = tpu.vector_load %arg24[%get3A_741, %get3A_742] {strides = array<i32>} : memref<800x64xf32, #tpu.memory_space<vmem>>, vector<1x16xf32>,
        %get3A_744 = vector.shape_cast %get3A_743 : vector<1x16xf32> to vector<16xf32>
        %add3A_745 = arith.addf %scan3A_724, %get3A_744 : vector<16xf32>
        %add3A_746 = arith.constant 600 : i32
        %add3A_747 = arith.addi %add3A_746, %scan3A_721 : i32
        %get3A_748 = arith.index_cast %add3A_747 : i32 to index
        %get3A_749 = arith.constant 48 : index
        %get3A_750 = tpu.vector_load %arg24[%get3A_748, %get3A_749] {strides = array<i32>} : memref<800x64xf32, #tpu.memory_space<vmem>>, vector<1x16xf32>,
        %get3A_751 = vector.shape_cast %get3A_750 : vector<1x16xf32> to vector<16xf32>
        %add3A_752 = arith.addf %scan3A_725, %get3A_751 : vector<16xf32>
        scf.yield %add3A_731, %add3A_738, %add3A_745, %add3A_752 : vector<16xf32>, vector<16xf32>, vector<16xf32>, vector<16xf32>
      }
      %scan3A_597 = arith.constant 50 : i32
      %swap3A_598 = arith.constant 12 : i32
      %swap3A_599 = arith.index_cast %swap3A_598 : i32 to index
      %swap3A_600 = arith.constant 0 : index
      %swap3A_601 = tpu.vector_load %arg25[%swap3A_599, %swap3A_600] {strides = array<i32>} : memref<16x64xf32, #tpu.memory_space<vmem>>, vector<1x16xf32>,
      %swap3A_602 = vector.shape_cast %swap3A_601 : vector<1x16xf32> to vector<16xf32>
      %swap3A_603 = vector.shape_cast %scan3A_596#0 : vector<16xf32> to vector<1x16xf32>
      tpu.vector_store %arg25[%swap3A_599, %swap3A_600], %swap3A_603 {strides = array<i32>} : memref<16x64xf32, #tpu.memory_space<vmem>>, vector<1x16xf32>,
      %swap3A_604 = arith.constant 12 : i32
      %swap3A_605 = arith.index_cast %swap3A_604 : i32 to index
      %swap3A_606 = arith.constant 16 : index
      %swap3A_607 = tpu.vector_load %arg25[%swap3A_605, %swap3A_606] {strides = array<i32>} : memref<16x64xf32, #tpu.memory_space<vmem>>, vector<1x16xf32>,
      %swap3A_608 = vector.shape_cast %swap3A_607 : vector<1x16xf32> to vector<16xf32>
      %swap3A_609 = vector.shape_cast %scan3A_596#1 : vector<16xf32> to vector<1x16xf32>
      tpu.vector_store %arg25[%swap3A_605, %swap3A_606], %swap3A_609 {strides = array<i32>} : memref<16x64xf32, #tpu.memory_space<vmem>>, vector<1x16xf32>,
      %swap3A_610 = arith.constant 12 : i32
      %swap3A_611 = arith.index_cast %swap3A_610 : i32 to index
      %swap3A_612 = arith.constant 32 : index
      %swap3A_613 = tpu.vector_load %arg25[%swap3A_611, %swap3A_612] {strides = array<i32>} : memref<16x64xf32, #tpu.memory_space<vmem>>, vector<1x16xf32>,
      %swap3A_614 = vector.shape_cast %swap3A_613 : vector<1x16xf32> to vector<16xf32>
      %swap3A_615 = vector.shape_cast %scan3A_596#2 : vector<16xf32> to vector<1x16xf32>
      tpu.vector_store %arg25[%swap3A_611, %swap3A_612], %swap3A_615 {strides = array<i32>} : memref<16x64xf32, #tpu.memory_space<vmem>>, vector<1x16xf32>,
      %swap3A_616 = arith.constant 12 : i32
      %swap3A_617 = arith.index_cast %swap3A_616 : i32 to index
      %swap3A_618 = arith.constant 48 : index
      %swap3A_619 = tpu.vector_load %arg25[%swap3A_617, %swap3A_618] {strides = array<i32>} : memref<16x64xf32, #tpu.memory_space<vmem>>, vector<1x16xf32>,
      %swap3A_620 = vector.shape_cast %swap3A_619 : vector<1x16xf32> to vector<16xf32>
      %swap3A_621 = vector.shape_cast %scan3A_596#3 : vector<16xf32> to vector<1x16xf32>
      tpu.vector_store %arg25[%swap3A_617, %swap3A_618], %swap3A_621 {strides = array<i32>} : memref<16x64xf32, #tpu.memory_space<vmem>>, vector<1x16xf32>,
      %broadcast_in_dim3A_622 = arith.constant 0.000000e+00 : f32
      %broadcast_in_dim3A_623 = vector.broadcast %broadcast_in_dim3A_622 : f32 to vector<16xf32>
      %scan3A_624 = arith.constant 0 : i32
      %scan3A_625 = arith.constant 50 : i32
      %scan3A_626 = arith.addi %scan3A_624, %scan3A_625 : i32
      %scan3A_627 = arith.constant 1 : i32
      %scan3A_628:4 = scf.for %scan3A_721 = %scan3A_624 to %scan3A_626 step %scan3A_627 iter_args(%scan3A_722 = %broadcast_in_dim3A_623, %scan3A_723 = %broadcast_in_dim3A_623, %scan3A_724 = %broadcast_in_dim3A_623, %scan3A_725 = %broadcast_in_dim3A_623) -> (vector<16xf32>, vector<16xf32>, vector<16xf32>, vector<16xf32>)  : i32 {
        %add3A_726 = arith.constant 650 : i32
        %add3A_727 = arith.addi %add3A_726, %scan3A_721 : i32
        %get3A = arith.index_cast %add3A_727 : i32 to index
        %get3A_728 = arith.constant 0 : index
        %get3A_729 = tpu.vector_load %arg24[%get3A, %get3A_728] {strides = array<i32>} : memref<800x64xf32, #tpu.memory_space<vmem>>, vector<1x16xf32>,
        %get3A_730 = vector.shape_cast %get3A_729 : vector<1x16xf32> to vector<16xf32>
        %add3A_731 = arith.addf %scan3A_722, %get3A_730 : vector<16xf32>
        %add3A_732 = arith.constant 650 : i32
        %add3A_733 = arith.addi %add3A_732, %scan3A_721 : i32
        %get3A_734 = arith.index_cast %add3A_733 : i32 to index
        %get3A_735 = arith.constant 16 : index
        %get3A_736 = tpu.vector_load %arg24[%get3A_734, %get3A_735] {strides = array<i32>} : memref<800x64xf32, #tpu.memory_space<vmem>>, vector<1x16xf32>,
        %get3A_737 = vector.shape_cast %get3A_736 : vector<1x16xf32> to vector<16xf32>
        %add3A_738 = arith.addf %scan3A_723, %get3A_737 : vector<16xf32>
        %add3A_739 = arith.constant 650 : i32
        %add3A_740 = arith.addi %add3A_739, %scan3A_721 : i32
        %get3A_741 = arith.index_cast %add3A_740 : i32 to index
        %get3A_742 = arith.constant 32 : index
        %get3A_743 = tpu.vector_load %arg24[%get3A_741, %get3A_742] {strides = array<i32>} : memref<800x64xf32, #tpu.memory_space<vmem>>, vector<1x16xf32>,
        %get3A_744 = vector.shape_cast %get3A_743 : vector<1x16xf32> to vector<16xf32>
        %add3A_745 = arith.addf %scan3A_724, %get3A_744 : vector<16xf32>
        %add3A_746 = arith.constant 650 : i32
        %add3A_747 = arith.addi %add3A_746, %scan3A_721 : i32
        %get3A_748 = arith.index_cast %add3A_747 : i32 to index
        %get3A_749 = arith.constant 48 : index
        %get3A_750 = tpu.vector_load %arg24[%get3A_748, %get3A_749] {strides = array<i32>} : memref<800x64xf32, #tpu.memory_space<vmem>>, vector<1x16xf32>,
        %get3A_751 = vector.shape_cast %get3A_750 : vector<1x16xf32> to vector<16xf32>
        %add3A_752 = arith.addf %scan3A_725, %get3A_751 : vector<16xf32>
        scf.yield %add3A_731, %add3A_738, %add3A_745, %add3A_752 : vector<16xf32>, vector<16xf32>, vector<16xf32>, vector<16xf32>
      }
      %scan3A_629 = arith.constant 50 : i32
      %swap3A_630 = arith.constant 13 : i32
      %swap3A_631 = arith.index_cast %swap3A_630 : i32 to index
      %swap3A_632 = arith.constant 0 : index
      %swap3A_633 = tpu.vector_load %arg25[%swap3A_631, %swap3A_632] {strides = array<i32>} : memref<16x64xf32, #tpu.memory_space<vmem>>, vector<1x16xf32>,
      %swap3A_634 = vector.shape_cast %swap3A_633 : vector<1x16xf32> to vector<16xf32>
      %swap3A_635 = vector.shape_cast %scan3A_628#0 : vector<16xf32> to vector<1x16xf32>
      tpu.vector_store %arg25[%swap3A_631, %swap3A_632], %swap3A_635 {strides = array<i32>} : memref<16x64xf32, #tpu.memory_space<vmem>>, vector<1x16xf32>,
      %swap3A_636 = arith.constant 13 : i32
      %swap3A_637 = arith.index_cast %swap3A_636 : i32 to index
      %swap3A_638 = arith.constant 16 : index
      %swap3A_639 = tpu.vector_load %arg25[%swap3A_637, %swap3A_638] {strides = array<i32>} : memref<16x64xf32, #tpu.memory_space<vmem>>, vector<1x16xf32>,
      %swap3A_640 = vector.shape_cast %swap3A_639 : vector<1x16xf32> to vector<16xf32>
      %swap3A_641 = vector.shape_cast %scan3A_628#1 : vector<16xf32> to vector<1x16xf32>
      tpu.vector_store %arg25[%swap3A_637, %swap3A_638], %swap3A_641 {strides = array<i32>} : memref<16x64xf32, #tpu.memory_space<vmem>>, vector<1x16xf32>,
      %swap3A_642 = arith.constant 13 : i32
      %swap3A_643 = arith.index_cast %swap3A_642 : i32 to index
      %swap3A_644 = arith.constant 32 : index
      %swap3A_645 = tpu.vector_load %arg25[%swap3A_643, %swap3A_644] {strides = array<i32>} : memref<16x64xf32, #tpu.memory_space<vmem>>, vector<1x16xf32>,
      %swap3A_646 = vector.shape_cast %swap3A_645 : vector<1x16xf32> to vector<16xf32>
      %swap3A_647 = vector.shape_cast %scan3A_628#2 : vector<16xf32> to vector<1x16xf32>
      tpu.vector_store %arg25[%swap3A_643, %swap3A_644], %swap3A_647 {strides = array<i32>} : memref<16x64xf32, #tpu.memory_space<vmem>>, vector<1x16xf32>,
      %swap3A_648 = arith.constant 13 : i32
      %swap3A_649 = arith.index_cast %swap3A_648 : i32 to index
      %swap3A_650 = arith.constant 48 : index
      %swap3A_651 = tpu.vector_load %arg25[%swap3A_649, %swap3A_650] {strides = array<i32>} : memref<16x64xf32, #tpu.memory_space<vmem>>, vector<1x16xf32>,
      %swap3A_652 = vector.shape_cast %swap3A_651 : vector<1x16xf32> to vector<16xf32>
      %swap3A_653 = vector.shape_cast %scan3A_628#3 : vector<16xf32> to vector<1x16xf32>
      tpu.vector_store %arg25[%swap3A_649, %swap3A_650], %swap3A_653 {strides = array<i32>} : memref<16x64xf32, #tpu.memory_space<vmem>>, vector<1x16xf32>,
      %broadcast_in_dim3A_654 = arith.constant 0.000000e+00 : f32
      %broadcast_in_dim3A_655 = vector.broadcast %broadcast_in_dim3A_654 : f32 to vector<16xf32>
      %scan3A_656 = arith.constant 0 : i32
      %scan3A_657 = arith.constant 50 : i32
      %scan3A_658 = arith.addi %scan3A_656, %scan3A_657 : i32
      %scan3A_659 = arith.constant 1 : i32
      %scan3A_660:4 = scf.for %scan3A_721 = %scan3A_656 to %scan3A_658 step %scan3A_659 iter_args(%scan3A_722 = %broadcast_in_dim3A_655, %scan3A_723 = %broadcast_in_dim3A_655, %scan3A_724 = %broadcast_in_dim3A_655, %scan3A_725 = %broadcast_in_dim3A_655) -> (vector<16xf32>, vector<16xf32>, vector<16xf32>, vector<16xf32>)  : i32 {
        %add3A_726 = arith.constant 700 : i32
        %add3A_727 = arith.addi %add3A_726, %scan3A_721 : i32
        %get3A = arith.index_cast %add3A_727 : i32 to index
        %get3A_728 = arith.constant 0 : index
        %get3A_729 = tpu.vector_load %arg24[%get3A, %get3A_728] {strides = array<i32>} : memref<800x64xf32, #tpu.memory_space<vmem>>, vector<1x16xf32>,
        %get3A_730 = vector.shape_cast %get3A_729 : vector<1x16xf32> to vector<16xf32>
        %add3A_731 = arith.addf %scan3A_722, %get3A_730 : vector<16xf32>
        %add3A_732 = arith.constant 700 : i32
        %add3A_733 = arith.addi %add3A_732, %scan3A_721 : i32
        %get3A_734 = arith.index_cast %add3A_733 : i32 to index
        %get3A_735 = arith.constant 16 : index
        %get3A_736 = tpu.vector_load %arg24[%get3A_734, %get3A_735] {strides = array<i32>} : memref<800x64xf32, #tpu.memory_space<vmem>>, vector<1x16xf32>,
        %get3A_737 = vector.shape_cast %get3A_736 : vector<1x16xf32> to vector<16xf32>
        %add3A_738 = arith.addf %scan3A_723, %get3A_737 : vector<16xf32>
        %add3A_739 = arith.constant 700 : i32
        %add3A_740 = arith.addi %add3A_739, %scan3A_721 : i32
        %get3A_741 = arith.index_cast %add3A_740 : i32 to index
        %get3A_742 = arith.constant 32 : index
        %get3A_743 = tpu.vector_load %arg24[%get3A_741, %get3A_742] {strides = array<i32>} : memref<800x64xf32, #tpu.memory_space<vmem>>, vector<1x16xf32>,
        %get3A_744 = vector.shape_cast %get3A_743 : vector<1x16xf32> to vector<16xf32>
        %add3A_745 = arith.addf %scan3A_724, %get3A_744 : vector<16xf32>
        %add3A_746 = arith.constant 700 : i32
        %add3A_747 = arith.addi %add3A_746, %scan3A_721 : i32
        %get3A_748 = arith.index_cast %add3A_747 : i32 to index
        %get3A_749 = arith.constant 48 : index
        %get3A_750 = tpu.vector_load %arg24[%get3A_748, %get3A_749] {strides = array<i32>} : memref<800x64xf32, #tpu.memory_space<vmem>>, vector<1x16xf32>,
        %get3A_751 = vector.shape_cast %get3A_750 : vector<1x16xf32> to vector<16xf32>
        %add3A_752 = arith.addf %scan3A_725, %get3A_751 : vector<16xf32>
        scf.yield %add3A_731, %add3A_738, %add3A_745, %add3A_752 : vector<16xf32>, vector<16xf32>, vector<16xf32>, vector<16xf32>
      }
      %scan3A_661 = arith.constant 50 : i32
      %swap3A_662 = arith.constant 14 : i32
      %swap3A_663 = arith.index_cast %swap3A_662 : i32 to index
      %swap3A_664 = arith.constant 0 : index
      %swap3A_665 = tpu.vector_load %arg25[%swap3A_663, %swap3A_664] {strides = array<i32>} : memref<16x64xf32, #tpu.memory_space<vmem>>, vector<1x16xf32>,
      %swap3A_666 = vector.shape_cast %swap3A_665 : vector<1x16xf32> to vector<16xf32>
      %swap3A_667 = vector.shape_cast %scan3A_660#0 : vector<16xf32> to vector<1x16xf32>
      tpu.vector_store %arg25[%swap3A_663, %swap3A_664], %swap3A_667 {strides = array<i32>} : memref<16x64xf32, #tpu.memory_space<vmem>>, vector<1x16xf32>,
      %swap3A_668 = arith.constant 14 : i32
      %swap3A_669 = arith.index_cast %swap3A_668 : i32 to index
      %swap3A_670 = arith.constant 16 : index
      %swap3A_671 = tpu.vector_load %arg25[%swap3A_669, %swap3A_670] {strides = array<i32>} : memref<16x64xf32, #tpu.memory_space<vmem>>, vector<1x16xf32>,
      %swap3A_672 = vector.shape_cast %swap3A_671 : vector<1x16xf32> to vector<16xf32>
      %swap3A_673 = vector.shape_cast %scan3A_660#1 : vector<16xf32> to vector<1x16xf32>
      tpu.vector_store %arg25[%swap3A_669, %swap3A_670], %swap3A_673 {strides = array<i32>} : memref<16x64xf32, #tpu.memory_space<vmem>>, vector<1x16xf32>,
      %swap3A_674 = arith.constant 14 : i32
      %swap3A_675 = arith.index_cast %swap3A_674 : i32 to index
      %swap3A_676 = arith.constant 32 : index
      %swap3A_677 = tpu.vector_load %arg25[%swap3A_675, %swap3A_676] {strides = array<i32>} : memref<16x64xf32, #tpu.memory_space<vmem>>, vector<1x16xf32>,
      %swap3A_678 = vector.shape_cast %swap3A_677 : vector<1x16xf32> to vector<16xf32>
      %swap3A_679 = vector.shape_cast %scan3A_660#2 : vector<16xf32> to vector<1x16xf32>
      tpu.vector_store %arg25[%swap3A_675, %swap3A_676], %swap3A_679 {strides = array<i32>} : memref<16x64xf32, #tpu.memory_space<vmem>>, vector<1x16xf32>,
      %swap3A_680 = arith.constant 14 : i32
      %swap3A_681 = arith.index_cast %swap3A_680 : i32 to index
      %swap3A_682 = arith.constant 48 : index
      %swap3A_683 = tpu.vector_load %arg25[%swap3A_681, %swap3A_682] {strides = array<i32>} : memref<16x64xf32, #tpu.memory_space<vmem>>, vector<1x16xf32>,
      %swap3A_684 = vector.shape_cast %swap3A_683 : vector<1x16xf32> to vector<16xf32>
      %swap3A_685 = vector.shape_cast %scan3A_660#3 : vector<16xf32> to vector<1x16xf32>
      tpu.vector_store %arg25[%swap3A_681, %swap3A_682], %swap3A_685 {strides = array<i32>} : memref<16x64xf32, #tpu.memory_space<vmem>>, vector<1x16xf32>,
      %broadcast_in_dim3A_686 = arith.constant 0.000000e+00 : f32
      %broadcast_in_dim3A_687 = vector.broadcast %broadcast_in_dim3A_686 : f32 to vector<16xf32>
      %scan3A_688 = arith.constant 0 : i32
      %scan3A_689 = arith.constant 50 : i32
      %scan3A_690 = arith.addi %scan3A_688, %scan3A_689 : i32
      %scan3A_691 = arith.constant 1 : i32
      %scan3A_692:4 = scf.for %scan3A_721 = %scan3A_688 to %scan3A_690 step %scan3A_691 iter_args(%scan3A_722 = %broadcast_in_dim3A_687, %scan3A_723 = %broadcast_in_dim3A_687, %scan3A_724 = %broadcast_in_dim3A_687, %scan3A_725 = %broadcast_in_dim3A_687) -> (vector<16xf32>, vector<16xf32>, vector<16xf32>, vector<16xf32>)  : i32 {
        %add3A_726 = arith.constant 750 : i32
        %add3A_727 = arith.addi %add3A_726, %scan3A_721 : i32
        %get3A = arith.index_cast %add3A_727 : i32 to index
        %get3A_728 = arith.constant 0 : index
        %get3A_729 = tpu.vector_load %arg24[%get3A, %get3A_728] {strides = array<i32>} : memref<800x64xf32, #tpu.memory_space<vmem>>, vector<1x16xf32>,
        %get3A_730 = vector.shape_cast %get3A_729 : vector<1x16xf32> to vector<16xf32>
        %add3A_731 = arith.addf %scan3A_722, %get3A_730 : vector<16xf32>
        %add3A_732 = arith.constant 750 : i32
        %add3A_733 = arith.addi %add3A_732, %scan3A_721 : i32
        %get3A_734 = arith.index_cast %add3A_733 : i32 to index
        %get3A_735 = arith.constant 16 : index
        %get3A_736 = tpu.vector_load %arg24[%get3A_734, %get3A_735] {strides = array<i32>} : memref<800x64xf32, #tpu.memory_space<vmem>>, vector<1x16xf32>,
        %get3A_737 = vector.shape_cast %get3A_736 : vector<1x16xf32> to vector<16xf32>
        %add3A_738 = arith.addf %scan3A_723, %get3A_737 : vector<16xf32>
        %add3A_739 = arith.constant 750 : i32
        %add3A_740 = arith.addi %add3A_739, %scan3A_721 : i32
        %get3A_741 = arith.index_cast %add3A_740 : i32 to index
        %get3A_742 = arith.constant 32 : index
        %get3A_743 = tpu.vector_load %arg24[%get3A_741, %get3A_742] {strides = array<i32>} : memref<800x64xf32, #tpu.memory_space<vmem>>, vector<1x16xf32>,
        %get3A_744 = vector.shape_cast %get3A_743 : vector<1x16xf32> to vector<16xf32>
        %add3A_745 = arith.addf %scan3A_724, %get3A_744 : vector<16xf32>
        %add3A_746 = arith.constant 750 : i32
        %add3A_747 = arith.addi %add3A_746, %scan3A_721 : i32
        %get3A_748 = arith.index_cast %add3A_747 : i32 to index
        %get3A_749 = arith.constant 48 : index
        %get3A_750 = tpu.vector_load %arg24[%get3A_748, %get3A_749] {strides = array<i32>} : memref<800x64xf32, #tpu.memory_space<vmem>>, vector<1x16xf32>,
        %get3A_751 = vector.shape_cast %get3A_750 : vector<1x16xf32> to vector<16xf32>
        %add3A_752 = arith.addf %scan3A_725, %get3A_751 : vector<16xf32>
        scf.yield %add3A_731, %add3A_738, %add3A_745, %add3A_752 : vector<16xf32>, vector<16xf32>, vector<16xf32>, vector<16xf32>
      }
      %scan3A_693 = arith.constant 50 : i32
      %swap3A_694 = arith.constant 15 : i32
      %swap3A_695 = arith.index_cast %swap3A_694 : i32 to index
      %swap3A_696 = arith.constant 0 : index
      %swap3A_697 = tpu.vector_load %arg25[%swap3A_695, %swap3A_696] {strides = array<i32>} : memref<16x64xf32, #tpu.memory_space<vmem>>, vector<1x16xf32>,
      %swap3A_698 = vector.shape_cast %swap3A_697 : vector<1x16xf32> to vector<16xf32>
      %swap3A_699 = vector.shape_cast %scan3A_692#0 : vector<16xf32> to vector<1x16xf32>
      tpu.vector_store %arg25[%swap3A_695, %swap3A_696], %swap3A_699 {strides = array<i32>} : memref<16x64xf32, #tpu.memory_space<vmem>>, vector<1x16xf32>,
      %swap3A_700 = arith.constant 15 : i32
      %swap3A_701 = arith.index_cast %swap3A_700 : i32 to index
      %swap3A_702 = arith.constant 16 : index
      %swap3A_703 = tpu.vector_load %arg25[%swap3A_701, %swap3A_702] {strides = array<i32>} : memref<16x64xf32, #tpu.memory_space<vmem>>, vector<1x16xf32>,
      %swap3A_704 = vector.shape_cast %swap3A_703 : vector<1x16xf32> to vector<16xf32>
      %swap3A_705 = vector.shape_cast %scan3A_692#1 : vector<16xf32> to vector<1x16xf32>
      tpu.vector_store %arg25[%swap3A_701, %swap3A_702], %swap3A_705 {strides = array<i32>} : memref<16x64xf32, #tpu.memory_space<vmem>>, vector<1x16xf32>,
      %swap3A_706 = arith.constant 15 : i32
      %swap3A_707 = arith.index_cast %swap3A_706 : i32 to index
      %swap3A_708 = arith.constant 32 : index
      %swap3A_709 = tpu.vector_load %arg25[%swap3A_707, %swap3A_708] {strides = array<i32>} : memref<16x64xf32, #tpu.memory_space<vmem>>, vector<1x16xf32>,
      %swap3A_710 = vector.shape_cast %swap3A_709 : vector<1x16xf32> to vector<16xf32>
      %swap3A_711 = vector.shape_cast %scan3A_692#2 : vector<16xf32> to vector<1x16xf32>
      tpu.vector_store %arg25[%swap3A_707, %swap3A_708], %swap3A_711 {strides = array<i32>} : memref<16x64xf32, #tpu.memory_space<vmem>>, vector<1x16xf32>,
      %swap3A_712 = arith.constant 15 : i32
      %swap3A_713 = arith.index_cast %swap3A_712 : i32 to index
      %swap3A_714 = arith.constant 48 : index
      %swap3A_715 = tpu.vector_load %arg25[%swap3A_713, %swap3A_714] {strides = array<i32>} : memref<16x64xf32, #tpu.memory_space<vmem>>, vector<1x16xf32>,
      %swap3A_716 = vector.shape_cast %swap3A_715 : vector<1x16xf32> to vector<16xf32>
      %swap3A_717 = vector.shape_cast %scan3A_692#3 : vector<16xf32> to vector<1x16xf32>
      tpu.vector_store %arg25[%swap3A_713, %swap3A_714], %swap3A_717 {strides = array<i32>} : memref<16x64xf32, #tpu.memory_space<vmem>>, vector<1x16xf32>,
      %mul3A_718 = arith.constant 16 : i32
      %mul3A_719 = arith.muli %scan3A_42, %mul3A_718 : i32
      %add3A_720 = arith.addi %mul3A_2, %mul3A_719 : i32
      "tpu.region"() ({
        %run_scoped3A = tpu.sem_alloc : memref<!tpu.dma_semaphore, #tpu.memory_space<semaphore_mem>>
        %dma_start3A_721 = arith.constant 0 : i32
        %dma_start3A_722 = tpu.memref_slice %arg17[%add3A_720, %dma_start3A_721] : memref<4096x64xf32, #tpu.memory_space<hbm>> -> memref<16x64xf32, #tpu.memory_space<hbm>>
        %dma_start3A_723 = arith.constant 0 : i32
        %dma_start3A_724 = tpu.memref_slice %arg17[%add3A_720, %dma_start3A_723] : memref<4096x64xf32, #tpu.memory_space<hbm>> -> memref<16x64xf32, #tpu.memory_space<hbm>>
        tpu.enqueue_dma source(%arg25 : memref<16x64xf32, #tpu.memory_space<vmem>>) target(%dma_start3A_724 : memref<16x64xf32, #tpu.memory_space<hbm>>) target_semaphore(%run_scoped3A : memref<!tpu.dma_semaphore, #tpu.memory_space<semaphore_mem>>)
        %dma_wait3A_725 = arith.constant 0 : i32
        %dma_wait3A_726 = tpu.memref_slice %arg17[%add3A_720, %dma_wait3A_725] : memref<4096x64xf32, #tpu.memory_space<hbm>> -> memref<16x64xf32, #tpu.memory_space<hbm>>
        %dma_wait3A_727 = arith.constant 0 : i32
        %dma_wait3A_728 = tpu.memref_slice %arg17[%add3A_720, %dma_wait3A_727] : memref<4096x64xf32, #tpu.memory_space<hbm>> -> memref<16x64xf32, #tpu.memory_space<hbm>>
        tpu.wait_dma2 semaphore(%run_scoped3A : memref<!tpu.dma_semaphore, #tpu.memory_space<semaphore_mem>>) src(%arg25 : memref<16x64xf32, #tpu.memory_space<vmem>>) dst(%dma_wait3A_728 : memref<16x64xf32, #tpu.memory_space<hbm>>)
        tpu.yield
      }) : () -> ()
    }
    %scan3A_35 = arith.constant 8 : i32
    %scan3A_36 = arith.constant 0 : i32
    %scan3A_37 = arith.constant 0 : i32
    %scan3A_38 = arith.constant 8 : i32
    %scan3A_39 = arith.addi %scan3A_37, %scan3A_38 : i32
    %scan3A_40 = arith.constant 1 : i32
    scf.for %scan3A_42 = %scan3A_37 to %scan3A_39 step %scan3A_40  : i32 {
      %mul3A_43 = arith.constant 16 : i32
      %mul3A_44 = arith.muli %scan3A_42, %mul3A_43 : i32
      %add3A_45 = arith.addi %mul3A_2, %mul3A_44 : i32
      %mul3A_46 = arith.constant 50 : i32
      %mul3A_47 = arith.muli %add3A_45, %mul3A_46 : i32
      "tpu.region"() ({
        %run_scoped3A = tpu.sem_alloc : memref<!tpu.dma_semaphore, #tpu.memory_space<semaphore_mem>>
        %dma_start3A_721 = tpu.memref_slice %arg6[%mul3A_47] : memref<204800xi32, #tpu.memory_space<hbm>> -> memref<800xi32, #tpu.memory_space<hbm>>
        %dma_start3A_722 = tpu.memref_slice %arg6[%mul3A_47] : memref<204800xi32, #tpu.memory_space<hbm>> -> memref<800xi32, #tpu.memory_space<hbm>>
        tpu.enqueue_dma source(%dma_start3A_722 : memref<800xi32, #tpu.memory_space<hbm>>) target(%arg23 : memref<800xi32, #tpu.memory_space<vmem>>) target_semaphore(%run_scoped3A : memref<!tpu.dma_semaphore, #tpu.memory_space<semaphore_mem>>)
        %dma_wait3A_723 = tpu.memref_slice %arg6[%mul3A_47] : memref<204800xi32, #tpu.memory_space<hbm>> -> memref<800xi32, #tpu.memory_space<hbm>>
        %dma_wait3A_724 = tpu.memref_slice %arg6[%mul3A_47] : memref<204800xi32, #tpu.memory_space<hbm>> -> memref<800xi32, #tpu.memory_space<hbm>>
        tpu.wait_dma2 semaphore(%run_scoped3A : memref<!tpu.dma_semaphore, #tpu.memory_space<semaphore_mem>>) src(%dma_wait3A_724 : memref<800xi32, #tpu.memory_space<hbm>>) dst(%arg23 : memref<800xi32, #tpu.memory_space<vmem>>)
        tpu.yield
      }) : () -> ()
      %dma_start3A_48 = arith.constant 0 : i32
      %dma_start3A_49 = arith.constant 0 : i32
      %dma_start3A_50 = tpu.memref_slice %arg24[%dma_start3A_48, %dma_start3A_49] : memref<800x64xf32, #tpu.memory_space<vmem>> -> memref<80x64xf32, #tpu.memory_space<vmem>>
      %dma_start3A_51 = arith.constant 0 : i32
      %dma_start3A_52 = tpu.memref_slice %arg23[%dma_start3A_51] : memref<800xi32, #tpu.memory_space<vmem>> -> memref<80xi32, #tpu.memory_space<vmem>>
      %dma_start3A_53 = arith.constant 0 : i32
      %dma_start3A_54 = arith.constant 0 : i32
      %dma_start3A_55 = tpu.memref_slice %arg13[%dma_start3A_53, %dma_start3A_54] : memref<1001x64xf32, #tpu.memory_space<hbm>> -> memref<1001x64xf32, #tpu.memory_space<hbm>>
      tpu.enqueue_indirect_dma source(%dma_start3A_55 : memref<1001x64xf32, #tpu.memory_space<hbm>>) target(%dma_start3A_50 : memref<80x64xf32, #tpu.memory_space<vmem>>) offsets(%dma_start3A_52 : memref<80xi32, #tpu.memory_space<vmem>>) semaphore(%arg26 : memref<!tpu.dma_semaphore, #tpu.memory_space<semaphore_mem>>)
      %dma_start3A_56 = arith.constant 80 : i32
      %dma_start3A_57 = arith.constant 0 : i32
      %dma_start3A_58 = tpu.memref_slice %arg24[%dma_start3A_56, %dma_start3A_57] : memref<800x64xf32, #tpu.memory_space<vmem>> -> memref<80x64xf32, #tpu.memory_space<vmem>>
      %dma_start3A_59 = arith.constant 80 : i32
      %dma_start3A_60 = tpu.memref_slice %arg23[%dma_start3A_59] : memref<800xi32, #tpu.memory_space<vmem>> -> memref<80xi32, #tpu.memory_space<vmem>>
      %dma_start3A_61 = arith.constant 0 : i32
      %dma_start3A_62 = arith.constant 0 : i32
      %dma_start3A_63 = tpu.memref_slice %arg13[%dma_start3A_61, %dma_start3A_62] : memref<1001x64xf32, #tpu.memory_space<hbm>> -> memref<1001x64xf32, #tpu.memory_space<hbm>>
      tpu.enqueue_indirect_dma source(%dma_start3A_63 : memref<1001x64xf32, #tpu.memory_space<hbm>>) target(%dma_start3A_58 : memref<80x64xf32, #tpu.memory_space<vmem>>) offsets(%dma_start3A_60 : memref<80xi32, #tpu.memory_space<vmem>>) semaphore(%arg26 : memref<!tpu.dma_semaphore, #tpu.memory_space<semaphore_mem>>)
      %dma_start3A_64 = arith.constant 160 : i32
      %dma_start3A_65 = arith.constant 0 : i32
      %dma_start3A_66 = tpu.memref_slice %arg24[%dma_start3A_64, %dma_start3A_65] : memref<800x64xf32, #tpu.memory_space<vmem>> -> memref<80x64xf32, #tpu.memory_space<vmem>>
      %dma_start3A_67 = arith.constant 160 : i32
      %dma_start3A_68 = tpu.memref_slice %arg23[%dma_start3A_67] : memref<800xi32, #tpu.memory_space<vmem>> -> memref<80xi32, #tpu.memory_space<vmem>>
      %dma_start3A_69 = arith.constant 0 : i32
      %dma_start3A_70 = arith.constant 0 : i32
      %dma_start3A_71 = tpu.memref_slice %arg13[%dma_start3A_69, %dma_start3A_70] : memref<1001x64xf32, #tpu.memory_space<hbm>> -> memref<1001x64xf32, #tpu.memory_space<hbm>>
      tpu.enqueue_indirect_dma source(%dma_start3A_71 : memref<1001x64xf32, #tpu.memory_space<hbm>>) target(%dma_start3A_66 : memref<80x64xf32, #tpu.memory_space<vmem>>) offsets(%dma_start3A_68 : memref<80xi32, #tpu.memory_space<vmem>>) semaphore(%arg26 : memref<!tpu.dma_semaphore, #tpu.memory_space<semaphore_mem>>)
      %dma_start3A_72 = arith.constant 240 : i32
      %dma_start3A_73 = arith.constant 0 : i32
      %dma_start3A_74 = tpu.memref_slice %arg24[%dma_start3A_72, %dma_start3A_73] : memref<800x64xf32, #tpu.memory_space<vmem>> -> memref<80x64xf32, #tpu.memory_space<vmem>>
      %dma_start3A_75 = arith.constant 240 : i32
      %dma_start3A_76 = tpu.memref_slice %arg23[%dma_start3A_75] : memref<800xi32, #tpu.memory_space<vmem>> -> memref<80xi32, #tpu.memory_space<vmem>>
      %dma_start3A_77 = arith.constant 0 : i32
      %dma_start3A_78 = arith.constant 0 : i32
      %dma_start3A_79 = tpu.memref_slice %arg13[%dma_start3A_77, %dma_start3A_78] : memref<1001x64xf32, #tpu.memory_space<hbm>> -> memref<1001x64xf32, #tpu.memory_space<hbm>>
      tpu.enqueue_indirect_dma source(%dma_start3A_79 : memref<1001x64xf32, #tpu.memory_space<hbm>>) target(%dma_start3A_74 : memref<80x64xf32, #tpu.memory_space<vmem>>) offsets(%dma_start3A_76 : memref<80xi32, #tpu.memory_space<vmem>>) semaphore(%arg26 : memref<!tpu.dma_semaphore, #tpu.memory_space<semaphore_mem>>)
      %dma_start3A_80 = arith.constant 320 : i32
      %dma_start3A_81 = arith.constant 0 : i32
      %dma_start3A_82 = tpu.memref_slice %arg24[%dma_start3A_80, %dma_start3A_81] : memref<800x64xf32, #tpu.memory_space<vmem>> -> memref<80x64xf32, #tpu.memory_space<vmem>>
      %dma_start3A_83 = arith.constant 320 : i32
      %dma_start3A_84 = tpu.memref_slice %arg23[%dma_start3A_83] : memref<800xi32, #tpu.memory_space<vmem>> -> memref<80xi32, #tpu.memory_space<vmem>>
      %dma_start3A_85 = arith.constant 0 : i32
      %dma_start3A_86 = arith.constant 0 : i32
      %dma_start3A_87 = tpu.memref_slice %arg13[%dma_start3A_85, %dma_start3A_86] : memref<1001x64xf32, #tpu.memory_space<hbm>> -> memref<1001x64xf32, #tpu.memory_space<hbm>>
      tpu.enqueue_indirect_dma source(%dma_start3A_87 : memref<1001x64xf32, #tpu.memory_space<hbm>>) target(%dma_start3A_82 : memref<80x64xf32, #tpu.memory_space<vmem>>) offsets(%dma_start3A_84 : memref<80xi32, #tpu.memory_space<vmem>>) semaphore(%arg26 : memref<!tpu.dma_semaphore, #tpu.memory_space<semaphore_mem>>)
      %dma_start3A_88 = arith.constant 400 : i32
      %dma_start3A_89 = arith.constant 0 : i32
      %dma_start3A_90 = tpu.memref_slice %arg24[%dma_start3A_88, %dma_start3A_89] : memref<800x64xf32, #tpu.memory_space<vmem>> -> memref<80x64xf32, #tpu.memory_space<vmem>>
      %dma_start3A_91 = arith.constant 400 : i32
      %dma_start3A_92 = tpu.memref_slice %arg23[%dma_start3A_91] : memref<800xi32, #tpu.memory_space<vmem>> -> memref<80xi32, #tpu.memory_space<vmem>>
      %dma_start3A_93 = arith.constant 0 : i32
      %dma_start3A_94 = arith.constant 0 : i32
      %dma_start3A_95 = tpu.memref_slice %arg13[%dma_start3A_93, %dma_start3A_94] : memref<1001x64xf32, #tpu.memory_space<hbm>> -> memref<1001x64xf32, #tpu.memory_space<hbm>>
      tpu.enqueue_indirect_dma source(%dma_start3A_95 : memref<1001x64xf32, #tpu.memory_space<hbm>>) target(%dma_start3A_90 : memref<80x64xf32, #tpu.memory_space<vmem>>) offsets(%dma_start3A_92 : memref<80xi32, #tpu.memory_space<vmem>>) semaphore(%arg26 : memref<!tpu.dma_semaphore, #tpu.memory_space<semaphore_mem>>)
      %dma_start3A_96 = arith.constant 480 : i32
      %dma_start3A_97 = arith.constant 0 : i32
      %dma_start3A_98 = tpu.memref_slice %arg24[%dma_start3A_96, %dma_start3A_97] : memref<800x64xf32, #tpu.memory_space<vmem>> -> memref<80x64xf32, #tpu.memory_space<vmem>>
      %dma_start3A_99 = arith.constant 480 : i32
      %dma_start3A_100 = tpu.memref_slice %arg23[%dma_start3A_99] : memref<800xi32, #tpu.memory_space<vmem>> -> memref<80xi32, #tpu.memory_space<vmem>>
      %dma_start3A_101 = arith.constant 0 : i32
      %dma_start3A_102 = arith.constant 0 : i32
      %dma_start3A_103 = tpu.memref_slice %arg13[%dma_start3A_101, %dma_start3A_102] : memref<1001x64xf32, #tpu.memory_space<hbm>> -> memref<1001x64xf32, #tpu.memory_space<hbm>>
      tpu.enqueue_indirect_dma source(%dma_start3A_103 : memref<1001x64xf32, #tpu.memory_space<hbm>>) target(%dma_start3A_98 : memref<80x64xf32, #tpu.memory_space<vmem>>) offsets(%dma_start3A_100 : memref<80xi32, #tpu.memory_space<vmem>>) semaphore(%arg26 : memref<!tpu.dma_semaphore, #tpu.memory_space<semaphore_mem>>)
      %dma_start3A_104 = arith.constant 560 : i32
      %dma_start3A_105 = arith.constant 0 : i32
      %dma_start3A_106 = tpu.memref_slice %arg24[%dma_start3A_104, %dma_start3A_105] : memref<800x64xf32, #tpu.memory_space<vmem>> -> memref<80x64xf32, #tpu.memory_space<vmem>>
      %dma_start3A_107 = arith.constant 560 : i32
      %dma_start3A_108 = tpu.memref_slice %arg23[%dma_start3A_107] : memref<800xi32, #tpu.memory_space<vmem>> -> memref<80xi32, #tpu.memory_space<vmem>>
      %dma_start3A_109 = arith.constant 0 : i32
      %dma_start3A_110 = arith.constant 0 : i32
      %dma_start3A_111 = tpu.memref_slice %arg13[%dma_start3A_109, %dma_start3A_110] : memref<1001x64xf32, #tpu.memory_space<hbm>> -> memref<1001x64xf32, #tpu.memory_space<hbm>>
      tpu.enqueue_indirect_dma source(%dma_start3A_111 : memref<1001x64xf32, #tpu.memory_space<hbm>>) target(%dma_start3A_106 : memref<80x64xf32, #tpu.memory_space<vmem>>) offsets(%dma_start3A_108 : memref<80xi32, #tpu.memory_space<vmem>>) semaphore(%arg26 : memref<!tpu.dma_semaphore, #tpu.memory_space<semaphore_mem>>)
      %dma_start3A_112 = arith.constant 640 : i32
      %dma_start3A_113 = arith.constant 0 : i32
      %dma_start3A_114 = tpu.memref_slice %arg24[%dma_start3A_112, %dma_start3A_113] : memref<800x64xf32, #tpu.memory_space<vmem>> -> memref<80x64xf32, #tpu.memory_space<vmem>>
      %dma_start3A_115 = arith.constant 640 : i32
      %dma_start3A_116 = tpu.memref_slice %arg23[%dma_start3A_115] : memref<800xi32, #tpu.memory_space<vmem>> -> memref<80xi32, #tpu.memory_space<vmem>>
      %dma_start3A_117 = arith.constant 0 : i32
      %dma_start3A_118 = arith.constant 0 : i32
      %dma_start3A_119 = tpu.memref_slice %arg13[%dma_start3A_117, %dma_start3A_118] : memref<1001x64xf32, #tpu.memory_space<hbm>> -> memref<1001x64xf32, #tpu.memory_space<hbm>>
      tpu.enqueue_indirect_dma source(%dma_start3A_119 : memref<1001x64xf32, #tpu.memory_space<hbm>>) target(%dma_start3A_114 : memref<80x64xf32, #tpu.memory_space<vmem>>) offsets(%dma_start3A_116 : memref<80xi32, #tpu.memory_space<vmem>>) semaphore(%arg26 : memref<!tpu.dma_semaphore, #tpu.memory_space<semaphore_mem>>)
      %dma_start3A_120 = arith.constant 720 : i32
      %dma_start3A_121 = arith.constant 0 : i32
      %dma_start3A_122 = tpu.memref_slice %arg24[%dma_start3A_120, %dma_start3A_121] : memref<800x64xf32, #tpu.memory_space<vmem>> -> memref<80x64xf32, #tpu.memory_space<vmem>>
      %dma_start3A_123 = arith.constant 720 : i32
      %dma_start3A_124 = tpu.memref_slice %arg23[%dma_start3A_123] : memref<800xi32, #tpu.memory_space<vmem>> -> memref<80xi32, #tpu.memory_space<vmem>>
      %dma_start3A_125 = arith.constant 0 : i32
      %dma_start3A_126 = arith.constant 0 : i32
      %dma_start3A_127 = tpu.memref_slice %arg13[%dma_start3A_125, %dma_start3A_126] : memref<1001x64xf32, #tpu.memory_space<hbm>> -> memref<1001x64xf32, #tpu.memory_space<hbm>>
      tpu.enqueue_indirect_dma source(%dma_start3A_127 : memref<1001x64xf32, #tpu.memory_space<hbm>>) target(%dma_start3A_122 : memref<80x64xf32, #tpu.memory_space<vmem>>) offsets(%dma_start3A_124 : memref<80xi32, #tpu.memory_space<vmem>>) semaphore(%arg26 : memref<!tpu.dma_semaphore, #tpu.memory_space<semaphore_mem>>)
      %dma_wait3A_128 = arith.constant 0 : i32
      %dma_wait3A_129 = arith.constant 0 : i32
      %dma_wait3A_130 = tpu.memref_slice %arg24[%dma_wait3A_128, %dma_wait3A_129] : memref<800x64xf32, #tpu.memory_space<vmem>> -> memref<80x64xf32, #tpu.memory_space<vmem>>
      %dma_wait3A_131 = arith.constant 0 : i32
      %dma_wait3A_132 = tpu.memref_slice %arg23[%dma_wait3A_131] : memref<800xi32, #tpu.memory_space<vmem>> -> memref<80xi32, #tpu.memory_space<vmem>>
      %dma_wait3A_133 = arith.constant 0 : i32
      %dma_wait3A_134 = arith.constant 0 : i32
      %dma_wait3A_135 = tpu.memref_slice %arg13[%dma_wait3A_133, %dma_wait3A_134] : memref<1001x64xf32, #tpu.memory_space<hbm>> -> memref<1001x64xf32, #tpu.memory_space<hbm>>
      tpu.wait_indirect_dma semaphore(%arg26 : memref<!tpu.dma_semaphore, #tpu.memory_space<semaphore_mem>>) src(%dma_wait3A_135 : memref<1001x64xf32, #tpu.memory_space<hbm>>) dst(%dma_wait3A_130 : memref<80x64xf32, #tpu.memory_space<vmem>>)
      %dma_wait3A_136 = arith.constant 80 : i32
      %dma_wait3A_137 = arith.constant 0 : i32
      %dma_wait3A_138 = tpu.memref_slice %arg24[%dma_wait3A_136, %dma_wait3A_137] : memref<800x64xf32, #tpu.memory_space<vmem>> -> memref<80x64xf32, #tpu.memory_space<vmem>>
      %dma_wait3A_139 = arith.constant 80 : i32
      %dma_wait3A_140 = tpu.memref_slice %arg23[%dma_wait3A_139] : memref<800xi32, #tpu.memory_space<vmem>> -> memref<80xi32, #tpu.memory_space<vmem>>
      %dma_wait3A_141 = arith.constant 0 : i32
      %dma_wait3A_142 = arith.constant 0 : i32
      %dma_wait3A_143 = tpu.memref_slice %arg13[%dma_wait3A_141, %dma_wait3A_142] : memref<1001x64xf32, #tpu.memory_space<hbm>> -> memref<1001x64xf32, #tpu.memory_space<hbm>>
      tpu.wait_indirect_dma semaphore(%arg26 : memref<!tpu.dma_semaphore, #tpu.memory_space<semaphore_mem>>) src(%dma_wait3A_143 : memref<1001x64xf32, #tpu.memory_space<hbm>>) dst(%dma_wait3A_138 : memref<80x64xf32, #tpu.memory_space<vmem>>)
      %dma_wait3A_144 = arith.constant 160 : i32
      %dma_wait3A_145 = arith.constant 0 : i32
      %dma_wait3A_146 = tpu.memref_slice %arg24[%dma_wait3A_144, %dma_wait3A_145] : memref<800x64xf32, #tpu.memory_space<vmem>> -> memref<80x64xf32, #tpu.memory_space<vmem>>
      %dma_wait3A_147 = arith.constant 160 : i32
      %dma_wait3A_148 = tpu.memref_slice %arg23[%dma_wait3A_147] : memref<800xi32, #tpu.memory_space<vmem>> -> memref<80xi32, #tpu.memory_space<vmem>>
      %dma_wait3A_149 = arith.constant 0 : i32
      %dma_wait3A_150 = arith.constant 0 : i32
      %dma_wait3A_151 = tpu.memref_slice %arg13[%dma_wait3A_149, %dma_wait3A_150] : memref<1001x64xf32, #tpu.memory_space<hbm>> -> memref<1001x64xf32, #tpu.memory_space<hbm>>
      tpu.wait_indirect_dma semaphore(%arg26 : memref<!tpu.dma_semaphore, #tpu.memory_space<semaphore_mem>>) src(%dma_wait3A_151 : memref<1001x64xf32, #tpu.memory_space<hbm>>) dst(%dma_wait3A_146 : memref<80x64xf32, #tpu.memory_space<vmem>>)
      %dma_wait3A_152 = arith.constant 240 : i32
      %dma_wait3A_153 = arith.constant 0 : i32
      %dma_wait3A_154 = tpu.memref_slice %arg24[%dma_wait3A_152, %dma_wait3A_153] : memref<800x64xf32, #tpu.memory_space<vmem>> -> memref<80x64xf32, #tpu.memory_space<vmem>>
      %dma_wait3A_155 = arith.constant 240 : i32
      %dma_wait3A_156 = tpu.memref_slice %arg23[%dma_wait3A_155] : memref<800xi32, #tpu.memory_space<vmem>> -> memref<80xi32, #tpu.memory_space<vmem>>
      %dma_wait3A_157 = arith.constant 0 : i32
      %dma_wait3A_158 = arith.constant 0 : i32
      %dma_wait3A_159 = tpu.memref_slice %arg13[%dma_wait3A_157, %dma_wait3A_158] : memref<1001x64xf32, #tpu.memory_space<hbm>> -> memref<1001x64xf32, #tpu.memory_space<hbm>>
      tpu.wait_indirect_dma semaphore(%arg26 : memref<!tpu.dma_semaphore, #tpu.memory_space<semaphore_mem>>) src(%dma_wait3A_159 : memref<1001x64xf32, #tpu.memory_space<hbm>>) dst(%dma_wait3A_154 : memref<80x64xf32, #tpu.memory_space<vmem>>)
      %dma_wait3A_160 = arith.constant 320 : i32
      %dma_wait3A_161 = arith.constant 0 : i32
      %dma_wait3A_162 = tpu.memref_slice %arg24[%dma_wait3A_160, %dma_wait3A_161] : memref<800x64xf32, #tpu.memory_space<vmem>> -> memref<80x64xf32, #tpu.memory_space<vmem>>
      %dma_wait3A_163 = arith.constant 320 : i32
      %dma_wait3A_164 = tpu.memref_slice %arg23[%dma_wait3A_163] : memref<800xi32, #tpu.memory_space<vmem>> -> memref<80xi32, #tpu.memory_space<vmem>>
      %dma_wait3A_165 = arith.constant 0 : i32
      %dma_wait3A_166 = arith.constant 0 : i32
      %dma_wait3A_167 = tpu.memref_slice %arg13[%dma_wait3A_165, %dma_wait3A_166] : memref<1001x64xf32, #tpu.memory_space<hbm>> -> memref<1001x64xf32, #tpu.memory_space<hbm>>
      tpu.wait_indirect_dma semaphore(%arg26 : memref<!tpu.dma_semaphore, #tpu.memory_space<semaphore_mem>>) src(%dma_wait3A_167 : memref<1001x64xf32, #tpu.memory_space<hbm>>) dst(%dma_wait3A_162 : memref<80x64xf32, #tpu.memory_space<vmem>>)
      %dma_wait3A_168 = arith.constant 400 : i32
      %dma_wait3A_169 = arith.constant 0 : i32
      %dma_wait3A_170 = tpu.memref_slice %arg24[%dma_wait3A_168, %dma_wait3A_169] : memref<800x64xf32, #tpu.memory_space<vmem>> -> memref<80x64xf32, #tpu.memory_space<vmem>>
      %dma_wait3A_171 = arith.constant 400 : i32
      %dma_wait3A_172 = tpu.memref_slice %arg23[%dma_wait3A_171] : memref<800xi32, #tpu.memory_space<vmem>> -> memref<80xi32, #tpu.memory_space<vmem>>
      %dma_wait3A_173 = arith.constant 0 : i32
      %dma_wait3A_174 = arith.constant 0 : i32
      %dma_wait3A_175 = tpu.memref_slice %arg13[%dma_wait3A_173, %dma_wait3A_174] : memref<1001x64xf32, #tpu.memory_space<hbm>> -> memref<1001x64xf32, #tpu.memory_space<hbm>>
      tpu.wait_indirect_dma semaphore(%arg26 : memref<!tpu.dma_semaphore, #tpu.memory_space<semaphore_mem>>) src(%dma_wait3A_175 : memref<1001x64xf32, #tpu.memory_space<hbm>>) dst(%dma_wait3A_170 : memref<80x64xf32, #tpu.memory_space<vmem>>)
      %dma_wait3A_176 = arith.constant 480 : i32
      %dma_wait3A_177 = arith.constant 0 : i32
      %dma_wait3A_178 = tpu.memref_slice %arg24[%dma_wait3A_176, %dma_wait3A_177] : memref<800x64xf32, #tpu.memory_space<vmem>> -> memref<80x64xf32, #tpu.memory_space<vmem>>
      %dma_wait3A_179 = arith.constant 480 : i32
      %dma_wait3A_180 = tpu.memref_slice %arg23[%dma_wait3A_179] : memref<800xi32, #tpu.memory_space<vmem>> -> memref<80xi32, #tpu.memory_space<vmem>>
      %dma_wait3A_181 = arith.constant 0 : i32
      %dma_wait3A_182 = arith.constant 0 : i32
      %dma_wait3A_183 = tpu.memref_slice %arg13[%dma_wait3A_181, %dma_wait3A_182] : memref<1001x64xf32, #tpu.memory_space<hbm>> -> memref<1001x64xf32, #tpu.memory_space<hbm>>
      tpu.wait_indirect_dma semaphore(%arg26 : memref<!tpu.dma_semaphore, #tpu.memory_space<semaphore_mem>>) src(%dma_wait3A_183 : memref<1001x64xf32, #tpu.memory_space<hbm>>) dst(%dma_wait3A_178 : memref<80x64xf32, #tpu.memory_space<vmem>>)
      %dma_wait3A_184 = arith.constant 560 : i32
      %dma_wait3A_185 = arith.constant 0 : i32
      %dma_wait3A_186 = tpu.memref_slice %arg24[%dma_wait3A_184, %dma_wait3A_185] : memref<800x64xf32, #tpu.memory_space<vmem>> -> memref<80x64xf32, #tpu.memory_space<vmem>>
      %dma_wait3A_187 = arith.constant 560 : i32
      %dma_wait3A_188 = tpu.memref_slice %arg23[%dma_wait3A_187] : memref<800xi32, #tpu.memory_space<vmem>> -> memref<80xi32, #tpu.memory_space<vmem>>
      %dma_wait3A_189 = arith.constant 0 : i32
      %dma_wait3A_190 = arith.constant 0 : i32
      %dma_wait3A_191 = tpu.memref_slice %arg13[%dma_wait3A_189, %dma_wait3A_190] : memref<1001x64xf32, #tpu.memory_space<hbm>> -> memref<1001x64xf32, #tpu.memory_space<hbm>>
      tpu.wait_indirect_dma semaphore(%arg26 : memref<!tpu.dma_semaphore, #tpu.memory_space<semaphore_mem>>) src(%dma_wait3A_191 : memref<1001x64xf32, #tpu.memory_space<hbm>>) dst(%dma_wait3A_186 : memref<80x64xf32, #tpu.memory_space<vmem>>)
      %dma_wait3A_192 = arith.constant 640 : i32
      %dma_wait3A_193 = arith.constant 0 : i32
      %dma_wait3A_194 = tpu.memref_slice %arg24[%dma_wait3A_192, %dma_wait3A_193] : memref<800x64xf32, #tpu.memory_space<vmem>> -> memref<80x64xf32, #tpu.memory_space<vmem>>
      %dma_wait3A_195 = arith.constant 640 : i32
      %dma_wait3A_196 = tpu.memref_slice %arg23[%dma_wait3A_195] : memref<800xi32, #tpu.memory_space<vmem>> -> memref<80xi32, #tpu.memory_space<vmem>>
      %dma_wait3A_197 = arith.constant 0 : i32
      %dma_wait3A_198 = arith.constant 0 : i32
      %dma_wait3A_199 = tpu.memref_slice %arg13[%dma_wait3A_197, %dma_wait3A_198] : memref<1001x64xf32, #tpu.memory_space<hbm>> -> memref<1001x64xf32, #tpu.memory_space<hbm>>
      tpu.wait_indirect_dma semaphore(%arg26 : memref<!tpu.dma_semaphore, #tpu.memory_space<semaphore_mem>>) src(%dma_wait3A_199 : memref<1001x64xf32, #tpu.memory_space<hbm>>) dst(%dma_wait3A_194 : memref<80x64xf32, #tpu.memory_space<vmem>>)
      %dma_wait3A_200 = arith.constant 720 : i32
      %dma_wait3A_201 = arith.constant 0 : i32
      %dma_wait3A_202 = tpu.memref_slice %arg24[%dma_wait3A_200, %dma_wait3A_201] : memref<800x64xf32, #tpu.memory_space<vmem>> -> memref<80x64xf32, #tpu.memory_space<vmem>>
      %dma_wait3A_203 = arith.constant 720 : i32
      %dma_wait3A_204 = tpu.memref_slice %arg23[%dma_wait3A_203] : memref<800xi32, #tpu.memory_space<vmem>> -> memref<80xi32, #tpu.memory_space<vmem>>
      %dma_wait3A_205 = arith.constant 0 : i32
      %dma_wait3A_206 = arith.constant 0 : i32
      %dma_wait3A_207 = tpu.memref_slice %arg13[%dma_wait3A_205, %dma_wait3A_206] : memref<1001x64xf32, #tpu.memory_space<hbm>> -> memref<1001x64xf32, #tpu.memory_space<hbm>>
      tpu.wait_indirect_dma semaphore(%arg26 : memref<!tpu.dma_semaphore, #tpu.memory_space<semaphore_mem>>) src(%dma_wait3A_207 : memref<1001x64xf32, #tpu.memory_space<hbm>>) dst(%dma_wait3A_202 : memref<80x64xf32, #tpu.memory_space<vmem>>)
      %broadcast_in_dim3A = arith.constant 0.000000e+00 : f32
      %broadcast_in_dim3A_208 = vector.broadcast %broadcast_in_dim3A : f32 to vector<16xf32>
      %scan3A_209 = arith.constant 0 : i32
      %scan3A_210 = arith.constant 50 : i32
      %scan3A_211 = arith.addi %scan3A_209, %scan3A_210 : i32
      %scan3A_212 = arith.constant 1 : i32
      %scan3A_213:4 = scf.for %scan3A_721 = %scan3A_209 to %scan3A_211 step %scan3A_212 iter_args(%scan3A_722 = %broadcast_in_dim3A_208, %scan3A_723 = %broadcast_in_dim3A_208, %scan3A_724 = %broadcast_in_dim3A_208, %scan3A_725 = %broadcast_in_dim3A_208) -> (vector<16xf32>, vector<16xf32>, vector<16xf32>, vector<16xf32>)  : i32 {
        %add3A_726 = arith.constant 0 : i32
        %add3A_727 = arith.addi %add3A_726, %scan3A_721 : i32
        %get3A = arith.index_cast %add3A_727 : i32 to index
        %get3A_728 = arith.constant 0 : index
        %get3A_729 = tpu.vector_load %arg24[%get3A, %get3A_728] {strides = array<i32>} : memref<800x64xf32, #tpu.memory_space<vmem>>, vector<1x16xf32>,
        %get3A_730 = vector.shape_cast %get3A_729 : vector<1x16xf32> to vector<16xf32>
        %add3A_731 = arith.addf %scan3A_722, %get3A_730 : vector<16xf32>
        %add3A_732 = arith.constant 0 : i32
        %add3A_733 = arith.addi %add3A_732, %scan3A_721 : i32
        %get3A_734 = arith.index_cast %add3A_733 : i32 to index
        %get3A_735 = arith.constant 16 : index
        %get3A_736 = tpu.vector_load %arg24[%get3A_734, %get3A_735] {strides = array<i32>} : memref<800x64xf32, #tpu.memory_space<vmem>>, vector<1x16xf32>,
        %get3A_737 = vector.shape_cast %get3A_736 : vector<1x16xf32> to vector<16xf32>
        %add3A_738 = arith.addf %scan3A_723, %get3A_737 : vector<16xf32>
        %add3A_739 = arith.constant 0 : i32
        %add3A_740 = arith.addi %add3A_739, %scan3A_721 : i32
        %get3A_741 = arith.index_cast %add3A_740 : i32 to index
        %get3A_742 = arith.constant 32 : index
        %get3A_743 = tpu.vector_load %arg24[%get3A_741, %get3A_742] {strides = array<i32>} : memref<800x64xf32, #tpu.memory_space<vmem>>, vector<1x16xf32>,
        %get3A_744 = vector.shape_cast %get3A_743 : vector<1x16xf32> to vector<16xf32>
        %add3A_745 = arith.addf %scan3A_724, %get3A_744 : vector<16xf32>
        %add3A_746 = arith.constant 0 : i32
        %add3A_747 = arith.addi %add3A_746, %scan3A_721 : i32
        %get3A_748 = arith.index_cast %add3A_747 : i32 to index
        %get3A_749 = arith.constant 48 : index
        %get3A_750 = tpu.vector_load %arg24[%get3A_748, %get3A_749] {strides = array<i32>} : memref<800x64xf32, #tpu.memory_space<vmem>>, vector<1x16xf32>,
        %get3A_751 = vector.shape_cast %get3A_750 : vector<1x16xf32> to vector<16xf32>
        %add3A_752 = arith.addf %scan3A_725, %get3A_751 : vector<16xf32>
        scf.yield %add3A_731, %add3A_738, %add3A_745, %add3A_752 : vector<16xf32>, vector<16xf32>, vector<16xf32>, vector<16xf32>
      }
      %scan3A_214 = arith.constant 50 : i32
      %swap3A = arith.constant 0 : i32
      %swap3A_215 = arith.index_cast %swap3A : i32 to index
      %swap3A_216 = arith.constant 0 : index
      %swap3A_217 = tpu.vector_load %arg25[%swap3A_215, %swap3A_216] {strides = array<i32>} : memref<16x64xf32, #tpu.memory_space<vmem>>, vector<1x16xf32>,
      %swap3A_218 = vector.shape_cast %swap3A_217 : vector<1x16xf32> to vector<16xf32>
      %swap3A_219 = vector.shape_cast %scan3A_213#0 : vector<16xf32> to vector<1x16xf32>
      tpu.vector_store %arg25[%swap3A_215, %swap3A_216], %swap3A_219 {strides = array<i32>} : memref<16x64xf32, #tpu.memory_space<vmem>>, vector<1x16xf32>,
      %swap3A_220 = arith.constant 0 : i32
      %swap3A_221 = arith.index_cast %swap3A_220 : i32 to index
      %swap3A_222 = arith.constant 16 : index
      %swap3A_223 = tpu.vector_load %arg25[%swap3A_221, %swap3A_222] {strides = array<i32>} : memref<16x64xf32, #tpu.memory_space<vmem>>, vector<1x16xf32>,
      %swap3A_224 = vector.shape_cast %swap3A_223 : vector<1x16xf32> to vector<16xf32>
      %swap3A_225 = vector.shape_cast %scan3A_213#1 : vector<16xf32> to vector<1x16xf32>
      tpu.vector_store %arg25[%swap3A_221, %swap3A_222], %swap3A_225 {strides = array<i32>} : memref<16x64xf32, #tpu.memory_space<vmem>>, vector<1x16xf32>,
      %swap3A_226 = arith.constant 0 : i32
      %swap3A_227 = arith.index_cast %swap3A_226 : i32 to index
      %swap3A_228 = arith.constant 32 : index
      %swap3A_229 = tpu.vector_load %arg25[%swap3A_227, %swap3A_228] {strides = array<i32>} : memref<16x64xf32, #tpu.memory_space<vmem>>, vector<1x16xf32>,
      %swap3A_230 = vector.shape_cast %swap3A_229 : vector<1x16xf32> to vector<16xf32>
      %swap3A_231 = vector.shape_cast %scan3A_213#2 : vector<16xf32> to vector<1x16xf32>
      tpu.vector_store %arg25[%swap3A_227, %swap3A_228], %swap3A_231 {strides = array<i32>} : memref<16x64xf32, #tpu.memory_space<vmem>>, vector<1x16xf32>,
      %swap3A_232 = arith.constant 0 : i32
      %swap3A_233 = arith.index_cast %swap3A_232 : i32 to index
      %swap3A_234 = arith.constant 48 : index
      %swap3A_235 = tpu.vector_load %arg25[%swap3A_233, %swap3A_234] {strides = array<i32>} : memref<16x64xf32, #tpu.memory_space<vmem>>, vector<1x16xf32>,
      %swap3A_236 = vector.shape_cast %swap3A_235 : vector<1x16xf32> to vector<16xf32>
      %swap3A_237 = vector.shape_cast %scan3A_213#3 : vector<16xf32> to vector<1x16xf32>
      tpu.vector_store %arg25[%swap3A_233, %swap3A_234], %swap3A_237 {strides = array<i32>} : memref<16x64xf32, #tpu.memory_space<vmem>>, vector<1x16xf32>,
      %broadcast_in_dim3A_238 = arith.constant 0.000000e+00 : f32
      %broadcast_in_dim3A_239 = vector.broadcast %broadcast_in_dim3A_238 : f32 to vector<16xf32>
      %scan3A_240 = arith.constant 0 : i32
      %scan3A_241 = arith.constant 50 : i32
      %scan3A_242 = arith.addi %scan3A_240, %scan3A_241 : i32
      %scan3A_243 = arith.constant 1 : i32
      %scan3A_244:4 = scf.for %scan3A_721 = %scan3A_240 to %scan3A_242 step %scan3A_243 iter_args(%scan3A_722 = %broadcast_in_dim3A_239, %scan3A_723 = %broadcast_in_dim3A_239, %scan3A_724 = %broadcast_in_dim3A_239, %scan3A_725 = %broadcast_in_dim3A_239) -> (vector<16xf32>, vector<16xf32>, vector<16xf32>, vector<16xf32>)  : i32 {
        %add3A_726 = arith.constant 50 : i32
        %add3A_727 = arith.addi %add3A_726, %scan3A_721 : i32
        %get3A = arith.index_cast %add3A_727 : i32 to index
        %get3A_728 = arith.constant 0 : index
        %get3A_729 = tpu.vector_load %arg24[%get3A, %get3A_728] {strides = array<i32>} : memref<800x64xf32, #tpu.memory_space<vmem>>, vector<1x16xf32>,
        %get3A_730 = vector.shape_cast %get3A_729 : vector<1x16xf32> to vector<16xf32>
        %add3A_731 = arith.addf %scan3A_722, %get3A_730 : vector<16xf32>
        %add3A_732 = arith.constant 50 : i32
        %add3A_733 = arith.addi %add3A_732, %scan3A_721 : i32
        %get3A_734 = arith.index_cast %add3A_733 : i32 to index
        %get3A_735 = arith.constant 16 : index
        %get3A_736 = tpu.vector_load %arg24[%get3A_734, %get3A_735] {strides = array<i32>} : memref<800x64xf32, #tpu.memory_space<vmem>>, vector<1x16xf32>,
        %get3A_737 = vector.shape_cast %get3A_736 : vector<1x16xf32> to vector<16xf32>
        %add3A_738 = arith.addf %scan3A_723, %get3A_737 : vector<16xf32>
        %add3A_739 = arith.constant 50 : i32
        %add3A_740 = arith.addi %add3A_739, %scan3A_721 : i32
        %get3A_741 = arith.index_cast %add3A_740 : i32 to index
        %get3A_742 = arith.constant 32 : index
        %get3A_743 = tpu.vector_load %arg24[%get3A_741, %get3A_742] {strides = array<i32>} : memref<800x64xf32, #tpu.memory_space<vmem>>, vector<1x16xf32>,
        %get3A_744 = vector.shape_cast %get3A_743 : vector<1x16xf32> to vector<16xf32>
        %add3A_745 = arith.addf %scan3A_724, %get3A_744 : vector<16xf32>
        %add3A_746 = arith.constant 50 : i32
        %add3A_747 = arith.addi %add3A_746, %scan3A_721 : i32
        %get3A_748 = arith.index_cast %add3A_747 : i32 to index
        %get3A_749 = arith.constant 48 : index
        %get3A_750 = tpu.vector_load %arg24[%get3A_748, %get3A_749] {strides = array<i32>} : memref<800x64xf32, #tpu.memory_space<vmem>>, vector<1x16xf32>,
        %get3A_751 = vector.shape_cast %get3A_750 : vector<1x16xf32> to vector<16xf32>
        %add3A_752 = arith.addf %scan3A_725, %get3A_751 : vector<16xf32>
        scf.yield %add3A_731, %add3A_738, %add3A_745, %add3A_752 : vector<16xf32>, vector<16xf32>, vector<16xf32>, vector<16xf32>
      }
      %scan3A_245 = arith.constant 50 : i32
      %swap3A_246 = arith.constant 1 : i32
      %swap3A_247 = arith.index_cast %swap3A_246 : i32 to index
      %swap3A_248 = arith.constant 0 : index
      %swap3A_249 = tpu.vector_load %arg25[%swap3A_247, %swap3A_248] {strides = array<i32>} : memref<16x64xf32, #tpu.memory_space<vmem>>, vector<1x16xf32>,
      %swap3A_250 = vector.shape_cast %swap3A_249 : vector<1x16xf32> to vector<16xf32>
      %swap3A_251 = vector.shape_cast %scan3A_244#0 : vector<16xf32> to vector<1x16xf32>
      tpu.vector_store %arg25[%swap3A_247, %swap3A_248], %swap3A_251 {strides = array<i32>} : memref<16x64xf32, #tpu.memory_space<vmem>>, vector<1x16xf32>,
      %swap3A_252 = arith.constant 1 : i32
      %swap3A_253 = arith.index_cast %swap3A_252 : i32 to index
      %swap3A_254 = arith.constant 16 : index
      %swap3A_255 = tpu.vector_load %arg25[%swap3A_253, %swap3A_254] {strides = array<i32>} : memref<16x64xf32, #tpu.memory_space<vmem>>, vector<1x16xf32>,
      %swap3A_256 = vector.shape_cast %swap3A_255 : vector<1x16xf32> to vector<16xf32>
      %swap3A_257 = vector.shape_cast %scan3A_244#1 : vector<16xf32> to vector<1x16xf32>
      tpu.vector_store %arg25[%swap3A_253, %swap3A_254], %swap3A_257 {strides = array<i32>} : memref<16x64xf32, #tpu.memory_space<vmem>>, vector<1x16xf32>,
      %swap3A_258 = arith.constant 1 : i32
      %swap3A_259 = arith.index_cast %swap3A_258 : i32 to index
      %swap3A_260 = arith.constant 32 : index
      %swap3A_261 = tpu.vector_load %arg25[%swap3A_259, %swap3A_260] {strides = array<i32>} : memref<16x64xf32, #tpu.memory_space<vmem>>, vector<1x16xf32>,
      %swap3A_262 = vector.shape_cast %swap3A_261 : vector<1x16xf32> to vector<16xf32>
      %swap3A_263 = vector.shape_cast %scan3A_244#2 : vector<16xf32> to vector<1x16xf32>
      tpu.vector_store %arg25[%swap3A_259, %swap3A_260], %swap3A_263 {strides = array<i32>} : memref<16x64xf32, #tpu.memory_space<vmem>>, vector<1x16xf32>,
      %swap3A_264 = arith.constant 1 : i32
      %swap3A_265 = arith.index_cast %swap3A_264 : i32 to index
      %swap3A_266 = arith.constant 48 : index
      %swap3A_267 = tpu.vector_load %arg25[%swap3A_265, %swap3A_266] {strides = array<i32>} : memref<16x64xf32, #tpu.memory_space<vmem>>, vector<1x16xf32>,
      %swap3A_268 = vector.shape_cast %swap3A_267 : vector<1x16xf32> to vector<16xf32>
      %swap3A_269 = vector.shape_cast %scan3A_244#3 : vector<16xf32> to vector<1x16xf32>
      tpu.vector_store %arg25[%swap3A_265, %swap3A_266], %swap3A_269 {strides = array<i32>} : memref<16x64xf32, #tpu.memory_space<vmem>>, vector<1x16xf32>,
      %broadcast_in_dim3A_270 = arith.constant 0.000000e+00 : f32
      %broadcast_in_dim3A_271 = vector.broadcast %broadcast_in_dim3A_270 : f32 to vector<16xf32>
      %scan3A_272 = arith.constant 0 : i32
      %scan3A_273 = arith.constant 50 : i32
      %scan3A_274 = arith.addi %scan3A_272, %scan3A_273 : i32
      %scan3A_275 = arith.constant 1 : i32
      %scan3A_276:4 = scf.for %scan3A_721 = %scan3A_272 to %scan3A_274 step %scan3A_275 iter_args(%scan3A_722 = %broadcast_in_dim3A_271, %scan3A_723 = %broadcast_in_dim3A_271, %scan3A_724 = %broadcast_in_dim3A_271, %scan3A_725 = %broadcast_in_dim3A_271) -> (vector<16xf32>, vector<16xf32>, vector<16xf32>, vector<16xf32>)  : i32 {
        %add3A_726 = arith.constant 100 : i32
        %add3A_727 = arith.addi %add3A_726, %scan3A_721 : i32
        %get3A = arith.index_cast %add3A_727 : i32 to index
        %get3A_728 = arith.constant 0 : index
        %get3A_729 = tpu.vector_load %arg24[%get3A, %get3A_728] {strides = array<i32>} : memref<800x64xf32, #tpu.memory_space<vmem>>, vector<1x16xf32>,
        %get3A_730 = vector.shape_cast %get3A_729 : vector<1x16xf32> to vector<16xf32>
        %add3A_731 = arith.addf %scan3A_722, %get3A_730 : vector<16xf32>
        %add3A_732 = arith.constant 100 : i32
        %add3A_733 = arith.addi %add3A_732, %scan3A_721 : i32
        %get3A_734 = arith.index_cast %add3A_733 : i32 to index
        %get3A_735 = arith.constant 16 : index
        %get3A_736 = tpu.vector_load %arg24[%get3A_734, %get3A_735] {strides = array<i32>} : memref<800x64xf32, #tpu.memory_space<vmem>>, vector<1x16xf32>,
        %get3A_737 = vector.shape_cast %get3A_736 : vector<1x16xf32> to vector<16xf32>
        %add3A_738 = arith.addf %scan3A_723, %get3A_737 : vector<16xf32>
        %add3A_739 = arith.constant 100 : i32
        %add3A_740 = arith.addi %add3A_739, %scan3A_721 : i32
        %get3A_741 = arith.index_cast %add3A_740 : i32 to index
        %get3A_742 = arith.constant 32 : index
        %get3A_743 = tpu.vector_load %arg24[%get3A_741, %get3A_742] {strides = array<i32>} : memref<800x64xf32, #tpu.memory_space<vmem>>, vector<1x16xf32>,
        %get3A_744 = vector.shape_cast %get3A_743 : vector<1x16xf32> to vector<16xf32>
        %add3A_745 = arith.addf %scan3A_724, %get3A_744 : vector<16xf32>
        %add3A_746 = arith.constant 100 : i32
        %add3A_747 = arith.addi %add3A_746, %scan3A_721 : i32
        %get3A_748 = arith.index_cast %add3A_747 : i32 to index
        %get3A_749 = arith.constant 48 : index
        %get3A_750 = tpu.vector_load %arg24[%get3A_748, %get3A_749] {strides = array<i32>} : memref<800x64xf32, #tpu.memory_space<vmem>>, vector<1x16xf32>,
        %get3A_751 = vector.shape_cast %get3A_750 : vector<1x16xf32> to vector<16xf32>
        %add3A_752 = arith.addf %scan3A_725, %get3A_751 : vector<16xf32>
        scf.yield %add3A_731, %add3A_738, %add3A_745, %add3A_752 : vector<16xf32>, vector<16xf32>, vector<16xf32>, vector<16xf32>
      }
      %scan3A_277 = arith.constant 50 : i32
      %swap3A_278 = arith.constant 2 : i32
      %swap3A_279 = arith.index_cast %swap3A_278 : i32 to index
      %swap3A_280 = arith.constant 0 : index
      %swap3A_281 = tpu.vector_load %arg25[%swap3A_279, %swap3A_280] {strides = array<i32>} : memref<16x64xf32, #tpu.memory_space<vmem>>, vector<1x16xf32>,
      %swap3A_282 = vector.shape_cast %swap3A_281 : vector<1x16xf32> to vector<16xf32>
      %swap3A_283 = vector.shape_cast %scan3A_276#0 : vector<16xf32> to vector<1x16xf32>
      tpu.vector_store %arg25[%swap3A_279, %swap3A_280], %swap3A_283 {strides = array<i32>} : memref<16x64xf32, #tpu.memory_space<vmem>>, vector<1x16xf32>,
      %swap3A_284 = arith.constant 2 : i32
      %swap3A_285 = arith.index_cast %swap3A_284 : i32 to index
      %swap3A_286 = arith.constant 16 : index
      %swap3A_287 = tpu.vector_load %arg25[%swap3A_285, %swap3A_286] {strides = array<i32>} : memref<16x64xf32, #tpu.memory_space<vmem>>, vector<1x16xf32>,
      %swap3A_288 = vector.shape_cast %swap3A_287 : vector<1x16xf32> to vector<16xf32>
      %swap3A_289 = vector.shape_cast %scan3A_276#1 : vector<16xf32> to vector<1x16xf32>
      tpu.vector_store %arg25[%swap3A_285, %swap3A_286], %swap3A_289 {strides = array<i32>} : memref<16x64xf32, #tpu.memory_space<vmem>>, vector<1x16xf32>,
      %swap3A_290 = arith.constant 2 : i32
      %swap3A_291 = arith.index_cast %swap3A_290 : i32 to index
      %swap3A_292 = arith.constant 32 : index
      %swap3A_293 = tpu.vector_load %arg25[%swap3A_291, %swap3A_292] {strides = array<i32>} : memref<16x64xf32, #tpu.memory_space<vmem>>, vector<1x16xf32>,
      %swap3A_294 = vector.shape_cast %swap3A_293 : vector<1x16xf32> to vector<16xf32>
      %swap3A_295 = vector.shape_cast %scan3A_276#2 : vector<16xf32> to vector<1x16xf32>
      tpu.vector_store %arg25[%swap3A_291, %swap3A_292], %swap3A_295 {strides = array<i32>} : memref<16x64xf32, #tpu.memory_space<vmem>>, vector<1x16xf32>,
      %swap3A_296 = arith.constant 2 : i32
      %swap3A_297 = arith.index_cast %swap3A_296 : i32 to index
      %swap3A_298 = arith.constant 48 : index
      %swap3A_299 = tpu.vector_load %arg25[%swap3A_297, %swap3A_298] {strides = array<i32>} : memref<16x64xf32, #tpu.memory_space<vmem>>, vector<1x16xf32>,
      %swap3A_300 = vector.shape_cast %swap3A_299 : vector<1x16xf32> to vector<16xf32>
      %swap3A_301 = vector.shape_cast %scan3A_276#3 : vector<16xf32> to vector<1x16xf32>
      tpu.vector_store %arg25[%swap3A_297, %swap3A_298], %swap3A_301 {strides = array<i32>} : memref<16x64xf32, #tpu.memory_space<vmem>>, vector<1x16xf32>,
      %broadcast_in_dim3A_302 = arith.constant 0.000000e+00 : f32
      %broadcast_in_dim3A_303 = vector.broadcast %broadcast_in_dim3A_302 : f32 to vector<16xf32>
      %scan3A_304 = arith.constant 0 : i32
      %scan3A_305 = arith.constant 50 : i32
      %scan3A_306 = arith.addi %scan3A_304, %scan3A_305 : i32
      %scan3A_307 = arith.constant 1 : i32
      %scan3A_308:4 = scf.for %scan3A_721 = %scan3A_304 to %scan3A_306 step %scan3A_307 iter_args(%scan3A_722 = %broadcast_in_dim3A_303, %scan3A_723 = %broadcast_in_dim3A_303, %scan3A_724 = %broadcast_in_dim3A_303, %scan3A_725 = %broadcast_in_dim3A_303) -> (vector<16xf32>, vector<16xf32>, vector<16xf32>, vector<16xf32>)  : i32 {
        %add3A_726 = arith.constant 150 : i32
        %add3A_727 = arith.addi %add3A_726, %scan3A_721 : i32
        %get3A = arith.index_cast %add3A_727 : i32 to index
        %get3A_728 = arith.constant 0 : index
        %get3A_729 = tpu.vector_load %arg24[%get3A, %get3A_728] {strides = array<i32>} : memref<800x64xf32, #tpu.memory_space<vmem>>, vector<1x16xf32>,
        %get3A_730 = vector.shape_cast %get3A_729 : vector<1x16xf32> to vector<16xf32>
        %add3A_731 = arith.addf %scan3A_722, %get3A_730 : vector<16xf32>
        %add3A_732 = arith.constant 150 : i32
        %add3A_733 = arith.addi %add3A_732, %scan3A_721 : i32
        %get3A_734 = arith.index_cast %add3A_733 : i32 to index
        %get3A_735 = arith.constant 16 : index
        %get3A_736 = tpu.vector_load %arg24[%get3A_734, %get3A_735] {strides = array<i32>} : memref<800x64xf32, #tpu.memory_space<vmem>>, vector<1x16xf32>,
        %get3A_737 = vector.shape_cast %get3A_736 : vector<1x16xf32> to vector<16xf32>
        %add3A_738 = arith.addf %scan3A_723, %get3A_737 : vector<16xf32>
        %add3A_739 = arith.constant 150 : i32
        %add3A_740 = arith.addi %add3A_739, %scan3A_721 : i32
        %get3A_741 = arith.index_cast %add3A_740 : i32 to index
        %get3A_742 = arith.constant 32 : index
        %get3A_743 = tpu.vector_load %arg24[%get3A_741, %get3A_742] {strides = array<i32>} : memref<800x64xf32, #tpu.memory_space<vmem>>, vector<1x16xf32>,
        %get3A_744 = vector.shape_cast %get3A_743 : vector<1x16xf32> to vector<16xf32>
        %add3A_745 = arith.addf %scan3A_724, %get3A_744 : vector<16xf32>
        %add3A_746 = arith.constant 150 : i32
        %add3A_747 = arith.addi %add3A_746, %scan3A_721 : i32
        %get3A_748 = arith.index_cast %add3A_747 : i32 to index
        %get3A_749 = arith.constant 48 : index
        %get3A_750 = tpu.vector_load %arg24[%get3A_748, %get3A_749] {strides = array<i32>} : memref<800x64xf32, #tpu.memory_space<vmem>>, vector<1x16xf32>,
        %get3A_751 = vector.shape_cast %get3A_750 : vector<1x16xf32> to vector<16xf32>
        %add3A_752 = arith.addf %scan3A_725, %get3A_751 : vector<16xf32>
        scf.yield %add3A_731, %add3A_738, %add3A_745, %add3A_752 : vector<16xf32>, vector<16xf32>, vector<16xf32>, vector<16xf32>
      }
      %scan3A_309 = arith.constant 50 : i32
      %swap3A_310 = arith.constant 3 : i32
      %swap3A_311 = arith.index_cast %swap3A_310 : i32 to index
      %swap3A_312 = arith.constant 0 : index
      %swap3A_313 = tpu.vector_load %arg25[%swap3A_311, %swap3A_312] {strides = array<i32>} : memref<16x64xf32, #tpu.memory_space<vmem>>, vector<1x16xf32>,
      %swap3A_314 = vector.shape_cast %swap3A_313 : vector<1x16xf32> to vector<16xf32>
      %swap3A_315 = vector.shape_cast %scan3A_308#0 : vector<16xf32> to vector<1x16xf32>
      tpu.vector_store %arg25[%swap3A_311, %swap3A_312], %swap3A_315 {strides = array<i32>} : memref<16x64xf32, #tpu.memory_space<vmem>>, vector<1x16xf32>,
      %swap3A_316 = arith.constant 3 : i32
      %swap3A_317 = arith.index_cast %swap3A_316 : i32 to index
      %swap3A_318 = arith.constant 16 : index
      %swap3A_319 = tpu.vector_load %arg25[%swap3A_317, %swap3A_318] {strides = array<i32>} : memref<16x64xf32, #tpu.memory_space<vmem>>, vector<1x16xf32>,
      %swap3A_320 = vector.shape_cast %swap3A_319 : vector<1x16xf32> to vector<16xf32>
      %swap3A_321 = vector.shape_cast %scan3A_308#1 : vector<16xf32> to vector<1x16xf32>
      tpu.vector_store %arg25[%swap3A_317, %swap3A_318], %swap3A_321 {strides = array<i32>} : memref<16x64xf32, #tpu.memory_space<vmem>>, vector<1x16xf32>,
      %swap3A_322 = arith.constant 3 : i32
      %swap3A_323 = arith.index_cast %swap3A_322 : i32 to index
      %swap3A_324 = arith.constant 32 : index
      %swap3A_325 = tpu.vector_load %arg25[%swap3A_323, %swap3A_324] {strides = array<i32>} : memref<16x64xf32, #tpu.memory_space<vmem>>, vector<1x16xf32>,
      %swap3A_326 = vector.shape_cast %swap3A_325 : vector<1x16xf32> to vector<16xf32>
      %swap3A_327 = vector.shape_cast %scan3A_308#2 : vector<16xf32> to vector<1x16xf32>
      tpu.vector_store %arg25[%swap3A_323, %swap3A_324], %swap3A_327 {strides = array<i32>} : memref<16x64xf32, #tpu.memory_space<vmem>>, vector<1x16xf32>,
      %swap3A_328 = arith.constant 3 : i32
      %swap3A_329 = arith.index_cast %swap3A_328 : i32 to index
      %swap3A_330 = arith.constant 48 : index
      %swap3A_331 = tpu.vector_load %arg25[%swap3A_329, %swap3A_330] {strides = array<i32>} : memref<16x64xf32, #tpu.memory_space<vmem>>, vector<1x16xf32>,
      %swap3A_332 = vector.shape_cast %swap3A_331 : vector<1x16xf32> to vector<16xf32>
      %swap3A_333 = vector.shape_cast %scan3A_308#3 : vector<16xf32> to vector<1x16xf32>
      tpu.vector_store %arg25[%swap3A_329, %swap3A_330], %swap3A_333 {strides = array<i32>} : memref<16x64xf32, #tpu.memory_space<vmem>>, vector<1x16xf32>,
      %broadcast_in_dim3A_334 = arith.constant 0.000000e+00 : f32
      %broadcast_in_dim3A_335 = vector.broadcast %broadcast_in_dim3A_334 : f32 to vector<16xf32>
      %scan3A_336 = arith.constant 0 : i32
      %scan3A_337 = arith.constant 50 : i32
      %scan3A_338 = arith.addi %scan3A_336, %scan3A_337 : i32
      %scan3A_339 = arith.constant 1 : i32
      %scan3A_340:4 = scf.for %scan3A_721 = %scan3A_336 to %scan3A_338 step %scan3A_339 iter_args(%scan3A_722 = %broadcast_in_dim3A_335, %scan3A_723 = %broadcast_in_dim3A_335, %scan3A_724 = %broadcast_in_dim3A_335, %scan3A_725 = %broadcast_in_dim3A_335) -> (vector<16xf32>, vector<16xf32>, vector<16xf32>, vector<16xf32>)  : i32 {
        %add3A_726 = arith.constant 200 : i32
        %add3A_727 = arith.addi %add3A_726, %scan3A_721 : i32
        %get3A = arith.index_cast %add3A_727 : i32 to index
        %get3A_728 = arith.constant 0 : index
        %get3A_729 = tpu.vector_load %arg24[%get3A, %get3A_728] {strides = array<i32>} : memref<800x64xf32, #tpu.memory_space<vmem>>, vector<1x16xf32>,
        %get3A_730 = vector.shape_cast %get3A_729 : vector<1x16xf32> to vector<16xf32>
        %add3A_731 = arith.addf %scan3A_722, %get3A_730 : vector<16xf32>
        %add3A_732 = arith.constant 200 : i32
        %add3A_733 = arith.addi %add3A_732, %scan3A_721 : i32
        %get3A_734 = arith.index_cast %add3A_733 : i32 to index
        %get3A_735 = arith.constant 16 : index
        %get3A_736 = tpu.vector_load %arg24[%get3A_734, %get3A_735] {strides = array<i32>} : memref<800x64xf32, #tpu.memory_space<vmem>>, vector<1x16xf32>,
        %get3A_737 = vector.shape_cast %get3A_736 : vector<1x16xf32> to vector<16xf32>
        %add3A_738 = arith.addf %scan3A_723, %get3A_737 : vector<16xf32>
        %add3A_739 = arith.constant 200 : i32
        %add3A_740 = arith.addi %add3A_739, %scan3A_721 : i32
        %get3A_741 = arith.index_cast %add3A_740 : i32 to index
        %get3A_742 = arith.constant 32 : index
        %get3A_743 = tpu.vector_load %arg24[%get3A_741, %get3A_742] {strides = array<i32>} : memref<800x64xf32, #tpu.memory_space<vmem>>, vector<1x16xf32>,
        %get3A_744 = vector.shape_cast %get3A_743 : vector<1x16xf32> to vector<16xf32>
        %add3A_745 = arith.addf %scan3A_724, %get3A_744 : vector<16xf32>
        %add3A_746 = arith.constant 200 : i32
        %add3A_747 = arith.addi %add3A_746, %scan3A_721 : i32
        %get3A_748 = arith.index_cast %add3A_747 : i32 to index
        %get3A_749 = arith.constant 48 : index
        %get3A_750 = tpu.vector_load %arg24[%get3A_748, %get3A_749] {strides = array<i32>} : memref<800x64xf32, #tpu.memory_space<vmem>>, vector<1x16xf32>,
        %get3A_751 = vector.shape_cast %get3A_750 : vector<1x16xf32> to vector<16xf32>
        %add3A_752 = arith.addf %scan3A_725, %get3A_751 : vector<16xf32>
        scf.yield %add3A_731, %add3A_738, %add3A_745, %add3A_752 : vector<16xf32>, vector<16xf32>, vector<16xf32>, vector<16xf32>
      }
      %scan3A_341 = arith.constant 50 : i32
      %swap3A_342 = arith.constant 4 : i32
      %swap3A_343 = arith.index_cast %swap3A_342 : i32 to index
      %swap3A_344 = arith.constant 0 : index
      %swap3A_345 = tpu.vector_load %arg25[%swap3A_343, %swap3A_344] {strides = array<i32>} : memref<16x64xf32, #tpu.memory_space<vmem>>, vector<1x16xf32>,
      %swap3A_346 = vector.shape_cast %swap3A_345 : vector<1x16xf32> to vector<16xf32>
      %swap3A_347 = vector.shape_cast %scan3A_340#0 : vector<16xf32> to vector<1x16xf32>
      tpu.vector_store %arg25[%swap3A_343, %swap3A_344], %swap3A_347 {strides = array<i32>} : memref<16x64xf32, #tpu.memory_space<vmem>>, vector<1x16xf32>,
      %swap3A_348 = arith.constant 4 : i32
      %swap3A_349 = arith.index_cast %swap3A_348 : i32 to index
      %swap3A_350 = arith.constant 16 : index
      %swap3A_351 = tpu.vector_load %arg25[%swap3A_349, %swap3A_350] {strides = array<i32>} : memref<16x64xf32, #tpu.memory_space<vmem>>, vector<1x16xf32>,
      %swap3A_352 = vector.shape_cast %swap3A_351 : vector<1x16xf32> to vector<16xf32>
      %swap3A_353 = vector.shape_cast %scan3A_340#1 : vector<16xf32> to vector<1x16xf32>
      tpu.vector_store %arg25[%swap3A_349, %swap3A_350], %swap3A_353 {strides = array<i32>} : memref<16x64xf32, #tpu.memory_space<vmem>>, vector<1x16xf32>,
      %swap3A_354 = arith.constant 4 : i32
      %swap3A_355 = arith.index_cast %swap3A_354 : i32 to index
      %swap3A_356 = arith.constant 32 : index
      %swap3A_357 = tpu.vector_load %arg25[%swap3A_355, %swap3A_356] {strides = array<i32>} : memref<16x64xf32, #tpu.memory_space<vmem>>, vector<1x16xf32>,
      %swap3A_358 = vector.shape_cast %swap3A_357 : vector<1x16xf32> to vector<16xf32>
      %swap3A_359 = vector.shape_cast %scan3A_340#2 : vector<16xf32> to vector<1x16xf32>
      tpu.vector_store %arg25[%swap3A_355, %swap3A_356], %swap3A_359 {strides = array<i32>} : memref<16x64xf32, #tpu.memory_space<vmem>>, vector<1x16xf32>,
      %swap3A_360 = arith.constant 4 : i32
      %swap3A_361 = arith.index_cast %swap3A_360 : i32 to index
      %swap3A_362 = arith.constant 48 : index
      %swap3A_363 = tpu.vector_load %arg25[%swap3A_361, %swap3A_362] {strides = array<i32>} : memref<16x64xf32, #tpu.memory_space<vmem>>, vector<1x16xf32>,
      %swap3A_364 = vector.shape_cast %swap3A_363 : vector<1x16xf32> to vector<16xf32>
      %swap3A_365 = vector.shape_cast %scan3A_340#3 : vector<16xf32> to vector<1x16xf32>
      tpu.vector_store %arg25[%swap3A_361, %swap3A_362], %swap3A_365 {strides = array<i32>} : memref<16x64xf32, #tpu.memory_space<vmem>>, vector<1x16xf32>,
      %broadcast_in_dim3A_366 = arith.constant 0.000000e+00 : f32
      %broadcast_in_dim3A_367 = vector.broadcast %broadcast_in_dim3A_366 : f32 to vector<16xf32>
      %scan3A_368 = arith.constant 0 : i32
      %scan3A_369 = arith.constant 50 : i32
      %scan3A_370 = arith.addi %scan3A_368, %scan3A_369 : i32
      %scan3A_371 = arith.constant 1 : i32
      %scan3A_372:4 = scf.for %scan3A_721 = %scan3A_368 to %scan3A_370 step %scan3A_371 iter_args(%scan3A_722 = %broadcast_in_dim3A_367, %scan3A_723 = %broadcast_in_dim3A_367, %scan3A_724 = %broadcast_in_dim3A_367, %scan3A_725 = %broadcast_in_dim3A_367) -> (vector<16xf32>, vector<16xf32>, vector<16xf32>, vector<16xf32>)  : i32 {
        %add3A_726 = arith.constant 250 : i32
        %add3A_727 = arith.addi %add3A_726, %scan3A_721 : i32
        %get3A = arith.index_cast %add3A_727 : i32 to index
        %get3A_728 = arith.constant 0 : index
        %get3A_729 = tpu.vector_load %arg24[%get3A, %get3A_728] {strides = array<i32>} : memref<800x64xf32, #tpu.memory_space<vmem>>, vector<1x16xf32>,
        %get3A_730 = vector.shape_cast %get3A_729 : vector<1x16xf32> to vector<16xf32>
        %add3A_731 = arith.addf %scan3A_722, %get3A_730 : vector<16xf32>
        %add3A_732 = arith.constant 250 : i32
        %add3A_733 = arith.addi %add3A_732, %scan3A_721 : i32
        %get3A_734 = arith.index_cast %add3A_733 : i32 to index
        %get3A_735 = arith.constant 16 : index
        %get3A_736 = tpu.vector_load %arg24[%get3A_734, %get3A_735] {strides = array<i32>} : memref<800x64xf32, #tpu.memory_space<vmem>>, vector<1x16xf32>,
        %get3A_737 = vector.shape_cast %get3A_736 : vector<1x16xf32> to vector<16xf32>
        %add3A_738 = arith.addf %scan3A_723, %get3A_737 : vector<16xf32>
        %add3A_739 = arith.constant 250 : i32
        %add3A_740 = arith.addi %add3A_739, %scan3A_721 : i32
        %get3A_741 = arith.index_cast %add3A_740 : i32 to index
        %get3A_742 = arith.constant 32 : index
        %get3A_743 = tpu.vector_load %arg24[%get3A_741, %get3A_742] {strides = array<i32>} : memref<800x64xf32, #tpu.memory_space<vmem>>, vector<1x16xf32>,
        %get3A_744 = vector.shape_cast %get3A_743 : vector<1x16xf32> to vector<16xf32>
        %add3A_745 = arith.addf %scan3A_724, %get3A_744 : vector<16xf32>
        %add3A_746 = arith.constant 250 : i32
        %add3A_747 = arith.addi %add3A_746, %scan3A_721 : i32
        %get3A_748 = arith.index_cast %add3A_747 : i32 to index
        %get3A_749 = arith.constant 48 : index
        %get3A_750 = tpu.vector_load %arg24[%get3A_748, %get3A_749] {strides = array<i32>} : memref<800x64xf32, #tpu.memory_space<vmem>>, vector<1x16xf32>,
        %get3A_751 = vector.shape_cast %get3A_750 : vector<1x16xf32> to vector<16xf32>
        %add3A_752 = arith.addf %scan3A_725, %get3A_751 : vector<16xf32>
        scf.yield %add3A_731, %add3A_738, %add3A_745, %add3A_752 : vector<16xf32>, vector<16xf32>, vector<16xf32>, vector<16xf32>
      }
      %scan3A_373 = arith.constant 50 : i32
      %swap3A_374 = arith.constant 5 : i32
      %swap3A_375 = arith.index_cast %swap3A_374 : i32 to index
      %swap3A_376 = arith.constant 0 : index
      %swap3A_377 = tpu.vector_load %arg25[%swap3A_375, %swap3A_376] {strides = array<i32>} : memref<16x64xf32, #tpu.memory_space<vmem>>, vector<1x16xf32>,
      %swap3A_378 = vector.shape_cast %swap3A_377 : vector<1x16xf32> to vector<16xf32>
      %swap3A_379 = vector.shape_cast %scan3A_372#0 : vector<16xf32> to vector<1x16xf32>
      tpu.vector_store %arg25[%swap3A_375, %swap3A_376], %swap3A_379 {strides = array<i32>} : memref<16x64xf32, #tpu.memory_space<vmem>>, vector<1x16xf32>,
      %swap3A_380 = arith.constant 5 : i32
      %swap3A_381 = arith.index_cast %swap3A_380 : i32 to index
      %swap3A_382 = arith.constant 16 : index
      %swap3A_383 = tpu.vector_load %arg25[%swap3A_381, %swap3A_382] {strides = array<i32>} : memref<16x64xf32, #tpu.memory_space<vmem>>, vector<1x16xf32>,
      %swap3A_384 = vector.shape_cast %swap3A_383 : vector<1x16xf32> to vector<16xf32>
      %swap3A_385 = vector.shape_cast %scan3A_372#1 : vector<16xf32> to vector<1x16xf32>
      tpu.vector_store %arg25[%swap3A_381, %swap3A_382], %swap3A_385 {strides = array<i32>} : memref<16x64xf32, #tpu.memory_space<vmem>>, vector<1x16xf32>,
      %swap3A_386 = arith.constant 5 : i32
      %swap3A_387 = arith.index_cast %swap3A_386 : i32 to index
      %swap3A_388 = arith.constant 32 : index
      %swap3A_389 = tpu.vector_load %arg25[%swap3A_387, %swap3A_388] {strides = array<i32>} : memref<16x64xf32, #tpu.memory_space<vmem>>, vector<1x16xf32>,
      %swap3A_390 = vector.shape_cast %swap3A_389 : vector<1x16xf32> to vector<16xf32>
      %swap3A_391 = vector.shape_cast %scan3A_372#2 : vector<16xf32> to vector<1x16xf32>
      tpu.vector_store %arg25[%swap3A_387, %swap3A_388], %swap3A_391 {strides = array<i32>} : memref<16x64xf32, #tpu.memory_space<vmem>>, vector<1x16xf32>,
      %swap3A_392 = arith.constant 5 : i32
      %swap3A_393 = arith.index_cast %swap3A_392 : i32 to index
      %swap3A_394 = arith.constant 48 : index
      %swap3A_395 = tpu.vector_load %arg25[%swap3A_393, %swap3A_394] {strides = array<i32>} : memref<16x64xf32, #tpu.memory_space<vmem>>, vector<1x16xf32>,
      %swap3A_396 = vector.shape_cast %swap3A_395 : vector<1x16xf32> to vector<16xf32>
      %swap3A_397 = vector.shape_cast %scan3A_372#3 : vector<16xf32> to vector<1x16xf32>
      tpu.vector_store %arg25[%swap3A_393, %swap3A_394], %swap3A_397 {strides = array<i32>} : memref<16x64xf32, #tpu.memory_space<vmem>>, vector<1x16xf32>,
      %broadcast_in_dim3A_398 = arith.constant 0.000000e+00 : f32
      %broadcast_in_dim3A_399 = vector.broadcast %broadcast_in_dim3A_398 : f32 to vector<16xf32>
      %scan3A_400 = arith.constant 0 : i32
      %scan3A_401 = arith.constant 50 : i32
      %scan3A_402 = arith.addi %scan3A_400, %scan3A_401 : i32
      %scan3A_403 = arith.constant 1 : i32
      %scan3A_404:4 = scf.for %scan3A_721 = %scan3A_400 to %scan3A_402 step %scan3A_403 iter_args(%scan3A_722 = %broadcast_in_dim3A_399, %scan3A_723 = %broadcast_in_dim3A_399, %scan3A_724 = %broadcast_in_dim3A_399, %scan3A_725 = %broadcast_in_dim3A_399) -> (vector<16xf32>, vector<16xf32>, vector<16xf32>, vector<16xf32>)  : i32 {
        %add3A_726 = arith.constant 300 : i32
        %add3A_727 = arith.addi %add3A_726, %scan3A_721 : i32
        %get3A = arith.index_cast %add3A_727 : i32 to index
        %get3A_728 = arith.constant 0 : index
        %get3A_729 = tpu.vector_load %arg24[%get3A, %get3A_728] {strides = array<i32>} : memref<800x64xf32, #tpu.memory_space<vmem>>, vector<1x16xf32>,
        %get3A_730 = vector.shape_cast %get3A_729 : vector<1x16xf32> to vector<16xf32>
        %add3A_731 = arith.addf %scan3A_722, %get3A_730 : vector<16xf32>
        %add3A_732 = arith.constant 300 : i32
        %add3A_733 = arith.addi %add3A_732, %scan3A_721 : i32
        %get3A_734 = arith.index_cast %add3A_733 : i32 to index
        %get3A_735 = arith.constant 16 : index
        %get3A_736 = tpu.vector_load %arg24[%get3A_734, %get3A_735] {strides = array<i32>} : memref<800x64xf32, #tpu.memory_space<vmem>>, vector<1x16xf32>,
        %get3A_737 = vector.shape_cast %get3A_736 : vector<1x16xf32> to vector<16xf32>
        %add3A_738 = arith.addf %scan3A_723, %get3A_737 : vector<16xf32>
        %add3A_739 = arith.constant 300 : i32
        %add3A_740 = arith.addi %add3A_739, %scan3A_721 : i32
        %get3A_741 = arith.index_cast %add3A_740 : i32 to index
        %get3A_742 = arith.constant 32 : index
        %get3A_743 = tpu.vector_load %arg24[%get3A_741, %get3A_742] {strides = array<i32>} : memref<800x64xf32, #tpu.memory_space<vmem>>, vector<1x16xf32>,
        %get3A_744 = vector.shape_cast %get3A_743 : vector<1x16xf32> to vector<16xf32>
        %add3A_745 = arith.addf %scan3A_724, %get3A_744 : vector<16xf32>
        %add3A_746 = arith.constant 300 : i32
        %add3A_747 = arith.addi %add3A_746, %scan3A_721 : i32
        %get3A_748 = arith.index_cast %add3A_747 : i32 to index
        %get3A_749 = arith.constant 48 : index
        %get3A_750 = tpu.vector_load %arg24[%get3A_748, %get3A_749] {strides = array<i32>} : memref<800x64xf32, #tpu.memory_space<vmem>>, vector<1x16xf32>,
        %get3A_751 = vector.shape_cast %get3A_750 : vector<1x16xf32> to vector<16xf32>
        %add3A_752 = arith.addf %scan3A_725, %get3A_751 : vector<16xf32>
        scf.yield %add3A_731, %add3A_738, %add3A_745, %add3A_752 : vector<16xf32>, vector<16xf32>, vector<16xf32>, vector<16xf32>
      }
      %scan3A_405 = arith.constant 50 : i32
      %swap3A_406 = arith.constant 6 : i32
      %swap3A_407 = arith.index_cast %swap3A_406 : i32 to index
      %swap3A_408 = arith.constant 0 : index
      %swap3A_409 = tpu.vector_load %arg25[%swap3A_407, %swap3A_408] {strides = array<i32>} : memref<16x64xf32, #tpu.memory_space<vmem>>, vector<1x16xf32>,
      %swap3A_410 = vector.shape_cast %swap3A_409 : vector<1x16xf32> to vector<16xf32>
      %swap3A_411 = vector.shape_cast %scan3A_404#0 : vector<16xf32> to vector<1x16xf32>
      tpu.vector_store %arg25[%swap3A_407, %swap3A_408], %swap3A_411 {strides = array<i32>} : memref<16x64xf32, #tpu.memory_space<vmem>>, vector<1x16xf32>,
      %swap3A_412 = arith.constant 6 : i32
      %swap3A_413 = arith.index_cast %swap3A_412 : i32 to index
      %swap3A_414 = arith.constant 16 : index
      %swap3A_415 = tpu.vector_load %arg25[%swap3A_413, %swap3A_414] {strides = array<i32>} : memref<16x64xf32, #tpu.memory_space<vmem>>, vector<1x16xf32>,
      %swap3A_416 = vector.shape_cast %swap3A_415 : vector<1x16xf32> to vector<16xf32>
      %swap3A_417 = vector.shape_cast %scan3A_404#1 : vector<16xf32> to vector<1x16xf32>
      tpu.vector_store %arg25[%swap3A_413, %swap3A_414], %swap3A_417 {strides = array<i32>} : memref<16x64xf32, #tpu.memory_space<vmem>>, vector<1x16xf32>,
      %swap3A_418 = arith.constant 6 : i32
      %swap3A_419 = arith.index_cast %swap3A_418 : i32 to index
      %swap3A_420 = arith.constant 32 : index
      %swap3A_421 = tpu.vector_load %arg25[%swap3A_419, %swap3A_420] {strides = array<i32>} : memref<16x64xf32, #tpu.memory_space<vmem>>, vector<1x16xf32>,
      %swap3A_422 = vector.shape_cast %swap3A_421 : vector<1x16xf32> to vector<16xf32>
      %swap3A_423 = vector.shape_cast %scan3A_404#2 : vector<16xf32> to vector<1x16xf32>
      tpu.vector_store %arg25[%swap3A_419, %swap3A_420], %swap3A_423 {strides = array<i32>} : memref<16x64xf32, #tpu.memory_space<vmem>>, vector<1x16xf32>,
      %swap3A_424 = arith.constant 6 : i32
      %swap3A_425 = arith.index_cast %swap3A_424 : i32 to index
      %swap3A_426 = arith.constant 48 : index
      %swap3A_427 = tpu.vector_load %arg25[%swap3A_425, %swap3A_426] {strides = array<i32>} : memref<16x64xf32, #tpu.memory_space<vmem>>, vector<1x16xf32>,
      %swap3A_428 = vector.shape_cast %swap3A_427 : vector<1x16xf32> to vector<16xf32>
      %swap3A_429 = vector.shape_cast %scan3A_404#3 : vector<16xf32> to vector<1x16xf32>
      tpu.vector_store %arg25[%swap3A_425, %swap3A_426], %swap3A_429 {strides = array<i32>} : memref<16x64xf32, #tpu.memory_space<vmem>>, vector<1x16xf32>,
      %broadcast_in_dim3A_430 = arith.constant 0.000000e+00 : f32
      %broadcast_in_dim3A_431 = vector.broadcast %broadcast_in_dim3A_430 : f32 to vector<16xf32>
      %scan3A_432 = arith.constant 0 : i32
      %scan3A_433 = arith.constant 50 : i32
      %scan3A_434 = arith.addi %scan3A_432, %scan3A_433 : i32
      %scan3A_435 = arith.constant 1 : i32
      %scan3A_436:4 = scf.for %scan3A_721 = %scan3A_432 to %scan3A_434 step %scan3A_435 iter_args(%scan3A_722 = %broadcast_in_dim3A_431, %scan3A_723 = %broadcast_in_dim3A_431, %scan3A_724 = %broadcast_in_dim3A_431, %scan3A_725 = %broadcast_in_dim3A_431) -> (vector<16xf32>, vector<16xf32>, vector<16xf32>, vector<16xf32>)  : i32 {
        %add3A_726 = arith.constant 350 : i32
        %add3A_727 = arith.addi %add3A_726, %scan3A_721 : i32
        %get3A = arith.index_cast %add3A_727 : i32 to index
        %get3A_728 = arith.constant 0 : index
        %get3A_729 = tpu.vector_load %arg24[%get3A, %get3A_728] {strides = array<i32>} : memref<800x64xf32, #tpu.memory_space<vmem>>, vector<1x16xf32>,
        %get3A_730 = vector.shape_cast %get3A_729 : vector<1x16xf32> to vector<16xf32>
        %add3A_731 = arith.addf %scan3A_722, %get3A_730 : vector<16xf32>
        %add3A_732 = arith.constant 350 : i32
        %add3A_733 = arith.addi %add3A_732, %scan3A_721 : i32
        %get3A_734 = arith.index_cast %add3A_733 : i32 to index
        %get3A_735 = arith.constant 16 : index
        %get3A_736 = tpu.vector_load %arg24[%get3A_734, %get3A_735] {strides = array<i32>} : memref<800x64xf32, #tpu.memory_space<vmem>>, vector<1x16xf32>,
        %get3A_737 = vector.shape_cast %get3A_736 : vector<1x16xf32> to vector<16xf32>
        %add3A_738 = arith.addf %scan3A_723, %get3A_737 : vector<16xf32>
        %add3A_739 = arith.constant 350 : i32
        %add3A_740 = arith.addi %add3A_739, %scan3A_721 : i32
        %get3A_741 = arith.index_cast %add3A_740 : i32 to index
        %get3A_742 = arith.constant 32 : index
        %get3A_743 = tpu.vector_load %arg24[%get3A_741, %get3A_742] {strides = array<i32>} : memref<800x64xf32, #tpu.memory_space<vmem>>, vector<1x16xf32>,
        %get3A_744 = vector.shape_cast %get3A_743 : vector<1x16xf32> to vector<16xf32>
        %add3A_745 = arith.addf %scan3A_724, %get3A_744 : vector<16xf32>
        %add3A_746 = arith.constant 350 : i32
        %add3A_747 = arith.addi %add3A_746, %scan3A_721 : i32
        %get3A_748 = arith.index_cast %add3A_747 : i32 to index
        %get3A_749 = arith.constant 48 : index
        %get3A_750 = tpu.vector_load %arg24[%get3A_748, %get3A_749] {strides = array<i32>} : memref<800x64xf32, #tpu.memory_space<vmem>>, vector<1x16xf32>,
        %get3A_751 = vector.shape_cast %get3A_750 : vector<1x16xf32> to vector<16xf32>
        %add3A_752 = arith.addf %scan3A_725, %get3A_751 : vector<16xf32>
        scf.yield %add3A_731, %add3A_738, %add3A_745, %add3A_752 : vector<16xf32>, vector<16xf32>, vector<16xf32>, vector<16xf32>
      }
      %scan3A_437 = arith.constant 50 : i32
      %swap3A_438 = arith.constant 7 : i32
      %swap3A_439 = arith.index_cast %swap3A_438 : i32 to index
      %swap3A_440 = arith.constant 0 : index
      %swap3A_441 = tpu.vector_load %arg25[%swap3A_439, %swap3A_440] {strides = array<i32>} : memref<16x64xf32, #tpu.memory_space<vmem>>, vector<1x16xf32>,
      %swap3A_442 = vector.shape_cast %swap3A_441 : vector<1x16xf32> to vector<16xf32>
      %swap3A_443 = vector.shape_cast %scan3A_436#0 : vector<16xf32> to vector<1x16xf32>
      tpu.vector_store %arg25[%swap3A_439, %swap3A_440], %swap3A_443 {strides = array<i32>} : memref<16x64xf32, #tpu.memory_space<vmem>>, vector<1x16xf32>,
      %swap3A_444 = arith.constant 7 : i32
      %swap3A_445 = arith.index_cast %swap3A_444 : i32 to index
      %swap3A_446 = arith.constant 16 : index
      %swap3A_447 = tpu.vector_load %arg25[%swap3A_445, %swap3A_446] {strides = array<i32>} : memref<16x64xf32, #tpu.memory_space<vmem>>, vector<1x16xf32>,
      %swap3A_448 = vector.shape_cast %swap3A_447 : vector<1x16xf32> to vector<16xf32>
      %swap3A_449 = vector.shape_cast %scan3A_436#1 : vector<16xf32> to vector<1x16xf32>
      tpu.vector_store %arg25[%swap3A_445, %swap3A_446], %swap3A_449 {strides = array<i32>} : memref<16x64xf32, #tpu.memory_space<vmem>>, vector<1x16xf32>,
      %swap3A_450 = arith.constant 7 : i32
      %swap3A_451 = arith.index_cast %swap3A_450 : i32 to index
      %swap3A_452 = arith.constant 32 : index
      %swap3A_453 = tpu.vector_load %arg25[%swap3A_451, %swap3A_452] {strides = array<i32>} : memref<16x64xf32, #tpu.memory_space<vmem>>, vector<1x16xf32>,
      %swap3A_454 = vector.shape_cast %swap3A_453 : vector<1x16xf32> to vector<16xf32>
      %swap3A_455 = vector.shape_cast %scan3A_436#2 : vector<16xf32> to vector<1x16xf32>
      tpu.vector_store %arg25[%swap3A_451, %swap3A_452], %swap3A_455 {strides = array<i32>} : memref<16x64xf32, #tpu.memory_space<vmem>>, vector<1x16xf32>,
      %swap3A_456 = arith.constant 7 : i32
      %swap3A_457 = arith.index_cast %swap3A_456 : i32 to index
      %swap3A_458 = arith.constant 48 : index
      %swap3A_459 = tpu.vector_load %arg25[%swap3A_457, %swap3A_458] {strides = array<i32>} : memref<16x64xf32, #tpu.memory_space<vmem>>, vector<1x16xf32>,
      %swap3A_460 = vector.shape_cast %swap3A_459 : vector<1x16xf32> to vector<16xf32>
      %swap3A_461 = vector.shape_cast %scan3A_436#3 : vector<16xf32> to vector<1x16xf32>
      tpu.vector_store %arg25[%swap3A_457, %swap3A_458], %swap3A_461 {strides = array<i32>} : memref<16x64xf32, #tpu.memory_space<vmem>>, vector<1x16xf32>,
      %broadcast_in_dim3A_462 = arith.constant 0.000000e+00 : f32
      %broadcast_in_dim3A_463 = vector.broadcast %broadcast_in_dim3A_462 : f32 to vector<16xf32>
      %scan3A_464 = arith.constant 0 : i32
      %scan3A_465 = arith.constant 50 : i32
      %scan3A_466 = arith.addi %scan3A_464, %scan3A_465 : i32
      %scan3A_467 = arith.constant 1 : i32
      %scan3A_468:4 = scf.for %scan3A_721 = %scan3A_464 to %scan3A_466 step %scan3A_467 iter_args(%scan3A_722 = %broadcast_in_dim3A_463, %scan3A_723 = %broadcast_in_dim3A_463, %scan3A_724 = %broadcast_in_dim3A_463, %scan3A_725 = %broadcast_in_dim3A_463) -> (vector<16xf32>, vector<16xf32>, vector<16xf32>, vector<16xf32>)  : i32 {
        %add3A_726 = arith.constant 400 : i32
        %add3A_727 = arith.addi %add3A_726, %scan3A_721 : i32
        %get3A = arith.index_cast %add3A_727 : i32 to index
        %get3A_728 = arith.constant 0 : index
        %get3A_729 = tpu.vector_load %arg24[%get3A, %get3A_728] {strides = array<i32>} : memref<800x64xf32, #tpu.memory_space<vmem>>, vector<1x16xf32>,
        %get3A_730 = vector.shape_cast %get3A_729 : vector<1x16xf32> to vector<16xf32>
        %add3A_731 = arith.addf %scan3A_722, %get3A_730 : vector<16xf32>
        %add3A_732 = arith.constant 400 : i32
        %add3A_733 = arith.addi %add3A_732, %scan3A_721 : i32
        %get3A_734 = arith.index_cast %add3A_733 : i32 to index
        %get3A_735 = arith.constant 16 : index
        %get3A_736 = tpu.vector_load %arg24[%get3A_734, %get3A_735] {strides = array<i32>} : memref<800x64xf32, #tpu.memory_space<vmem>>, vector<1x16xf32>,
        %get3A_737 = vector.shape_cast %get3A_736 : vector<1x16xf32> to vector<16xf32>
        %add3A_738 = arith.addf %scan3A_723, %get3A_737 : vector<16xf32>
        %add3A_739 = arith.constant 400 : i32
        %add3A_740 = arith.addi %add3A_739, %scan3A_721 : i32
        %get3A_741 = arith.index_cast %add3A_740 : i32 to index
        %get3A_742 = arith.constant 32 : index
        %get3A_743 = tpu.vector_load %arg24[%get3A_741, %get3A_742] {strides = array<i32>} : memref<800x64xf32, #tpu.memory_space<vmem>>, vector<1x16xf32>,
        %get3A_744 = vector.shape_cast %get3A_743 : vector<1x16xf32> to vector<16xf32>
        %add3A_745 = arith.addf %scan3A_724, %get3A_744 : vector<16xf32>
        %add3A_746 = arith.constant 400 : i32
        %add3A_747 = arith.addi %add3A_746, %scan3A_721 : i32
        %get3A_748 = arith.index_cast %add3A_747 : i32 to index
        %get3A_749 = arith.constant 48 : index
        %get3A_750 = tpu.vector_load %arg24[%get3A_748, %get3A_749] {strides = array<i32>} : memref<800x64xf32, #tpu.memory_space<vmem>>, vector<1x16xf32>,
        %get3A_751 = vector.shape_cast %get3A_750 : vector<1x16xf32> to vector<16xf32>
        %add3A_752 = arith.addf %scan3A_725, %get3A_751 : vector<16xf32>
        scf.yield %add3A_731, %add3A_738, %add3A_745, %add3A_752 : vector<16xf32>, vector<16xf32>, vector<16xf32>, vector<16xf32>
      }
      %scan3A_469 = arith.constant 50 : i32
      %swap3A_470 = arith.constant 8 : i32
      %swap3A_471 = arith.index_cast %swap3A_470 : i32 to index
      %swap3A_472 = arith.constant 0 : index
      %swap3A_473 = tpu.vector_load %arg25[%swap3A_471, %swap3A_472] {strides = array<i32>} : memref<16x64xf32, #tpu.memory_space<vmem>>, vector<1x16xf32>,
      %swap3A_474 = vector.shape_cast %swap3A_473 : vector<1x16xf32> to vector<16xf32>
      %swap3A_475 = vector.shape_cast %scan3A_468#0 : vector<16xf32> to vector<1x16xf32>
      tpu.vector_store %arg25[%swap3A_471, %swap3A_472], %swap3A_475 {strides = array<i32>} : memref<16x64xf32, #tpu.memory_space<vmem>>, vector<1x16xf32>,
      %swap3A_476 = arith.constant 8 : i32
      %swap3A_477 = arith.index_cast %swap3A_476 : i32 to index
      %swap3A_478 = arith.constant 16 : index
      %swap3A_479 = tpu.vector_load %arg25[%swap3A_477, %swap3A_478] {strides = array<i32>} : memref<16x64xf32, #tpu.memory_space<vmem>>, vector<1x16xf32>,
      %swap3A_480 = vector.shape_cast %swap3A_479 : vector<1x16xf32> to vector<16xf32>
      %swap3A_481 = vector.shape_cast %scan3A_468#1 : vector<16xf32> to vector<1x16xf32>
      tpu.vector_store %arg25[%swap3A_477, %swap3A_478], %swap3A_481 {strides = array<i32>} : memref<16x64xf32, #tpu.memory_space<vmem>>, vector<1x16xf32>,
      %swap3A_482 = arith.constant 8 : i32
      %swap3A_483 = arith.index_cast %swap3A_482 : i32 to index
      %swap3A_484 = arith.constant 32 : index
      %swap3A_485 = tpu.vector_load %arg25[%swap3A_483, %swap3A_484] {strides = array<i32>} : memref<16x64xf32, #tpu.memory_space<vmem>>, vector<1x16xf32>,
      %swap3A_486 = vector.shape_cast %swap3A_485 : vector<1x16xf32> to vector<16xf32>
      %swap3A_487 = vector.shape_cast %scan3A_468#2 : vector<16xf32> to vector<1x16xf32>
      tpu.vector_store %arg25[%swap3A_483, %swap3A_484], %swap3A_487 {strides = array<i32>} : memref<16x64xf32, #tpu.memory_space<vmem>>, vector<1x16xf32>,
      %swap3A_488 = arith.constant 8 : i32
      %swap3A_489 = arith.index_cast %swap3A_488 : i32 to index
      %swap3A_490 = arith.constant 48 : index
      %swap3A_491 = tpu.vector_load %arg25[%swap3A_489, %swap3A_490] {strides = array<i32>} : memref<16x64xf32, #tpu.memory_space<vmem>>, vector<1x16xf32>,
      %swap3A_492 = vector.shape_cast %swap3A_491 : vector<1x16xf32> to vector<16xf32>
      %swap3A_493 = vector.shape_cast %scan3A_468#3 : vector<16xf32> to vector<1x16xf32>
      tpu.vector_store %arg25[%swap3A_489, %swap3A_490], %swap3A_493 {strides = array<i32>} : memref<16x64xf32, #tpu.memory_space<vmem>>, vector<1x16xf32>,
      %broadcast_in_dim3A_494 = arith.constant 0.000000e+00 : f32
      %broadcast_in_dim3A_495 = vector.broadcast %broadcast_in_dim3A_494 : f32 to vector<16xf32>
      %scan3A_496 = arith.constant 0 : i32
      %scan3A_497 = arith.constant 50 : i32
      %scan3A_498 = arith.addi %scan3A_496, %scan3A_497 : i32
      %scan3A_499 = arith.constant 1 : i32
      %scan3A_500:4 = scf.for %scan3A_721 = %scan3A_496 to %scan3A_498 step %scan3A_499 iter_args(%scan3A_722 = %broadcast_in_dim3A_495, %scan3A_723 = %broadcast_in_dim3A_495, %scan3A_724 = %broadcast_in_dim3A_495, %scan3A_725 = %broadcast_in_dim3A_495) -> (vector<16xf32>, vector<16xf32>, vector<16xf32>, vector<16xf32>)  : i32 {
        %add3A_726 = arith.constant 450 : i32
        %add3A_727 = arith.addi %add3A_726, %scan3A_721 : i32
        %get3A = arith.index_cast %add3A_727 : i32 to index
        %get3A_728 = arith.constant 0 : index
        %get3A_729 = tpu.vector_load %arg24[%get3A, %get3A_728] {strides = array<i32>} : memref<800x64xf32, #tpu.memory_space<vmem>>, vector<1x16xf32>,
        %get3A_730 = vector.shape_cast %get3A_729 : vector<1x16xf32> to vector<16xf32>
        %add3A_731 = arith.addf %scan3A_722, %get3A_730 : vector<16xf32>
        %add3A_732 = arith.constant 450 : i32
        %add3A_733 = arith.addi %add3A_732, %scan3A_721 : i32
        %get3A_734 = arith.index_cast %add3A_733 : i32 to index
        %get3A_735 = arith.constant 16 : index
        %get3A_736 = tpu.vector_load %arg24[%get3A_734, %get3A_735] {strides = array<i32>} : memref<800x64xf32, #tpu.memory_space<vmem>>, vector<1x16xf32>,
        %get3A_737 = vector.shape_cast %get3A_736 : vector<1x16xf32> to vector<16xf32>
        %add3A_738 = arith.addf %scan3A_723, %get3A_737 : vector<16xf32>
        %add3A_739 = arith.constant 450 : i32
        %add3A_740 = arith.addi %add3A_739, %scan3A_721 : i32
        %get3A_741 = arith.index_cast %add3A_740 : i32 to index
        %get3A_742 = arith.constant 32 : index
        %get3A_743 = tpu.vector_load %arg24[%get3A_741, %get3A_742] {strides = array<i32>} : memref<800x64xf32, #tpu.memory_space<vmem>>, vector<1x16xf32>,
        %get3A_744 = vector.shape_cast %get3A_743 : vector<1x16xf32> to vector<16xf32>
        %add3A_745 = arith.addf %scan3A_724, %get3A_744 : vector<16xf32>
        %add3A_746 = arith.constant 450 : i32
        %add3A_747 = arith.addi %add3A_746, %scan3A_721 : i32
        %get3A_748 = arith.index_cast %add3A_747 : i32 to index
        %get3A_749 = arith.constant 48 : index
        %get3A_750 = tpu.vector_load %arg24[%get3A_748, %get3A_749] {strides = array<i32>} : memref<800x64xf32, #tpu.memory_space<vmem>>, vector<1x16xf32>,
        %get3A_751 = vector.shape_cast %get3A_750 : vector<1x16xf32> to vector<16xf32>
        %add3A_752 = arith.addf %scan3A_725, %get3A_751 : vector<16xf32>
        scf.yield %add3A_731, %add3A_738, %add3A_745, %add3A_752 : vector<16xf32>, vector<16xf32>, vector<16xf32>, vector<16xf32>
      }
      %scan3A_501 = arith.constant 50 : i32
      %swap3A_502 = arith.constant 9 : i32
      %swap3A_503 = arith.index_cast %swap3A_502 : i32 to index
      %swap3A_504 = arith.constant 0 : index
      %swap3A_505 = tpu.vector_load %arg25[%swap3A_503, %swap3A_504] {strides = array<i32>} : memref<16x64xf32, #tpu.memory_space<vmem>>, vector<1x16xf32>,
      %swap3A_506 = vector.shape_cast %swap3A_505 : vector<1x16xf32> to vector<16xf32>
      %swap3A_507 = vector.shape_cast %scan3A_500#0 : vector<16xf32> to vector<1x16xf32>
      tpu.vector_store %arg25[%swap3A_503, %swap3A_504], %swap3A_507 {strides = array<i32>} : memref<16x64xf32, #tpu.memory_space<vmem>>, vector<1x16xf32>,
      %swap3A_508 = arith.constant 9 : i32
      %swap3A_509 = arith.index_cast %swap3A_508 : i32 to index
      %swap3A_510 = arith.constant 16 : index
      %swap3A_511 = tpu.vector_load %arg25[%swap3A_509, %swap3A_510] {strides = array<i32>} : memref<16x64xf32, #tpu.memory_space<vmem>>, vector<1x16xf32>,
      %swap3A_512 = vector.shape_cast %swap3A_511 : vector<1x16xf32> to vector<16xf32>
      %swap3A_513 = vector.shape_cast %scan3A_500#1 : vector<16xf32> to vector<1x16xf32>
      tpu.vector_store %arg25[%swap3A_509, %swap3A_510], %swap3A_513 {strides = array<i32>} : memref<16x64xf32, #tpu.memory_space<vmem>>, vector<1x16xf32>,
      %swap3A_514 = arith.constant 9 : i32
      %swap3A_515 = arith.index_cast %swap3A_514 : i32 to index
      %swap3A_516 = arith.constant 32 : index
      %swap3A_517 = tpu.vector_load %arg25[%swap3A_515, %swap3A_516] {strides = array<i32>} : memref<16x64xf32, #tpu.memory_space<vmem>>, vector<1x16xf32>,
      %swap3A_518 = vector.shape_cast %swap3A_517 : vector<1x16xf32> to vector<16xf32>
      %swap3A_519 = vector.shape_cast %scan3A_500#2 : vector<16xf32> to vector<1x16xf32>
      tpu.vector_store %arg25[%swap3A_515, %swap3A_516], %swap3A_519 {strides = array<i32>} : memref<16x64xf32, #tpu.memory_space<vmem>>, vector<1x16xf32>,
      %swap3A_520 = arith.constant 9 : i32
      %swap3A_521 = arith.index_cast %swap3A_520 : i32 to index
      %swap3A_522 = arith.constant 48 : index
      %swap3A_523 = tpu.vector_load %arg25[%swap3A_521, %swap3A_522] {strides = array<i32>} : memref<16x64xf32, #tpu.memory_space<vmem>>, vector<1x16xf32>,
      %swap3A_524 = vector.shape_cast %swap3A_523 : vector<1x16xf32> to vector<16xf32>
      %swap3A_525 = vector.shape_cast %scan3A_500#3 : vector<16xf32> to vector<1x16xf32>
      tpu.vector_store %arg25[%swap3A_521, %swap3A_522], %swap3A_525 {strides = array<i32>} : memref<16x64xf32, #tpu.memory_space<vmem>>, vector<1x16xf32>,
      %broadcast_in_dim3A_526 = arith.constant 0.000000e+00 : f32
      %broadcast_in_dim3A_527 = vector.broadcast %broadcast_in_dim3A_526 : f32 to vector<16xf32>
      %scan3A_528 = arith.constant 0 : i32
      %scan3A_529 = arith.constant 50 : i32
      %scan3A_530 = arith.addi %scan3A_528, %scan3A_529 : i32
      %scan3A_531 = arith.constant 1 : i32
      %scan3A_532:4 = scf.for %scan3A_721 = %scan3A_528 to %scan3A_530 step %scan3A_531 iter_args(%scan3A_722 = %broadcast_in_dim3A_527, %scan3A_723 = %broadcast_in_dim3A_527, %scan3A_724 = %broadcast_in_dim3A_527, %scan3A_725 = %broadcast_in_dim3A_527) -> (vector<16xf32>, vector<16xf32>, vector<16xf32>, vector<16xf32>)  : i32 {
        %add3A_726 = arith.constant 500 : i32
        %add3A_727 = arith.addi %add3A_726, %scan3A_721 : i32
        %get3A = arith.index_cast %add3A_727 : i32 to index
        %get3A_728 = arith.constant 0 : index
        %get3A_729 = tpu.vector_load %arg24[%get3A, %get3A_728] {strides = array<i32>} : memref<800x64xf32, #tpu.memory_space<vmem>>, vector<1x16xf32>,
        %get3A_730 = vector.shape_cast %get3A_729 : vector<1x16xf32> to vector<16xf32>
        %add3A_731 = arith.addf %scan3A_722, %get3A_730 : vector<16xf32>
        %add3A_732 = arith.constant 500 : i32
        %add3A_733 = arith.addi %add3A_732, %scan3A_721 : i32
        %get3A_734 = arith.index_cast %add3A_733 : i32 to index
        %get3A_735 = arith.constant 16 : index
        %get3A_736 = tpu.vector_load %arg24[%get3A_734, %get3A_735] {strides = array<i32>} : memref<800x64xf32, #tpu.memory_space<vmem>>, vector<1x16xf32>,
        %get3A_737 = vector.shape_cast %get3A_736 : vector<1x16xf32> to vector<16xf32>
        %add3A_738 = arith.addf %scan3A_723, %get3A_737 : vector<16xf32>
        %add3A_739 = arith.constant 500 : i32
        %add3A_740 = arith.addi %add3A_739, %scan3A_721 : i32
        %get3A_741 = arith.index_cast %add3A_740 : i32 to index
        %get3A_742 = arith.constant 32 : index
        %get3A_743 = tpu.vector_load %arg24[%get3A_741, %get3A_742] {strides = array<i32>} : memref<800x64xf32, #tpu.memory_space<vmem>>, vector<1x16xf32>,
        %get3A_744 = vector.shape_cast %get3A_743 : vector<1x16xf32> to vector<16xf32>
        %add3A_745 = arith.addf %scan3A_724, %get3A_744 : vector<16xf32>
        %add3A_746 = arith.constant 500 : i32
        %add3A_747 = arith.addi %add3A_746, %scan3A_721 : i32
        %get3A_748 = arith.index_cast %add3A_747 : i32 to index
        %get3A_749 = arith.constant 48 : index
        %get3A_750 = tpu.vector_load %arg24[%get3A_748, %get3A_749] {strides = array<i32>} : memref<800x64xf32, #tpu.memory_space<vmem>>, vector<1x16xf32>,
        %get3A_751 = vector.shape_cast %get3A_750 : vector<1x16xf32> to vector<16xf32>
        %add3A_752 = arith.addf %scan3A_725, %get3A_751 : vector<16xf32>
        scf.yield %add3A_731, %add3A_738, %add3A_745, %add3A_752 : vector<16xf32>, vector<16xf32>, vector<16xf32>, vector<16xf32>
      }
      %scan3A_533 = arith.constant 50 : i32
      %swap3A_534 = arith.constant 10 : i32
      %swap3A_535 = arith.index_cast %swap3A_534 : i32 to index
      %swap3A_536 = arith.constant 0 : index
      %swap3A_537 = tpu.vector_load %arg25[%swap3A_535, %swap3A_536] {strides = array<i32>} : memref<16x64xf32, #tpu.memory_space<vmem>>, vector<1x16xf32>,
      %swap3A_538 = vector.shape_cast %swap3A_537 : vector<1x16xf32> to vector<16xf32>
      %swap3A_539 = vector.shape_cast %scan3A_532#0 : vector<16xf32> to vector<1x16xf32>
      tpu.vector_store %arg25[%swap3A_535, %swap3A_536], %swap3A_539 {strides = array<i32>} : memref<16x64xf32, #tpu.memory_space<vmem>>, vector<1x16xf32>,
      %swap3A_540 = arith.constant 10 : i32
      %swap3A_541 = arith.index_cast %swap3A_540 : i32 to index
      %swap3A_542 = arith.constant 16 : index
      %swap3A_543 = tpu.vector_load %arg25[%swap3A_541, %swap3A_542] {strides = array<i32>} : memref<16x64xf32, #tpu.memory_space<vmem>>, vector<1x16xf32>,
      %swap3A_544 = vector.shape_cast %swap3A_543 : vector<1x16xf32> to vector<16xf32>
      %swap3A_545 = vector.shape_cast %scan3A_532#1 : vector<16xf32> to vector<1x16xf32>
      tpu.vector_store %arg25[%swap3A_541, %swap3A_542], %swap3A_545 {strides = array<i32>} : memref<16x64xf32, #tpu.memory_space<vmem>>, vector<1x16xf32>,
      %swap3A_546 = arith.constant 10 : i32
      %swap3A_547 = arith.index_cast %swap3A_546 : i32 to index
      %swap3A_548 = arith.constant 32 : index
      %swap3A_549 = tpu.vector_load %arg25[%swap3A_547, %swap3A_548] {strides = array<i32>} : memref<16x64xf32, #tpu.memory_space<vmem>>, vector<1x16xf32>,
      %swap3A_550 = vector.shape_cast %swap3A_549 : vector<1x16xf32> to vector<16xf32>
      %swap3A_551 = vector.shape_cast %scan3A_532#2 : vector<16xf32> to vector<1x16xf32>
      tpu.vector_store %arg25[%swap3A_547, %swap3A_548], %swap3A_551 {strides = array<i32>} : memref<16x64xf32, #tpu.memory_space<vmem>>, vector<1x16xf32>,
      %swap3A_552 = arith.constant 10 : i32
      %swap3A_553 = arith.index_cast %swap3A_552 : i32 to index
      %swap3A_554 = arith.constant 48 : index
      %swap3A_555 = tpu.vector_load %arg25[%swap3A_553, %swap3A_554] {strides = array<i32>} : memref<16x64xf32, #tpu.memory_space<vmem>>, vector<1x16xf32>,
      %swap3A_556 = vector.shape_cast %swap3A_555 : vector<1x16xf32> to vector<16xf32>
      %swap3A_557 = vector.shape_cast %scan3A_532#3 : vector<16xf32> to vector<1x16xf32>
      tpu.vector_store %arg25[%swap3A_553, %swap3A_554], %swap3A_557 {strides = array<i32>} : memref<16x64xf32, #tpu.memory_space<vmem>>, vector<1x16xf32>,
      %broadcast_in_dim3A_558 = arith.constant 0.000000e+00 : f32
      %broadcast_in_dim3A_559 = vector.broadcast %broadcast_in_dim3A_558 : f32 to vector<16xf32>
      %scan3A_560 = arith.constant 0 : i32
      %scan3A_561 = arith.constant 50 : i32
      %scan3A_562 = arith.addi %scan3A_560, %scan3A_561 : i32
      %scan3A_563 = arith.constant 1 : i32
      %scan3A_564:4 = scf.for %scan3A_721 = %scan3A_560 to %scan3A_562 step %scan3A_563 iter_args(%scan3A_722 = %broadcast_in_dim3A_559, %scan3A_723 = %broadcast_in_dim3A_559, %scan3A_724 = %broadcast_in_dim3A_559, %scan3A_725 = %broadcast_in_dim3A_559) -> (vector<16xf32>, vector<16xf32>, vector<16xf32>, vector<16xf32>)  : i32 {
        %add3A_726 = arith.constant 550 : i32
        %add3A_727 = arith.addi %add3A_726, %scan3A_721 : i32
        %get3A = arith.index_cast %add3A_727 : i32 to index
        %get3A_728 = arith.constant 0 : index
        %get3A_729 = tpu.vector_load %arg24[%get3A, %get3A_728] {strides = array<i32>} : memref<800x64xf32, #tpu.memory_space<vmem>>, vector<1x16xf32>,
        %get3A_730 = vector.shape_cast %get3A_729 : vector<1x16xf32> to vector<16xf32>
        %add3A_731 = arith.addf %scan3A_722, %get3A_730 : vector<16xf32>
        %add3A_732 = arith.constant 550 : i32
        %add3A_733 = arith.addi %add3A_732, %scan3A_721 : i32
        %get3A_734 = arith.index_cast %add3A_733 : i32 to index
        %get3A_735 = arith.constant 16 : index
        %get3A_736 = tpu.vector_load %arg24[%get3A_734, %get3A_735] {strides = array<i32>} : memref<800x64xf32, #tpu.memory_space<vmem>>, vector<1x16xf32>,
        %get3A_737 = vector.shape_cast %get3A_736 : vector<1x16xf32> to vector<16xf32>
        %add3A_738 = arith.addf %scan3A_723, %get3A_737 : vector<16xf32>
        %add3A_739 = arith.constant 550 : i32
        %add3A_740 = arith.addi %add3A_739, %scan3A_721 : i32
        %get3A_741 = arith.index_cast %add3A_740 : i32 to index
        %get3A_742 = arith.constant 32 : index
        %get3A_743 = tpu.vector_load %arg24[%get3A_741, %get3A_742] {strides = array<i32>} : memref<800x64xf32, #tpu.memory_space<vmem>>, vector<1x16xf32>,
        %get3A_744 = vector.shape_cast %get3A_743 : vector<1x16xf32> to vector<16xf32>
        %add3A_745 = arith.addf %scan3A_724, %get3A_744 : vector<16xf32>
        %add3A_746 = arith.constant 550 : i32
        %add3A_747 = arith.addi %add3A_746, %scan3A_721 : i32
        %get3A_748 = arith.index_cast %add3A_747 : i32 to index
        %get3A_749 = arith.constant 48 : index
        %get3A_750 = tpu.vector_load %arg24[%get3A_748, %get3A_749] {strides = array<i32>} : memref<800x64xf32, #tpu.memory_space<vmem>>, vector<1x16xf32>,
        %get3A_751 = vector.shape_cast %get3A_750 : vector<1x16xf32> to vector<16xf32>
        %add3A_752 = arith.addf %scan3A_725, %get3A_751 : vector<16xf32>
        scf.yield %add3A_731, %add3A_738, %add3A_745, %add3A_752 : vector<16xf32>, vector<16xf32>, vector<16xf32>, vector<16xf32>
      }
      %scan3A_565 = arith.constant 50 : i32
      %swap3A_566 = arith.constant 11 : i32
      %swap3A_567 = arith.index_cast %swap3A_566 : i32 to index
      %swap3A_568 = arith.constant 0 : index
      %swap3A_569 = tpu.vector_load %arg25[%swap3A_567, %swap3A_568] {strides = array<i32>} : memref<16x64xf32, #tpu.memory_space<vmem>>, vector<1x16xf32>,
      %swap3A_570 = vector.shape_cast %swap3A_569 : vector<1x16xf32> to vector<16xf32>
      %swap3A_571 = vector.shape_cast %scan3A_564#0 : vector<16xf32> to vector<1x16xf32>
      tpu.vector_store %arg25[%swap3A_567, %swap3A_568], %swap3A_571 {strides = array<i32>} : memref<16x64xf32, #tpu.memory_space<vmem>>, vector<1x16xf32>,
      %swap3A_572 = arith.constant 11 : i32
      %swap3A_573 = arith.index_cast %swap3A_572 : i32 to index
      %swap3A_574 = arith.constant 16 : index
      %swap3A_575 = tpu.vector_load %arg25[%swap3A_573, %swap3A_574] {strides = array<i32>} : memref<16x64xf32, #tpu.memory_space<vmem>>, vector<1x16xf32>,
      %swap3A_576 = vector.shape_cast %swap3A_575 : vector<1x16xf32> to vector<16xf32>
      %swap3A_577 = vector.shape_cast %scan3A_564#1 : vector<16xf32> to vector<1x16xf32>
      tpu.vector_store %arg25[%swap3A_573, %swap3A_574], %swap3A_577 {strides = array<i32>} : memref<16x64xf32, #tpu.memory_space<vmem>>, vector<1x16xf32>,
      %swap3A_578 = arith.constant 11 : i32
      %swap3A_579 = arith.index_cast %swap3A_578 : i32 to index
      %swap3A_580 = arith.constant 32 : index
      %swap3A_581 = tpu.vector_load %arg25[%swap3A_579, %swap3A_580] {strides = array<i32>} : memref<16x64xf32, #tpu.memory_space<vmem>>, vector<1x16xf32>,
      %swap3A_582 = vector.shape_cast %swap3A_581 : vector<1x16xf32> to vector<16xf32>
      %swap3A_583 = vector.shape_cast %scan3A_564#2 : vector<16xf32> to vector<1x16xf32>
      tpu.vector_store %arg25[%swap3A_579, %swap3A_580], %swap3A_583 {strides = array<i32>} : memref<16x64xf32, #tpu.memory_space<vmem>>, vector<1x16xf32>,
      %swap3A_584 = arith.constant 11 : i32
      %swap3A_585 = arith.index_cast %swap3A_584 : i32 to index
      %swap3A_586 = arith.constant 48 : index
      %swap3A_587 = tpu.vector_load %arg25[%swap3A_585, %swap3A_586] {strides = array<i32>} : memref<16x64xf32, #tpu.memory_space<vmem>>, vector<1x16xf32>,
      %swap3A_588 = vector.shape_cast %swap3A_587 : vector<1x16xf32> to vector<16xf32>
      %swap3A_589 = vector.shape_cast %scan3A_564#3 : vector<16xf32> to vector<1x16xf32>
      tpu.vector_store %arg25[%swap3A_585, %swap3A_586], %swap3A_589 {strides = array<i32>} : memref<16x64xf32, #tpu.memory_space<vmem>>, vector<1x16xf32>,
      %broadcast_in_dim3A_590 = arith.constant 0.000000e+00 : f32
      %broadcast_in_dim3A_591 = vector.broadcast %broadcast_in_dim3A_590 : f32 to vector<16xf32>
      %scan3A_592 = arith.constant 0 : i32
      %scan3A_593 = arith.constant 50 : i32
      %scan3A_594 = arith.addi %scan3A_592, %scan3A_593 : i32
      %scan3A_595 = arith.constant 1 : i32
      %scan3A_596:4 = scf.for %scan3A_721 = %scan3A_592 to %scan3A_594 step %scan3A_595 iter_args(%scan3A_722 = %broadcast_in_dim3A_591, %scan3A_723 = %broadcast_in_dim3A_591, %scan3A_724 = %broadcast_in_dim3A_591, %scan3A_725 = %broadcast_in_dim3A_591) -> (vector<16xf32>, vector<16xf32>, vector<16xf32>, vector<16xf32>)  : i32 {
        %add3A_726 = arith.constant 600 : i32
        %add3A_727 = arith.addi %add3A_726, %scan3A_721 : i32
        %get3A = arith.index_cast %add3A_727 : i32 to index
        %get3A_728 = arith.constant 0 : index
        %get3A_729 = tpu.vector_load %arg24[%get3A, %get3A_728] {strides = array<i32>} : memref<800x64xf32, #tpu.memory_space<vmem>>, vector<1x16xf32>,
        %get3A_730 = vector.shape_cast %get3A_729 : vector<1x16xf32> to vector<16xf32>
        %add3A_731 = arith.addf %scan3A_722, %get3A_730 : vector<16xf32>
        %add3A_732 = arith.constant 600 : i32
        %add3A_733 = arith.addi %add3A_732, %scan3A_721 : i32
        %get3A_734 = arith.index_cast %add3A_733 : i32 to index
        %get3A_735 = arith.constant 16 : index
        %get3A_736 = tpu.vector_load %arg24[%get3A_734, %get3A_735] {strides = array<i32>} : memref<800x64xf32, #tpu.memory_space<vmem>>, vector<1x16xf32>,
        %get3A_737 = vector.shape_cast %get3A_736 : vector<1x16xf32> to vector<16xf32>
        %add3A_738 = arith.addf %scan3A_723, %get3A_737 : vector<16xf32>
        %add3A_739 = arith.constant 600 : i32
        %add3A_740 = arith.addi %add3A_739, %scan3A_721 : i32
        %get3A_741 = arith.index_cast %add3A_740 : i32 to index
        %get3A_742 = arith.constant 32 : index
        %get3A_743 = tpu.vector_load %arg24[%get3A_741, %get3A_742] {strides = array<i32>} : memref<800x64xf32, #tpu.memory_space<vmem>>, vector<1x16xf32>,
        %get3A_744 = vector.shape_cast %get3A_743 : vector<1x16xf32> to vector<16xf32>
        %add3A_745 = arith.addf %scan3A_724, %get3A_744 : vector<16xf32>
        %add3A_746 = arith.constant 600 : i32
        %add3A_747 = arith.addi %add3A_746, %scan3A_721 : i32
        %get3A_748 = arith.index_cast %add3A_747 : i32 to index
        %get3A_749 = arith.constant 48 : index
        %get3A_750 = tpu.vector_load %arg24[%get3A_748, %get3A_749] {strides = array<i32>} : memref<800x64xf32, #tpu.memory_space<vmem>>, vector<1x16xf32>,
        %get3A_751 = vector.shape_cast %get3A_750 : vector<1x16xf32> to vector<16xf32>
        %add3A_752 = arith.addf %scan3A_725, %get3A_751 : vector<16xf32>
        scf.yield %add3A_731, %add3A_738, %add3A_745, %add3A_752 : vector<16xf32>, vector<16xf32>, vector<16xf32>, vector<16xf32>
      }
      %scan3A_597 = arith.constant 50 : i32
      %swap3A_598 = arith.constant 12 : i32
      %swap3A_599 = arith.index_cast %swap3A_598 : i32 to index
      %swap3A_600 = arith.constant 0 : index
      %swap3A_601 = tpu.vector_load %arg25[%swap3A_599, %swap3A_600] {strides = array<i32>} : memref<16x64xf32, #tpu.memory_space<vmem>>, vector<1x16xf32>,
      %swap3A_602 = vector.shape_cast %swap3A_601 : vector<1x16xf32> to vector<16xf32>
      %swap3A_603 = vector.shape_cast %scan3A_596#0 : vector<16xf32> to vector<1x16xf32>
      tpu.vector_store %arg25[%swap3A_599, %swap3A_600], %swap3A_603 {strides = array<i32>} : memref<16x64xf32, #tpu.memory_space<vmem>>, vector<1x16xf32>,
      %swap3A_604 = arith.constant 12 : i32
      %swap3A_605 = arith.index_cast %swap3A_604 : i32 to index
      %swap3A_606 = arith.constant 16 : index
      %swap3A_607 = tpu.vector_load %arg25[%swap3A_605, %swap3A_606] {strides = array<i32>} : memref<16x64xf32, #tpu.memory_space<vmem>>, vector<1x16xf32>,
      %swap3A_608 = vector.shape_cast %swap3A_607 : vector<1x16xf32> to vector<16xf32>
      %swap3A_609 = vector.shape_cast %scan3A_596#1 : vector<16xf32> to vector<1x16xf32>
      tpu.vector_store %arg25[%swap3A_605, %swap3A_606], %swap3A_609 {strides = array<i32>} : memref<16x64xf32, #tpu.memory_space<vmem>>, vector<1x16xf32>,
      %swap3A_610 = arith.constant 12 : i32
      %swap3A_611 = arith.index_cast %swap3A_610 : i32 to index
      %swap3A_612 = arith.constant 32 : index
      %swap3A_613 = tpu.vector_load %arg25[%swap3A_611, %swap3A_612] {strides = array<i32>} : memref<16x64xf32, #tpu.memory_space<vmem>>, vector<1x16xf32>,
      %swap3A_614 = vector.shape_cast %swap3A_613 : vector<1x16xf32> to vector<16xf32>
      %swap3A_615 = vector.shape_cast %scan3A_596#2 : vector<16xf32> to vector<1x16xf32>
      tpu.vector_store %arg25[%swap3A_611, %swap3A_612], %swap3A_615 {strides = array<i32>} : memref<16x64xf32, #tpu.memory_space<vmem>>, vector<1x16xf32>,
      %swap3A_616 = arith.constant 12 : i32
      %swap3A_617 = arith.index_cast %swap3A_616 : i32 to index
      %swap3A_618 = arith.constant 48 : index
      %swap3A_619 = tpu.vector_load %arg25[%swap3A_617, %swap3A_618] {strides = array<i32>} : memref<16x64xf32, #tpu.memory_space<vmem>>, vector<1x16xf32>,
      %swap3A_620 = vector.shape_cast %swap3A_619 : vector<1x16xf32> to vector<16xf32>
      %swap3A_621 = vector.shape_cast %scan3A_596#3 : vector<16xf32> to vector<1x16xf32>
      tpu.vector_store %arg25[%swap3A_617, %swap3A_618], %swap3A_621 {strides = array<i32>} : memref<16x64xf32, #tpu.memory_space<vmem>>, vector<1x16xf32>,
      %broadcast_in_dim3A_622 = arith.constant 0.000000e+00 : f32
      %broadcast_in_dim3A_623 = vector.broadcast %broadcast_in_dim3A_622 : f32 to vector<16xf32>
      %scan3A_624 = arith.constant 0 : i32
      %scan3A_625 = arith.constant 50 : i32
      %scan3A_626 = arith.addi %scan3A_624, %scan3A_625 : i32
      %scan3A_627 = arith.constant 1 : i32
      %scan3A_628:4 = scf.for %scan3A_721 = %scan3A_624 to %scan3A_626 step %scan3A_627 iter_args(%scan3A_722 = %broadcast_in_dim3A_623, %scan3A_723 = %broadcast_in_dim3A_623, %scan3A_724 = %broadcast_in_dim3A_623, %scan3A_725 = %broadcast_in_dim3A_623) -> (vector<16xf32>, vector<16xf32>, vector<16xf32>, vector<16xf32>)  : i32 {
        %add3A_726 = arith.constant 650 : i32
        %add3A_727 = arith.addi %add3A_726, %scan3A_721 : i32
        %get3A = arith.index_cast %add3A_727 : i32 to index
        %get3A_728 = arith.constant 0 : index
        %get3A_729 = tpu.vector_load %arg24[%get3A, %get3A_728] {strides = array<i32>} : memref<800x64xf32, #tpu.memory_space<vmem>>, vector<1x16xf32>,
        %get3A_730 = vector.shape_cast %get3A_729 : vector<1x16xf32> to vector<16xf32>
        %add3A_731 = arith.addf %scan3A_722, %get3A_730 : vector<16xf32>
        %add3A_732 = arith.constant 650 : i32
        %add3A_733 = arith.addi %add3A_732, %scan3A_721 : i32
        %get3A_734 = arith.index_cast %add3A_733 : i32 to index
        %get3A_735 = arith.constant 16 : index
        %get3A_736 = tpu.vector_load %arg24[%get3A_734, %get3A_735] {strides = array<i32>} : memref<800x64xf32, #tpu.memory_space<vmem>>, vector<1x16xf32>,
        %get3A_737 = vector.shape_cast %get3A_736 : vector<1x16xf32> to vector<16xf32>
        %add3A_738 = arith.addf %scan3A_723, %get3A_737 : vector<16xf32>
        %add3A_739 = arith.constant 650 : i32
        %add3A_740 = arith.addi %add3A_739, %scan3A_721 : i32
        %get3A_741 = arith.index_cast %add3A_740 : i32 to index
        %get3A_742 = arith.constant 32 : index
        %get3A_743 = tpu.vector_load %arg24[%get3A_741, %get3A_742] {strides = array<i32>} : memref<800x64xf32, #tpu.memory_space<vmem>>, vector<1x16xf32>,
        %get3A_744 = vector.shape_cast %get3A_743 : vector<1x16xf32> to vector<16xf32>
        %add3A_745 = arith.addf %scan3A_724, %get3A_744 : vector<16xf32>
        %add3A_746 = arith.constant 650 : i32
        %add3A_747 = arith.addi %add3A_746, %scan3A_721 : i32
        %get3A_748 = arith.index_cast %add3A_747 : i32 to index
        %get3A_749 = arith.constant 48 : index
        %get3A_750 = tpu.vector_load %arg24[%get3A_748, %get3A_749] {strides = array<i32>} : memref<800x64xf32, #tpu.memory_space<vmem>>, vector<1x16xf32>,
        %get3A_751 = vector.shape_cast %get3A_750 : vector<1x16xf32> to vector<16xf32>
        %add3A_752 = arith.addf %scan3A_725, %get3A_751 : vector<16xf32>
        scf.yield %add3A_731, %add3A_738, %add3A_745, %add3A_752 : vector<16xf32>, vector<16xf32>, vector<16xf32>, vector<16xf32>
      }
      %scan3A_629 = arith.constant 50 : i32
      %swap3A_630 = arith.constant 13 : i32
      %swap3A_631 = arith.index_cast %swap3A_630 : i32 to index
      %swap3A_632 = arith.constant 0 : index
      %swap3A_633 = tpu.vector_load %arg25[%swap3A_631, %swap3A_632] {strides = array<i32>} : memref<16x64xf32, #tpu.memory_space<vmem>>, vector<1x16xf32>,
      %swap3A_634 = vector.shape_cast %swap3A_633 : vector<1x16xf32> to vector<16xf32>
      %swap3A_635 = vector.shape_cast %scan3A_628#0 : vector<16xf32> to vector<1x16xf32>
      tpu.vector_store %arg25[%swap3A_631, %swap3A_632], %swap3A_635 {strides = array<i32>} : memref<16x64xf32, #tpu.memory_space<vmem>>, vector<1x16xf32>,
      %swap3A_636 = arith.constant 13 : i32
      %swap3A_637 = arith.index_cast %swap3A_636 : i32 to index
      %swap3A_638 = arith.constant 16 : index
      %swap3A_639 = tpu.vector_load %arg25[%swap3A_637, %swap3A_638] {strides = array<i32>} : memref<16x64xf32, #tpu.memory_space<vmem>>, vector<1x16xf32>,
      %swap3A_640 = vector.shape_cast %swap3A_639 : vector<1x16xf32> to vector<16xf32>
      %swap3A_641 = vector.shape_cast %scan3A_628#1 : vector<16xf32> to vector<1x16xf32>
      tpu.vector_store %arg25[%swap3A_637, %swap3A_638], %swap3A_641 {strides = array<i32>} : memref<16x64xf32, #tpu.memory_space<vmem>>, vector<1x16xf32>,
      %swap3A_642 = arith.constant 13 : i32
      %swap3A_643 = arith.index_cast %swap3A_642 : i32 to index
      %swap3A_644 = arith.constant 32 : index
      %swap3A_645 = tpu.vector_load %arg25[%swap3A_643, %swap3A_644] {strides = array<i32>} : memref<16x64xf32, #tpu.memory_space<vmem>>, vector<1x16xf32>,
      %swap3A_646 = vector.shape_cast %swap3A_645 : vector<1x16xf32> to vector<16xf32>
      %swap3A_647 = vector.shape_cast %scan3A_628#2 : vector<16xf32> to vector<1x16xf32>
      tpu.vector_store %arg25[%swap3A_643, %swap3A_644], %swap3A_647 {strides = array<i32>} : memref<16x64xf32, #tpu.memory_space<vmem>>, vector<1x16xf32>,
      %swap3A_648 = arith.constant 13 : i32
      %swap3A_649 = arith.index_cast %swap3A_648 : i32 to index
      %swap3A_650 = arith.constant 48 : index
      %swap3A_651 = tpu.vector_load %arg25[%swap3A_649, %swap3A_650] {strides = array<i32>} : memref<16x64xf32, #tpu.memory_space<vmem>>, vector<1x16xf32>,
      %swap3A_652 = vector.shape_cast %swap3A_651 : vector<1x16xf32> to vector<16xf32>
      %swap3A_653 = vector.shape_cast %scan3A_628#3 : vector<16xf32> to vector<1x16xf32>
      tpu.vector_store %arg25[%swap3A_649, %swap3A_650], %swap3A_653 {strides = array<i32>} : memref<16x64xf32, #tpu.memory_space<vmem>>, vector<1x16xf32>,
      %broadcast_in_dim3A_654 = arith.constant 0.000000e+00 : f32
      %broadcast_in_dim3A_655 = vector.broadcast %broadcast_in_dim3A_654 : f32 to vector<16xf32>
      %scan3A_656 = arith.constant 0 : i32
      %scan3A_657 = arith.constant 50 : i32
      %scan3A_658 = arith.addi %scan3A_656, %scan3A_657 : i32
      %scan3A_659 = arith.constant 1 : i32
      %scan3A_660:4 = scf.for %scan3A_721 = %scan3A_656 to %scan3A_658 step %scan3A_659 iter_args(%scan3A_722 = %broadcast_in_dim3A_655, %scan3A_723 = %broadcast_in_dim3A_655, %scan3A_724 = %broadcast_in_dim3A_655, %scan3A_725 = %broadcast_in_dim3A_655) -> (vector<16xf32>, vector<16xf32>, vector<16xf32>, vector<16xf32>)  : i32 {
        %add3A_726 = arith.constant 700 : i32
        %add3A_727 = arith.addi %add3A_726, %scan3A_721 : i32
        %get3A = arith.index_cast %add3A_727 : i32 to index
        %get3A_728 = arith.constant 0 : index
        %get3A_729 = tpu.vector_load %arg24[%get3A, %get3A_728] {strides = array<i32>} : memref<800x64xf32, #tpu.memory_space<vmem>>, vector<1x16xf32>,
        %get3A_730 = vector.shape_cast %get3A_729 : vector<1x16xf32> to vector<16xf32>
        %add3A_731 = arith.addf %scan3A_722, %get3A_730 : vector<16xf32>
        %add3A_732 = arith.constant 700 : i32
        %add3A_733 = arith.addi %add3A_732, %scan3A_721 : i32
        %get3A_734 = arith.index_cast %add3A_733 : i32 to index
        %get3A_735 = arith.constant 16 : index
        %get3A_736 = tpu.vector_load %arg24[%get3A_734, %get3A_735] {strides = array<i32>} : memref<800x64xf32, #tpu.memory_space<vmem>>, vector<1x16xf32>,
        %get3A_737 = vector.shape_cast %get3A_736 : vector<1x16xf32> to vector<16xf32>
        %add3A_738 = arith.addf %scan3A_723, %get3A_737 : vector<16xf32>
        %add3A_739 = arith.constant 700 : i32
        %add3A_740 = arith.addi %add3A_739, %scan3A_721 : i32
        %get3A_741 = arith.index_cast %add3A_740 : i32 to index
        %get3A_742 = arith.constant 32 : index
        %get3A_743 = tpu.vector_load %arg24[%get3A_741, %get3A_742] {strides = array<i32>} : memref<800x64xf32, #tpu.memory_space<vmem>>, vector<1x16xf32>,
        %get3A_744 = vector.shape_cast %get3A_743 : vector<1x16xf32> to vector<16xf32>
        %add3A_745 = arith.addf %scan3A_724, %get3A_744 : vector<16xf32>
        %add3A_746 = arith.constant 700 : i32
        %add3A_747 = arith.addi %add3A_746, %scan3A_721 : i32
        %get3A_748 = arith.index_cast %add3A_747 : i32 to index
        %get3A_749 = arith.constant 48 : index
        %get3A_750 = tpu.vector_load %arg24[%get3A_748, %get3A_749] {strides = array<i32>} : memref<800x64xf32, #tpu.memory_space<vmem>>, vector<1x16xf32>,
        %get3A_751 = vector.shape_cast %get3A_750 : vector<1x16xf32> to vector<16xf32>
        %add3A_752 = arith.addf %scan3A_725, %get3A_751 : vector<16xf32>
        scf.yield %add3A_731, %add3A_738, %add3A_745, %add3A_752 : vector<16xf32>, vector<16xf32>, vector<16xf32>, vector<16xf32>
      }
      %scan3A_661 = arith.constant 50 : i32
      %swap3A_662 = arith.constant 14 : i32
      %swap3A_663 = arith.index_cast %swap3A_662 : i32 to index
      %swap3A_664 = arith.constant 0 : index
      %swap3A_665 = tpu.vector_load %arg25[%swap3A_663, %swap3A_664] {strides = array<i32>} : memref<16x64xf32, #tpu.memory_space<vmem>>, vector<1x16xf32>,
      %swap3A_666 = vector.shape_cast %swap3A_665 : vector<1x16xf32> to vector<16xf32>
      %swap3A_667 = vector.shape_cast %scan3A_660#0 : vector<16xf32> to vector<1x16xf32>
      tpu.vector_store %arg25[%swap3A_663, %swap3A_664], %swap3A_667 {strides = array<i32>} : memref<16x64xf32, #tpu.memory_space<vmem>>, vector<1x16xf32>,
      %swap3A_668 = arith.constant 14 : i32
      %swap3A_669 = arith.index_cast %swap3A_668 : i32 to index
      %swap3A_670 = arith.constant 16 : index
      %swap3A_671 = tpu.vector_load %arg25[%swap3A_669, %swap3A_670] {strides = array<i32>} : memref<16x64xf32, #tpu.memory_space<vmem>>, vector<1x16xf32>,
      %swap3A_672 = vector.shape_cast %swap3A_671 : vector<1x16xf32> to vector<16xf32>
      %swap3A_673 = vector.shape_cast %scan3A_660#1 : vector<16xf32> to vector<1x16xf32>
      tpu.vector_store %arg25[%swap3A_669, %swap3A_670], %swap3A_673 {strides = array<i32>} : memref<16x64xf32, #tpu.memory_space<vmem>>, vector<1x16xf32>,
      %swap3A_674 = arith.constant 14 : i32
      %swap3A_675 = arith.index_cast %swap3A_674 : i32 to index
      %swap3A_676 = arith.constant 32 : index
      %swap3A_677 = tpu.vector_load %arg25[%swap3A_675, %swap3A_676] {strides = array<i32>} : memref<16x64xf32, #tpu.memory_space<vmem>>, vector<1x16xf32>,
      %swap3A_678 = vector.shape_cast %swap3A_677 : vector<1x16xf32> to vector<16xf32>
      %swap3A_679 = vector.shape_cast %scan3A_660#2 : vector<16xf32> to vector<1x16xf32>
      tpu.vector_store %arg25[%swap3A_675, %swap3A_676], %swap3A_679 {strides = array<i32>} : memref<16x64xf32, #tpu.memory_space<vmem>>, vector<1x16xf32>,
      %swap3A_680 = arith.constant 14 : i32
      %swap3A_681 = arith.index_cast %swap3A_680 : i32 to index
      %swap3A_682 = arith.constant 48 : index
      %swap3A_683 = tpu.vector_load %arg25[%swap3A_681, %swap3A_682] {strides = array<i32>} : memref<16x64xf32, #tpu.memory_space<vmem>>, vector<1x16xf32>,
      %swap3A_684 = vector.shape_cast %swap3A_683 : vector<1x16xf32> to vector<16xf32>
      %swap3A_685 = vector.shape_cast %scan3A_660#3 : vector<16xf32> to vector<1x16xf32>
      tpu.vector_store %arg25[%swap3A_681, %swap3A_682], %swap3A_685 {strides = array<i32>} : memref<16x64xf32, #tpu.memory_space<vmem>>, vector<1x16xf32>,
      %broadcast_in_dim3A_686 = arith.constant 0.000000e+00 : f32
      %broadcast_in_dim3A_687 = vector.broadcast %broadcast_in_dim3A_686 : f32 to vector<16xf32>
      %scan3A_688 = arith.constant 0 : i32
      %scan3A_689 = arith.constant 50 : i32
      %scan3A_690 = arith.addi %scan3A_688, %scan3A_689 : i32
      %scan3A_691 = arith.constant 1 : i32
      %scan3A_692:4 = scf.for %scan3A_721 = %scan3A_688 to %scan3A_690 step %scan3A_691 iter_args(%scan3A_722 = %broadcast_in_dim3A_687, %scan3A_723 = %broadcast_in_dim3A_687, %scan3A_724 = %broadcast_in_dim3A_687, %scan3A_725 = %broadcast_in_dim3A_687) -> (vector<16xf32>, vector<16xf32>, vector<16xf32>, vector<16xf32>)  : i32 {
        %add3A_726 = arith.constant 750 : i32
        %add3A_727 = arith.addi %add3A_726, %scan3A_721 : i32
        %get3A = arith.index_cast %add3A_727 : i32 to index
        %get3A_728 = arith.constant 0 : index
        %get3A_729 = tpu.vector_load %arg24[%get3A, %get3A_728] {strides = array<i32>} : memref<800x64xf32, #tpu.memory_space<vmem>>, vector<1x16xf32>,
        %get3A_730 = vector.shape_cast %get3A_729 : vector<1x16xf32> to vector<16xf32>
        %add3A_731 = arith.addf %scan3A_722, %get3A_730 : vector<16xf32>
        %add3A_732 = arith.constant 750 : i32
        %add3A_733 = arith.addi %add3A_732, %scan3A_721 : i32
        %get3A_734 = arith.index_cast %add3A_733 : i32 to index
        %get3A_735 = arith.constant 16 : index
        %get3A_736 = tpu.vector_load %arg24[%get3A_734, %get3A_735] {strides = array<i32>} : memref<800x64xf32, #tpu.memory_space<vmem>>, vector<1x16xf32>,
        %get3A_737 = vector.shape_cast %get3A_736 : vector<1x16xf32> to vector<16xf32>
        %add3A_738 = arith.addf %scan3A_723, %get3A_737 : vector<16xf32>
        %add3A_739 = arith.constant 750 : i32
        %add3A_740 = arith.addi %add3A_739, %scan3A_721 : i32
        %get3A_741 = arith.index_cast %add3A_740 : i32 to index
        %get3A_742 = arith.constant 32 : index
        %get3A_743 = tpu.vector_load %arg24[%get3A_741, %get3A_742] {strides = array<i32>} : memref<800x64xf32, #tpu.memory_space<vmem>>, vector<1x16xf32>,
        %get3A_744 = vector.shape_cast %get3A_743 : vector<1x16xf32> to vector<16xf32>
        %add3A_745 = arith.addf %scan3A_724, %get3A_744 : vector<16xf32>
        %add3A_746 = arith.constant 750 : i32
        %add3A_747 = arith.addi %add3A_746, %scan3A_721 : i32
        %get3A_748 = arith.index_cast %add3A_747 : i32 to index
        %get3A_749 = arith.constant 48 : index
        %get3A_750 = tpu.vector_load %arg24[%get3A_748, %get3A_749] {strides = array<i32>} : memref<800x64xf32, #tpu.memory_space<vmem>>, vector<1x16xf32>,
        %get3A_751 = vector.shape_cast %get3A_750 : vector<1x16xf32> to vector<16xf32>
        %add3A_752 = arith.addf %scan3A_725, %get3A_751 : vector<16xf32>
        scf.yield %add3A_731, %add3A_738, %add3A_745, %add3A_752 : vector<16xf32>, vector<16xf32>, vector<16xf32>, vector<16xf32>
      }
      %scan3A_693 = arith.constant 50 : i32
      %swap3A_694 = arith.constant 15 : i32
      %swap3A_695 = arith.index_cast %swap3A_694 : i32 to index
      %swap3A_696 = arith.constant 0 : index
      %swap3A_697 = tpu.vector_load %arg25[%swap3A_695, %swap3A_696] {strides = array<i32>} : memref<16x64xf32, #tpu.memory_space<vmem>>, vector<1x16xf32>,
      %swap3A_698 = vector.shape_cast %swap3A_697 : vector<1x16xf32> to vector<16xf32>
      %swap3A_699 = vector.shape_cast %scan3A_692#0 : vector<16xf32> to vector<1x16xf32>
      tpu.vector_store %arg25[%swap3A_695, %swap3A_696], %swap3A_699 {strides = array<i32>} : memref<16x64xf32, #tpu.memory_space<vmem>>, vector<1x16xf32>,
      %swap3A_700 = arith.constant 15 : i32
      %swap3A_701 = arith.index_cast %swap3A_700 : i32 to index
      %swap3A_702 = arith.constant 16 : index
      %swap3A_703 = tpu.vector_load %arg25[%swap3A_701, %swap3A_702] {strides = array<i32>} : memref<16x64xf32, #tpu.memory_space<vmem>>, vector<1x16xf32>,
      %swap3A_704 = vector.shape_cast %swap3A_703 : vector<1x16xf32> to vector<16xf32>
      %swap3A_705 = vector.shape_cast %scan3A_692#1 : vector<16xf32> to vector<1x16xf32>
      tpu.vector_store %arg25[%swap3A_701, %swap3A_702], %swap3A_705 {strides = array<i32>} : memref<16x64xf32, #tpu.memory_space<vmem>>, vector<1x16xf32>,
      %swap3A_706 = arith.constant 15 : i32
      %swap3A_707 = arith.index_cast %swap3A_706 : i32 to index
      %swap3A_708 = arith.constant 32 : index
      %swap3A_709 = tpu.vector_load %arg25[%swap3A_707, %swap3A_708] {strides = array<i32>} : memref<16x64xf32, #tpu.memory_space<vmem>>, vector<1x16xf32>,
      %swap3A_710 = vector.shape_cast %swap3A_709 : vector<1x16xf32> to vector<16xf32>
      %swap3A_711 = vector.shape_cast %scan3A_692#2 : vector<16xf32> to vector<1x16xf32>
      tpu.vector_store %arg25[%swap3A_707, %swap3A_708], %swap3A_711 {strides = array<i32>} : memref<16x64xf32, #tpu.memory_space<vmem>>, vector<1x16xf32>,
      %swap3A_712 = arith.constant 15 : i32
      %swap3A_713 = arith.index_cast %swap3A_712 : i32 to index
      %swap3A_714 = arith.constant 48 : index
      %swap3A_715 = tpu.vector_load %arg25[%swap3A_713, %swap3A_714] {strides = array<i32>} : memref<16x64xf32, #tpu.memory_space<vmem>>, vector<1x16xf32>,
      %swap3A_716 = vector.shape_cast %swap3A_715 : vector<1x16xf32> to vector<16xf32>
      %swap3A_717 = vector.shape_cast %scan3A_692#3 : vector<16xf32> to vector<1x16xf32>
      tpu.vector_store %arg25[%swap3A_713, %swap3A_714], %swap3A_717 {strides = array<i32>} : memref<16x64xf32, #tpu.memory_space<vmem>>, vector<1x16xf32>,
      %mul3A_718 = arith.constant 16 : i32
      %mul3A_719 = arith.muli %scan3A_42, %mul3A_718 : i32
      %add3A_720 = arith.addi %mul3A_2, %mul3A_719 : i32
      "tpu.region"() ({
        %run_scoped3A = tpu.sem_alloc : memref<!tpu.dma_semaphore, #tpu.memory_space<semaphore_mem>>
        %dma_start3A_721 = arith.constant 0 : i32
        %dma_start3A_722 = tpu.memref_slice %arg18[%add3A_720, %dma_start3A_721] : memref<4096x64xf32, #tpu.memory_space<hbm>> -> memref<16x64xf32, #tpu.memory_space<hbm>>
        %dma_start3A_723 = arith.constant 0 : i32
        %dma_start3A_724 = tpu.memref_slice %arg18[%add3A_720, %dma_start3A_723] : memref<4096x64xf32, #tpu.memory_space<hbm>> -> memref<16x64xf32, #tpu.memory_space<hbm>>
        tpu.enqueue_dma source(%arg25 : memref<16x64xf32, #tpu.memory_space<vmem>>) target(%dma_start3A_724 : memref<16x64xf32, #tpu.memory_space<hbm>>) target_semaphore(%run_scoped3A : memref<!tpu.dma_semaphore, #tpu.memory_space<semaphore_mem>>)
        %dma_wait3A_725 = arith.constant 0 : i32
        %dma_wait3A_726 = tpu.memref_slice %arg18[%add3A_720, %dma_wait3A_725] : memref<4096x64xf32, #tpu.memory_space<hbm>> -> memref<16x64xf32, #tpu.memory_space<hbm>>
        %dma_wait3A_727 = arith.constant 0 : i32
        %dma_wait3A_728 = tpu.memref_slice %arg18[%add3A_720, %dma_wait3A_727] : memref<4096x64xf32, #tpu.memory_space<hbm>> -> memref<16x64xf32, #tpu.memory_space<hbm>>
        tpu.wait_dma2 semaphore(%run_scoped3A : memref<!tpu.dma_semaphore, #tpu.memory_space<semaphore_mem>>) src(%arg25 : memref<16x64xf32, #tpu.memory_space<vmem>>) dst(%dma_wait3A_728 : memref<16x64xf32, #tpu.memory_space<hbm>>)
        tpu.yield
      }) : () -> ()
    }
    %scan3A_41 = arith.constant 8 : i32
    return
  }
}

module attributes {stable_mosaic.version = 14 : i64} {
  func.func @_tc_mlp(%arg0: memref<4096x64xf32, #tpu.memory_space<vmem>>, %arg1: memref<4096x64xf32, #tpu.memory_space<vmem>>, %arg2: memref<4096x64xf32, #tpu.memory_space<vmem>>, %arg3: memref<4096x64xf32, #tpu.memory_space<vmem>>, %arg4: memref<4096x64xf32, #tpu.memory_space<vmem>>, %arg5: memref<4096x64xf32, #tpu.memory_space<vmem>>, %arg6: memref<4096x64xf32, #tpu.memory_space<vmem>>, %arg7: memref<4x320xf32, #tpu.memory_space<vmem>>, %arg8: memref<1x4xf32, #tpu.memory_space<vmem>>, %arg9: memref<4x128xf32, #tpu.memory_space<vmem>>, %arg10: memref<1x4xf32, #tpu.memory_space<vmem>>, %arg11: memref<4x4xf32, #tpu.memory_space<vmem>>, %arg12: memref<1x4xf32, #tpu.memory_space<vmem>>, %arg13: memref<64x4xf32, #tpu.memory_space<vmem>>, %arg14: memref<1x64xf32, #tpu.memory_space<vmem>>, %arg15: memref<1x4xf32, #tpu.memory_space<vmem>>, %arg16: memref<1x4xf32, #tpu.memory_space<vmem>>, %arg17: memref<4096x1xf32, #tpu.memory_space<vmem>>) attributes {dimension_semantics = [], scalar_prefetch = 0 : i64, scratch_operands = 0 : i64, tpu.core_type = #tpu.core_type<tc>} {
    %get3A = arith.constant 0 : index
    %get3A_0 = arith.constant 0 : index
    %get3A_1 = vector.load %arg7[%get3A, %get3A_0] : memref<4x320xf32, #tpu.memory_space<vmem>>, vector<4x320xf32>
    %get3A_2 = arith.constant 0 : index
    %get3A_3 = arith.constant 0 : index
    %get3A_4 = vector.load %arg0[%get3A_2, %get3A_3] : memref<4096x64xf32, #tpu.memory_space<vmem>>, vector<4096x64xf32>
    %slice3A = vector.extract_strided_slice %get3A_1 {offsets = [0, 0], sizes = [4, 64], strides = [1, 1]} : vector<4x320xf32> to vector<4x64xf32>
    %dot_general3A = arith.constant dense<0.000000e+00> : vector<4096x4xf32>
    %dot_general3A_5 = tpu.matmul %get3A_4, %slice3A, %dot_general3A {dimension_numbers = #tpu.dot_dimension_numbers<[1], [1], [0], [0], [0, 0, 1, 0], [], []>, transpose_lhs_hint = false} : vector<4096x64xf32>, vector<4x64xf32>, vector<4096x4xf32> -> vector<4096x4xf32>
    %get3A_6 = arith.constant 0 : index
    %get3A_7 = arith.constant 0 : index
    %get3A_8 = vector.load %arg1[%get3A_6, %get3A_7] : memref<4096x64xf32, #tpu.memory_space<vmem>>, vector<4096x64xf32>
    %slice3A_9 = vector.extract_strided_slice %get3A_1 {offsets = [0, 64], sizes = [4, 64], strides = [1, 1]} : vector<4x320xf32> to vector<4x64xf32>
    %dot_general3A_10 = arith.constant dense<0.000000e+00> : vector<4096x4xf32>
    %dot_general3A_11 = tpu.matmul %get3A_8, %slice3A_9, %dot_general3A_10 {dimension_numbers = #tpu.dot_dimension_numbers<[1], [1], [0], [0], [0, 0, 1, 0], [], []>, transpose_lhs_hint = false} : vector<4096x64xf32>, vector<4x64xf32>, vector<4096x4xf32> -> vector<4096x4xf32>
    %add3A = arith.addf %dot_general3A_5, %dot_general3A_11 : vector<4096x4xf32>
    %get3A_12 = arith.constant 0 : index
    %get3A_13 = arith.constant 0 : index
    %get3A_14 = vector.load %arg2[%get3A_12, %get3A_13] : memref<4096x64xf32, #tpu.memory_space<vmem>>, vector<4096x64xf32>
    %slice3A_15 = vector.extract_strided_slice %get3A_1 {offsets = [0, 128], sizes = [4, 64], strides = [1, 1]} : vector<4x320xf32> to vector<4x64xf32>
    %dot_general3A_16 = arith.constant dense<0.000000e+00> : vector<4096x4xf32>
    %dot_general3A_17 = tpu.matmul %get3A_14, %slice3A_15, %dot_general3A_16 {dimension_numbers = #tpu.dot_dimension_numbers<[1], [1], [0], [0], [0, 0, 1, 0], [], []>, transpose_lhs_hint = false} : vector<4096x64xf32>, vector<4x64xf32>, vector<4096x4xf32> -> vector<4096x4xf32>
    %add3A_18 = arith.addf %add3A, %dot_general3A_17 : vector<4096x4xf32>
    %get3A_19 = arith.constant 0 : index
    %get3A_20 = arith.constant 0 : index
    %get3A_21 = vector.load %arg3[%get3A_19, %get3A_20] : memref<4096x64xf32, #tpu.memory_space<vmem>>, vector<4096x64xf32>
    %slice3A_22 = vector.extract_strided_slice %get3A_1 {offsets = [0, 192], sizes = [4, 64], strides = [1, 1]} : vector<4x320xf32> to vector<4x64xf32>
    %dot_general3A_23 = arith.constant dense<0.000000e+00> : vector<4096x4xf32>
    %dot_general3A_24 = tpu.matmul %get3A_21, %slice3A_22, %dot_general3A_23 {dimension_numbers = #tpu.dot_dimension_numbers<[1], [1], [0], [0], [0, 0, 1, 0], [], []>, transpose_lhs_hint = false} : vector<4096x64xf32>, vector<4x64xf32>, vector<4096x4xf32> -> vector<4096x4xf32>
    %add3A_25 = arith.addf %add3A_18, %dot_general3A_24 : vector<4096x4xf32>
    %get3A_26 = arith.constant 0 : index
    %get3A_27 = arith.constant 0 : index
    %get3A_28 = vector.load %arg4[%get3A_26, %get3A_27] : memref<4096x64xf32, #tpu.memory_space<vmem>>, vector<4096x64xf32>
    %slice3A_29 = vector.extract_strided_slice %get3A_1 {offsets = [0, 256], sizes = [4, 64], strides = [1, 1]} : vector<4x320xf32> to vector<4x64xf32>
    %dot_general3A_30 = arith.constant dense<0.000000e+00> : vector<4096x4xf32>
    %dot_general3A_31 = tpu.matmul %get3A_28, %slice3A_29, %dot_general3A_30 {dimension_numbers = #tpu.dot_dimension_numbers<[1], [1], [0], [0], [0, 0, 1, 0], [], []>, transpose_lhs_hint = false} : vector<4096x64xf32>, vector<4x64xf32>, vector<4096x4xf32> -> vector<4096x4xf32>
    %add3A_32 = arith.addf %add3A_25, %dot_general3A_31 : vector<4096x4xf32>
    %get3A_33 = arith.constant 0 : index
    %get3A_34 = arith.constant 0 : index
    %get3A_35 = vector.load %arg8[%get3A_33, %get3A_34] : memref<1x4xf32, #tpu.memory_space<vmem>>, vector<1x4xf32>
    %add3A_36 = vector.broadcast %get3A_35 : vector<1x4xf32> to vector<4096x4xf32>
    %add3A_37 = arith.addf %add3A_32, %add3A_36 : vector<4096x4xf32>
    %tanh3A = math.tanh %add3A_37 : vector<4096x4xf32>
    %reduce_sum3A = arith.constant dense<0.000000e+00> : vector<4xf32>
    %reduce_sum3A_38 = vector.multi_reduction <add>, %tanh3A, %reduce_sum3A [0] : vector<4096x4xf32> to vector<4xf32>
    %broadcast_in_dim3A = vector.shape_cast %reduce_sum3A_38 : vector<4xf32> to vector<1x4xf32>
    %div3A = arith.constant 4.096000e+03 : f32
    %div3A_39 = vector.broadcast %div3A : f32 to vector<1x4xf32>
    %div3A_40 = arith.divf %broadcast_in_dim3A, %div3A_39 : vector<1x4xf32>
    %sub3A = vector.broadcast %div3A_40 : vector<1x4xf32> to vector<4096x4xf32>
    %sub3A_41 = arith.subf %tanh3A, %sub3A : vector<4096x4xf32>
    %integer_pow3A = arith.mulf %sub3A_41, %sub3A_41 : vector<4096x4xf32>
    %reduce_sum3A_42 = arith.constant dense<0.000000e+00> : vector<4xf32>
    %reduce_sum3A_43 = vector.multi_reduction <add>, %integer_pow3A, %reduce_sum3A_42 [0] : vector<4096x4xf32> to vector<4xf32>
    %broadcast_in_dim3A_44 = vector.shape_cast %reduce_sum3A_43 : vector<4xf32> to vector<1x4xf32>
    %div3A_45 = arith.constant 4.096000e+03 : f32
    %div3A_46 = vector.broadcast %div3A_45 : f32 to vector<1x4xf32>
    %div3A_47 = arith.divf %broadcast_in_dim3A_44, %div3A_46 : vector<1x4xf32>
    %get3A_48 = arith.constant 0 : index
    %get3A_49 = arith.constant 0 : index
    %get3A_50 = vector.load %arg15[%get3A_48, %get3A_49] : memref<1x4xf32, #tpu.memory_space<vmem>>, vector<1x4xf32>
    %sub3A_51 = vector.broadcast %div3A_40 : vector<1x4xf32> to vector<4096x4xf32>
    %sub3A_52 = arith.subf %tanh3A, %sub3A_51 : vector<4096x4xf32>
    %mul3A = vector.broadcast %get3A_50 : vector<1x4xf32> to vector<4096x4xf32>
    %mul3A_53 = arith.mulf %mul3A, %sub3A_52 : vector<4096x4xf32>
    %add3A_54 = arith.constant 9.99999974E-6 : f32
    %add3A_55 = vector.broadcast %add3A_54 : f32 to vector<1x4xf32>
    %add3A_56 = arith.addf %div3A_47, %add3A_55 : vector<1x4xf32>
    %sqrt3A = math.sqrt %add3A_56 : vector<1x4xf32>
    %div3A_57 = vector.broadcast %sqrt3A : vector<1x4xf32> to vector<4096x4xf32>
    %div3A_58 = arith.divf %mul3A_53, %div3A_57 : vector<4096x4xf32>
    %get3A_59 = arith.constant 0 : index
    %get3A_60 = arith.constant 0 : index
    %get3A_61 = vector.load %arg16[%get3A_59, %get3A_60] : memref<1x4xf32, #tpu.memory_space<vmem>>, vector<1x4xf32>
    %add3A_62 = vector.broadcast %get3A_61 : vector<1x4xf32> to vector<4096x4xf32>
    %add3A_63 = arith.addf %div3A_58, %add3A_62 : vector<4096x4xf32>
    %get3A_64 = arith.constant 0 : index
    %get3A_65 = arith.constant 0 : index
    %get3A_66 = vector.load %arg11[%get3A_64, %get3A_65] : memref<4x4xf32, #tpu.memory_space<vmem>>, vector<4x4xf32>
    %dot_general3A_67 = arith.constant dense<0.000000e+00> : vector<4096x4xf32>
    %dot_general3A_68 = tpu.matmul %add3A_63, %get3A_66, %dot_general3A_67 {dimension_numbers = #tpu.dot_dimension_numbers<[1], [1], [0], [0], [0, 0, 1, 0], [], []>, transpose_lhs_hint = false} : vector<4096x4xf32>, vector<4x4xf32>, vector<4096x4xf32> -> vector<4096x4xf32>
    %get3A_69 = arith.constant 0 : index
    %get3A_70 = arith.constant 0 : index
    %get3A_71 = vector.load %arg12[%get3A_69, %get3A_70] : memref<1x4xf32, #tpu.memory_space<vmem>>, vector<1x4xf32>
    %add3A_72 = vector.broadcast %get3A_71 : vector<1x4xf32> to vector<4096x4xf32>
    %add3A_73 = arith.addf %dot_general3A_68, %add3A_72 : vector<4096x4xf32>
    %tanh3A_74 = math.tanh %add3A_73 : vector<4096x4xf32>
    %reduce_sum3A_75 = arith.constant dense<0.000000e+00> : vector<4xf32>
    %reduce_sum3A_76 = vector.multi_reduction <add>, %tanh3A_74, %reduce_sum3A_75 [0] : vector<4096x4xf32> to vector<4xf32>
    %broadcast_in_dim3A_77 = vector.shape_cast %reduce_sum3A_76 : vector<4xf32> to vector<1x4xf32>
    %div3A_78 = arith.constant 4.096000e+03 : f32
    %div3A_79 = vector.broadcast %div3A_78 : f32 to vector<1x4xf32>
    %div3A_80 = arith.divf %broadcast_in_dim3A_77, %div3A_79 : vector<1x4xf32>
    %sub3A_81 = vector.broadcast %div3A_80 : vector<1x4xf32> to vector<4096x4xf32>
    %sub3A_82 = arith.subf %tanh3A_74, %sub3A_81 : vector<4096x4xf32>
    %integer_pow3A_83 = arith.mulf %sub3A_82, %sub3A_82 : vector<4096x4xf32>
    %reduce_sum3A_84 = arith.constant dense<0.000000e+00> : vector<4xf32>
    %reduce_sum3A_85 = vector.multi_reduction <add>, %integer_pow3A_83, %reduce_sum3A_84 [0] : vector<4096x4xf32> to vector<4xf32>
    %broadcast_in_dim3A_86 = vector.shape_cast %reduce_sum3A_85 : vector<4xf32> to vector<1x4xf32>
    %div3A_87 = arith.constant 4.096000e+03 : f32
    %div3A_88 = vector.broadcast %div3A_87 : f32 to vector<1x4xf32>
    %div3A_89 = arith.divf %broadcast_in_dim3A_86, %div3A_88 : vector<1x4xf32>
    %get3A_90 = arith.constant 0 : index
    %get3A_91 = arith.constant 0 : index
    %get3A_92 = vector.load %arg15[%get3A_90, %get3A_91] : memref<1x4xf32, #tpu.memory_space<vmem>>, vector<1x4xf32>
    %sub3A_93 = vector.broadcast %div3A_80 : vector<1x4xf32> to vector<4096x4xf32>
    %sub3A_94 = arith.subf %tanh3A_74, %sub3A_93 : vector<4096x4xf32>
    %mul3A_95 = vector.broadcast %get3A_92 : vector<1x4xf32> to vector<4096x4xf32>
    %mul3A_96 = arith.mulf %mul3A_95, %sub3A_94 : vector<4096x4xf32>
    %add3A_97 = arith.constant 9.99999974E-6 : f32
    %add3A_98 = vector.broadcast %add3A_97 : f32 to vector<1x4xf32>
    %add3A_99 = arith.addf %div3A_89, %add3A_98 : vector<1x4xf32>
    %sqrt3A_100 = math.sqrt %add3A_99 : vector<1x4xf32>
    %div3A_101 = vector.broadcast %sqrt3A_100 : vector<1x4xf32> to vector<4096x4xf32>
    %div3A_102 = arith.divf %mul3A_96, %div3A_101 : vector<4096x4xf32>
    %get3A_103 = arith.constant 0 : index
    %get3A_104 = arith.constant 0 : index
    %get3A_105 = vector.load %arg16[%get3A_103, %get3A_104] : memref<1x4xf32, #tpu.memory_space<vmem>>, vector<1x4xf32>
    %add3A_106 = vector.broadcast %get3A_105 : vector<1x4xf32> to vector<4096x4xf32>
    %add3A_107 = arith.addf %div3A_102, %add3A_106 : vector<4096x4xf32>
    %get3A_108 = arith.constant 0 : index
    %get3A_109 = arith.constant 0 : index
    %get3A_110 = vector.load %arg13[%get3A_108, %get3A_109] : memref<64x4xf32, #tpu.memory_space<vmem>>, vector<64x4xf32>
    %dot_general3A_111 = arith.constant dense<0.000000e+00> : vector<4096x64xf32>
    %dot_general3A_112 = tpu.matmul %add3A_107, %get3A_110, %dot_general3A_111 {dimension_numbers = #tpu.dot_dimension_numbers<[1], [1], [0], [0], [0, 0, 1, 0], [], []>, transpose_lhs_hint = false} : vector<4096x4xf32>, vector<64x4xf32>, vector<4096x64xf32> -> vector<4096x64xf32>
    %get3A_113 = arith.constant 0 : index
    %get3A_114 = arith.constant 0 : index
    %get3A_115 = vector.load %arg14[%get3A_113, %get3A_114] : memref<1x64xf32, #tpu.memory_space<vmem>>, vector<1x64xf32>
    %add3A_116 = vector.broadcast %get3A_115 : vector<1x64xf32> to vector<4096x64xf32>
    %add3A_117 = arith.addf %dot_general3A_112, %add3A_116 : vector<4096x64xf32>
    %tanh3A_118 = math.tanh %add3A_117 : vector<4096x64xf32>
    %get3A_119 = arith.constant 0 : index
    %get3A_120 = arith.constant 0 : index
    %get3A_121 = vector.load %arg9[%get3A_119, %get3A_120] : memref<4x128xf32, #tpu.memory_space<vmem>>, vector<4x128xf32>
    %get3A_122 = arith.constant 0 : index
    %get3A_123 = arith.constant 0 : index
    %get3A_124 = vector.load %arg5[%get3A_122, %get3A_123] : memref<4096x64xf32, #tpu.memory_space<vmem>>, vector<4096x64xf32>
    %slice3A_125 = vector.extract_strided_slice %get3A_121 {offsets = [0, 0], sizes = [4, 64], strides = [1, 1]} : vector<4x128xf32> to vector<4x64xf32>
    %dot_general3A_126 = arith.constant dense<0.000000e+00> : vector<4096x4xf32>
    %dot_general3A_127 = tpu.matmul %get3A_124, %slice3A_125, %dot_general3A_126 {dimension_numbers = #tpu.dot_dimension_numbers<[1], [1], [0], [0], [0, 0, 1, 0], [], []>, transpose_lhs_hint = false} : vector<4096x64xf32>, vector<4x64xf32>, vector<4096x4xf32> -> vector<4096x4xf32>
    %get3A_128 = arith.constant 0 : index
    %get3A_129 = arith.constant 0 : index
    %get3A_130 = vector.load %arg6[%get3A_128, %get3A_129] : memref<4096x64xf32, #tpu.memory_space<vmem>>, vector<4096x64xf32>
    %slice3A_131 = vector.extract_strided_slice %get3A_121 {offsets = [0, 64], sizes = [4, 64], strides = [1, 1]} : vector<4x128xf32> to vector<4x64xf32>
    %dot_general3A_132 = arith.constant dense<0.000000e+00> : vector<4096x4xf32>
    %dot_general3A_133 = tpu.matmul %get3A_130, %slice3A_131, %dot_general3A_132 {dimension_numbers = #tpu.dot_dimension_numbers<[1], [1], [0], [0], [0, 0, 1, 0], [], []>, transpose_lhs_hint = false} : vector<4096x64xf32>, vector<4x64xf32>, vector<4096x4xf32> -> vector<4096x4xf32>
    %add3A_134 = arith.addf %dot_general3A_127, %dot_general3A_133 : vector<4096x4xf32>
    %get3A_135 = arith.constant 0 : index
    %get3A_136 = arith.constant 0 : index
    %get3A_137 = vector.load %arg10[%get3A_135, %get3A_136] : memref<1x4xf32, #tpu.memory_space<vmem>>, vector<1x4xf32>
    %add3A_138 = vector.broadcast %get3A_137 : vector<1x4xf32> to vector<4096x4xf32>
    %add3A_139 = arith.addf %add3A_134, %add3A_138 : vector<4096x4xf32>
    %tanh3A_140 = math.tanh %add3A_139 : vector<4096x4xf32>
    %get3A_141 = arith.constant 0 : index
    %get3A_142 = arith.constant 0 : index
    %get3A_143 = vector.load %arg11[%get3A_141, %get3A_142] : memref<4x4xf32, #tpu.memory_space<vmem>>, vector<4x4xf32>
    %dot_general3A_144 = arith.constant dense<0.000000e+00> : vector<4096x4xf32>
    %dot_general3A_145 = tpu.matmul %tanh3A_140, %get3A_143, %dot_general3A_144 {dimension_numbers = #tpu.dot_dimension_numbers<[1], [1], [0], [0], [0, 0, 1, 0], [], []>, transpose_lhs_hint = false} : vector<4096x4xf32>, vector<4x4xf32>, vector<4096x4xf32> -> vector<4096x4xf32>
    %get3A_146 = arith.constant 0 : index
    %get3A_147 = arith.constant 0 : index
    %get3A_148 = vector.load %arg12[%get3A_146, %get3A_147] : memref<1x4xf32, #tpu.memory_space<vmem>>, vector<1x4xf32>
    %add3A_149 = vector.broadcast %get3A_148 : vector<1x4xf32> to vector<4096x4xf32>
    %add3A_150 = arith.addf %dot_general3A_145, %add3A_149 : vector<4096x4xf32>
    %tanh3A_151 = math.tanh %add3A_150 : vector<4096x4xf32>
    %get3A_152 = arith.constant 0 : index
    %get3A_153 = arith.constant 0 : index
    %get3A_154 = vector.load %arg13[%get3A_152, %get3A_153] : memref<64x4xf32, #tpu.memory_space<vmem>>, vector<64x4xf32>
    %dot_general3A_155 = arith.constant dense<0.000000e+00> : vector<4096x64xf32>
    %dot_general3A_156 = tpu.matmul %tanh3A_151, %get3A_154, %dot_general3A_155 {dimension_numbers = #tpu.dot_dimension_numbers<[1], [1], [0], [0], [0, 0, 1, 0], [], []>, transpose_lhs_hint = false} : vector<4096x4xf32>, vector<64x4xf32>, vector<4096x64xf32> -> vector<4096x64xf32>
    %get3A_157 = arith.constant 0 : index
    %get3A_158 = arith.constant 0 : index
    %get3A_159 = vector.load %arg14[%get3A_157, %get3A_158] : memref<1x64xf32, #tpu.memory_space<vmem>>, vector<1x64xf32>
    %add3A_160 = vector.broadcast %get3A_159 : vector<1x64xf32> to vector<4096x64xf32>
    %add3A_161 = arith.addf %dot_general3A_156, %add3A_160 : vector<4096x64xf32>
    %tanh3A_162 = math.tanh %add3A_161 : vector<4096x64xf32>
    %mul3A_163 = arith.mulf %tanh3A_118, %tanh3A_118 : vector<4096x64xf32>
    %reduce_sum3A_164 = arith.constant dense<0.000000e+00> : vector<4096xf32>
    %reduce_sum3A_165 = vector.multi_reduction <add>, %mul3A_163, %reduce_sum3A_164 [1] : vector<4096x64xf32> to vector<4096xf32>
    %broadcast_in_dim3A_166 = vector.shape_cast %reduce_sum3A_165 : vector<4096xf32> to vector<4096x1xf32>
    %sqrt3A_167 = math.sqrt %broadcast_in_dim3A_166 : vector<4096x1xf32>
    %max3A = arith.constant 9.99999993E-9 : f32
    %max3A_168 = vector.broadcast %max3A : f32 to vector<4096x1xf32>
    %max3A_169 = arith.maximumf %sqrt3A_167, %max3A_168 : vector<4096x1xf32>
    %mul3A_170 = arith.mulf %tanh3A_162, %tanh3A_162 : vector<4096x64xf32>
    %reduce_sum3A_171 = arith.constant dense<0.000000e+00> : vector<4096xf32>
    %reduce_sum3A_172 = vector.multi_reduction <add>, %mul3A_170, %reduce_sum3A_171 [1] : vector<4096x64xf32> to vector<4096xf32>
    %broadcast_in_dim3A_173 = vector.shape_cast %reduce_sum3A_172 : vector<4096xf32> to vector<4096x1xf32>
    %sqrt3A_174 = math.sqrt %broadcast_in_dim3A_173 : vector<4096x1xf32>
    %max3A_175 = arith.constant 9.99999993E-9 : f32
    %max3A_176 = vector.broadcast %max3A_175 : f32 to vector<4096x1xf32>
    %max3A_177 = arith.maximumf %sqrt3A_174, %max3A_176 : vector<4096x1xf32>
    %mul3A_178 = arith.mulf %tanh3A_118, %tanh3A_162 : vector<4096x64xf32>
    %reduce_sum3A_179 = arith.constant dense<0.000000e+00> : vector<4096xf32>
    %reduce_sum3A_180 = vector.multi_reduction <add>, %mul3A_178, %reduce_sum3A_179 [1] : vector<4096x64xf32> to vector<4096xf32>
    %broadcast_in_dim3A_181 = vector.shape_cast %reduce_sum3A_180 : vector<4096xf32> to vector<4096x1xf32>
    %mul3A_182 = arith.mulf %max3A_169, %max3A_177 : vector<4096x1xf32>
    %div3A_183 = arith.divf %broadcast_in_dim3A_181, %mul3A_182 : vector<4096x1xf32>
    %swap3A = arith.constant 0 : index
    %swap3A_184 = arith.constant 0 : index
    %swap3A_185 = vector.load %arg17[%swap3A, %swap3A_184] : memref<4096x1xf32, #tpu.memory_space<vmem>>, vector<4096x1xf32>
    tpu.vector_store %arg17[%swap3A, %swap3A_184], %div3A_183 {strides = array<i32>} : memref<4096x1xf32, #tpu.memory_space<vmem>>, vector<4096x1xf32>,
    return
  }
}

</mosaic_0001>

<sc_bundles>
// kernel: kernel.4.cloned.1.call-start
scs
__scs_entry_jumppad:
0x0: {  	(pc) =	sbr.rel $0x88, $3  }
0x1: {  	(tag) =	ssettag $0x0;
	lr =	simm.s32 $0x1  }
0x2: {  	[smem:$0x3F8B] =	sst lr;
	_ =	strace $0xD0000000  }
0x3: {  	_ = 	snop  }
0x4: {  	_ = 	snop  }
0x5: {  	_ = 	snop  }
0x6: {  	_ = 	snop  }
0x7: {  	_ = 	snop  }
__scs_overlays_trampoline_lowered:
0x8: {  	[smem:$0x3F9A] =	sst s0  }
0x9: {  	[smem:$0x3F9B] =	sst s1  }
0xa: {  	[smem:$0x3F9C] =	sst s2  }
0xb: {  	[smem:$0x3F9D] =	sst s3  }
0xc: {  	[smem:$0x3F9E] =	sst s4  }
0xd: {  	[smem:$0x3F9F] =	sst s5  }
0xe: {  	[smem:$0x3FA0] =	sst s6  }
0xf: {  	[smem:$0x3FA1] =	sst s7  }
0x10: {  	[smem:$0x3FA2] =	sst s8  }
0x11: {  	[smem:$0x3FA3] =	sst s9;
	s0 =	simm.s32 @!p0 $0x0  }
0x12: {  	s1 =	sld [smem:$0x3F89];
	s0 =	simm.s32 @p0 $0x1  }
0x13: {  	[smem:$0x3FA4] =	sst s0;
	s0 =	simm.s32 @!p1 $0x0  }
0x14: {  	s2 =	sld [smem:$0x3F88];
	s0 =	simm.s32 @p1 $0x1  }
0x15: {  	[smem:$0x3FA5] =	sst s0;
	s0 =	simm.s32 @!p2 $0x0  }
0x16: {  	s3 =	sld [smem:$0x3FDB];
	s0 =	simm.s32 @p2 $0x1  }
0x17: {  	s4 =	simm.s32 $0x1BF5;
	[smem:$0x3FA7] =	sst s0  }
0x18: {  	s0 =	sld [smem:$0x3F8A];
	_ =	swait.ge [sflag:s4], $0x0  }
0x19: {  	s7 =	sld [smem:$0x3F8B]  }
0x1a: {  	s8 =	sadd.s32 $0xFFFFE003, lr  }
0x1b: {  	s9 =	sadd.s32 $0xFFFFFEF7, lr;
	s5 =	simm.s32 $0xFFFFFFFF;
	p2 =	slt.u32 s8, $0xFFFFF086  }
0x1c: {  	p1 =	slt.u32 s9, $0xF7A;
	s5 =	simm.s32 @!p2 $0x0  }
0x1d: {  	s5 =	simm.s32 @p1 $0x1;
	p0 =	seq.s32 s7, s2  }
0x1e: {  	s7 =	smul.u32 @!p0 $0xF7A, s2;
	p2 =	seq.s32 @!p0 s5, $0x0  }
0x1f: {  	s9 =	smul.u32 $0xF7A, s1;
	s8 =	simm.s32 @!p0 $0x1BF5;
	p2 =	por !p2, p0  }
0x20: {  	[sflag:s8] =	ssyncset.s32 @!p0 $0xFFFFF086;
	s6 =	sadd.s32 @!p0 s3, s7;
	s7 =	simm.s32 @!p0 $0x108  }
0x21: {  	s3 =	sadd.s32 s3, s9;
	s6 =	sadd.s32 @!p0 $0x88, s6;
	s7 =	simm.s32 @p2 $0x1082  }
0x22: {  	[simem:s7], [sflag:s8] =	dma.local @!p0 [hbm:s6], $0xF7A  }
0x23: {  	s9 =	sor.u32 $0xD0000000, s2;
	s6 =	simm.s32 $0x108;
	_ =	swait.ge @!p0 [sflag:s8], $0x0  }
0x24: {  	s3 =	sadd.s32 $0x88, s3;
	s6 =	simm.s32 @!p1 $0x1082;
	[sflag:s4] =	ssyncset.s32 $0xFFFFF086  }
0x25: {  	[simem:s6], [sflag:s4] =	dma.local [hbm:s3], $0xF7A  }
0x26: {  	[smem:$0x3F8B] =	sst s1;
	(tag) =	ssettag s2;
	_ =	strace s9  }
0x27: {  	s1 =	sld [smem:$0x3F9B]  }
0x28: {  	s2 =	sld [smem:$0x3F9C]  }
0x29: {  	s4 =	sld [smem:$0x3F9E]  }
0x2a: {  	p0 =	seq.s32 s5, $0x0;
	s5 =	sld [smem:$0x3F9F]  }
0x2b: {  	s6 =	sld [smem:$0x3FA0]  }
0x2c: {  	s7 =	sld [smem:$0x3FA1]  }
0x2d: {  	s3 =	simm.s32 $0x108;
	s8 =	sld [smem:$0x3FA2]  }
0x2e: {  	s3 =	simm.s32 @!p0 $0x1082;
	s9 =	sld [smem:$0x3FA3]  }
0x2f: {  	lr =	sadd.s32 s0, s3;
	s0 =	sld [smem:$0x3F9A]  }
0x30: {  	s3 =	sld [smem:$0x3F9D]  }
0x31: {  	[smem:$0x3FA6] =	sst s10  }
0x32: {  	s10 =	sld [smem:$0x3FA4];
	_ =	sdelay $0x3  }
0x33: {  	p0 =	seq.s32 s10, $0x1;
	s10 =	sld [smem:$0x3FA6];
	_ =	sdelay $0x3  }
0x34: {  	[smem:$0x3FA6] =	sst s10  }
0x35: {  	s10 =	sld [smem:$0x3FA5];
	_ =	sdelay $0x3  }
0x36: {  	p1 =	seq.s32 s10, $0x1;
	s10 =	sld [smem:$0x3FA6];
	_ =	sdelay $0x3  }
0x37: {  	[smem:$0x3FA6] =	sst s10  }
0x38: {  	s10 =	sld [smem:$0x3FA7]  }
0x39: {  	_ = 	snop;
	(pc) =	sbr.ind lr, $3  }
0x3a: {  	_ = 	snop  }
0x3b: {  	_ = 	snop  }
0x3c: {  	p2 =	seq.s32 s10, $0x1;
	s10 =	sld [smem:$0x3FA6]  }
0x3d: {  	_ =	shalt  }
0x3e: {  	_ =	shalt  }
0x3f: {  	_ =	shalt  }
0x40: {  	_ =	shalt  }
0x41: {  	_ =	shalt  }
0x42: {  	_ =	shalt  }
0x43: {  	_ =	shalt  }
0x44: {  	_ =	shalt  }
0x45: {  	_ =	shalt  }
0x46: {  	_ =	shalt  }
0x47: {  	_ =	shalt  }
0x48: {  	_ =	shalt  }
0x49: {  	_ =	shalt  }
0x4a: {  	_ =	shalt  }
0x4b: {  	_ =	shalt  }
0x4c: {  	_ =	shalt  }
0x4d: {  	_ =	shalt  }
0x4e: {  	_ =	shalt  }
0x4f: {  	_ =	shalt  }
0x50: {  	_ =	shalt  }
0x51: {  	_ =	shalt  }
0x52: {  	_ =	shalt  }
0x53: {  	_ =	shalt  }
0x54: {  	_ =	shalt  }
0x55: {  	_ =	shalt  }
0x56: {  	_ =	shalt  }
0x57: {  	_ =	shalt  }
0x58: {  	_ =	shalt  }
0x59: {  	_ =	shalt  }
0x5a: {  	_ =	shalt  }
0x5b: {  	_ =	shalt  }
0x5c: {  	_ =	shalt  }
0x5d: {  	_ =	shalt  }
0x5e: {  	_ =	shalt  }
0x5f: {  	_ =	shalt  }
0x60: {  	_ =	shalt  }
0x61: {  	_ =	shalt  }
0x62: {  	_ =	shalt  }
0x63: {  	_ =	shalt  }
0x64: {  	_ =	shalt  }
0x65: {  	_ =	shalt  }
0x66: {  	_ =	shalt  }
0x67: {  	_ =	shalt  }
0x68: {  	_ =	shalt  }
0x69: {  	_ =	shalt  }
0x6a: {  	_ =	shalt  }
0x6b: {  	_ =	shalt  }
0x6c: {  	_ =	shalt  }
0x6d: {  	_ =	shalt  }
0x6e: {  	_ =	shalt  }
0x6f: {  	_ =	shalt  }
0x70: {  	_ =	shalt  }
0x71: {  	_ =	shalt  }
0x72: {  	_ =	shalt  }
0x73: {  	_ =	shalt  }
0x74: {  	_ =	shalt  }
0x75: {  	_ =	shalt  }
0x76: {  	_ =	shalt  }
0x77: {  	_ =	shalt  }
0x78: {  	_ =	shalt  }
0x79: {  	_ =	shalt  }
0x7a: {  	_ =	shalt  }
0x7b: {  	_ =	shalt  }
0x7c: {  	_ =	shalt  }
0x7d: {  	_ =	shalt  }
0x7e: {  	_ =	shalt  }
0x7f: {  	_ =	shalt  }
0x80: {  	_ =	shalt  }
0x81: {  	_ =	shalt  }
0x82: {  	_ =	shalt  }
0x83: {  	_ =	shalt  }
0x84: {  	_ =	shalt  }
0x85: {  	_ =	shalt  }
0x86: {  	_ =	shalt  }
0x87: {  	_ =	shalt  }
.Lfunc_end0:
.L_simem_size_0:
called_computation_lowered:
.L_overlay_start_0:
0x88: {  	s2 =	sld [smem:$0x3FD9]  }
0x89: {  	s3 =	sld [smem:$0x3FFE];
	_ =	sdelay $0x1  }
0x8a: {  	s1 =	srdreg.scid  }
0x8b: {  	s0 =	sand.u32 $0x1, s1  }
0x8c: {  	s17 =	sshll.u32 s0, $0xA;
	s2 =	sadd.s32 s3, s2  }
0x8d: {  	s2 =	sadd.s32 s2, s17  }
0x8e: {  	[smem:$0x3FB2] =	sst s2  }
0x8f: {  	_ = 	snop  }
0x90: {  	s2 =	sld [smem:$0x3FC9]  }
0x91: {  	s18 =	sld [smem:$0x3FC8]  }
0x92: {  	s4 =	sld [smem:$0x3FC4]  }
0x93: {  	s5 =	sld [smem:$0x3FC3]  }
0x94: {  	s6 =	sld [smem:$0x3FD0];
	(tm) =	ssettm $0x1  }
0x95: {  	s7 =	sld [smem:$0x3FFB];
	_ =	sdelay $0x3  }
0x96: {  	_ =	strace s7  }
0x97: {  	s7 =	sld [smem:$0x3FFC];
	_ =	sdelay $0x3  }
0x98: {  	_ =	strace s7  }
0x99: {  	s7 =	sld [smem:$0x3FFD];
	_ =	sdelay $0x3  }
0x9a: {  	_ =	strace s7  }
0x9b: {  	_ =	strace $0x8FFFFFFF  }
0x9c: {  	s19 =	sld [smem:$0x3FDB];
	_ =	sdelay $0x1  }
0x9d: {  	s8 =	simm.s32 $_scs_section_size  }
0x9e: {  	s9 =	simm.s32 $_size__tile_overlayer_lowered;
	s10 =	simm.s32 $_tile_overlayer_lowered  }
0x9f: {  	s22 =	simm.s32 $0x1BFF;
	s21 =	sshll.u32 s10, $0x1;
	s7 =	sadd.s32 s8, s19  }
0xa0: {  	s11 =	simm.s32 $0x0;
	s20 =	sshll.u32 s9, $0x1;
	s9 =	sadd.s32 s21, s7  }
0xa1: {  	[timem:s11], [sflag:s22] =	dma.local [hbm:s9], s20  }
0xa2: {  	_ =	swait.ge [sflag:s22], s20  }
0xa3: {  	s8 =	ssub.s32 $0x0, s20;
	[sflag:s22] =	ssyncset.done $0x0  }
0xa4: {  	[sflag:s22] =	ssyncadd.s32 s8;
	_ =	sdelay $0x1  }
0xa5: {  	s23 =	simm.s32 $0x1B8B  }
0xa6: {  	_ =	swait.ge [sflag:s23], $0x1  }
0xa7: {  	[sflag:s23] =	ssyncset.done $0x0  }
0xa8: {  	s25 =	simm.s32 $0x1B8E;
	s24 =	sld [smem:$0x3FFE];
	[sflag:s23] =	ssyncadd.s32 $0xFFFFFFFF  }
0xa9: {  	s26 =	simm.s32 $execute0_lowered;
	[smem:$0x3FD2] =	sst s25  }
0xaa: {  	s9 =	sshll.u32 s26, $0x1;
	_ =	strace $0x80000046;
	[dreg:$0x1] =	wrdreg $0xFFFFFFFF  }
0xab: {  	s28 =	simm.s32 $_size_execute0_lowered;
	s7 =	sadd.s32 s7, s9;
	[dreg:$0x0] =	wrdreg $0x0  }
0xac: {  	s9 =	sshll.u32 s28, $0x1;
	[dreg:$0x2] =	wrdreg s7  }
0xad: {  	[dreg:$0x3] =	wrdreg s9  }
0xae: {  	[dreg:$0x4] =	wrdreg $0xC0  }
0xaf: {  	_ =	task [dreg:s11], $0x5FFFF  }
0xb0: {  	[dreg:$0x1] =	wrdreg $0xFFFFFFFF  }
0xb1: {  	[dreg:$0x0] =	wrdreg $0x60  }
0xb2: {  	[dreg:$0x2] =	wrdreg s2  }
0xb3: {  	[dreg:$0x3] =	wrdreg s18  }
0xb4: {  	[dreg:$0x4] =	wrdreg s24  }
0xb5: {  	[dreg:$0x5] =	wrdreg s4  }
0xb6: {  	[dreg:$0x6] =	wrdreg s5  }
0xb7: {  	[dreg:$0x7] =	wrdreg s6  }
0xb8: {  	[dreg:$0x8] =	wrdreg $0x9  }
0xb9: {  	_ =	task.clear_ibuf [dreg:s11], $0x9FFFF;
	_ =	strace $0x90000046  }
0xba: {  	s29 =	simm.s32 $0x9;
	_ =	strace $0x80000048  }
0xbb: {  	_ =	swait.ge [sflag:s29], $0x1  }
0xbc: {  	[sflag:s29] =	ssyncadd.s32 $0xFFFFFFFF  }
0xbd: {  	_ =	strace $0x90000048  }
0xbe: {  	_ =	sfence  }
0xbf: {  	s30 =	sld [smem:$0x0];
	_ =	sdelay $0x2  }
0xc0: {  	s31 =	sshll.u32 s1, $0xD;
	s1 =	sshrl.u32 s1, $0x2  }
0xc1: {  	s3 =	sand.u32 $0x4000, s31;
	s1 =	sadd.s32 s1, s30  }
0xc2: {  	s0 =	sor.u32 s3, s0;
	s1 =	sshll.u32 s1, $0x11  }
0xc3: {  	s0 =	sor.u32 s1, s0  }
0xc4: {  	s0 =	sadd.s32 $0x8F2B, s0  }
0xc5: {  	[sflag:s0] =	ssyncadd.remote.s32 $0x1  }
0xc6: {  	_ =	sfence.sel $0xFFFF  }
0xc7: {  	[dreg:$0x0] =	wrdreg $0xFFFFFFFF;
	(pc) =	sbr.abs _section_cstart, $3  }
0xc8: {  	[dreg:$0x1] =	wrdreg $0xFFFFFFFF  }
0xc9: {  	_ =	task.clear_ibuf [dreg:s11], $0x2FFFF;
	_ =	strace $0x9FFFFFFF  }
0xca: {  	(tm) =	ssettm $0x7FFFFFFF  }
0xcb: {  	_ =	shalt  }
tec
execute0_lowered:
.L_overlay_start_1:
0x0: {  	(tag) =	ssettag $0x1  }
0x1: {  	s0 =	rddreg [dreg:$0x0]  }
0x2: {  	s1 =	rddreg [dreg:$0x1]  }
0x3: {  	s2 =	rddreg [dreg:$0x2]  }
0x4: {  	s3 =	rddreg [dreg:$0x3]  }
0x5: {  	s4 =	rddreg [dreg:$0x4];
	s5 =	simm.s32 $0x0  }
0x6: {  	s15 =	srdreg.scid;
	s6 =	stileid.u32;
	s28 =	simm.s32 $0x2080  }
0x7: {  	s29 =	simm.s32 $0x50;
	[smem:$0x7FF] =	sst s5;
	s31 =	sadd.s32 $0xF800, s2  }
0x8: {  	s12 =	sadd.s32 $0x9400, s2;
	s13 =	sadd.s32 $0x3000, s2;
	s14 =	sadd.s32 $0x17C00, s2  }
0x9: {  	s8 =	sadd.s32 $0xF45600, s2;
	_ =	strace $0x80000047;
	[dreg:$0x8] =	wrdreg s12  }
0xa: {  	s9 =	sadd.s32 $0x189C00, s2;
	s5 =	sand.u32 $0x1, s15;
	[dreg:$0x9] =	wrdreg s13  }
0xb: {  	s10 =	sadd.s32 $0x15C00, s2;
	s11 =	sadd.s32 $0x37E00, s2;
	[dreg:$0xa] =	wrdreg s14  }
0xc: {  	s6 =	sshll.u32 s6, $0x8;
	s16 =	sadd.s32 $0x2FE00, s2;
	[dreg:$0xb] =	wrdreg s11  }
0xd: {  	s17 =	sadd.s32 $0x27E00, s2;
	s15 =	simm.s32 $0x5FA0;
	[dreg:$0xc] =	wrdreg s16  }
0xe: {  	s7 =	sshll.u32 s5, $0x7;
	[dreg:$0xd] =	wrdreg s17;
	s5 =	ssub.s32 $0x2, s5  }
0xf: {  	s16 =	simm.s32 $0x21C0;
	s17 =	simm.s32 $0x73A0;
	s12 =	simm.s32 $0x0  }
0x10: {  	[dreg:$0x7] =	wrdreg s31;
	s13 =	sor.u32 s7, s6;
	s19 =	sshrl.u32 s5, $0x1  }
0x11: {  	s6 =	simm.s32 $0x2120;
	s18 =	sshll.u32 s13, $0x3;
	s7 =	sshrl.u32 s13, $0x3  }
0x12: {  	s5 =	ssub.s32 s5, s19;
	s19 =	simm.s32 $0x87A0;
	s2 =	sadd.s32 s18, s2  }
0x13: {  	s0 =	sadd.s32 s0, s7;
	s21 =	sadd.s32 s1, s7;
	s23 =	sadd.s32 s3, s7  }
0x14: {  	s25 =	sadd.s32 s4, s7;
	s30 =	smax.u32 s5, $0x1;
	[dreg:$0xe] =	wrdreg s0  }
0x15: {  	s1 =	simm.s32 $0x4BA0;
	s7 =	simm.s32 $0x2170;
	[dreg:$0x10] =	wrdreg s21  }
0x16: {  	s18 =	simm.s32 $0x2210;
	s3 =	simm.s32 $0x2350;
	[dreg:$0x12] =	wrdreg s23  }
0x17: {  	s4 =	simm.s32 $0xD7A0;
	s5 =	simm.s32 $0xEBA0;
	[dreg:$0x14] =	wrdreg s25  }
0x18: {  	s20 =	sadd.s32 $0x47E00, s2;
	s22 =	sadd.s32 $0x3FE00, s2;
	[dreg:$0x16] =	wrdreg s30  }
0x19: {  	s24 =	sadd.s32 $0x1FE00, s2;
	s26 =	sadd.s32 $0x17E00, s2;
	[dreg:$0xf] =	wrdreg s20  }
0x1a: {  	s0 =	simm.s32 $0x37A0;
	s21 =	simm.s32 $0x9BA0;
	[dreg:$0x11] =	wrdreg s22  }
0x1b: {  	s23 =	simm.s32 $0xAFA0;
	s25 =	simm.s32 $0x2300;
	[dreg:$0x13] =	wrdreg s24  }
0x1c: {  	s2 =	simm.s32 $0xC3A0;
	[dreg:$0x15] =	wrdreg s26;
	s24 =	simm.s32 $0x2  }
0x1d: {  	s26 =	simm.s32 $0x1;
	s20 =	simm.s32 $0x2260;
	s22 =	simm.s32 $0x22B0  }
.LBB2_1:
0x1e: {  	[dreg:$0x17] =	wrdreg s12  }
0x1f: {  	s12 =	simm.s32 $0x0;
	s11 =	rddreg [dreg:$0xe]  }
0x20: {  	[tilespmem:s12], [sflag:$0x2] =	stream.linear.gather [hbm4b:s11+s12], $0x80, $0x38;
	[tilespmem:$0xEFA0] =	vst v63  }
0x21: {  	_ =	swait.ge [sflag:s24], $0x80  }
0x22: {  	[sflag:s24] =	ssyncset.done $0x0  }
0x23: {  	s14 =	simm.s32 $0x80;
	s30 =	rddreg [dreg:$0xa];
	[sflag:s24] =	ssyncadd.s32 $0xFFFFFF80  }
0x24: {  	[tilespmem:s14], [sflag:$0x1] =	stream.indirect.gather [hbm4b:s30+s14], $0x40, s12, s14, $0xb8;
	[tilespmem:$0xEFA0] =	vst v63  }
0x25: {  	_ =	swait.ge [sflag:s26], $0x2000  }
0x26: {  	[sflag:s26] =	ssyncset.done $0x0  }
0x27: {  	s30 =	rddreg [dreg:$0xf];
	[sflag:s26] =	ssyncadd.s32 $0xFFFFE000  }
0x28: {  	[hbm4b:s30+s12] =	stream.linear.scatter [tilespmem:s14], [sflag:$0x2], $0x2000, $0x38;
	[tilespmem:$0xEFA0] =	vst v63  }
0x29: {  	_ =	swait.ge [sflag:s24], $0x2000  }
0x2a: {  	[sflag:s24] =	ssyncset.done $0x0  }
0x2b: {  	s30 =	rddreg [dreg:$0x10];
	[sflag:s24] =	ssyncadd.s32 $0xFFFFE000  }
0x2c: {  	[tilespmem:s12], [sflag:$0x2] =	stream.linear.gather [hbm4b:s30+s12], $0x80, $0x38;
	[tilespmem:$0xEFA0] =	vst v63  }
0x2d: {  	_ =	swait.ge [sflag:s24], $0x80  }
0x2e: {  	[sflag:s24] =	ssyncset.done $0x0  }
0x2f: {  	[sflag:s24] =	ssyncadd.s32 $0xFFFFFF80  }
0x30: {  	s30 =	rddreg [dreg:$0x5]  }
0x31: {  	[tilespmem:s14], [sflag:$0x1] =	stream.indirect.gather [hbm4b:s30+s14], $0x40, s12, s14, $0xb8;
	[tilespmem:$0xEFA0] =	vst v63  }
0x32: {  	_ =	swait.ge [sflag:s26], $0x2000  }
0x33: {  	[sflag:s26] =	ssyncset.done $0x0  }
0x34: {  	s30 =	rddreg [dreg:$0x11];
	[sflag:s26] =	ssyncadd.s32 $0xFFFFE000  }
0x35: {  	[hbm4b:s30+s12] =	stream.linear.scatter [tilespmem:s14], [sflag:$0x2], $0x2000, $0x38;
	[tilespmem:$0xEFA0] =	vst v63  }
0x36: {  	_ =	swait.ge [sflag:s24], $0x2000  }
0x37: {  	[sflag:s24] =	ssyncset.done $0x0  }
0x38: {  	s30 =	rddreg [dreg:$0x12];
	[sflag:s24] =	ssyncadd.s32 $0xFFFFE000  }
0x39: {  	[tilespmem:s12], [sflag:$0x2] =	stream.linear.gather [hbm4b:s30+s12], $0x80, $0x38;
	[tilespmem:$0xEFA0] =	vst v63  }
0x3a: {  	_ =	swait.ge [sflag:s24], $0x80  }
0x3b: {  	[sflag:s24] =	ssyncset.done $0x0  }
0x3c: {  	[sflag:s24] =	ssyncadd.s32 $0xFFFFFF80  }
0x3d: {  	[tilespmem:s14], [sflag:$0x1] =	stream.indirect.gather [hbm4b:s8+s14], $0x40, s12, s14, $0xb8;
	[tilespmem:$0xEFA0] =	vst v63  }
0x3e: {  	_ =	swait.ge [sflag:s26], $0x2000  }
0x3f: {  	[sflag:s26] =	ssyncset.done $0x0  }
0x40: {  	s30 =	rddreg [dreg:$0x13];
	[sflag:s26] =	ssyncadd.s32 $0xFFFFE000  }
0x41: {  	[hbm4b:s30+s12] =	stream.linear.scatter [tilespmem:s14], [sflag:$0x2], $0x2000, $0x38;
	[tilespmem:$0xEFA0] =	vst v63  }
0x42: {  	_ =	swait.ge [sflag:s24], $0x2000  }
0x43: {  	[sflag:s24] =	ssyncset.done $0x0  }
0x44: {  	s30 =	rddreg [dreg:$0x14];
	[sflag:s24] =	ssyncadd.s32 $0xFFFFE000  }
0x45: {  	[tilespmem:s12], [sflag:$0x2] =	stream.linear.gather [hbm4b:s30+s12], $0x80, $0x38;
	[tilespmem:$0xEFA0] =	vst v63  }
0x46: {  	_ =	swait.ge [sflag:s24], $0x80  }
0x47: {  	[sflag:s24] =	ssyncset.done $0x0  }
0x48: {  	[sflag:s24] =	ssyncadd.s32 $0xFFFFFF80  }
0x49: {  	[tilespmem:s14], [sflag:$0x1] =	stream.indirect.gather [hbm4b:s9+s14], $0x40, s12, s14, $0xb8;
	[tilespmem:$0xEFA0] =	vst v63  }
0x4a: {  	_ =	swait.ge [sflag:s26], $0x2000  }
0x4b: {  	[sflag:s26] =	ssyncset.done $0x0  }
0x4c: {  	s30 =	rddreg [dreg:$0x15];
	[sflag:s26] =	ssyncadd.s32 $0xFFFFE000  }
0x4d: {  	[hbm4b:s30+s12] =	stream.linear.scatter [tilespmem:s14], [sflag:$0x2], $0x2000, $0x38;
	[tilespmem:$0xEFA0] =	vst v63  }
0x4e: {  	_ =	swait.ge [sflag:s24], $0x2000  }
0x4f: {  	[sflag:s24] =	ssyncset.done $0x0  }
0x50: {  	s12 =	simm.s32 $0x0;
	[sflag:s24] =	ssyncadd.s32 $0xFFFFE000  }
.LBB2_2:
0x51: {  	s11 =	sshll.u32 s12, $0x4  }
0x52: {  	s11 =	sadd.s32 s13, s11  }
0x53: {  	s14 =	smul.u32 $0x32, s11;
	_ =	sdelay $0x1  }
0x54: {  	s14 =	sshrl.u32 s14, $0x3  }
0x55: {  	s30 =	simm.s32 $0x0;
	s14 =	sadd.s32 s31, s14  }
0x56: {  	[tilespmem:s28], [sflag:$0x2] =	stream.linear.gather [hbm4b:s14+s30], $0x320, $0x38;
	[tilespmem:$0xEFA0] =	vst v63  }
0x57: {  	_ =	swait.ge [sflag:s24], $0x320  }
0x58: {  	[sflag:s24] =	ssyncset.done $0x0  }
0x59: {  	s30 =	simm.s32 $0x23A0;
	[sflag:s24] =	ssyncadd.s32 $0xFFFFFCE0  }
0x5a: {  	[tilespmem:s30], [sflag:$0x1] =	stream.indirect.gather [hbm4b:s8+s29], $0x40, s28, s29, $0xb8;
	[tilespmem:$0xEFA0] =	vst v63  }
0x5b: {  	s30 =	simm.s32 $0x20D0  }
0x5c: {  	[tilespmem:s0], [sflag:$0x1] =	stream.indirect.gather [hbm4b:s8+s29], $0x40, s30, s29, $0xb8;
	[tilespmem:$0xEFA0] =	vst v63  }
0x5d: {  	_ = 	snop  }
0x5e: {  	[tilespmem:s1], [sflag:$0x1] =	stream.indirect.gather [hbm4b:s8+s29], $0x40, s6, s29, $0xb8;
	[tilespmem:$0xEFA0] =	vst v63  }
0x5f: {  	_ = 	snop  }
0x60: {  	[tilespmem:s15], [sflag:$0x1] =	stream.indirect.gather [hbm4b:s8+s29], $0x40, s7, s29, $0xb8;
	[tilespmem:$0xEFA0] =	vst v63  }
0x61: {  	_ = 	snop  }
0x62: {  	[tilespmem:s17], [sflag:$0x1] =	stream.indirect.gather [hbm4b:s8+s29], $0x40, s16, s29, $0xb8;
	[tilespmem:$0xEFA0] =	vst v63  }
0x63: {  	_ = 	snop  }
0x64: {  	[tilespmem:s19], [sflag:$0x1] =	stream.indirect.gather [hbm4b:s8+s29], $0x40, s18, s29, $0xb8;
	[tilespmem:$0xEFA0] =	vst v63  }
0x65: {  	_ = 	snop  }
0x66: {  	[tilespmem:s21], [sflag:$0x1] =	stream.indirect.gather [hbm4b:s8+s29], $0x40, s20, s29, $0xb8;
	[tilespmem:$0xEFA0] =	vst v63  }
0x67: {  	_ = 	snop  }
0x68: {  	[tilespmem:s23], [sflag:$0x1] =	stream.indirect.gather [hbm4b:s8+s29], $0x40, s22, s29, $0xb8;
	[tilespmem:$0xEFA0] =	vst v63  }
0x69: {  	_ = 	snop  }
0x6a: {  	[tilespmem:s2], [sflag:$0x1] =	stream.indirect.gather [hbm4b:s8+s29], $0x40, s25, s29, $0xb8;
	[tilespmem:$0xEFA0] =	vst v63  }
0x6b: {  	_ = 	snop  }
0x6c: {  	[tilespmem:s4], [sflag:$0x1] =	stream.indirect.gather [hbm4b:s8+s29], $0x40, s3, s29, $0xb8;
	[tilespmem:$0xEFA0] =	vst v63  }
0x6d: {  	_ =	swait.ge [sflag:s26], $0x1400  }
0x6e: {  	[sflag:s26] =	ssyncset.done $0x0  }
0x6f: {  	[sflag:s26] =	ssyncadd.s32 $0xFFFFEC00  }
0x70: {  	_ =	swait.ge [sflag:s26], $0x1400  }
0x71: {  	[sflag:s26] =	ssyncset.done $0x0  }
0x72: {  	[sflag:s26] =	ssyncadd.s32 $0xFFFFEC00  }
0x73: {  	_ =	swait.ge [sflag:s26], $0x1400  }
0x74: {  	[sflag:s26] =	ssyncset.done $0x0  }
0x75: {  	[sflag:s26] =	ssyncadd.s32 $0xFFFFEC00  }
0x76: {  	_ =	swait.ge [sflag:s26], $0x1400  }
0x77: {  	[sflag:s26] =	ssyncset.done $0x0  }
0x78: {  	[sflag:s26] =	ssyncadd.s32 $0xFFFFEC00  }
0x79: {  	_ =	swait.ge [sflag:s26], $0x1400  }
0x7a: {  	[sflag:s26] =	ssyncset.done $0x0  }
0x7b: {  	[sflag:s26] =	ssyncadd.s32 $0xFFFFEC00  }
0x7c: {  	_ =	swait.ge [sflag:s26], $0x1400  }
0x7d: {  	[sflag:s26] =	ssyncset.done $0x0  }
0x7e: {  	[sflag:s26] =	ssyncadd.s32 $0xFFFFEC00  }
0x7f: {  	_ =	swait.ge [sflag:s26], $0x1400  }
0x80: {  	[sflag:s26] =	ssyncset.done $0x0  }
0x81: {  	[sflag:s26] =	ssyncadd.s32 $0xFFFFEC00  }
0x82: {  	_ =	swait.ge [sflag:s26], $0x1400  }
0x83: {  	[sflag:s26] =	ssyncset.done $0x0  }
0x84: {  	[sflag:s26] =	ssyncadd.s32 $0xFFFFEC00  }
0x85: {  	_ =	swait.ge [sflag:s26], $0x1400  }
0x86: {  	[sflag:s26] =	ssyncset.done $0x0  }
0x87: {  	[sflag:s26] =	ssyncadd.s32 $0xFFFFEC00  }
0x88: {  	_ =	swait.ge [sflag:s26], $0x1400  }
0x89: {  	[sflag:s26] =	ssyncset.done $0x0  }
0x8a: {  	s30 =	simm.s32 $0x0;
	[sflag:s26] =	ssyncadd.s32 $0xFFFFEC00  }
0x8b: {  	v1 =	vld [tilespmem:s30+$0x23D0]  }
0x8c: {  	v2 =	vld [tilespmem:s30+$0x23A0]  }
0x8d: {  	v0 =	vimm.f32 $0.0e+00;
	v3 =	vld [tilespmem:s30+$0x23B0]  }
0x8e: {  	v5 =	vimm.f32 $0.0e+00;
	v6 =	vimm.f32 $0.0e+00;
	v7 =	vimm.f32 $0.0e+00;
	s14 =	simm.s32 $0x100;
	v4 =	vld [tilespmem:s30+$0x23C0]  }
.LBB2_3:
0x8f: {  	p0 =	sne.s32 s14, $0x3100  }
.Ltmp0:
0x90: {  	s30 =	sshra.s32 s14, $0x2;
	s14 =	sadd.s32 $0x100, s14;
	v0 =	vadd.f32 v1, v0;
	(pc) =	sbr.rel @p0 .LBB2_3-.Ltmp0, $4  }
0x91: {  	v1 =	vld [tilespmem:s30+$0x23D0];
	v5 =	vadd.f32 v2, v5  }
0x92: {  	v2 =	vld [tilespmem:s30+$0x23A0];
	v6 =	vadd.f32 v3, v6  }
0x93: {  	v3 =	vld [tilespmem:s30+$0x23B0];
	v7 =	vadd.f32 v4, v7  }
0x94: {  	v4 =	vld [tilespmem:s30+$0x23C0]  }
0x95: {  	_ = 	snop  }
0x96: {  	v0 =	vadd.f32 v1, v0  }
0x97: {  	v2 =	vadd.f32 v2, v5  }
0x98: {  	v3 =	vadd.f32 v3, v6;
	[tilespmem:$0xEBD0] =	vst v0  }
0x99: {  	v4 =	vadd.f32 v4, v7;
	[tilespmem:$0xEBA0] =	vst v2  }
0x9a: {  	[tilespmem:$0xEBB0] =	vst v3  }
0x9b: {  	s30 =	simm.s32 $0x0;
	[tilespmem:$0xEBC0] =	vst v4  }
0x9c: {  	v1 =	vld [tilespmem:s30+$0x3050]  }
0x9d: {  	v2 =	vld [tilespmem:s30+$0x3020]  }
0x9e: {  	v5 =	vimm.f32 $0.0e+00;
	v3 =	vld [tilespmem:s30+$0x3030]  }
0x9f: {  	s14 =	simm.s32 $0x100;
	v0 =	vimm.f32 $0.0e+00;
	v6 =	vimm.f32 $0.0e+00;
	v7 =	vimm.f32 $0.0e+00;
	v4 =	vld [tilespmem:s30+$0x3040]  }
.LBB2_5:
0xa0: {  	p0 =	sne.s32 s14, $0x3100  }
.Ltmp1:
0xa1: {  	s30 =	sshra.s32 s14, $0x2;
	s14 =	sadd.s32 $0x100, s14;
	v0 =	vadd.f32 v1, v0;
	(pc) =	sbr.rel @p0 .LBB2_5-.Ltmp1, $4  }
0xa2: {  	v1 =	vld [tilespmem:s30+$0x3050];
	v5 =	vadd.f32 v2, v5  }
0xa3: {  	v2 =	vld [tilespmem:s30+$0x3020];
	v6 =	vadd.f32 v3, v6  }
0xa4: {  	v3 =	vld [tilespmem:s30+$0x3030];
	v7 =	vadd.f32 v4, v7  }
0xa5: {  	v4 =	vld [tilespmem:s30+$0x3040]  }
0xa6: {  	_ = 	snop  }
0xa7: {  	v0 =	vadd.f32 v1, v0  }
0xa8: {  	v2 =	vadd.f32 v2, v5  }
0xa9: {  	v3 =	vadd.f32 v3, v6;
	[tilespmem:$0xEC10] =	vst v0  }
0xaa: {  	v4 =	vadd.f32 v4, v7;
	[tilespmem:$0xEBE0] =	vst v2  }
0xab: {  	[tilespmem:$0xEBF0] =	vst v3  }
0xac: {  	s30 =	simm.s32 $0x0;
	[tilespmem:$0xEC00] =	vst v4  }
0xad: {  	v1 =	vld [tilespmem:s30+$0x3CD0]  }
0xae: {  	v2 =	vld [tilespmem:s30+$0x3CA0]  }
0xaf: {  	v5 =	vimm.f32 $0.0e+00;
	v3 =	vld [tilespmem:s30+$0x3CB0]  }
0xb0: {  	s14 =	simm.s32 $0x100;
	v0 =	vimm.f32 $0.0e+00;
	v6 =	vimm.f32 $0.0e+00;
	v7 =	vimm.f32 $0.0e+00;
	v4 =	vld [tilespmem:s30+$0x3CC0]  }
.LBB2_7:
0xb1: {  	p0 =	sne.s32 s14, $0x3100  }
.Ltmp2:
0xb2: {  	s30 =	sshra.s32 s14, $0x2;
	s14 =	sadd.s32 $0x100, s14;
	v0 =	vadd.f32 v1, v0;
	(pc) =	sbr.rel @p0 .LBB2_7-.Ltmp2, $4  }
0xb3: {  	v1 =	vld [tilespmem:s30+$0x3CD0];
	v5 =	vadd.f32 v2, v5  }
0xb4: {  	v2 =	vld [tilespmem:s30+$0x3CA0];
	v6 =	vadd.f32 v3, v6  }
0xb5: {  	v3 =	vld [tilespmem:s30+$0x3CB0];
	v7 =	vadd.f32 v4, v7  }
0xb6: {  	v4 =	vld [tilespmem:s30+$0x3CC0]  }
0xb7: {  	_ = 	snop  }
0xb8: {  	v0 =	vadd.f32 v1, v0  }
0xb9: {  	v2 =	vadd.f32 v2, v5  }
0xba: {  	v3 =	vadd.f32 v3, v6;
	[tilespmem:$0xEC50] =	vst v0  }
0xbb: {  	v4 =	vadd.f32 v4, v7;
	[tilespmem:$0xEC20] =	vst v2  }
0xbc: {  	[tilespmem:$0xEC30] =	vst v3  }
0xbd: {  	s30 =	simm.s32 $0x0;
	[tilespmem:$0xEC40] =	vst v4  }
0xbe: {  	v1 =	vld [tilespmem:s30+$0x4950]  }
0xbf: {  	v2 =	vld [tilespmem:s30+$0x4920]  }
0xc0: {  	v5 =	vimm.f32 $0.0e+00;
	v3 =	vld [tilespmem:s30+$0x4930]  }
0xc1: {  	s14 =	simm.s32 $0x100;
	v0 =	vimm.f32 $0.0e+00;
	v6 =	vimm.f32 $0.0e+00;
	v7 =	vimm.f32 $0.0e+00;
	v4 =	vld [tilespmem:s30+$0x4940]  }
.LBB2_9:
0xc2: {  	p0 =	sne.s32 s14, $0x3100  }
.Ltmp3:
0xc3: {  	s30 =	sshra.s32 s14, $0x2;
	s14 =	sadd.s32 $0x100, s14;
	v0 =	vadd.f32 v1, v0;
	(pc) =	sbr.rel @p0 .LBB2_9-.Ltmp3, $4  }
0xc4: {  	v1 =	vld [tilespmem:s30+$0x4950];
	v5 =	vadd.f32 v2, v5  }
0xc5: {  	v2 =	vld [tilespmem:s30+$0x4920];
	v6 =	vadd.f32 v3, v6  }
0xc6: {  	v3 =	vld [tilespmem:s30+$0x4930];
	v7 =	vadd.f32 v4, v7  }
0xc7: {  	v4 =	vld [tilespmem:s30+$0x4940]  }
0xc8: {  	_ = 	snop  }
0xc9: {  	v0 =	vadd.f32 v1, v0  }
0xca: {  	v2 =	vadd.f32 v2, v5  }
0xcb: {  	v3 =	vadd.f32 v3, v6;
	[tilespmem:$0xEC90] =	vst v0  }
0xcc: {  	v4 =	vadd.f32 v4, v7;
	[tilespmem:$0xEC60] =	vst v2  }
0xcd: {  	[tilespmem:$0xEC70] =	vst v3  }
0xce: {  	s30 =	simm.s32 $0x0;
	[tilespmem:$0xEC80] =	vst v4  }
0xcf: {  	v1 =	vld [tilespmem:s30+$0x55D0]  }
0xd0: {  	v2 =	vld [tilespmem:s30+$0x55A0]  }
0xd1: {  	v5 =	vimm.f32 $0.0e+00;
	v3 =	vld [tilespmem:s30+$0x55B0]  }
0xd2: {  	s14 =	simm.s32 $0x100;
	v0 =	vimm.f32 $0.0e+00;
	v6 =	vimm.f32 $0.0e+00;
	v7 =	vimm.f32 $0.0e+00;
	v4 =	vld [tilespmem:s30+$0x55C0]  }
.LBB2_11:
0xd3: {  	p0 =	sne.s32 s14, $0x3100  }
.Ltmp4:
0xd4: {  	s30 =	sshra.s32 s14, $0x2;
	s14 =	sadd.s32 $0x100, s14;
	v0 =	vadd.f32 v1, v0;
	(pc) =	sbr.rel @p0 .LBB2_11-.Ltmp4, $4  }
0xd5: {  	v1 =	vld [tilespmem:s30+$0x55D0];
	v5 =	vadd.f32 v2, v5  }
0xd6: {  	v2 =	vld [tilespmem:s30+$0x55A0];
	v6 =	vadd.f32 v3, v6  }
0xd7: {  	v3 =	vld [tilespmem:s30+$0x55B0];
	v7 =	vadd.f32 v4, v7  }
0xd8: {  	v4 =	vld [tilespmem:s30+$0x55C0]  }
0xd9: {  	_ = 	snop  }
0xda: {  	v0 =	vadd.f32 v1, v0  }
0xdb: {  	v2 =	vadd.f32 v2, v5  }
0xdc: {  	v3 =	vadd.f32 v3, v6;
	[tilespmem:$0xECD0] =	vst v0  }
0xdd: {  	v4 =	vadd.f32 v4, v7;
	[tilespmem:$0xECA0] =	vst v2  }
0xde: {  	[tilespmem:$0xECB0] =	vst v3  }
0xdf: {  	s30 =	simm.s32 $0x0;
	[tilespmem:$0xECC0] =	vst v4  }
0xe0: {  	v1 =	vld [tilespmem:s30+$0x6250]  }
0xe1: {  	v2 =	vld [tilespmem:s30+$0x6220]  }
0xe2: {  	v5 =	vimm.f32 $0.0e+00;
	v3 =	vld [tilespmem:s30+$0x6230]  }
0xe3: {  	s14 =	simm.s32 $0x100;
	v0 =	vimm.f32 $0.0e+00;
	v6 =	vimm.f32 $0.0e+00;
	v7 =	vimm.f32 $0.0e+00;
	v4 =	vld [tilespmem:s30+$0x6240]  }
.LBB2_13:
0xe4: {  	p0 =	sne.s32 s14, $0x3100  }
.Ltmp5:
0xe5: {  	s30 =	sshra.s32 s14, $0x2;
	s14 =	sadd.s32 $0x100, s14;
	v0 =	vadd.f32 v1, v0;
	(pc) =	sbr.rel @p0 .LBB2_13-.Ltmp5, $4  }
0xe6: {  	v1 =	vld [tilespmem:s30+$0x6250];
	v5 =	vadd.f32 v2, v5  }
0xe7: {  	v2 =	vld [tilespmem:s30+$0x6220];
	v6 =	vadd.f32 v3, v6  }
0xe8: {  	v3 =	vld [tilespmem:s30+$0x6230];
	v7 =	vadd.f32 v4, v7  }
0xe9: {  	v4 =	vld [tilespmem:s30+$0x6240]  }
0xea: {  	_ = 	snop  }
0xeb: {  	v0 =	vadd.f32 v1, v0  }
0xec: {  	v2 =	vadd.f32 v2, v5  }
0xed: {  	v3 =	vadd.f32 v3, v6;
	[tilespmem:$0xED10] =	vst v0  }
0xee: {  	v4 =	vadd.f32 v4, v7;
	[tilespmem:$0xECE0] =	vst v2  }
0xef: {  	[tilespmem:$0xECF0] =	vst v3  }
0xf0: {  	s30 =	simm.s32 $0x0;
	[tilespmem:$0xED00] =	vst v4  }
0xf1: {  	v1 =	vld [tilespmem:s30+$0x6ED0]  }
0xf2: {  	v2 =	vld [tilespmem:s30+$0x6EA0]  }
0xf3: {  	v5 =	vimm.f32 $0.0e+00;
	v3 =	vld [tilespmem:s30+$0x6EB0]  }
0xf4: {  	s14 =	simm.s32 $0x100;
	v0 =	vimm.f32 $0.0e+00;
	v6 =	vimm.f32 $0.0e+00;
	v7 =	vimm.f32 $0.0e+00;
	v4 =	vld [tilespmem:s30+$0x6EC0]  }
.LBB2_15:
0xf5: {  	p0 =	sne.s32 s14, $0x3100  }
.Ltmp6:
0xf6: {  	s30 =	sshra.s32 s14, $0x2;
	s14 =	sadd.s32 $0x100, s14;
	v0 =	vadd.f32 v1, v0;
	(pc) =	sbr.rel @p0 .LBB2_15-.Ltmp6, $4  }
0xf7: {  	v1 =	vld [tilespmem:s30+$0x6ED0];
	v5 =	vadd.f32 v2, v5  }
0xf8: {  	v2 =	vld [tilespmem:s30+$0x6EA0];
	v6 =	vadd.f32 v3, v6  }
0xf9: {  	v3 =	vld [tilespmem:s30+$0x6EB0];
	v7 =	vadd.f32 v4, v7  }
0xfa: {  	v4 =	vld [tilespmem:s30+$0x6EC0]  }
0xfb: {  	_ = 	snop  }
0xfc: {  	v0 =	vadd.f32 v1, v0  }
0xfd: {  	v2 =	vadd.f32 v2, v5  }
0xfe: {  	v3 =	vadd.f32 v3, v6;
	[tilespmem:$0xED50] =	vst v0  }
0xff: {  	v4 =	vadd.f32 v4, v7;
	[tilespmem:$0xED20] =	vst v2  }
0x100: {  	[tilespmem:$0xED30] =	vst v3  }
0x101: {  	s30 =	simm.s32 $0x0;
	[tilespmem:$0xED40] =	vst v4  }
0x102: {  	v1 =	vld [tilespmem:s30+$0x7B50]  }
0x103: {  	v2 =	vld [tilespmem:s30+$0x7B20]  }
0x104: {  	v5 =	vimm.f32 $0.0e+00;
	v3 =	vld [tilespmem:s30+$0x7B30]  }
0x105: {  	s14 =	simm.s32 $0x100;
	v0 =	vimm.f32 $0.0e+00;
	v6 =	vimm.f32 $0.0e+00;
	v7 =	vimm.f32 $0.0e+00;
	v4 =	vld [tilespmem:s30+$0x7B40]  }
.LBB2_17:
0x106: {  	p0 =	sne.s32 s14, $0x3100  }
.Ltmp7:
0x107: {  	s30 =	sshra.s32 s14, $0x2;
	s14 =	sadd.s32 $0x100, s14;
	v0 =	vadd.f32 v1, v0;
	(pc) =	sbr.rel @p0 .LBB2_17-.Ltmp7, $4  }
0x108: {  	v1 =	vld [tilespmem:s30+$0x7B50];
	v5 =	vadd.f32 v2, v5  }
0x109: {  	v2 =	vld [tilespmem:s30+$0x7B20];
	v6 =	vadd.f32 v3, v6  }
0x10a: {  	v3 =	vld [tilespmem:s30+$0x7B30];
	v7 =	vadd.f32 v4, v7  }
0x10b: {  	v4 =	vld [tilespmem:s30+$0x7B40]  }
0x10c: {  	_ = 	snop  }
0x10d: {  	v0 =	vadd.f32 v1, v0  }
0x10e: {  	v2 =	vadd.f32 v2, v5  }
0x10f: {  	v3 =	vadd.f32 v3, v6;
	[tilespmem:$0xED90] =	vst v0  }
0x110: {  	v4 =	vadd.f32 v4, v7;
	[tilespmem:$0xED60] =	vst v2  }
0x111: {  	[tilespmem:$0xED70] =	vst v3  }
0x112: {  	s30 =	simm.s32 $0x0;
	[tilespmem:$0xED80] =	vst v4  }
0x113: {  	v1 =	vld [tilespmem:s30+$0x87D0]  }
0x114: {  	v2 =	vld [tilespmem:s30+$0x87A0]  }
0x115: {  	v5 =	vimm.f32 $0.0e+00;
	v3 =	vld [tilespmem:s30+$0x87B0]  }
0x116: {  	s14 =	simm.s32 $0x100;
	v0 =	vimm.f32 $0.0e+00;
	v6 =	vimm.f32 $0.0e+00;
	v7 =	vimm.f32 $0.0e+00;
	v4 =	vld [tilespmem:s30+$0x87C0]  }
.LBB2_19:
0x117: {  	p0 =	sne.s32 s14, $0x3100  }
.Ltmp8:
0x118: {  	s30 =	sshra.s32 s14, $0x2;
	s14 =	sadd.s32 $0x100, s14;
	v0 =	vadd.f32 v1, v0;
	(pc) =	sbr.rel @p0 .LBB2_19-.Ltmp8, $4  }
0x119: {  	v1 =	vld [tilespmem:s30+$0x87D0];
	v5 =	vadd.f32 v2, v5  }
0x11a: {  	v2 =	vld [tilespmem:s30+$0x87A0];
	v6 =	vadd.f32 v3, v6  }
0x11b: {  	v3 =	vld [tilespmem:s30+$0x87B0];
	v7 =	vadd.f32 v4, v7  }
0x11c: {  	v4 =	vld [tilespmem:s30+$0x87C0]  }
0x11d: {  	_ = 	snop  }
0x11e: {  	v0 =	vadd.f32 v1, v0  }
0x11f: {  	v2 =	vadd.f32 v2, v5  }
0x120: {  	v3 =	vadd.f32 v3, v6;
	[tilespmem:$0xEDD0] =	vst v0  }
0x121: {  	v4 =	vadd.f32 v4, v7;
	[tilespmem:$0xEDA0] =	vst v2  }
0x122: {  	[tilespmem:$0xEDB0] =	vst v3  }
0x123: {  	s30 =	simm.s32 $0x0;
	[tilespmem:$0xEDC0] =	vst v4  }
0x124: {  	v1 =	vld [tilespmem:s30+$0x9450]  }
0x125: {  	v2 =	vld [tilespmem:s30+$0x9420]  }
0x126: {  	v5 =	vimm.f32 $0.0e+00;
	v3 =	vld [tilespmem:s30+$0x9430]  }
0x127: {  	s14 =	simm.s32 $0x100;
	v0 =	vimm.f32 $0.0e+00;
	v6 =	vimm.f32 $0.0e+00;
	v7 =	vimm.f32 $0.0e+00;
	v4 =	vld [tilespmem:s30+$0x9440]  }
.LBB2_21:
0x128: {  	p0 =	sne.s32 s14, $0x3100  }
.Ltmp9:
0x129: {  	s30 =	sshra.s32 s14, $0x2;
	s14 =	sadd.s32 $0x100, s14;
	v0 =	vadd.f32 v1, v0;
	(pc) =	sbr.rel @p0 .LBB2_21-.Ltmp9, $4  }
0x12a: {  	v1 =	vld [tilespmem:s30+$0x9450];
	v5 =	vadd.f32 v2, v5  }
0x12b: {  	v2 =	vld [tilespmem:s30+$0x9420];
	v6 =	vadd.f32 v3, v6  }
0x12c: {  	v3 =	vld [tilespmem:s30+$0x9430];
	v7 =	vadd.f32 v4, v7  }
0x12d: {  	v4 =	vld [tilespmem:s30+$0x9440]  }
0x12e: {  	_ = 	snop  }
0x12f: {  	v0 =	vadd.f32 v1, v0  }
0x130: {  	v2 =	vadd.f32 v2, v5  }
0x131: {  	v3 =	vadd.f32 v3, v6;
	[tilespmem:$0xEE10] =	vst v0  }
0x132: {  	v4 =	vadd.f32 v4, v7;
	[tilespmem:$0xEDE0] =	vst v2  }
0x133: {  	[tilespmem:$0xEDF0] =	vst v3  }
0x134: {  	s30 =	simm.s32 $0x0;
	[tilespmem:$0xEE00] =	vst v4  }
0x135: {  	v1 =	vld [tilespmem:s30+$0xA0D0]  }
0x136: {  	v2 =	vld [tilespmem:s30+$0xA0A0]  }
0x137: {  	v5 =	vimm.f32 $0.0e+00;
	v3 =	vld [tilespmem:s30+$0xA0B0]  }
0x138: {  	s14 =	simm.s32 $0x100;
	v0 =	vimm.f32 $0.0e+00;
	v6 =	vimm.f32 $0.0e+00;
	v7 =	vimm.f32 $0.0e+00;
	v4 =	vld [tilespmem:s30+$0xA0C0]  }
.LBB2_23:
0x139: {  	p0 =	sne.s32 s14, $0x3100  }
.Ltmp10:
0x13a: {  	s30 =	sshra.s32 s14, $0x2;
	s14 =	sadd.s32 $0x100, s14;
	v0 =	vadd.f32 v1, v0;
	(pc) =	sbr.rel @p0 .LBB2_23-.Ltmp10, $4  }
0x13b: {  	v1 =	vld [tilespmem:s30+$0xA0D0];
	v5 =	vadd.f32 v2, v5  }
0x13c: {  	v2 =	vld [tilespmem:s30+$0xA0A0];
	v6 =	vadd.f32 v3, v6  }
0x13d: {  	v3 =	vld [tilespmem:s30+$0xA0B0];
	v7 =	vadd.f32 v4, v7  }
0x13e: {  	v4 =	vld [tilespmem:s30+$0xA0C0]  }
0x13f: {  	_ = 	snop  }
0x140: {  	v0 =	vadd.f32 v1, v0  }
0x141: {  	v2 =	vadd.f32 v2, v5  }
0x142: {  	v3 =	vadd.f32 v3, v6;
	[tilespmem:$0xEE50] =	vst v0  }
0x143: {  	v4 =	vadd.f32 v4, v7;
	[tilespmem:$0xEE20] =	vst v2  }
0x144: {  	[tilespmem:$0xEE30] =	vst v3  }
0x145: {  	s30 =	simm.s32 $0x0;
	[tilespmem:$0xEE40] =	vst v4  }
0x146: {  	v1 =	vld [tilespmem:s30+$0xAD50]  }
0x147: {  	v2 =	vld [tilespmem:s30+$0xAD20]  }
0x148: {  	v5 =	vimm.f32 $0.0e+00;
	v3 =	vld [tilespmem:s30+$0xAD30]  }
0x149: {  	s14 =	simm.s32 $0x100;
	v0 =	vimm.f32 $0.0e+00;
	v6 =	vimm.f32 $0.0e+00;
	v7 =	vimm.f32 $0.0e+00;
	v4 =	vld [tilespmem:s30+$0xAD40]  }
.LBB2_25:
0x14a: {  	p0 =	sne.s32 s14, $0x3100  }
.Ltmp11:
0x14b: {  	s30 =	sshra.s32 s14, $0x2;
	s14 =	sadd.s32 $0x100, s14;
	v0 =	vadd.f32 v1, v0;
	(pc) =	sbr.rel @p0 .LBB2_25-.Ltmp11, $4  }
0x14c: {  	v1 =	vld [tilespmem:s30+$0xAD50];
	v5 =	vadd.f32 v2, v5  }
0x14d: {  	v2 =	vld [tilespmem:s30+$0xAD20];
	v6 =	vadd.f32 v3, v6  }
0x14e: {  	v3 =	vld [tilespmem:s30+$0xAD30];
	v7 =	vadd.f32 v4, v7  }
0x14f: {  	v4 =	vld [tilespmem:s30+$0xAD40]  }
0x150: {  	_ = 	snop  }
0x151: {  	v0 =	vadd.f32 v1, v0  }
0x152: {  	v2 =	vadd.f32 v2, v5  }
0x153: {  	v3 =	vadd.f32 v3, v6;
	[tilespmem:$0xEE90] =	vst v0  }
0x154: {  	v4 =	vadd.f32 v4, v7;
	[tilespmem:$0xEE60] =	vst v2  }
0x155: {  	[tilespmem:$0xEE70] =	vst v3  }
0x156: {  	s30 =	simm.s32 $0x0;
	[tilespmem:$0xEE80] =	vst v4  }
0x157: {  	v1 =	vld [tilespmem:s30+$0xB9D0]  }
0x158: {  	v2 =	vld [tilespmem:s30+$0xB9A0]  }
0x159: {  	v5 =	vimm.f32 $0.0e+00;
	v3 =	vld [tilespmem:s30+$0xB9B0]  }
0x15a: {  	s14 =	simm.s32 $0x100;
	v0 =	vimm.f32 $0.0e+00;
	v6 =	vimm.f32 $0.0e+00;
	v7 =	vimm.f32 $0.0e+00;
	v4 =	vld [tilespmem:s30+$0xB9C0]  }
.LBB2_27:
0x15b: {  	p0 =	sne.s32 s14, $0x3100  }
.Ltmp12:
0x15c: {  	s30 =	sshra.s32 s14, $0x2;
	s14 =	sadd.s32 $0x100, s14;
	v0 =	vadd.f32 v1, v0;
	(pc) =	sbr.rel @p0 .LBB2_27-.Ltmp12, $4  }
0x15d: {  	v1 =	vld [tilespmem:s30+$0xB9D0];
	v5 =	vadd.f32 v2, v5  }
0x15e: {  	v2 =	vld [tilespmem:s30+$0xB9A0];
	v6 =	vadd.f32 v3, v6  }
0x15f: {  	v3 =	vld [tilespmem:s30+$0xB9B0];
	v7 =	vadd.f32 v4, v7  }
0x160: {  	v4 =	vld [tilespmem:s30+$0xB9C0]  }
0x161: {  	_ = 	snop  }
0x162: {  	v0 =	vadd.f32 v1, v0  }
0x163: {  	v2 =	vadd.f32 v2, v5  }
0x164: {  	v3 =	vadd.f32 v3, v6;
	[tilespmem:$0xEED0] =	vst v0  }
0x165: {  	v4 =	vadd.f32 v4, v7;
	[tilespmem:$0xEEA0] =	vst v2  }
0x166: {  	[tilespmem:$0xEEB0] =	vst v3  }
0x167: {  	s30 =	simm.s32 $0x0;
	[tilespmem:$0xEEC0] =	vst v4  }
0x168: {  	v1 =	vld [tilespmem:s30+$0xC650]  }
0x169: {  	v2 =	vld [tilespmem:s30+$0xC620]  }
0x16a: {  	v5 =	vimm.f32 $0.0e+00;
	v3 =	vld [tilespmem:s30+$0xC630]  }
0x16b: {  	s14 =	simm.s32 $0x100;
	v0 =	vimm.f32 $0.0e+00;
	v6 =	vimm.f32 $0.0e+00;
	v7 =	vimm.f32 $0.0e+00;
	v4 =	vld [tilespmem:s30+$0xC640]  }
.LBB2_29:
0x16c: {  	p0 =	sne.s32 s14, $0x3100  }
.Ltmp13:
0x16d: {  	s30 =	sshra.s32 s14, $0x2;
	s14 =	sadd.s32 $0x100, s14;
	v0 =	vadd.f32 v1, v0;
	(pc) =	sbr.rel @p0 .LBB2_29-.Ltmp13, $4  }
0x16e: {  	v1 =	vld [tilespmem:s30+$0xC650];
	v5 =	vadd.f32 v2, v5  }
0x16f: {  	v2 =	vld [tilespmem:s30+$0xC620];
	v6 =	vadd.f32 v3, v6  }
0x170: {  	v3 =	vld [tilespmem:s30+$0xC630];
	v7 =	vadd.f32 v4, v7  }
0x171: {  	v4 =	vld [tilespmem:s30+$0xC640]  }
0x172: {  	_ = 	snop  }
0x173: {  	v0 =	vadd.f32 v1, v0  }
0x174: {  	v2 =	vadd.f32 v2, v5  }
0x175: {  	v3 =	vadd.f32 v3, v6;
	[tilespmem:$0xEF10] =	vst v0  }
0x176: {  	v4 =	vadd.f32 v4, v7;
	[tilespmem:$0xEEE0] =	vst v2  }
0x177: {  	[tilespmem:$0xEEF0] =	vst v3  }
0x178: {  	s30 =	simm.s32 $0x0;
	[tilespmem:$0xEF00] =	vst v4  }
0x179: {  	v1 =	vld [tilespmem:s30+$0xD2D0]  }
0x17a: {  	v2 =	vld [tilespmem:s30+$0xD2A0]  }
0x17b: {  	v5 =	vimm.f32 $0.0e+00;
	v3 =	vld [tilespmem:s30+$0xD2B0]  }
0x17c: {  	s14 =	simm.s32 $0x100;
	v0 =	vimm.f32 $0.0e+00;
	v6 =	vimm.f32 $0.0e+00;
	v7 =	vimm.f32 $0.0e+00;
	v4 =	vld [tilespmem:s30+$0xD2C0]  }
.LBB2_31:
0x17d: {  	p0 =	sne.s32 s14, $0x3100  }
.Ltmp14:
0x17e: {  	s30 =	sshra.s32 s14, $0x2;
	s14 =	sadd.s32 $0x100, s14;
	v0 =	vadd.f32 v1, v0;
	(pc) =	sbr.rel @p0 .LBB2_31-.Ltmp14, $4  }
0x17f: {  	v1 =	vld [tilespmem:s30+$0xD2D0];
	v5 =	vadd.f32 v2, v5  }
0x180: {  	v2 =	vld [tilespmem:s30+$0xD2A0];
	v6 =	vadd.f32 v3, v6  }
0x181: {  	v3 =	vld [tilespmem:s30+$0xD2B0];
	v7 =	vadd.f32 v4, v7  }
0x182: {  	v4 =	vld [tilespmem:s30+$0xD2C0]  }
0x183: {  	_ = 	snop  }
0x184: {  	v0 =	vadd.f32 v1, v0  }
0x185: {  	v2 =	vadd.f32 v2, v5  }
0x186: {  	v3 =	vadd.f32 v3, v6;
	[tilespmem:$0xEF50] =	vst v0  }
0x187: {  	v4 =	vadd.f32 v4, v7;
	[tilespmem:$0xEF20] =	vst v2  }
0x188: {  	[tilespmem:$0xEF30] =	vst v3  }
0x189: {  	s30 =	simm.s32 $0x0;
	[tilespmem:$0xEF40] =	vst v4  }
0x18a: {  	v1 =	vld [tilespmem:s30+$0xDF50]  }
0x18b: {  	v2 =	vld [tilespmem:s30+$0xDF20]  }
0x18c: {  	v5 =	vimm.f32 $0.0e+00;
	v3 =	vld [tilespmem:s30+$0xDF30]  }
0x18d: {  	s14 =	simm.s32 $0x100;
	v0 =	vimm.f32 $0.0e+00;
	v6 =	vimm.f32 $0.0e+00;
	v7 =	vimm.f32 $0.0e+00;
	v4 =	vld [tilespmem:s30+$0xDF40]  }
.LBB2_33:
0x18e: {  	p0 =	sne.s32 s14, $0x3100  }
.Ltmp15:
0x18f: {  	s30 =	sshra.s32 s14, $0x2;
	s14 =	sadd.s32 $0x100, s14;
	v0 =	vadd.f32 v1, v0;
	(pc) =	sbr.rel @p0 .LBB2_33-.Ltmp15, $4  }
0x190: {  	v1 =	vld [tilespmem:s30+$0xDF50];
	v5 =	vadd.f32 v2, v5  }
0x191: {  	v2 =	vld [tilespmem:s30+$0xDF20];
	v6 =	vadd.f32 v3, v6  }
0x192: {  	v3 =	vld [tilespmem:s30+$0xDF30];
	v7 =	vadd.f32 v4, v7  }
0x193: {  	v4 =	vld [tilespmem:s30+$0xDF40]  }
0x194: {  	_ = 	snop  }
0x195: {  	v0 =	vadd.f32 v1, v0  }
0x196: {  	v2 =	vadd.f32 v2, v5  }
0x197: {  	v3 =	vadd.f32 v3, v6;
	[tilespmem:$0xEF90] =	vst v0  }
0x198: {  	s12 =	sadd.s32 $0x1, s12;
	v4 =	vadd.f32 v4, v7;
	[tilespmem:$0xEF60] =	vst v2  }
0x199: {  	s11 =	sshll.u32 s11, $0x3;
	s14 =	rddreg [dreg:$0xb];
	p0 =	sne.s32 s12, $0x8;
	[tilespmem:$0xEF70] =	vst v3  }
.Ltmp16:
0x19a: {  	s14 =	sadd.s32 s14, s11;
	s11 =	simm.s32 $0x0;
	[tilespmem:$0xEF80] =	vst v4;
	(pc) =	sbr.rel @p0 .LBB2_2-.Ltmp16, $4  }
0x19b: {  	[hbm4b:s14+s11] =	stream.linear.scatter [tilespmem:s5], [sflag:$0x2], $0x400, $0x38;
	[tilespmem:$0xEFA0] =	vst v63  }
0x19c: {  	_ =	swait.ge [sflag:s24], $0x400  }
0x19d: {  	[sflag:s24] =	ssyncset.done $0x0  }
0x19e: {  	[sflag:s24] =	ssyncadd.s32 $0xFFFFFC00  }
0x19f: {  	s14 =	simm.s32 $0x0  }
.LBB2_36:
0x1a0: {  	s12 =	sshll.u32 s14, $0x4  }
0x1a1: {  	s12 =	sadd.s32 s13, s12  }
0x1a2: {  	s30 =	smul.u32 $0x32, s12;
	_ =	sdelay $0x1  }
0x1a3: {  	s31 =	rddreg [dreg:$0x8];
	s30 =	sshrl.u32 s30, $0x3  }
0x1a4: {  	s30 =	sadd.s32 s31, s30  }
0x1a5: {  	[tilespmem:s28], [sflag:$0x2] =	stream.linear.gather [hbm4b:s30+s11], $0x320, $0x38;
	[tilespmem:$0xEFA0] =	vst v63  }
0x1a6: {  	_ =	swait.ge [sflag:s24], $0x320  }
0x1a7: {  	[sflag:s24] =	ssyncset.done $0x0  }
0x1a8: {  	s30 =	simm.s32 $0x23A0;
	[sflag:s24] =	ssyncadd.s32 $0xFFFFFCE0  }
0x1a9: {  	[tilespmem:s30], [sflag:$0x1] =	stream.indirect.gather [hbm4b:s9+s29], $0x40, s28, s29, $0xb8;
	[tilespmem:$0xEFA0] =	vst v63  }
0x1aa: {  	s30 =	simm.s32 $0x20D0  }
0x1ab: {  	[tilespmem:s0], [sflag:$0x1] =	stream.indirect.gather [hbm4b:s9+s29], $0x40, s30, s29, $0xb8;
	[tilespmem:$0xEFA0] =	vst v63  }
0x1ac: {  	_ = 	snop  }
0x1ad: {  	[tilespmem:s1], [sflag:$0x1] =	stream.indirect.gather [hbm4b:s9+s29], $0x40, s6, s29, $0xb8;
	[tilespmem:$0xEFA0] =	vst v63  }
0x1ae: {  	_ = 	snop  }
0x1af: {  	[tilespmem:s15], [sflag:$0x1] =	stream.indirect.gather [hbm4b:s9+s29], $0x40, s7, s29, $0xb8;
	[tilespmem:$0xEFA0] =	vst v63  }
0x1b0: {  	_ = 	snop  }
0x1b1: {  	[tilespmem:s17], [sflag:$0x1] =	stream.indirect.gather [hbm4b:s9+s29], $0x40, s16, s29, $0xb8;
	[tilespmem:$0xEFA0] =	vst v63  }
0x1b2: {  	_ = 	snop  }
0x1b3: {  	[tilespmem:s19], [sflag:$0x1] =	stream.indirect.gather [hbm4b:s9+s29], $0x40, s18, s29, $0xb8;
	[tilespmem:$0xEFA0] =	vst v63  }
0x1b4: {  	_ = 	snop  }
0x1b5: {  	[tilespmem:s21], [sflag:$0x1] =	stream.indirect.gather [hbm4b:s9+s29], $0x40, s20, s29, $0xb8;
	[tilespmem:$0xEFA0] =	vst v63  }
0x1b6: {  	_ = 	snop  }
0x1b7: {  	[tilespmem:s23], [sflag:$0x1] =	stream.indirect.gather [hbm4b:s9+s29], $0x40, s22, s29, $0xb8;
	[tilespmem:$0xEFA0] =	vst v63  }
0x1b8: {  	_ = 	snop  }
0x1b9: {  	[tilespmem:s2], [sflag:$0x1] =	stream.indirect.gather [hbm4b:s9+s29], $0x40, s25, s29, $0xb8;
	[tilespmem:$0xEFA0] =	vst v63  }
0x1ba: {  	_ = 	snop  }
0x1bb: {  	[tilespmem:s4], [sflag:$0x1] =	stream.indirect.gather [hbm4b:s9+s29], $0x40, s3, s29, $0xb8;
	[tilespmem:$0xEFA0] =	vst v63  }
0x1bc: {  	_ =	swait.ge [sflag:s26], $0x1400  }
0x1bd: {  	[sflag:s26] =	ssyncset.done $0x0  }
0x1be: {  	[sflag:s26] =	ssyncadd.s32 $0xFFFFEC00  }
0x1bf: {  	_ =	swait.ge [sflag:s26], $0x1400  }
0x1c0: {  	[sflag:s26] =	ssyncset.done $0x0  }
0x1c1: {  	[sflag:s26] =	ssyncadd.s32 $0xFFFFEC00  }
0x1c2: {  	_ =	swait.ge [sflag:s26], $0x1400  }
0x1c3: {  	[sflag:s26] =	ssyncset.done $0x0  }
0x1c4: {  	[sflag:s26] =	ssyncadd.s32 $0xFFFFEC00  }
0x1c5: {  	_ =	swait.ge [sflag:s26], $0x1400  }
0x1c6: {  	[sflag:s26] =	ssyncset.done $0x0  }
0x1c7: {  	[sflag:s26] =	ssyncadd.s32 $0xFFFFEC00  }
0x1c8: {  	_ =	swait.ge [sflag:s26], $0x1400  }
0x1c9: {  	[sflag:s26] =	ssyncset.done $0x0  }
0x1ca: {  	[sflag:s26] =	ssyncadd.s32 $0xFFFFEC00  }
0x1cb: {  	_ =	swait.ge [sflag:s26], $0x1400  }
0x1cc: {  	[sflag:s26] =	ssyncset.done $0x0  }
0x1cd: {  	[sflag:s26] =	ssyncadd.s32 $0xFFFFEC00  }
0x1ce: {  	_ =	swait.ge [sflag:s26], $0x1400  }
0x1cf: {  	[sflag:s26] =	ssyncset.done $0x0  }
0x1d0: {  	[sflag:s26] =	ssyncadd.s32 $0xFFFFEC00  }
0x1d1: {  	_ =	swait.ge [sflag:s26], $0x1400  }
0x1d2: {  	[sflag:s26] =	ssyncset.done $0x0  }
0x1d3: {  	[sflag:s26] =	ssyncadd.s32 $0xFFFFEC00  }
0x1d4: {  	_ =	swait.ge [sflag:s26], $0x1400  }
0x1d5: {  	[sflag:s26] =	ssyncset.done $0x0  }
0x1d6: {  	[sflag:s26] =	ssyncadd.s32 $0xFFFFEC00  }
0x1d7: {  	_ =	swait.ge [sflag:s26], $0x1400  }
0x1d8: {  	[sflag:s26] =	ssyncset.done $0x0  }
0x1d9: {  	s30 =	simm.s32 $0x0;
	[sflag:s26] =	ssyncadd.s32 $0xFFFFEC00  }
0x1da: {  	v1 =	vld [tilespmem:s30+$0x23D0]  }
0x1db: {  	v2 =	vld [tilespmem:s30+$0x23A0]  }
0x1dc: {  	v0 =	vimm.f32 $0.0e+00;
	v3 =	vld [tilespmem:s30+$0x23B0]  }
0x1dd: {  	v5 =	vimm.f32 $0.0e+00;
	v6 =	vimm.f32 $0.0e+00;
	v7 =	vimm.f32 $0.0e+00;
	v4 =	vld [tilespmem:s30+$0x23C0];
	s30 =	simm.s32 $0x100  }
.LBB2_37:
0x1de: {  	p0 =	sne.s32 s30, $0x3100  }
.Ltmp17:
0x1df: {  	s31 =	sshra.s32 s30, $0x2;
	s30 =	sadd.s32 $0x100, s30;
	v0 =	vadd.f32 v1, v0;
	(pc) =	sbr.rel @p0 .LBB2_37-.Ltmp17, $4  }
0x1e0: {  	v1 =	vld [tilespmem:s31+$0x23D0];
	v5 =	vadd.f32 v2, v5  }
0x1e1: {  	v2 =	vld [tilespmem:s31+$0x23A0];
	v6 =	vadd.f32 v3, v6  }
0x1e2: {  	v3 =	vld [tilespmem:s31+$0x23B0];
	v7 =	vadd.f32 v4, v7  }
0x1e3: {  	v4 =	vld [tilespmem:s31+$0x23C0]  }
0x1e4: {  	_ = 	snop  }
0x1e5: {  	v0 =	vadd.f32 v1, v0  }
0x1e6: {  	v2 =	vadd.f32 v2, v5  }
0x1e7: {  	v3 =	vadd.f32 v3, v6;
	[tilespmem:$0xEBD0] =	vst v0  }
0x1e8: {  	v4 =	vadd.f32 v4, v7;
	[tilespmem:$0xEBA0] =	vst v2  }
0x1e9: {  	[tilespmem:$0xEBB0] =	vst v3  }
0x1ea: {  	s31 =	simm.s32 $0x0;
	[tilespmem:$0xEBC0] =	vst v4  }
0x1eb: {  	v1 =	vld [tilespmem:s31+$0x3050]  }
0x1ec: {  	v2 =	vld [tilespmem:s31+$0x3020]  }
0x1ed: {  	v5 =	vimm.f32 $0.0e+00;
	v3 =	vld [tilespmem:s31+$0x3030]  }
0x1ee: {  	s30 =	simm.s32 $0x100;
	v0 =	vimm.f32 $0.0e+00;
	v6 =	vimm.f32 $0.0e+00;
	v7 =	vimm.f32 $0.0e+00;
	v4 =	vld [tilespmem:s31+$0x3040]  }
.LBB2_39:
0x1ef: {  	p0 =	sne.s32 s30, $0x3100  }
.Ltmp18:
0x1f0: {  	s31 =	sshra.s32 s30, $0x2;
	s30 =	sadd.s32 $0x100, s30;
	v0 =	vadd.f32 v1, v0;
	(pc) =	sbr.rel @p0 .LBB2_39-.Ltmp18, $4  }
0x1f1: {  	v1 =	vld [tilespmem:s31+$0x3050];
	v5 =	vadd.f32 v2, v5  }
0x1f2: {  	v2 =	vld [tilespmem:s31+$0x3020];
	v6 =	vadd.f32 v3, v6  }
0x1f3: {  	v3 =	vld [tilespmem:s31+$0x3030];
	v7 =	vadd.f32 v4, v7  }
0x1f4: {  	v4 =	vld [tilespmem:s31+$0x3040]  }
0x1f5: {  	_ = 	snop  }
0x1f6: {  	v0 =	vadd.f32 v1, v0  }
0x1f7: {  	v2 =	vadd.f32 v2, v5  }
0x1f8: {  	v3 =	vadd.f32 v3, v6;
	[tilespmem:$0xEC10] =	vst v0  }
0x1f9: {  	v4 =	vadd.f32 v4, v7;
	[tilespmem:$0xEBE0] =	vst v2  }
0x1fa: {  	[tilespmem:$0xEBF0] =	vst v3  }
0x1fb: {  	s31 =	simm.s32 $0x0;
	[tilespmem:$0xEC00] =	vst v4  }
0x1fc: {  	v1 =	vld [tilespmem:s31+$0x3CD0]  }
0x1fd: {  	v2 =	vld [tilespmem:s31+$0x3CA0]  }
0x1fe: {  	v5 =	vimm.f32 $0.0e+00;
	v3 =	vld [tilespmem:s31+$0x3CB0]  }
0x1ff: {  	s30 =	simm.s32 $0x100;
	v0 =	vimm.f32 $0.0e+00;
	v6 =	vimm.f32 $0.0e+00;
	v7 =	vimm.f32 $0.0e+00;
	v4 =	vld [tilespmem:s31+$0x3CC0]  }
.LBB2_41:
0x200: {  	p0 =	sne.s32 s30, $0x3100  }
.Ltmp19:
0x201: {  	s31 =	sshra.s32 s30, $0x2;
	s30 =	sadd.s32 $0x100, s30;
	v0 =	vadd.f32 v1, v0;
	(pc) =	sbr.rel @p0 .LBB2_41-.Ltmp19, $4  }
0x202: {  	v1 =	vld [tilespmem:s31+$0x3CD0];
	v5 =	vadd.f32 v2, v5  }
0x203: {  	v2 =	vld [tilespmem:s31+$0x3CA0];
	v6 =	vadd.f32 v3, v6  }
0x204: {  	v3 =	vld [tilespmem:s31+$0x3CB0];
	v7 =	vadd.f32 v4, v7  }
0x205: {  	v4 =	vld [tilespmem:s31+$0x3CC0]  }
0x206: {  	_ = 	snop  }
0x207: {  	v0 =	vadd.f32 v1, v0  }
0x208: {  	v2 =	vadd.f32 v2, v5  }
0x209: {  	v3 =	vadd.f32 v3, v6;
	[tilespmem:$0xEC50] =	vst v0  }
0x20a: {  	v4 =	vadd.f32 v4, v7;
	[tilespmem:$0xEC20] =	vst v2  }
0x20b: {  	[tilespmem:$0xEC30] =	vst v3  }
0x20c: {  	s31 =	simm.s32 $0x0;
	[tilespmem:$0xEC40] =	vst v4  }
0x20d: {  	v1 =	vld [tilespmem:s31+$0x4950]  }
0x20e: {  	v2 =	vld [tilespmem:s31+$0x4920]  }
0x20f: {  	v5 =	vimm.f32 $0.0e+00;
	v3 =	vld [tilespmem:s31+$0x4930]  }
0x210: {  	s30 =	simm.s32 $0x100;
	v0 =	vimm.f32 $0.0e+00;
	v6 =	vimm.f32 $0.0e+00;
	v7 =	vimm.f32 $0.0e+00;
	v4 =	vld [tilespmem:s31+$0x4940]  }
.LBB2_43:
0x211: {  	p0 =	sne.s32 s30, $0x3100  }
.Ltmp20:
0x212: {  	s31 =	sshra.s32 s30, $0x2;
	s30 =	sadd.s32 $0x100, s30;
	v0 =	vadd.f32 v1, v0;
	(pc) =	sbr.rel @p0 .LBB2_43-.Ltmp20, $4  }
0x213: {  	v1 =	vld [tilespmem:s31+$0x4950];
	v5 =	vadd.f32 v2, v5  }
0x214: {  	v2 =	vld [tilespmem:s31+$0x4920];
	v6 =	vadd.f32 v3, v6  }
0x215: {  	v3 =	vld [tilespmem:s31+$0x4930];
	v7 =	vadd.f32 v4, v7  }
0x216: {  	v4 =	vld [tilespmem:s31+$0x4940]  }
0x217: {  	_ = 	snop  }
0x218: {  	v0 =	vadd.f32 v1, v0  }
0x219: {  	v2 =	vadd.f32 v2, v5  }
0x21a: {  	v3 =	vadd.f32 v3, v6;
	[tilespmem:$0xEC90] =	vst v0  }
0x21b: {  	v4 =	vadd.f32 v4, v7;
	[tilespmem:$0xEC60] =	vst v2  }
0x21c: {  	[tilespmem:$0xEC70] =	vst v3  }
0x21d: {  	s31 =	simm.s32 $0x0;
	[tilespmem:$0xEC80] =	vst v4  }
0x21e: {  	v1 =	vld [tilespmem:s31+$0x55D0]  }
0x21f: {  	v2 =	vld [tilespmem:s31+$0x55A0]  }
0x220: {  	v5 =	vimm.f32 $0.0e+00;
	v3 =	vld [tilespmem:s31+$0x55B0]  }
0x221: {  	s30 =	simm.s32 $0x100;
	v0 =	vimm.f32 $0.0e+00;
	v6 =	vimm.f32 $0.0e+00;
	v7 =	vimm.f32 $0.0e+00;
	v4 =	vld [tilespmem:s31+$0x55C0]  }
.LBB2_45:
0x222: {  	p0 =	sne.s32 s30, $0x3100  }
.Ltmp21:
0x223: {  	s31 =	sshra.s32 s30, $0x2;
	s30 =	sadd.s32 $0x100, s30;
	v0 =	vadd.f32 v1, v0;
	(pc) =	sbr.rel @p0 .LBB2_45-.Ltmp21, $4  }
0x224: {  	v1 =	vld [tilespmem:s31+$0x55D0];
	v5 =	vadd.f32 v2, v5  }
0x225: {  	v2 =	vld [tilespmem:s31+$0x55A0];
	v6 =	vadd.f32 v3, v6  }
0x226: {  	v3 =	vld [tilespmem:s31+$0x55B0];
	v7 =	vadd.f32 v4, v7  }
0x227: {  	v4 =	vld [tilespmem:s31+$0x55C0]  }
0x228: {  	_ = 	snop  }
0x229: {  	v0 =	vadd.f32 v1, v0  }
0x22a: {  	v2 =	vadd.f32 v2, v5  }
0x22b: {  	v3 =	vadd.f32 v3, v6;
	[tilespmem:$0xECD0] =	vst v0  }
0x22c: {  	v4 =	vadd.f32 v4, v7;
	[tilespmem:$0xECA0] =	vst v2  }
0x22d: {  	[tilespmem:$0xECB0] =	vst v3  }
0x22e: {  	s31 =	simm.s32 $0x0;
	[tilespmem:$0xECC0] =	vst v4  }
0x22f: {  	v1 =	vld [tilespmem:s31+$0x6250]  }
0x230: {  	v2 =	vld [tilespmem:s31+$0x6220]  }
0x231: {  	v5 =	vimm.f32 $0.0e+00;
	v3 =	vld [tilespmem:s31+$0x6230]  }
0x232: {  	s30 =	simm.s32 $0x100;
	v0 =	vimm.f32 $0.0e+00;
	v6 =	vimm.f32 $0.0e+00;
	v7 =	vimm.f32 $0.0e+00;
	v4 =	vld [tilespmem:s31+$0x6240]  }
.LBB2_47:
0x233: {  	p0 =	sne.s32 s30, $0x3100  }
.Ltmp22:
0x234: {  	s31 =	sshra.s32 s30, $0x2;
	s30 =	sadd.s32 $0x100, s30;
	v0 =	vadd.f32 v1, v0;
	(pc) =	sbr.rel @p0 .LBB2_47-.Ltmp22, $4  }
0x235: {  	v1 =	vld [tilespmem:s31+$0x6250];
	v5 =	vadd.f32 v2, v5  }
0x236: {  	v2 =	vld [tilespmem:s31+$0x6220];
	v6 =	vadd.f32 v3, v6  }
0x237: {  	v3 =	vld [tilespmem:s31+$0x6230];
	v7 =	vadd.f32 v4, v7  }
0x238: {  	v4 =	vld [tilespmem:s31+$0x6240]  }
0x239: {  	_ = 	snop  }
0x23a: {  	v0 =	vadd.f32 v1, v0  }
0x23b: {  	v2 =	vadd.f32 v2, v5  }
0x23c: {  	v3 =	vadd.f32 v3, v6;
	[tilespmem:$0xED10] =	vst v0  }
0x23d: {  	v4 =	vadd.f32 v4, v7;
	[tilespmem:$0xECE0] =	vst v2  }
0x23e: {  	[tilespmem:$0xECF0] =	vst v3  }
0x23f: {  	s31 =	simm.s32 $0x0;
	[tilespmem:$0xED00] =	vst v4  }
0x240: {  	v1 =	vld [tilespmem:s31+$0x6ED0]  }
0x241: {  	v2 =	vld [tilespmem:s31+$0x6EA0]  }
0x242: {  	v5 =	vimm.f32 $0.0e+00;
	v3 =	vld [tilespmem:s31+$0x6EB0]  }
0x243: {  	s30 =	simm.s32 $0x100;
	v0 =	vimm.f32 $0.0e+00;
	v6 =	vimm.f32 $0.0e+00;
	v7 =	vimm.f32 $0.0e+00;
	v4 =	vld [tilespmem:s31+$0x6EC0]  }
.LBB2_49:
0x244: {  	p0 =	sne.s32 s30, $0x3100  }
.Ltmp23:
0x245: {  	s31 =	sshra.s32 s30, $0x2;
	s30 =	sadd.s32 $0x100, s30;
	v0 =	vadd.f32 v1, v0;
	(pc) =	sbr.rel @p0 .LBB2_49-.Ltmp23, $4  }
0x246: {  	v1 =	vld [tilespmem:s31+$0x6ED0];
	v5 =	vadd.f32 v2, v5  }
0x247: {  	v2 =	vld [tilespmem:s31+$0x6EA0];
	v6 =	vadd.f32 v3, v6  }
0x248: {  	v3 =	vld [tilespmem:s31+$0x6EB0];
	v7 =	vadd.f32 v4, v7  }
0x249: {  	v4 =	vld [tilespmem:s31+$0x6EC0]  }
0x24a: {  	_ = 	snop  }
0x24b: {  	v0 =	vadd.f32 v1, v0  }
0x24c: {  	v2 =	vadd.f32 v2, v5  }
0x24d: {  	v3 =	vadd.f32 v3, v6;
	[tilespmem:$0xED50] =	vst v0  }
0x24e: {  	v4 =	vadd.f32 v4, v7;
	[tilespmem:$0xED20] =	vst v2  }
0x24f: {  	[tilespmem:$0xED30] =	vst v3  }
0x250: {  	s31 =	simm.s32 $0x0;
	[tilespmem:$0xED40] =	vst v4  }
0x251: {  	v1 =	vld [tilespmem:s31+$0x7B50]  }
0x252: {  	v2 =	vld [tilespmem:s31+$0x7B20]  }
0x253: {  	v5 =	vimm.f32 $0.0e+00;
	v3 =	vld [tilespmem:s31+$0x7B30]  }
0x254: {  	s30 =	simm.s32 $0x100;
	v0 =	vimm.f32 $0.0e+00;
	v6 =	vimm.f32 $0.0e+00;
	v7 =	vimm.f32 $0.0e+00;
	v4 =	vld [tilespmem:s31+$0x7B40]  }
.LBB2_51:
0x255: {  	p0 =	sne.s32 s30, $0x3100  }
.Ltmp24:
0x256: {  	s31 =	sshra.s32 s30, $0x2;
	s30 =	sadd.s32 $0x100, s30;
	v0 =	vadd.f32 v1, v0;
	(pc) =	sbr.rel @p0 .LBB2_51-.Ltmp24, $4  }
0x257: {  	v1 =	vld [tilespmem:s31+$0x7B50];
	v5 =	vadd.f32 v2, v5  }
0x258: {  	v2 =	vld [tilespmem:s31+$0x7B20];
	v6 =	vadd.f32 v3, v6  }
0x259: {  	v3 =	vld [tilespmem:s31+$0x7B30];
	v7 =	vadd.f32 v4, v7  }
0x25a: {  	v4 =	vld [tilespmem:s31+$0x7B40]  }
0x25b: {  	_ = 	snop  }
0x25c: {  	v0 =	vadd.f32 v1, v0  }
0x25d: {  	v2 =	vadd.f32 v2, v5  }
0x25e: {  	v3 =	vadd.f32 v3, v6;
	[tilespmem:$0xED90] =	vst v0  }
0x25f: {  	v4 =	vadd.f32 v4, v7;
	[tilespmem:$0xED60] =	vst v2  }
0x260: {  	[tilespmem:$0xED70] =	vst v3  }
0x261: {  	s31 =	simm.s32 $0x0;
	[tilespmem:$0xED80] =	vst v4  }
0x262: {  	v1 =	vld [tilespmem:s31+$0x87D0]  }
0x263: {  	v2 =	vld [tilespmem:s31+$0x87A0]  }
0x264: {  	v5 =	vimm.f32 $0.0e+00;
	v3 =	vld [tilespmem:s31+$0x87B0]  }
0x265: {  	s30 =	simm.s32 $0x100;
	v0 =	vimm.f32 $0.0e+00;
	v6 =	vimm.f32 $0.0e+00;
	v7 =	vimm.f32 $0.0e+00;
	v4 =	vld [tilespmem:s31+$0x87C0]  }
.LBB2_53:
0x266: {  	p0 =	sne.s32 s30, $0x3100  }
.Ltmp25:
0x267: {  	s31 =	sshra.s32 s30, $0x2;
	s30 =	sadd.s32 $0x100, s30;
	v0 =	vadd.f32 v1, v0;
	(pc) =	sbr.rel @p0 .LBB2_53-.Ltmp25, $4  }
0x268: {  	v1 =	vld [tilespmem:s31+$0x87D0];
	v5 =	vadd.f32 v2, v5  }
0x269: {  	v2 =	vld [tilespmem:s31+$0x87A0];
	v6 =	vadd.f32 v3, v6  }
0x26a: {  	v3 =	vld [tilespmem:s31+$0x87B0];
	v7 =	vadd.f32 v4, v7  }
0x26b: {  	v4 =	vld [tilespmem:s31+$0x87C0]  }
0x26c: {  	_ = 	snop  }
0x26d: {  	v0 =	vadd.f32 v1, v0  }
0x26e: {  	v2 =	vadd.f32 v2, v5  }
0x26f: {  	v3 =	vadd.f32 v3, v6;
	[tilespmem:$0xEDD0] =	vst v0  }
0x270: {  	v4 =	vadd.f32 v4, v7;
	[tilespmem:$0xEDA0] =	vst v2  }
0x271: {  	[tilespmem:$0xEDB0] =	vst v3  }
0x272: {  	s31 =	simm.s32 $0x0;
	[tilespmem:$0xEDC0] =	vst v4  }
0x273: {  	v1 =	vld [tilespmem:s31+$0x9450]  }
0x274: {  	v2 =	vld [tilespmem:s31+$0x9420]  }
0x275: {  	v5 =	vimm.f32 $0.0e+00;
	v3 =	vld [tilespmem:s31+$0x9430]  }
0x276: {  	s30 =	simm.s32 $0x100;
	v0 =	vimm.f32 $0.0e+00;
	v6 =	vimm.f32 $0.0e+00;
	v7 =	vimm.f32 $0.0e+00;
	v4 =	vld [tilespmem:s31+$0x9440]  }
.LBB2_55:
0x277: {  	p0 =	sne.s32 s30, $0x3100  }
.Ltmp26:
0x278: {  	s31 =	sshra.s32 s30, $0x2;
	s30 =	sadd.s32 $0x100, s30;
	v0 =	vadd.f32 v1, v0;
	(pc) =	sbr.rel @p0 .LBB2_55-.Ltmp26, $4  }
0x279: {  	v1 =	vld [tilespmem:s31+$0x9450];
	v5 =	vadd.f32 v2, v5  }
0x27a: {  	v2 =	vld [tilespmem:s31+$0x9420];
	v6 =	vadd.f32 v3, v6  }
0x27b: {  	v3 =	vld [tilespmem:s31+$0x9430];
	v7 =	vadd.f32 v4, v7  }
0x27c: {  	v4 =	vld [tilespmem:s31+$0x9440]  }
0x27d: {  	_ = 	snop  }
0x27e: {  	v0 =	vadd.f32 v1, v0  }
0x27f: {  	v2 =	vadd.f32 v2, v5  }
0x280: {  	v3 =	vadd.f32 v3, v6;
	[tilespmem:$0xEE10] =	vst v0  }
0x281: {  	v4 =	vadd.f32 v4, v7;
	[tilespmem:$0xEDE0] =	vst v2  }
0x282: {  	[tilespmem:$0xEDF0] =	vst v3  }
0x283: {  	s31 =	simm.s32 $0x0;
	[tilespmem:$0xEE00] =	vst v4  }
0x284: {  	v1 =	vld [tilespmem:s31+$0xA0D0]  }
0x285: {  	v2 =	vld [tilespmem:s31+$0xA0A0]  }
0x286: {  	v5 =	vimm.f32 $0.0e+00;
	v3 =	vld [tilespmem:s31+$0xA0B0]  }
0x287: {  	s30 =	simm.s32 $0x100;
	v0 =	vimm.f32 $0.0e+00;
	v6 =	vimm.f32 $0.0e+00;
	v7 =	vimm.f32 $0.0e+00;
	v4 =	vld [tilespmem:s31+$0xA0C0]  }
.LBB2_57:
0x288: {  	p0 =	sne.s32 s30, $0x3100  }
.Ltmp27:
0x289: {  	s31 =	sshra.s32 s30, $0x2;
	s30 =	sadd.s32 $0x100, s30;
	v0 =	vadd.f32 v1, v0;
	(pc) =	sbr.rel @p0 .LBB2_57-.Ltmp27, $4  }
0x28a: {  	v1 =	vld [tilespmem:s31+$0xA0D0];
	v5 =	vadd.f32 v2, v5  }
0x28b: {  	v2 =	vld [tilespmem:s31+$0xA0A0];
	v6 =	vadd.f32 v3, v6  }
0x28c: {  	v3 =	vld [tilespmem:s31+$0xA0B0];
	v7 =	vadd.f32 v4, v7  }
0x28d: {  	v4 =	vld [tilespmem:s31+$0xA0C0]  }
0x28e: {  	_ = 	snop  }
0x28f: {  	v0 =	vadd.f32 v1, v0  }
0x290: {  	v2 =	vadd.f32 v2, v5  }
0x291: {  	v3 =	vadd.f32 v3, v6;
	[tilespmem:$0xEE50] =	vst v0  }
0x292: {  	v4 =	vadd.f32 v4, v7;
	[tilespmem:$0xEE20] =	vst v2  }
0x293: {  	[tilespmem:$0xEE30] =	vst v3  }
0x294: {  	s31 =	simm.s32 $0x0;
	[tilespmem:$0xEE40] =	vst v4  }
0x295: {  	v1 =	vld [tilespmem:s31+$0xAD50]  }
0x296: {  	v2 =	vld [tilespmem:s31+$0xAD20]  }
0x297: {  	v5 =	vimm.f32 $0.0e+00;
	v3 =	vld [tilespmem:s31+$0xAD30]  }
0x298: {  	s30 =	simm.s32 $0x100;
	v0 =	vimm.f32 $0.0e+00;
	v6 =	vimm.f32 $0.0e+00;
	v7 =	vimm.f32 $0.0e+00;
	v4 =	vld [tilespmem:s31+$0xAD40]  }
.LBB2_59:
0x299: {  	p0 =	sne.s32 s30, $0x3100  }
.Ltmp28:
0x29a: {  	s31 =	sshra.s32 s30, $0x2;
	s30 =	sadd.s32 $0x100, s30;
	v0 =	vadd.f32 v1, v0;
	(pc) =	sbr.rel @p0 .LBB2_59-.Ltmp28, $4  }
0x29b: {  	v1 =	vld [tilespmem:s31+$0xAD50];
	v5 =	vadd.f32 v2, v5  }
0x29c: {  	v2 =	vld [tilespmem:s31+$0xAD20];
	v6 =	vadd.f32 v3, v6  }
0x29d: {  	v3 =	vld [tilespmem:s31+$0xAD30];
	v7 =	vadd.f32 v4, v7  }
0x29e: {  	v4 =	vld [tilespmem:s31+$0xAD40]  }
0x29f: {  	_ = 	snop  }
0x2a0: {  	v0 =	vadd.f32 v1, v0  }
0x2a1: {  	v2 =	vadd.f32 v2, v5  }
0x2a2: {  	v3 =	vadd.f32 v3, v6;
	[tilespmem:$0xEE90] =	vst v0  }
0x2a3: {  	v4 =	vadd.f32 v4, v7;
	[tilespmem:$0xEE60] =	vst v2  }
0x2a4: {  	[tilespmem:$0xEE70] =	vst v3  }
0x2a5: {  	s31 =	simm.s32 $0x0;
	[tilespmem:$0xEE80] =	vst v4  }
0x2a6: {  	v1 =	vld [tilespmem:s31+$0xB9D0]  }
0x2a7: {  	v2 =	vld [tilespmem:s31+$0xB9A0]  }
0x2a8: {  	v5 =	vimm.f32 $0.0e+00;
	v3 =	vld [tilespmem:s31+$0xB9B0]  }
0x2a9: {  	s30 =	simm.s32 $0x100;
	v0 =	vimm.f32 $0.0e+00;
	v6 =	vimm.f32 $0.0e+00;
	v7 =	vimm.f32 $0.0e+00;
	v4 =	vld [tilespmem:s31+$0xB9C0]  }
.LBB2_61:
0x2aa: {  	p0 =	sne.s32 s30, $0x3100  }
.Ltmp29:
0x2ab: {  	s31 =	sshra.s32 s30, $0x2;
	s30 =	sadd.s32 $0x100, s30;
	v0 =	vadd.f32 v1, v0;
	(pc) =	sbr.rel @p0 .LBB2_61-.Ltmp29, $4  }
0x2ac: {  	v1 =	vld [tilespmem:s31+$0xB9D0];
	v5 =	vadd.f32 v2, v5  }
0x2ad: {  	v2 =	vld [tilespmem:s31+$0xB9A0];
	v6 =	vadd.f32 v3, v6  }
0x2ae: {  	v3 =	vld [tilespmem:s31+$0xB9B0];
	v7 =	vadd.f32 v4, v7  }
0x2af: {  	v4 =	vld [tilespmem:s31+$0xB9C0]  }
0x2b0: {  	_ = 	snop  }
0x2b1: {  	v0 =	vadd.f32 v1, v0  }
0x2b2: {  	v2 =	vadd.f32 v2, v5  }
0x2b3: {  	v3 =	vadd.f32 v3, v6;
	[tilespmem:$0xEED0] =	vst v0  }
0x2b4: {  	v4 =	vadd.f32 v4, v7;
	[tilespmem:$0xEEA0] =	vst v2  }
0x2b5: {  	[tilespmem:$0xEEB0] =	vst v3  }
0x2b6: {  	s31 =	simm.s32 $0x0;
	[tilespmem:$0xEEC0] =	vst v4  }
0x2b7: {  	v1 =	vld [tilespmem:s31+$0xC650]  }
0x2b8: {  	v2 =	vld [tilespmem:s31+$0xC620]  }
0x2b9: {  	v5 =	vimm.f32 $0.0e+00;
	v3 =	vld [tilespmem:s31+$0xC630]  }
0x2ba: {  	s30 =	simm.s32 $0x100;
	v0 =	vimm.f32 $0.0e+00;
	v6 =	vimm.f32 $0.0e+00;
	v7 =	vimm.f32 $0.0e+00;
	v4 =	vld [tilespmem:s31+$0xC640]  }
.LBB2_63:
0x2bb: {  	p0 =	sne.s32 s30, $0x3100  }
.Ltmp30:
0x2bc: {  	s31 =	sshra.s32 s30, $0x2;
	s30 =	sadd.s32 $0x100, s30;
	v0 =	vadd.f32 v1, v0;
	(pc) =	sbr.rel @p0 .LBB2_63-.Ltmp30, $4  }
0x2bd: {  	v1 =	vld [tilespmem:s31+$0xC650];
	v5 =	vadd.f32 v2, v5  }
0x2be: {  	v2 =	vld [tilespmem:s31+$0xC620];
	v6 =	vadd.f32 v3, v6  }
0x2bf: {  	v3 =	vld [tilespmem:s31+$0xC630];
	v7 =	vadd.f32 v4, v7  }
0x2c0: {  	v4 =	vld [tilespmem:s31+$0xC640]  }
0x2c1: {  	_ = 	snop  }
0x2c2: {  	v0 =	vadd.f32 v1, v0  }
0x2c3: {  	v2 =	vadd.f32 v2, v5  }
0x2c4: {  	v3 =	vadd.f32 v3, v6;
	[tilespmem:$0xEF10] =	vst v0  }
0x2c5: {  	v4 =	vadd.f32 v4, v7;
	[tilespmem:$0xEEE0] =	vst v2  }
0x2c6: {  	[tilespmem:$0xEEF0] =	vst v3  }
0x2c7: {  	s31 =	simm.s32 $0x0;
	[tilespmem:$0xEF00] =	vst v4  }
0x2c8: {  	v1 =	vld [tilespmem:s31+$0xD2D0]  }
0x2c9: {  	v2 =	vld [tilespmem:s31+$0xD2A0]  }
0x2ca: {  	v5 =	vimm.f32 $0.0e+00;
	v3 =	vld [tilespmem:s31+$0xD2B0]  }
0x2cb: {  	s30 =	simm.s32 $0x100;
	v0 =	vimm.f32 $0.0e+00;
	v6 =	vimm.f32 $0.0e+00;
	v7 =	vimm.f32 $0.0e+00;
	v4 =	vld [tilespmem:s31+$0xD2C0]  }
.LBB2_65:
0x2cc: {  	p0 =	sne.s32 s30, $0x3100  }
.Ltmp31:
0x2cd: {  	s31 =	sshra.s32 s30, $0x2;
	s30 =	sadd.s32 $0x100, s30;
	v0 =	vadd.f32 v1, v0;
	(pc) =	sbr.rel @p0 .LBB2_65-.Ltmp31, $4  }
0x2ce: {  	v1 =	vld [tilespmem:s31+$0xD2D0];
	v5 =	vadd.f32 v2, v5  }
0x2cf: {  	v2 =	vld [tilespmem:s31+$0xD2A0];
	v6 =	vadd.f32 v3, v6  }
0x2d0: {  	v3 =	vld [tilespmem:s31+$0xD2B0];
	v7 =	vadd.f32 v4, v7  }
0x2d1: {  	v4 =	vld [tilespmem:s31+$0xD2C0]  }
0x2d2: {  	_ = 	snop  }
0x2d3: {  	v0 =	vadd.f32 v1, v0  }
0x2d4: {  	v2 =	vadd.f32 v2, v5  }
0x2d5: {  	v3 =	vadd.f32 v3, v6;
	[tilespmem:$0xEF50] =	vst v0  }
0x2d6: {  	v4 =	vadd.f32 v4, v7;
	[tilespmem:$0xEF20] =	vst v2  }
0x2d7: {  	[tilespmem:$0xEF30] =	vst v3  }
0x2d8: {  	s31 =	simm.s32 $0x0;
	[tilespmem:$0xEF40] =	vst v4  }
0x2d9: {  	v1 =	vld [tilespmem:s31+$0xDF50]  }
0x2da: {  	v2 =	vld [tilespmem:s31+$0xDF20]  }
0x2db: {  	v5 =	vimm.f32 $0.0e+00;
	v3 =	vld [tilespmem:s31+$0xDF30]  }
0x2dc: {  	s30 =	simm.s32 $0x100;
	v0 =	vimm.f32 $0.0e+00;
	v6 =	vimm.f32 $0.0e+00;
	v7 =	vimm.f32 $0.0e+00;
	v4 =	vld [tilespmem:s31+$0xDF40]  }
.LBB2_67:
0x2dd: {  	p0 =	sne.s32 s30, $0x3100  }
.Ltmp32:
0x2de: {  	s31 =	sshra.s32 s30, $0x2;
	s30 =	sadd.s32 $0x100, s30;
	v0 =	vadd.f32 v1, v0;
	(pc) =	sbr.rel @p0 .LBB2_67-.Ltmp32, $4  }
0x2df: {  	v1 =	vld [tilespmem:s31+$0xDF50];
	v5 =	vadd.f32 v2, v5  }
0x2e0: {  	v2 =	vld [tilespmem:s31+$0xDF20];
	v6 =	vadd.f32 v3, v6  }
0x2e1: {  	v3 =	vld [tilespmem:s31+$0xDF30];
	v7 =	vadd.f32 v4, v7  }
0x2e2: {  	v4 =	vld [tilespmem:s31+$0xDF40]  }
0x2e3: {  	_ = 	snop  }
0x2e4: {  	v0 =	vadd.f32 v1, v0  }
0x2e5: {  	v2 =	vadd.f32 v2, v5  }
0x2e6: {  	v3 =	vadd.f32 v3, v6;
	[tilespmem:$0xEF90] =	vst v0  }
0x2e7: {  	s14 =	sadd.s32 $0x1, s14;
	v4 =	vadd.f32 v4, v7;
	[tilespmem:$0xEF60] =	vst v2  }
0x2e8: {  	s12 =	sshll.u32 s12, $0x3;
	s30 =	rddreg [dreg:$0xc];
	p0 =	sne.s32 s14, $0x8;
	[tilespmem:$0xEF70] =	vst v3  }
.Ltmp33:
0x2e9: {  	s30 =	sadd.s32 s30, s12;
	s12 =	simm.s32 $0x0;
	[tilespmem:$0xEF80] =	vst v4;
	(pc) =	sbr.rel @p0 .LBB2_36-.Ltmp33, $4  }
0x2ea: {  	[hbm4b:s30+s12] =	stream.linear.scatter [tilespmem:s5], [sflag:$0x2], $0x400, $0x38;
	[tilespmem:$0xEFA0] =	vst v63  }
0x2eb: {  	_ =	swait.ge [sflag:s24], $0x400  }
0x2ec: {  	[sflag:s24] =	ssyncset.done $0x0  }
0x2ed: {  	[sflag:s24] =	ssyncadd.s32 $0xFFFFFC00  }
0x2ee: {  	s11 =	simm.s32 $0x0  }
.LBB2_70:
0x2ef: {  	s14 =	sshll.u32 s11, $0x4  }
0x2f0: {  	s14 =	sadd.s32 s13, s14  }
0x2f1: {  	s30 =	smul.u32 $0x32, s14;
	_ =	sdelay $0x1  }
0x2f2: {  	s31 =	rddreg [dreg:$0x9];
	s30 =	sshrl.u32 s30, $0x3  }
0x2f3: {  	s30 =	sadd.s32 s31, s30  }
0x2f4: {  	[tilespmem:s28], [sflag:$0x2] =	stream.linear.gather [hbm4b:s30+s12], $0x320, $0x38;
	[tilespmem:$0xEFA0] =	vst v63  }
0x2f5: {  	_ =	swait.ge [sflag:s24], $0x320  }
0x2f6: {  	[sflag:s24] =	ssyncset.done $0x0  }
0x2f7: {  	s30 =	simm.s32 $0x23A0;
	[sflag:s24] =	ssyncadd.s32 $0xFFFFFCE0  }
0x2f8: {  	[tilespmem:s30], [sflag:$0x1] =	stream.indirect.gather [hbm4b:s10+s29], $0x40, s28, s29, $0xb8;
	[tilespmem:$0xEFA0] =	vst v63  }
0x2f9: {  	s30 =	simm.s32 $0x20D0  }
0x2fa: {  	[tilespmem:s0], [sflag:$0x1] =	stream.indirect.gather [hbm4b:s10+s29], $0x40, s30, s29, $0xb8;
	[tilespmem:$0xEFA0] =	vst v63  }
0x2fb: {  	_ = 	snop  }
0x2fc: {  	[tilespmem:s1], [sflag:$0x1] =	stream.indirect.gather [hbm4b:s10+s29], $0x40, s6, s29, $0xb8;
	[tilespmem:$0xEFA0] =	vst v63  }
0x2fd: {  	_ = 	snop  }
0x2fe: {  	[tilespmem:s15], [sflag:$0x1] =	stream.indirect.gather [hbm4b:s10+s29], $0x40, s7, s29, $0xb8;
	[tilespmem:$0xEFA0] =	vst v63  }
0x2ff: {  	_ = 	snop  }
0x300: {  	[tilespmem:s17], [sflag:$0x1] =	stream.indirect.gather [hbm4b:s10+s29], $0x40, s16, s29, $0xb8;
	[tilespmem:$0xEFA0] =	vst v63  }
0x301: {  	_ = 	snop  }
0x302: {  	[tilespmem:s19], [sflag:$0x1] =	stream.indirect.gather [hbm4b:s10+s29], $0x40, s18, s29, $0xb8;
	[tilespmem:$0xEFA0] =	vst v63  }
0x303: {  	_ = 	snop  }
0x304: {  	[tilespmem:s21], [sflag:$0x1] =	stream.indirect.gather [hbm4b:s10+s29], $0x40, s20, s29, $0xb8;
	[tilespmem:$0xEFA0] =	vst v63  }
0x305: {  	_ = 	snop  }
0x306: {  	[tilespmem:s23], [sflag:$0x1] =	stream.indirect.gather [hbm4b:s10+s29], $0x40, s22, s29, $0xb8;
	[tilespmem:$0xEFA0] =	vst v63  }
0x307: {  	_ = 	snop  }
0x308: {  	[tilespmem:s2], [sflag:$0x1] =	stream.indirect.gather [hbm4b:s10+s29], $0x40, s25, s29, $0xb8;
	[tilespmem:$0xEFA0] =	vst v63  }
0x309: {  	_ = 	snop  }
0x30a: {  	[tilespmem:s4], [sflag:$0x1] =	stream.indirect.gather [hbm4b:s10+s29], $0x40, s3, s29, $0xb8;
	[tilespmem:$0xEFA0] =	vst v63  }
0x30b: {  	_ =	swait.ge [sflag:s26], $0x1400  }
0x30c: {  	[sflag:s26] =	ssyncset.done $0x0  }
0x30d: {  	[sflag:s26] =	ssyncadd.s32 $0xFFFFEC00  }
0x30e: {  	_ =	swait.ge [sflag:s26], $0x1400  }
0x30f: {  	[sflag:s26] =	ssyncset.done $0x0  }
0x310: {  	[sflag:s26] =	ssyncadd.s32 $0xFFFFEC00  }
0x311: {  	_ =	swait.ge [sflag:s26], $0x1400  }
0x312: {  	[sflag:s26] =	ssyncset.done $0x0  }
0x313: {  	[sflag:s26] =	ssyncadd.s32 $0xFFFFEC00  }
0x314: {  	_ =	swait.ge [sflag:s26], $0x1400  }
0x315: {  	[sflag:s26] =	ssyncset.done $0x0  }
0x316: {  	[sflag:s26] =	ssyncadd.s32 $0xFFFFEC00  }
0x317: {  	_ =	swait.ge [sflag:s26], $0x1400  }
0x318: {  	[sflag:s26] =	ssyncset.done $0x0  }
0x319: {  	[sflag:s26] =	ssyncadd.s32 $0xFFFFEC00  }
0x31a: {  	_ =	swait.ge [sflag:s26], $0x1400  }
0x31b: {  	[sflag:s26] =	ssyncset.done $0x0  }
0x31c: {  	[sflag:s26] =	ssyncadd.s32 $0xFFFFEC00  }
0x31d: {  	_ =	swait.ge [sflag:s26], $0x1400  }
0x31e: {  	[sflag:s26] =	ssyncset.done $0x0  }
0x31f: {  	[sflag:s26] =	ssyncadd.s32 $0xFFFFEC00  }
0x320: {  	_ =	swait.ge [sflag:s26], $0x1400  }
0x321: {  	[sflag:s26] =	ssyncset.done $0x0  }
0x322: {  	[sflag:s26] =	ssyncadd.s32 $0xFFFFEC00  }
0x323: {  	_ =	swait.ge [sflag:s26], $0x1400  }
0x324: {  	[sflag:s26] =	ssyncset.done $0x0  }
0x325: {  	[sflag:s26] =	ssyncadd.s32 $0xFFFFEC00  }
0x326: {  	_ =	swait.ge [sflag:s26], $0x1400  }
0x327: {  	[sflag:s26] =	ssyncset.done $0x0  }
0x328: {  	s30 =	simm.s32 $0x0;
	[sflag:s26] =	ssyncadd.s32 $0xFFFFEC00  }
0x329: {  	v1 =	vld [tilespmem:s30+$0x23D0]  }
0x32a: {  	v2 =	vld [tilespmem:s30+$0x23A0]  }
0x32b: {  	v0 =	vimm.f32 $0.0e+00;
	v3 =	vld [tilespmem:s30+$0x23B0]  }
0x32c: {  	v5 =	vimm.f32 $0.0e+00;
	v6 =	vimm.f32 $0.0e+00;
	v7 =	vimm.f32 $0.0e+00;
	v4 =	vld [tilespmem:s30+$0x23C0];
	s30 =	simm.s32 $0x100  }
.LBB2_71:
0x32d: {  	p0 =	sne.s32 s30, $0x3100  }
.Ltmp34:
0x32e: {  	s31 =	sshra.s32 s30, $0x2;
	s30 =	sadd.s32 $0x100, s30;
	v0 =	vadd.f32 v1, v0;
	(pc) =	sbr.rel @p0 .LBB2_71-.Ltmp34, $4  }
0x32f: {  	v1 =	vld [tilespmem:s31+$0x23D0];
	v5 =	vadd.f32 v2, v5  }
0x330: {  	v2 =	vld [tilespmem:s31+$0x23A0];
	v6 =	vadd.f32 v3, v6  }
0x331: {  	v3 =	vld [tilespmem:s31+$0x23B0];
	v7 =	vadd.f32 v4, v7  }
0x332: {  	v4 =	vld [tilespmem:s31+$0x23C0]  }
0x333: {  	_ = 	snop  }
0x334: {  	v0 =	vadd.f32 v1, v0  }
0x335: {  	v2 =	vadd.f32 v2, v5  }
0x336: {  	v3 =	vadd.f32 v3, v6;
	[tilespmem:$0xEBD0] =	vst v0  }
0x337: {  	v4 =	vadd.f32 v4, v7;
	[tilespmem:$0xEBA0] =	vst v2  }
0x338: {  	[tilespmem:$0xEBB0] =	vst v3  }
0x339: {  	s31 =	simm.s32 $0x0;
	[tilespmem:$0xEBC0] =	vst v4  }
0x33a: {  	v1 =	vld [tilespmem:s31+$0x3050]  }
0x33b: {  	v2 =	vld [tilespmem:s31+$0x3020]  }
0x33c: {  	v5 =	vimm.f32 $0.0e+00;
	v3 =	vld [tilespmem:s31+$0x3030]  }
0x33d: {  	s30 =	simm.s32 $0x100;
	v0 =	vimm.f32 $0.0e+00;
	v6 =	vimm.f32 $0.0e+00;
	v7 =	vimm.f32 $0.0e+00;
	v4 =	vld [tilespmem:s31+$0x3040]  }
.LBB2_73:
0x33e: {  	p0 =	sne.s32 s30, $0x3100  }
.Ltmp35:
0x33f: {  	s31 =	sshra.s32 s30, $0x2;
	s30 =	sadd.s32 $0x100, s30;
	v0 =	vadd.f32 v1, v0;
	(pc) =	sbr.rel @p0 .LBB2_73-.Ltmp35, $4  }
0x340: {  	v1 =	vld [tilespmem:s31+$0x3050];
	v5 =	vadd.f32 v2, v5  }
0x341: {  	v2 =	vld [tilespmem:s31+$0x3020];
	v6 =	vadd.f32 v3, v6  }
0x342: {  	v3 =	vld [tilespmem:s31+$0x3030];
	v7 =	vadd.f32 v4, v7  }
0x343: {  	v4 =	vld [tilespmem:s31+$0x3040]  }
0x344: {  	_ = 	snop  }
0x345: {  	v0 =	vadd.f32 v1, v0  }
0x346: {  	v2 =	vadd.f32 v2, v5  }
0x347: {  	v3 =	vadd.f32 v3, v6;
	[tilespmem:$0xEC10] =	vst v0  }
0x348: {  	v4 =	vadd.f32 v4, v7;
	[tilespmem:$0xEBE0] =	vst v2  }
0x349: {  	[tilespmem:$0xEBF0] =	vst v3  }
0x34a: {  	s31 =	simm.s32 $0x0;
	[tilespmem:$0xEC00] =	vst v4  }
0x34b: {  	v1 =	vld [tilespmem:s31+$0x3CD0]  }
0x34c: {  	v2 =	vld [tilespmem:s31+$0x3CA0]  }
0x34d: {  	v5 =	vimm.f32 $0.0e+00;
	v3 =	vld [tilespmem:s31+$0x3CB0]  }
0x34e: {  	s30 =	simm.s32 $0x100;
	v0 =	vimm.f32 $0.0e+00;
	v6 =	vimm.f32 $0.0e+00;
	v7 =	vimm.f32 $0.0e+00;
	v4 =	vld [tilespmem:s31+$0x3CC0]  }
.LBB2_75:
0x34f: {  	p0 =	sne.s32 s30, $0x3100  }
.Ltmp36:
0x350: {  	s31 =	sshra.s32 s30, $0x2;
	s30 =	sadd.s32 $0x100, s30;
	v0 =	vadd.f32 v1, v0;
	(pc) =	sbr.rel @p0 .LBB2_75-.Ltmp36, $4  }
0x351: {  	v1 =	vld [tilespmem:s31+$0x3CD0];
	v5 =	vadd.f32 v2, v5  }
0x352: {  	v2 =	vld [tilespmem:s31+$0x3CA0];
	v6 =	vadd.f32 v3, v6  }
0x353: {  	v3 =	vld [tilespmem:s31+$0x3CB0];
	v7 =	vadd.f32 v4, v7  }
0x354: {  	v4 =	vld [tilespmem:s31+$0x3CC0]  }
0x355: {  	_ = 	snop  }
0x356: {  	v0 =	vadd.f32 v1, v0  }
0x357: {  	v2 =	vadd.f32 v2, v5  }
0x358: {  	v3 =	vadd.f32 v3, v6;
	[tilespmem:$0xEC50] =	vst v0  }
0x359: {  	v4 =	vadd.f32 v4, v7;
	[tilespmem:$0xEC20] =	vst v2  }
0x35a: {  	[tilespmem:$0xEC30] =	vst v3  }
0x35b: {  	s31 =	simm.s32 $0x0;
	[tilespmem:$0xEC40] =	vst v4  }
0x35c: {  	v1 =	vld [tilespmem:s31+$0x4950]  }
0x35d: {  	v2 =	vld [tilespmem:s31+$0x4920]  }
0x35e: {  	v5 =	vimm.f32 $0.0e+00;
	v3 =	vld [tilespmem:s31+$0x4930]  }
0x35f: {  	s30 =	simm.s32 $0x100;
	v0 =	vimm.f32 $0.0e+00;
	v6 =	vimm.f32 $0.0e+00;
	v7 =	vimm.f32 $0.0e+00;
	v4 =	vld [tilespmem:s31+$0x4940]  }
.LBB2_77:
0x360: {  	p0 =	sne.s32 s30, $0x3100  }
.Ltmp37:
0x361: {  	s31 =	sshra.s32 s30, $0x2;
	s30 =	sadd.s32 $0x100, s30;
	v0 =	vadd.f32 v1, v0;
	(pc) =	sbr.rel @p0 .LBB2_77-.Ltmp37, $4  }
0x362: {  	v1 =	vld [tilespmem:s31+$0x4950];
	v5 =	vadd.f32 v2, v5  }
0x363: {  	v2 =	vld [tilespmem:s31+$0x4920];
	v6 =	vadd.f32 v3, v6  }
0x364: {  	v3 =	vld [tilespmem:s31+$0x4930];
	v7 =	vadd.f32 v4, v7  }
0x365: {  	v4 =	vld [tilespmem:s31+$0x4940]  }
0x366: {  	_ = 	snop  }
0x367: {  	v0 =	vadd.f32 v1, v0  }
0x368: {  	v2 =	vadd.f32 v2, v5  }
0x369: {  	v3 =	vadd.f32 v3, v6;
	[tilespmem:$0xEC90] =	vst v0  }
0x36a: {  	v4 =	vadd.f32 v4, v7;
	[tilespmem:$0xEC60] =	vst v2  }
0x36b: {  	[tilespmem:$0xEC70] =	vst v3  }
0x36c: {  	s31 =	simm.s32 $0x0;
	[tilespmem:$0xEC80] =	vst v4  }
0x36d: {  	v1 =	vld [tilespmem:s31+$0x55D0]  }
0x36e: {  	v2 =	vld [tilespmem:s31+$0x55A0]  }
0x36f: {  	v5 =	vimm.f32 $0.0e+00;
	v3 =	vld [tilespmem:s31+$0x55B0]  }
0x370: {  	s30 =	simm.s32 $0x100;
	v0 =	vimm.f32 $0.0e+00;
	v6 =	vimm.f32 $0.0e+00;
	v7 =	vimm.f32 $0.0e+00;
	v4 =	vld [tilespmem:s31+$0x55C0]  }
.LBB2_79:
0x371: {  	p0 =	sne.s32 s30, $0x3100  }
.Ltmp38:
0x372: {  	s31 =	sshra.s32 s30, $0x2;
	s30 =	sadd.s32 $0x100, s30;
	v0 =	vadd.f32 v1, v0;
	(pc) =	sbr.rel @p0 .LBB2_79-.Ltmp38, $4  }
0x373: {  	v1 =	vld [tilespmem:s31+$0x55D0];
	v5 =	vadd.f32 v2, v5  }
0x374: {  	v2 =	vld [tilespmem:s31+$0x55A0];
	v6 =	vadd.f32 v3, v6  }
0x375: {  	v3 =	vld [tilespmem:s31+$0x55B0];
	v7 =	vadd.f32 v4, v7  }
0x376: {  	v4 =	vld [tilespmem:s31+$0x55C0]  }
0x377: {  	_ = 	snop  }
0x378: {  	v0 =	vadd.f32 v1, v0  }
0x379: {  	v2 =	vadd.f32 v2, v5  }
0x37a: {  	v3 =	vadd.f32 v3, v6;
	[tilespmem:$0xECD0] =	vst v0  }
0x37b: {  	v4 =	vadd.f32 v4, v7;
	[tilespmem:$0xECA0] =	vst v2  }
0x37c: {  	[tilespmem:$0xECB0] =	vst v3  }
0x37d: {  	s31 =	simm.s32 $0x0;
	[tilespmem:$0xECC0] =	vst v4  }
0x37e: {  	v1 =	vld [tilespmem:s31+$0x6250]  }
0x37f: {  	v2 =	vld [tilespmem:s31+$0x6220]  }
0x380: {  	v5 =	vimm.f32 $0.0e+00;
	v3 =	vld [tilespmem:s31+$0x6230]  }
0x381: {  	s30 =	simm.s32 $0x100;
	v0 =	vimm.f32 $0.0e+00;
	v6 =	vimm.f32 $0.0e+00;
	v7 =	vimm.f32 $0.0e+00;
	v4 =	vld [tilespmem:s31+$0x6240]  }
.LBB2_81:
0x382: {  	p0 =	sne.s32 s30, $0x3100  }
.Ltmp39:
0x383: {  	s31 =	sshra.s32 s30, $0x2;
	s30 =	sadd.s32 $0x100, s30;
	v0 =	vadd.f32 v1, v0;
	(pc) =	sbr.rel @p0 .LBB2_81-.Ltmp39, $4  }
0x384: {  	v1 =	vld [tilespmem:s31+$0x6250];
	v5 =	vadd.f32 v2, v5  }
0x385: {  	v2 =	vld [tilespmem:s31+$0x6220];
	v6 =	vadd.f32 v3, v6  }
0x386: {  	v3 =	vld [tilespmem:s31+$0x6230];
	v7 =	vadd.f32 v4, v7  }
0x387: {  	v4 =	vld [tilespmem:s31+$0x6240]  }
0x388: {  	_ = 	snop  }
0x389: {  	v0 =	vadd.f32 v1, v0  }
0x38a: {  	v2 =	vadd.f32 v2, v5  }
0x38b: {  	v3 =	vadd.f32 v3, v6;
	[tilespmem:$0xED10] =	vst v0  }
0x38c: {  	v4 =	vadd.f32 v4, v7;
	[tilespmem:$0xECE0] =	vst v2  }
0x38d: {  	[tilespmem:$0xECF0] =	vst v3  }
0x38e: {  	s31 =	simm.s32 $0x0;
	[tilespmem:$0xED00] =	vst v4  }
0x38f: {  	v1 =	vld [tilespmem:s31+$0x6ED0]  }
0x390: {  	v2 =	vld [tilespmem:s31+$0x6EA0]  }
0x391: {  	v5 =	vimm.f32 $0.0e+00;
	v3 =	vld [tilespmem:s31+$0x6EB0]  }
0x392: {  	s30 =	simm.s32 $0x100;
	v0 =	vimm.f32 $0.0e+00;
	v6 =	vimm.f32 $0.0e+00;
	v7 =	vimm.f32 $0.0e+00;
	v4 =	vld [tilespmem:s31+$0x6EC0]  }
.LBB2_83:
0x393: {  	p0 =	sne.s32 s30, $0x3100  }
.Ltmp40:
0x394: {  	s31 =	sshra.s32 s30, $0x2;
	s30 =	sadd.s32 $0x100, s30;
	v0 =	vadd.f32 v1, v0;
	(pc) =	sbr.rel @p0 .LBB2_83-.Ltmp40, $4  }
0x395: {  	v1 =	vld [tilespmem:s31+$0x6ED0];
	v5 =	vadd.f32 v2, v5  }
0x396: {  	v2 =	vld [tilespmem:s31+$0x6EA0];
	v6 =	vadd.f32 v3, v6  }
0x397: {  	v3 =	vld [tilespmem:s31+$0x6EB0];
	v7 =	vadd.f32 v4, v7  }
0x398: {  	v4 =	vld [tilespmem:s31+$0x6EC0]  }
0x399: {  	_ = 	snop  }
0x39a: {  	v0 =	vadd.f32 v1, v0  }
0x39b: {  	v2 =	vadd.f32 v2, v5  }
0x39c: {  	v3 =	vadd.f32 v3, v6;
	[tilespmem:$0xED50] =	vst v0  }
0x39d: {  	v4 =	vadd.f32 v4, v7;
	[tilespmem:$0xED20] =	vst v2  }
0x39e: {  	[tilespmem:$0xED30] =	vst v3  }
0x39f: {  	s31 =	simm.s32 $0x0;
	[tilespmem:$0xED40] =	vst v4  }
0x3a0: {  	v1 =	vld [tilespmem:s31+$0x7B50]  }
0x3a1: {  	v2 =	vld [tilespmem:s31+$0x7B20]  }
0x3a2: {  	v5 =	vimm.f32 $0.0e+00;
	v3 =	vld [tilespmem:s31+$0x7B30]  }
0x3a3: {  	s30 =	simm.s32 $0x100;
	v0 =	vimm.f32 $0.0e+00;
	v6 =	vimm.f32 $0.0e+00;
	v7 =	vimm.f32 $0.0e+00;
	v4 =	vld [tilespmem:s31+$0x7B40]  }
.LBB2_85:
0x3a4: {  	p0 =	sne.s32 s30, $0x3100  }
.Ltmp41:
0x3a5: {  	s31 =	sshra.s32 s30, $0x2;
	s30 =	sadd.s32 $0x100, s30;
	v0 =	vadd.f32 v1, v0;
	(pc) =	sbr.rel @p0 .LBB2_85-.Ltmp41, $4  }
0x3a6: {  	v1 =	vld [tilespmem:s31+$0x7B50];
	v5 =	vadd.f32 v2, v5  }
0x3a7: {  	v2 =	vld [tilespmem:s31+$0x7B20];
	v6 =	vadd.f32 v3, v6  }
0x3a8: {  	v3 =	vld [tilespmem:s31+$0x7B30];
	v7 =	vadd.f32 v4, v7  }
0x3a9: {  	v4 =	vld [tilespmem:s31+$0x7B40]  }
0x3aa: {  	_ = 	snop  }
0x3ab: {  	v0 =	vadd.f32 v1, v0  }
0x3ac: {  	v2 =	vadd.f32 v2, v5  }
0x3ad: {  	v3 =	vadd.f32 v3, v6;
	[tilespmem:$0xED90] =	vst v0  }
0x3ae: {  	v4 =	vadd.f32 v4, v7;
	[tilespmem:$0xED60] =	vst v2  }
0x3af: {  	[tilespmem:$0xED70] =	vst v3  }
0x3b0: {  	s31 =	simm.s32 $0x0;
	[tilespmem:$0xED80] =	vst v4  }
0x3b1: {  	v1 =	vld [tilespmem:s31+$0x87D0]  }
0x3b2: {  	v2 =	vld [tilespmem:s31+$0x87A0]  }
0x3b3: {  	v5 =	vimm.f32 $0.0e+00;
	v3 =	vld [tilespmem:s31+$0x87B0]  }
0x3b4: {  	s30 =	simm.s32 $0x100;
	v0 =	vimm.f32 $0.0e+00;
	v6 =	vimm.f32 $0.0e+00;
	v7 =	vimm.f32 $0.0e+00;
	v4 =	vld [tilespmem:s31+$0x87C0]  }
.LBB2_87:
0x3b5: {  	p0 =	sne.s32 s30, $0x3100  }
.Ltmp42:
0x3b6: {  	s31 =	sshra.s32 s30, $0x2;
	s30 =	sadd.s32 $0x100, s30;
	v0 =	vadd.f32 v1, v0;
	(pc) =	sbr.rel @p0 .LBB2_87-.Ltmp42, $4  }
0x3b7: {  	v1 =	vld [tilespmem:s31+$0x87D0];
	v5 =	vadd.f32 v2, v5  }
0x3b8: {  	v2 =	vld [tilespmem:s31+$0x87A0];
	v6 =	vadd.f32 v3, v6  }
0x3b9: {  	v3 =	vld [tilespmem:s31+$0x87B0];
	v7 =	vadd.f32 v4, v7  }
0x3ba: {  	v4 =	vld [tilespmem:s31+$0x87C0]  }
0x3bb: {  	_ = 	snop  }
0x3bc: {  	v0 =	vadd.f32 v1, v0  }
0x3bd: {  	v2 =	vadd.f32 v2, v5  }
0x3be: {  	v3 =	vadd.f32 v3, v6;
	[tilespmem:$0xEDD0] =	vst v0  }
0x3bf: {  	v4 =	vadd.f32 v4, v7;
	[tilespmem:$0xEDA0] =	vst v2  }
0x3c0: {  	[tilespmem:$0xEDB0] =	vst v3  }
0x3c1: {  	s31 =	simm.s32 $0x0;
	[tilespmem:$0xEDC0] =	vst v4  }
0x3c2: {  	v1 =	vld [tilespmem:s31+$0x9450]  }
0x3c3: {  	v2 =	vld [tilespmem:s31+$0x9420]  }
0x3c4: {  	v5 =	vimm.f32 $0.0e+00;
	v3 =	vld [tilespmem:s31+$0x9430]  }
0x3c5: {  	s30 =	simm.s32 $0x100;
	v0 =	vimm.f32 $0.0e+00;
	v6 =	vimm.f32 $0.0e+00;
	v7 =	vimm.f32 $0.0e+00;
	v4 =	vld [tilespmem:s31+$0x9440]  }
.LBB2_89:
0x3c6: {  	p0 =	sne.s32 s30, $0x3100  }
.Ltmp43:
0x3c7: {  	s31 =	sshra.s32 s30, $0x2;
	s30 =	sadd.s32 $0x100, s30;
	v0 =	vadd.f32 v1, v0;
	(pc) =	sbr.rel @p0 .LBB2_89-.Ltmp43, $4  }
0x3c8: {  	v1 =	vld [tilespmem:s31+$0x9450];
	v5 =	vadd.f32 v2, v5  }
0x3c9: {  	v2 =	vld [tilespmem:s31+$0x9420];
	v6 =	vadd.f32 v3, v6  }
0x3ca: {  	v3 =	vld [tilespmem:s31+$0x9430];
	v7 =	vadd.f32 v4, v7  }
0x3cb: {  	v4 =	vld [tilespmem:s31+$0x9440]  }
0x3cc: {  	_ = 	snop  }
0x3cd: {  	v0 =	vadd.f32 v1, v0  }
0x3ce: {  	v2 =	vadd.f32 v2, v5  }
0x3cf: {  	v3 =	vadd.f32 v3, v6;
	[tilespmem:$0xEE10] =	vst v0  }
0x3d0: {  	v4 =	vadd.f32 v4, v7;
	[tilespmem:$0xEDE0] =	vst v2  }
0x3d1: {  	[tilespmem:$0xEDF0] =	vst v3  }
0x3d2: {  	s31 =	simm.s32 $0x0;
	[tilespmem:$0xEE00] =	vst v4  }
0x3d3: {  	v1 =	vld [tilespmem:s31+$0xA0D0]  }
0x3d4: {  	v2 =	vld [tilespmem:s31+$0xA0A0]  }
0x3d5: {  	v5 =	vimm.f32 $0.0e+00;
	v3 =	vld [tilespmem:s31+$0xA0B0]  }
0x3d6: {  	s30 =	simm.s32 $0x100;
	v0 =	vimm.f32 $0.0e+00;
	v6 =	vimm.f32 $0.0e+00;
	v7 =	vimm.f32 $0.0e+00;
	v4 =	vld [tilespmem:s31+$0xA0C0]  }
.LBB2_91:
0x3d7: {  	p0 =	sne.s32 s30, $0x3100  }
.Ltmp44:
0x3d8: {  	s31 =	sshra.s32 s30, $0x2;
	s30 =	sadd.s32 $0x100, s30;
	v0 =	vadd.f32 v1, v0;
	(pc) =	sbr.rel @p0 .LBB2_91-.Ltmp44, $4  }
0x3d9: {  	v1 =	vld [tilespmem:s31+$0xA0D0];
	v5 =	vadd.f32 v2, v5  }
0x3da: {  	v2 =	vld [tilespmem:s31+$0xA0A0];
	v6 =	vadd.f32 v3, v6  }
0x3db: {  	v3 =	vld [tilespmem:s31+$0xA0B0];
	v7 =	vadd.f32 v4, v7  }
0x3dc: {  	v4 =	vld [tilespmem:s31+$0xA0C0]  }
0x3dd: {  	_ = 	snop  }
0x3de: {  	v0 =	vadd.f32 v1, v0  }
0x3df: {  	v2 =	vadd.f32 v2, v5  }
0x3e0: {  	v3 =	vadd.f32 v3, v6;
	[tilespmem:$0xEE50] =	vst v0  }
0x3e1: {  	v4 =	vadd.f32 v4, v7;
	[tilespmem:$0xEE20] =	vst v2  }
0x3e2: {  	[tilespmem:$0xEE30] =	vst v3  }
0x3e3: {  	s31 =	simm.s32 $0x0;
	[tilespmem:$0xEE40] =	vst v4  }
0x3e4: {  	v1 =	vld [tilespmem:s31+$0xAD50]  }
0x3e5: {  	v2 =	vld [tilespmem:s31+$0xAD20]  }
0x3e6: {  	v5 =	vimm.f32 $0.0e+00;
	v3 =	vld [tilespmem:s31+$0xAD30]  }
0x3e7: {  	s30 =	simm.s32 $0x100;
	v0 =	vimm.f32 $0.0e+00;
	v6 =	vimm.f32 $0.0e+00;
	v7 =	vimm.f32 $0.0e+00;
	v4 =	vld [tilespmem:s31+$0xAD40]  }
.LBB2_93:
0x3e8: {  	p0 =	sne.s32 s30, $0x3100  }
.Ltmp45:
0x3e9: {  	s31 =	sshra.s32 s30, $0x2;
	s30 =	sadd.s32 $0x100, s30;
	v0 =	vadd.f32 v1, v0;
	(pc) =	sbr.rel @p0 .LBB2_93-.Ltmp45, $4  }
0x3ea: {  	v1 =	vld [tilespmem:s31+$0xAD50];
	v5 =	vadd.f32 v2, v5  }
0x3eb: {  	v2 =	vld [tilespmem:s31+$0xAD20];
	v6 =	vadd.f32 v3, v6  }
0x3ec: {  	v3 =	vld [tilespmem:s31+$0xAD30];
	v7 =	vadd.f32 v4, v7  }
0x3ed: {  	v4 =	vld [tilespmem:s31+$0xAD40]  }
0x3ee: {  	_ = 	snop  }
0x3ef: {  	v0 =	vadd.f32 v1, v0  }
0x3f0: {  	v2 =	vadd.f32 v2, v5  }
0x3f1: {  	v3 =	vadd.f32 v3, v6;
	[tilespmem:$0xEE90] =	vst v0  }
0x3f2: {  	v4 =	vadd.f32 v4, v7;
	[tilespmem:$0xEE60] =	vst v2  }
0x3f3: {  	[tilespmem:$0xEE70] =	vst v3  }
0x3f4: {  	s31 =	simm.s32 $0x0;
	[tilespmem:$0xEE80] =	vst v4  }
0x3f5: {  	v1 =	vld [tilespmem:s31+$0xB9D0]  }
0x3f6: {  	v2 =	vld [tilespmem:s31+$0xB9A0]  }
0x3f7: {  	v5 =	vimm.f32 $0.0e+00;
	v3 =	vld [tilespmem:s31+$0xB9B0]  }
0x3f8: {  	s30 =	simm.s32 $0x100;
	v0 =	vimm.f32 $0.0e+00;
	v6 =	vimm.f32 $0.0e+00;
	v7 =	vimm.f32 $0.0e+00;
	v4 =	vld [tilespmem:s31+$0xB9C0]  }
.LBB2_95:
0x3f9: {  	p0 =	sne.s32 s30, $0x3100  }
.Ltmp46:
0x3fa: {  	s31 =	sshra.s32 s30, $0x2;
	s30 =	sadd.s32 $0x100, s30;
	v0 =	vadd.f32 v1, v0;
	(pc) =	sbr.rel @p0 .LBB2_95-.Ltmp46, $4  }
0x3fb: {  	v1 =	vld [tilespmem:s31+$0xB9D0];
	v5 =	vadd.f32 v2, v5  }
0x3fc: {  	v2 =	vld [tilespmem:s31+$0xB9A0];
	v6 =	vadd.f32 v3, v6  }
0x3fd: {  	v3 =	vld [tilespmem:s31+$0xB9B0];
	v7 =	vadd.f32 v4, v7  }
0x3fe: {  	v4 =	vld [tilespmem:s31+$0xB9C0]  }
0x3ff: {  	_ = 	snop  }
0x400: {  	v0 =	vadd.f32 v1, v0  }
0x401: {  	v2 =	vadd.f32 v2, v5  }
0x402: {  	v3 =	vadd.f32 v3, v6;
	[tilespmem:$0xEED0] =	vst v0  }
0x403: {  	v4 =	vadd.f32 v4, v7;
	[tilespmem:$0xEEA0] =	vst v2  }
0x404: {  	[tilespmem:$0xEEB0] =	vst v3  }
0x405: {  	s31 =	simm.s32 $0x0;
	[tilespmem:$0xEEC0] =	vst v4  }
0x406: {  	v1 =	vld [tilespmem:s31+$0xC650]  }
0x407: {  	v2 =	vld [tilespmem:s31+$0xC620]  }
0x408: {  	v5 =	vimm.f32 $0.0e+00;
	v3 =	vld [tilespmem:s31+$0xC630]  }
0x409: {  	s30 =	simm.s32 $0x100;
	v0 =	vimm.f32 $0.0e+00;
	v6 =	vimm.f32 $0.0e+00;
	v7 =	vimm.f32 $0.0e+00;
	v4 =	vld [tilespmem:s31+$0xC640]  }
.LBB2_97:
0x40a: {  	p0 =	sne.s32 s30, $0x3100  }
.Ltmp47:
0x40b: {  	s31 =	sshra.s32 s30, $0x2;
	s30 =	sadd.s32 $0x100, s30;
	v0 =	vadd.f32 v1, v0;
	(pc) =	sbr.rel @p0 .LBB2_97-.Ltmp47, $4  }
0x40c: {  	v1 =	vld [tilespmem:s31+$0xC650];
	v5 =	vadd.f32 v2, v5  }
0x40d: {  	v2 =	vld [tilespmem:s31+$0xC620];
	v6 =	vadd.f32 v3, v6  }
0x40e: {  	v3 =	vld [tilespmem:s31+$0xC630];
	v7 =	vadd.f32 v4, v7  }
0x40f: {  	v4 =	vld [tilespmem:s31+$0xC640]  }
0x410: {  	_ = 	snop  }
0x411: {  	v0 =	vadd.f32 v1, v0  }
0x412: {  	v2 =	vadd.f32 v2, v5  }
0x413: {  	v3 =	vadd.f32 v3, v6;
	[tilespmem:$0xEF10] =	vst v0  }
0x414: {  	v4 =	vadd.f32 v4, v7;
	[tilespmem:$0xEEE0] =	vst v2  }
0x415: {  	[tilespmem:$0xEEF0] =	vst v3  }
0x416: {  	s31 =	simm.s32 $0x0;
	[tilespmem:$0xEF00] =	vst v4  }
0x417: {  	v1 =	vld [tilespmem:s31+$0xD2D0]  }
0x418: {  	v2 =	vld [tilespmem:s31+$0xD2A0]  }
0x419: {  	v5 =	vimm.f32 $0.0e+00;
	v3 =	vld [tilespmem:s31+$0xD2B0]  }
0x41a: {  	s30 =	simm.s32 $0x100;
	v0 =	vimm.f32 $0.0e+00;
	v6 =	vimm.f32 $0.0e+00;
	v7 =	vimm.f32 $0.0e+00;
	v4 =	vld [tilespmem:s31+$0xD2C0]  }
.LBB2_99:
0x41b: {  	p0 =	sne.s32 s30, $0x3100  }
.Ltmp48:
0x41c: {  	s31 =	sshra.s32 s30, $0x2;
	s30 =	sadd.s32 $0x100, s30;
	v0 =	vadd.f32 v1, v0;
	(pc) =	sbr.rel @p0 .LBB2_99-.Ltmp48, $4  }
0x41d: {  	v1 =	vld [tilespmem:s31+$0xD2D0];
	v5 =	vadd.f32 v2, v5  }
0x41e: {  	v2 =	vld [tilespmem:s31+$0xD2A0];
	v6 =	vadd.f32 v3, v6  }
0x41f: {  	v3 =	vld [tilespmem:s31+$0xD2B0];
	v7 =	vadd.f32 v4, v7  }
0x420: {  	v4 =	vld [tilespmem:s31+$0xD2C0]  }
0x421: {  	_ = 	snop  }
0x422: {  	v0 =	vadd.f32 v1, v0  }
0x423: {  	v2 =	vadd.f32 v2, v5  }
0x424: {  	v3 =	vadd.f32 v3, v6;
	[tilespmem:$0xEF50] =	vst v0  }
0x425: {  	v4 =	vadd.f32 v4, v7;
	[tilespmem:$0xEF20] =	vst v2  }
0x426: {  	[tilespmem:$0xEF30] =	vst v3  }
0x427: {  	s31 =	simm.s32 $0x0;
	[tilespmem:$0xEF40] =	vst v4  }
0x428: {  	v1 =	vld [tilespmem:s31+$0xDF50]  }
0x429: {  	v2 =	vld [tilespmem:s31+$0xDF20]  }
0x42a: {  	v5 =	vimm.f32 $0.0e+00;
	v3 =	vld [tilespmem:s31+$0xDF30]  }
0x42b: {  	s30 =	simm.s32 $0x100;
	v0 =	vimm.f32 $0.0e+00;
	v6 =	vimm.f32 $0.0e+00;
	v7 =	vimm.f32 $0.0e+00;
	v4 =	vld [tilespmem:s31+$0xDF40]  }
.LBB2_101:
0x42c: {  	p0 =	sne.s32 s30, $0x3100  }
.Ltmp49:
0x42d: {  	s31 =	sshra.s32 s30, $0x2;
	s30 =	sadd.s32 $0x100, s30;
	v0 =	vadd.f32 v1, v0;
	(pc) =	sbr.rel @p0 .LBB2_101-.Ltmp49, $4  }
0x42e: {  	v1 =	vld [tilespmem:s31+$0xDF50];
	v5 =	vadd.f32 v2, v5  }
0x42f: {  	v2 =	vld [tilespmem:s31+$0xDF20];
	v6 =	vadd.f32 v3, v6  }
0x430: {  	v3 =	vld [tilespmem:s31+$0xDF30];
	v7 =	vadd.f32 v4, v7  }
0x431: {  	v4 =	vld [tilespmem:s31+$0xDF40]  }
0x432: {  	_ = 	snop  }
0x433: {  	v0 =	vadd.f32 v1, v0  }
0x434: {  	v2 =	vadd.f32 v2, v5  }
0x435: {  	v3 =	vadd.f32 v3, v6;
	[tilespmem:$0xEF90] =	vst v0  }
0x436: {  	s11 =	sadd.s32 $0x1, s11;
	v4 =	vadd.f32 v4, v7;
	[tilespmem:$0xEF60] =	vst v2  }
0x437: {  	s14 =	sshll.u32 s14, $0x3;
	s30 =	rddreg [dreg:$0xd];
	p0 =	sne.s32 s11, $0x8;
	[tilespmem:$0xEF70] =	vst v3  }
.Ltmp50:
0x438: {  	s31 =	simm.s32 $0x0;
	s14 =	sadd.s32 s30, s14;
	[tilespmem:$0xEF80] =	vst v4;
	(pc) =	sbr.rel @p0 .LBB2_70-.Ltmp50, $4  }
0x439: {  	[hbm4b:s14+s31] =	stream.linear.scatter [tilespmem:s5], [sflag:$0x2], $0x400, $0x38;
	[tilespmem:$0xEFA0] =	vst v63  }
0x43a: {  	_ =	swait.ge [sflag:s24], $0x400  }
0x43b: {  	[sflag:s24] =	ssyncset.done $0x0  }
0x43c: {  	[sflag:s24] =	ssyncadd.s32 $0xFFFFFC00  }
0x43d: {  	s12 =	rddreg [dreg:$0x17]  }
0x43e: {  	s11 =	rddreg [dreg:$0x16];
	s12 =	sadd.s32 $0x1, s12  }
0x43f: {  	p0 =	sne.s32 s12, s11  }
.Ltmp51:
0x440: {  	_ = 	snop;
	(pc) =	sbr.rel @p0 .LBB2_1-.Ltmp51, $2  }
0x441: {  	_ =	sdelay $0x2  }
0x442: {  	s31 =	rddreg [dreg:$0x7]  }
0x443: {  	_ =	sfence.sel $0x180000  }
0x444: {  	[bflag:$0x0] =	sbarrier.arrive $0xFFFF  }
0x445: {  	_ =	strace $0x90000047  }
0x446: {  	s0 =	stileid.u32;
	[bflag:$0x2] =	sbarrier.arrive $0xFFFF  }
0x447: {  	p0 =	sne.s32 s0, $0x0;
	s0 =	rddreg [dreg:$0x6]  }
0x448: {  	s0 =	sadd.s32 @!p0 $0x100000, s0  }
0x449: {  	[sflag:s0] =	ssyncadd.tile.s32 @!p0 $0x1;
	_ =	shalt  }
.Lfunc_end2:
_tile_overlayer_lowered:
.L_overlay_start_2:
0x44a: {  	(tag) =	ssettag $0x2  }
0x44b: {  	s0 =	rddreg [dreg:$0x0];
	s2 =	stileid.u32  }
0x44c: {  	s1 =	rddreg [dreg:$0x1];
	p0 =	sne.s32 s2, $0x0  }
0x44d: {  	s3 =	rddreg [dreg:$0x2];
	[bflag:$0x3] =	sbarrier.arrive $0xFFFF;
	s2 =	simm.s32 @!p0 $0x1C02  }
0x44e: {  	[timem:s3], [sflag:s2] =	dma.local @!p0 [hbm:s0], s1  }
0x44f: {  	s0 =	simm.s32 @!p0 $0x2  }
0x450: {  	_ =	swait.ge @!p0 [sflag:s0], s1  }
0x451: {  	s1 =	ssub.s32 @!p0 $0x0, s1;
	[sflag:s0] =	ssyncset.done @!p0 $0x0  }
0x452: {  	[sflag:s0] =	ssyncadd.s32 @!p0 s1  }
0x453: {  	[bflag:$0x3] =	sbarrier.arrive $0xFFFF  }
0x454: {  	_ =	shalt  }

</sc_bundles>
